<compile_context>
chip_gen: v7x
topology: tpu7x:2x2x1
jax: 0.10.2.dev20260603
libtpu: 0.0.44.dev20260713+nightly
codegen_flags: <defaults>
</compile_context>

<pallas_src>
import jax
import jax.numpy as jnp
from jax import lax
from jax.experimental import pallas as pl
from jax.experimental.pallas import tpu as pltpu
from jax.experimental.pallas import tpu_sc as plsc

E = 256
H = E // 2
N = 16384
NC = 2
NS = 16
NW = NC * NS
CPW = N // NW
CHUNK = 128
NCHUNKS = CPW // CHUNK
NBUF = 3
L = 16
G = CHUNK // L


def _reduce_half(buf, lo, hi, accs):
    def red(i, a):
        return tuple(
            a[g] + jnp.abs(buf[i, pl.ds(g * L, L)]) for g in range(G)
        )

    return lax.fori_loop(lo, hi, red, accs)


def _scale_half(buf, lo, hi, scales):
    def scl(i, carry):
        for g in range(G):
            sl = pl.ds(g * L, L)
            buf[i, sl] = buf[i, sl] * scales[g]
        return carry

    lax.fori_loop(lo, hi, scl, 0)


def _tec_body(x_hbm, o_hbm, bufs, sems_ia, sems_ib, sems_oa, sems_ob):
    wid = lax.axis_index("s") * NC + lax.axis_index("c")
    base = wid * CPW

    def gather(k, b):
        c0 = base + k * CHUNK
        ha = pltpu.async_copy(
            x_hbm.at[pl.ds(0, H), pl.ds(c0, CHUNK)],
            bufs[b].at[pl.ds(0, H), :],
            sems_ia[b],
        )
        hb = pltpu.async_copy(
            x_hbm.at[pl.ds(H, H), pl.ds(c0, CHUNK)],
            bufs[b].at[pl.ds(H, H), :],
            sems_ib[b],
        )
        return ha, hb

    h_in = [None] * NCHUNKS
    h_out = [None] * NCHUNKS
    h_in[0] = gather(0, 0)
    for k in range(NCHUNKS):
        b = k % NBUF
        nxt = (k + 1) % NBUF
        if k + 1 < NCHUNKS:
            if k + 1 - NBUF >= 0:
                h_out[k + 1 - NBUF][0].wait()
                h_out[k + 1 - NBUF][1].wait()
            h_in[k + 1] = gather(k + 1, nxt)
        buf = bufs[b]
        c0 = base + k * CHUNK

        h_in[k][0].wait()
        zeros = tuple(jnp.zeros((L,), jnp.float32) for _ in range(G))
        accs = _reduce_half(buf, 1, H, zeros)
        h_in[k][1].wait()
        accs = _reduce_half(buf, H, E, accs)

        scales = []
        row0 = []
        for g in range(G):
            sl = pl.ds(g * L, L)
            s1 = accs[g]
            x0 = buf[0, sl]
            lb = x0 - s1
            ub = x0 + s1
            crossing = (lb <= 0.0) & (ub >= 0.0)
            ub_le0 = ub <= 0.0
            alpha = 1.0 - lb
            scale = jnp.where(ub_le0, 0.0, jnp.where(crossing, alpha, 1.0))
            newc = alpha * x0 - alpha * lb * 0.5
            r0 = jnp.where(ub_le0, 0.0, jnp.where(crossing, newc, x0))
            scales.append(scale)
            row0.append(r0)

        _scale_half(buf, 1, H, scales)
        for g in range(G):
            buf[0, pl.ds(g * L, L)] = row0[g]
        oa = pltpu.async_copy(
            buf.at[pl.ds(0, H), :],
            o_hbm.at[pl.ds(0, H), pl.ds(c0, CHUNK)],
            sems_oa[b],
        )
        _scale_half(buf, H, E, scales)
        ob = pltpu.async_copy(
            buf.at[pl.ds(H, H), :],
            o_hbm.at[pl.ds(H, H), pl.ds(c0, CHUNK)],
            sems_ob[b],
        )
        h_out[k] = (oa, ob)
    for k in range(max(0, NCHUNKS - NBUF + 1), NCHUNKS):
        h_out[k][0].wait()
        h_out[k][1].wait()


def kernel(x):
    run = pl.kernel(
        _tec_body,
        out_type=jax.ShapeDtypeStruct((E, N), jnp.float32),
        mesh=plsc.VectorSubcoreMesh(core_axis_name="c", subcore_axis_name="s"),
        scratch_types=[
            [pltpu.VMEM((E, CHUNK), jnp.float32) for _ in range(NBUF)],
            [pltpu.SemaphoreType.DMA for _ in range(NBUF)],
            [pltpu.SemaphoreType.DMA for _ in range(NBUF)],
            [pltpu.SemaphoreType.DMA for _ in range(NBUF)],
            [pltpu.SemaphoreType.DMA for _ in range(NBUF)],
        ],
    )
    return run(x)

# --- scband reference (transcript-rebuilt; emitter-appended) ---
"""Pipeline reference for scband-abstract-relu-76751065579631 (READ-ONLY COPY).

The authoritative reference and input builder live on the scoring server;
editing this copy changes nothing except your own understanding.
"""

import jax, jax.numpy as jnp
import numpy as np


def setup_inputs(seed: int = 0) -> dict:
    key = jax.random.key(seed)
    x = jax.random.normal(key, (256, 16384), dtype=jnp.float32)
    return {"x": x}


def reference(x):
    size = x.shape
    E = size[0]
    N = int(np.prod(size[1:]))
    x2 = x.reshape(E, N)
    # bounds: lb = center - sum|error terms|, ub = center + sum|error terms|
    sum1 = jnp.sum(jnp.abs(x2[1:, :]), axis=0)
    lb = x2[0] - sum1
    ub = x2[0] + sum1
    crossing = (lb <= 0) & (ub >= 0)
    ub_le0 = ub <= 0
    # faithful to source (with its precedence quirk): alpha = ub/ub - lb = 1 - lb
    alpha = ub / ub - lb
    new_center = alpha * x2[0] - alpha * lb / 2
    x0 = jnp.where(crossing, new_center, x2[0])
    rest = jnp.where(crossing[None, :], alpha[None, :] * x2[1:, :], x2[1:, :])
    x2n = jnp.concatenate([x0[None, :], rest], axis=0)
    # zero out columns with ub <= 0 (applied after crossing transform, as in source)
    x2n = jnp.where(ub_le0[None, :], jnp.zeros_like(x2n), x2n)
    # source: since crossing set is nonempty (always true for random inputs),
    # new_error_terms.size() is truthy and the reshaped x is returned
    return x2n.reshape(size)

if __name__ == "__main__":
    import jax
    _d = setup_inputs()
    print(jax.jit(kernel)(*tuple(_d.values())))

</pallas_src>

<mosaic_0001>
#map = affine_map<(d0, d1) -> (0, 0)>
module attributes {stable_mosaic.version = 14 : i64} {
  func.func @_tec_body(%arg0: i32, %arg1: i32, %arg2: memref<256x16384xf32, #tpu.memory_space<hbm>>, %arg3: memref<256x16384xf32, #tpu.memory_space<hbm>>, %arg4: memref<256x128xf32, #tpu.memory_space<vmem>>, %arg5: memref<256x128xf32, #tpu.memory_space<vmem>>, %arg6: memref<256x128xf32, #tpu.memory_space<vmem>>, %arg7: memref<!tpu.dma_semaphore, #tpu.memory_space<semaphore_mem>>, %arg8: memref<!tpu.dma_semaphore, #tpu.memory_space<semaphore_mem>>, %arg9: memref<!tpu.dma_semaphore, #tpu.memory_space<semaphore_mem>>, %arg10: memref<!tpu.dma_semaphore, #tpu.memory_space<semaphore_mem>>, %arg11: memref<!tpu.dma_semaphore, #tpu.memory_space<semaphore_mem>>, %arg12: memref<!tpu.dma_semaphore, #tpu.memory_space<semaphore_mem>>, %arg13: memref<!tpu.dma_semaphore, #tpu.memory_space<semaphore_mem>>, %arg14: memref<!tpu.dma_semaphore, #tpu.memory_space<semaphore_mem>>, %arg15: memref<!tpu.dma_semaphore, #tpu.memory_space<semaphore_mem>>, %arg16: memref<!tpu.dma_semaphore, #tpu.memory_space<semaphore_mem>>, %arg17: memref<!tpu.dma_semaphore, #tpu.memory_space<semaphore_mem>>, %arg18: memref<!tpu.dma_semaphore, #tpu.memory_space<semaphore_mem>>) attributes {dimension_semantics = [#tpu.dimension_semantics<core_parallel>, #tpu.dimension_semantics<subcore_parallel>], iteration_bounds = array<i64: 2, 16>, scalar_prefetch = 0 : i64, scratch_operands = 15 : i64, tpu.core_type = #tpu.core_type<sc_vector_subcore>, window_params = [{transform_indices = #map}, {transform_indices = #map}]} {
    %mul3A = arith.constant 2 : i32
    %mul3A_0 = arith.muli %arg1, %mul3A : i32
    %add3A = arith.addi %mul3A_0, %arg0 : i32
    %mul3A_1 = arith.constant 512 : i32
    %mul3A_2 = arith.muli %add3A, %mul3A_1 : i32
    %add3A_3 = arith.constant 0 : i32
    %add3A_4 = arith.addi %mul3A_2, %add3A_3 : i32
    %dma_start3A = arith.constant 0 : i32
    %dma_start3A_5 = arith.constant 0 : i32
    %dma_start3A_6 = tpu.memref_slice %arg4[%dma_start3A, %dma_start3A_5] : memref<256x128xf32, #tpu.memory_space<vmem>> -> memref<128x128xf32, #tpu.memory_space<vmem>>
    %dma_start3A_7 = arith.constant 0 : i32
    %dma_start3A_8 = tpu.memref_slice %arg2[%dma_start3A_7, %add3A_4] : memref<256x16384xf32, #tpu.memory_space<hbm>> -> memref<128x128xf32, #tpu.memory_space<hbm>>
    %dma_start3A_9 = arith.constant 0 : i32
    %dma_start3A_10 = arith.constant 0 : i32
    %dma_start3A_11 = tpu.memref_slice %arg4[%dma_start3A_9, %dma_start3A_10] : memref<256x128xf32, #tpu.memory_space<vmem>> -> memref<128x128xf32, #tpu.memory_space<vmem>>
    %dma_start3A_12 = arith.constant 0 : i32
    %dma_start3A_13 = tpu.memref_slice %arg2[%dma_start3A_12, %add3A_4] : memref<256x16384xf32, #tpu.memory_space<hbm>> -> memref<128x128xf32, #tpu.memory_space<hbm>>
    tpu.enqueue_dma source(%dma_start3A_13 : memref<128x128xf32, #tpu.memory_space<hbm>>) target(%dma_start3A_11 : memref<128x128xf32, #tpu.memory_space<vmem>>) target_semaphore(%arg7 : memref<!tpu.dma_semaphore, #tpu.memory_space<semaphore_mem>>)
    %dma_start3A_14 = arith.constant 128 : i32
    %dma_start3A_15 = arith.constant 0 : i32
    %dma_start3A_16 = tpu.memref_slice %arg4[%dma_start3A_14, %dma_start3A_15] : memref<256x128xf32, #tpu.memory_space<vmem>> -> memref<128x128xf32, #tpu.memory_space<vmem>>
    %dma_start3A_17 = arith.constant 128 : i32
    %dma_start3A_18 = tpu.memref_slice %arg2[%dma_start3A_17, %add3A_4] : memref<256x16384xf32, #tpu.memory_space<hbm>> -> memref<128x128xf32, #tpu.memory_space<hbm>>
    %dma_start3A_19 = arith.constant 128 : i32
    %dma_start3A_20 = arith.constant 0 : i32
    %dma_start3A_21 = tpu.memref_slice %arg4[%dma_start3A_19, %dma_start3A_20] : memref<256x128xf32, #tpu.memory_space<vmem>> -> memref<128x128xf32, #tpu.memory_space<vmem>>
    %dma_start3A_22 = arith.constant 128 : i32
    %dma_start3A_23 = tpu.memref_slice %arg2[%dma_start3A_22, %add3A_4] : memref<256x16384xf32, #tpu.memory_space<hbm>> -> memref<128x128xf32, #tpu.memory_space<hbm>>
    tpu.enqueue_dma source(%dma_start3A_23 : memref<128x128xf32, #tpu.memory_space<hbm>>) target(%dma_start3A_21 : memref<128x128xf32, #tpu.memory_space<vmem>>) target_semaphore(%arg10 : memref<!tpu.dma_semaphore, #tpu.memory_space<semaphore_mem>>)
    %add3A_24 = arith.constant 128 : i32
    %add3A_25 = arith.addi %mul3A_2, %add3A_24 : i32
    %dma_start3A_26 = arith.constant 0 : i32
    %dma_start3A_27 = arith.constant 0 : i32
    %dma_start3A_28 = tpu.memref_slice %arg5[%dma_start3A_26, %dma_start3A_27] : memref<256x128xf32, #tpu.memory_space<vmem>> -> memref<128x128xf32, #tpu.memory_space<vmem>>
    %dma_start3A_29 = arith.constant 0 : i32
    %dma_start3A_30 = tpu.memref_slice %arg2[%dma_start3A_29, %add3A_25] : memref<256x16384xf32, #tpu.memory_space<hbm>> -> memref<128x128xf32, #tpu.memory_space<hbm>>
    %dma_start3A_31 = arith.constant 0 : i32
    %dma_start3A_32 = arith.constant 0 : i32
    %dma_start3A_33 = tpu.memref_slice %arg5[%dma_start3A_31, %dma_start3A_32] : memref<256x128xf32, #tpu.memory_space<vmem>> -> memref<128x128xf32, #tpu.memory_space<vmem>>
    %dma_start3A_34 = arith.constant 0 : i32
    %dma_start3A_35 = tpu.memref_slice %arg2[%dma_start3A_34, %add3A_25] : memref<256x16384xf32, #tpu.memory_space<hbm>> -> memref<128x128xf32, #tpu.memory_space<hbm>>
    tpu.enqueue_dma source(%dma_start3A_35 : memref<128x128xf32, #tpu.memory_space<hbm>>) target(%dma_start3A_33 : memref<128x128xf32, #tpu.memory_space<vmem>>) target_semaphore(%arg8 : memref<!tpu.dma_semaphore, #tpu.memory_space<semaphore_mem>>)
    %dma_start3A_36 = arith.constant 128 : i32
    %dma_start3A_37 = arith.constant 0 : i32
    %dma_start3A_38 = tpu.memref_slice %arg5[%dma_start3A_36, %dma_start3A_37] : memref<256x128xf32, #tpu.memory_space<vmem>> -> memref<128x128xf32, #tpu.memory_space<vmem>>
    %dma_start3A_39 = arith.constant 128 : i32
    %dma_start3A_40 = tpu.memref_slice %arg2[%dma_start3A_39, %add3A_25] : memref<256x16384xf32, #tpu.memory_space<hbm>> -> memref<128x128xf32, #tpu.memory_space<hbm>>
    %dma_start3A_41 = arith.constant 128 : i32
    %dma_start3A_42 = arith.constant 0 : i32
    %dma_start3A_43 = tpu.memref_slice %arg5[%dma_start3A_41, %dma_start3A_42] : memref<256x128xf32, #tpu.memory_space<vmem>> -> memref<128x128xf32, #tpu.memory_space<vmem>>
    %dma_start3A_44 = arith.constant 128 : i32
    %dma_start3A_45 = tpu.memref_slice %arg2[%dma_start3A_44, %add3A_25] : memref<256x16384xf32, #tpu.memory_space<hbm>> -> memref<128x128xf32, #tpu.memory_space<hbm>>
    tpu.enqueue_dma source(%dma_start3A_45 : memref<128x128xf32, #tpu.memory_space<hbm>>) target(%dma_start3A_43 : memref<128x128xf32, #tpu.memory_space<vmem>>) target_semaphore(%arg11 : memref<!tpu.dma_semaphore, #tpu.memory_space<semaphore_mem>>)
    %add3A_46 = arith.constant 0 : i32
    %add3A_47 = arith.addi %mul3A_2, %add3A_46 : i32
    %dma_wait3A = arith.constant 0 : i32
    %dma_wait3A_48 = arith.constant 0 : i32
    %dma_wait3A_49 = tpu.memref_slice %arg4[%dma_wait3A, %dma_wait3A_48] : memref<256x128xf32, #tpu.memory_space<vmem>> -> memref<128x128xf32, #tpu.memory_space<vmem>>
    %dma_wait3A_50 = arith.constant 0 : i32
    %dma_wait3A_51 = tpu.memref_slice %arg2[%dma_wait3A_50, %add3A_4] : memref<256x16384xf32, #tpu.memory_space<hbm>> -> memref<128x128xf32, #tpu.memory_space<hbm>>
    %dma_wait3A_52 = arith.constant 0 : i32
    %dma_wait3A_53 = arith.constant 0 : i32
    %dma_wait3A_54 = tpu.memref_slice %arg4[%dma_wait3A_52, %dma_wait3A_53] : memref<256x128xf32, #tpu.memory_space<vmem>> -> memref<128x128xf32, #tpu.memory_space<vmem>>
    %dma_wait3A_55 = arith.constant 0 : i32
    %dma_wait3A_56 = tpu.memref_slice %arg2[%dma_wait3A_55, %add3A_4] : memref<256x16384xf32, #tpu.memory_space<hbm>> -> memref<128x128xf32, #tpu.memory_space<hbm>>
    tpu.wait_dma2 semaphore(%arg7 : memref<!tpu.dma_semaphore, #tpu.memory_space<semaphore_mem>>) src(%dma_wait3A_56 : memref<128x128xf32, #tpu.memory_space<hbm>>) dst(%dma_wait3A_54 : memref<128x128xf32, #tpu.memory_space<vmem>>)
    %broadcast_in_dim3A = arith.constant 0.000000e+00 : f32
    %broadcast_in_dim3A_57 = vector.broadcast %broadcast_in_dim3A : f32 to vector<16xf32>
    %broadcast_in_dim3A_58 = arith.constant 0.000000e+00 : f32
    %broadcast_in_dim3A_59 = vector.broadcast %broadcast_in_dim3A_58 : f32 to vector<16xf32>
    %broadcast_in_dim3A_60 = arith.constant 0.000000e+00 : f32
    %broadcast_in_dim3A_61 = vector.broadcast %broadcast_in_dim3A_60 : f32 to vector<16xf32>
    %broadcast_in_dim3A_62 = arith.constant 0.000000e+00 : f32
    %broadcast_in_dim3A_63 = vector.broadcast %broadcast_in_dim3A_62 : f32 to vector<16xf32>
    %broadcast_in_dim3A_64 = arith.constant 0.000000e+00 : f32
    %broadcast_in_dim3A_65 = vector.broadcast %broadcast_in_dim3A_64 : f32 to vector<16xf32>
    %broadcast_in_dim3A_66 = arith.constant 0.000000e+00 : f32
    %broadcast_in_dim3A_67 = vector.broadcast %broadcast_in_dim3A_66 : f32 to vector<16xf32>
    %broadcast_in_dim3A_68 = arith.constant 0.000000e+00 : f32
    %broadcast_in_dim3A_69 = vector.broadcast %broadcast_in_dim3A_68 : f32 to vector<16xf32>
    %broadcast_in_dim3A_70 = arith.constant 0.000000e+00 : f32
    %broadcast_in_dim3A_71 = vector.broadcast %broadcast_in_dim3A_70 : f32 to vector<16xf32>
    %scan3A = arith.constant 1 : i32
    %scan3A_72 = arith.constant 127 : i32
    %scan3A_73 = arith.addi %scan3A, %scan3A_72 : i32
    %scan3A_74 = arith.constant 1 : i32
    %scan3A_75:8 = scf.for %scan3A_1811 = %scan3A to %scan3A_73 step %scan3A_74 iter_args(%scan3A_1812 = %broadcast_in_dim3A_57, %scan3A_1813 = %broadcast_in_dim3A_59, %scan3A_1814 = %broadcast_in_dim3A_61, %scan3A_1815 = %broadcast_in_dim3A_63, %scan3A_1816 = %broadcast_in_dim3A_65, %scan3A_1817 = %broadcast_in_dim3A_67, %scan3A_1818 = %broadcast_in_dim3A_69, %scan3A_1819 = %broadcast_in_dim3A_71) -> (vector<16xf32>, vector<16xf32>, vector<16xf32>, vector<16xf32>, vector<16xf32>, vector<16xf32>, vector<16xf32>, vector<16xf32>)  : i32 {
      %get3A_1820 = arith.index_cast %scan3A_1811 : i32 to index
      %get3A_1821 = arith.constant 0 : index
      %get3A_1822 = tpu.vector_load %arg4[%get3A_1820, %get3A_1821] {strides = array<i32>} : memref<256x128xf32, #tpu.memory_space<vmem>>, vector<1x16xf32>,
      %get3A_1823 = vector.shape_cast %get3A_1822 : vector<1x16xf32> to vector<16xf32>
      %abs3A = math.absf %get3A_1823 : vector<16xf32>
      %add3A_1824 = arith.addf %scan3A_1812, %abs3A : vector<16xf32>
      %get3A_1825 = arith.index_cast %scan3A_1811 : i32 to index
      %get3A_1826 = arith.constant 16 : index
      %get3A_1827 = tpu.vector_load %arg4[%get3A_1825, %get3A_1826] {strides = array<i32>} : memref<256x128xf32, #tpu.memory_space<vmem>>, vector<1x16xf32>,
      %get3A_1828 = vector.shape_cast %get3A_1827 : vector<1x16xf32> to vector<16xf32>
      %abs3A_1829 = math.absf %get3A_1828 : vector<16xf32>
      %add3A_1830 = arith.addf %scan3A_1813, %abs3A_1829 : vector<16xf32>
      %get3A_1831 = arith.index_cast %scan3A_1811 : i32 to index
      %get3A_1832 = arith.constant 32 : index
      %get3A_1833 = tpu.vector_load %arg4[%get3A_1831, %get3A_1832] {strides = array<i32>} : memref<256x128xf32, #tpu.memory_space<vmem>>, vector<1x16xf32>,
      %get3A_1834 = vector.shape_cast %get3A_1833 : vector<1x16xf32> to vector<16xf32>
      %abs3A_1835 = math.absf %get3A_1834 : vector<16xf32>
      %add3A_1836 = arith.addf %scan3A_1814, %abs3A_1835 : vector<16xf32>
      %get3A_1837 = arith.index_cast %scan3A_1811 : i32 to index
      %get3A_1838 = arith.constant 48 : index
      %get3A_1839 = tpu.vector_load %arg4[%get3A_1837, %get3A_1838] {strides = array<i32>} : memref<256x128xf32, #tpu.memory_space<vmem>>, vector<1x16xf32>,
      %get3A_1840 = vector.shape_cast %get3A_1839 : vector<1x16xf32> to vector<16xf32>
      %abs3A_1841 = math.absf %get3A_1840 : vector<16xf32>
      %add3A_1842 = arith.addf %scan3A_1815, %abs3A_1841 : vector<16xf32>
      %get3A_1843 = arith.index_cast %scan3A_1811 : i32 to index
      %get3A_1844 = arith.constant 64 : index
      %get3A_1845 = tpu.vector_load %arg4[%get3A_1843, %get3A_1844] {strides = array<i32>} : memref<256x128xf32, #tpu.memory_space<vmem>>, vector<1x16xf32>,
      %get3A_1846 = vector.shape_cast %get3A_1845 : vector<1x16xf32> to vector<16xf32>
      %abs3A_1847 = math.absf %get3A_1846 : vector<16xf32>
      %add3A_1848 = arith.addf %scan3A_1816, %abs3A_1847 : vector<16xf32>
      %get3A_1849 = arith.index_cast %scan3A_1811 : i32 to index
      %get3A_1850 = arith.constant 80 : index
      %get3A_1851 = tpu.vector_load %arg4[%get3A_1849, %get3A_1850] {strides = array<i32>} : memref<256x128xf32, #tpu.memory_space<vmem>>, vector<1x16xf32>,
      %get3A_1852 = vector.shape_cast %get3A_1851 : vector<1x16xf32> to vector<16xf32>
      %abs3A_1853 = math.absf %get3A_1852 : vector<16xf32>
      %add3A_1854 = arith.addf %scan3A_1817, %abs3A_1853 : vector<16xf32>
      %get3A_1855 = arith.index_cast %scan3A_1811 : i32 to index
      %get3A_1856 = arith.constant 96 : index
      %get3A_1857 = tpu.vector_load %arg4[%get3A_1855, %get3A_1856] {strides = array<i32>} : memref<256x128xf32, #tpu.memory_space<vmem>>, vector<1x16xf32>,
      %get3A_1858 = vector.shape_cast %get3A_1857 : vector<1x16xf32> to vector<16xf32>
      %abs3A_1859 = math.absf %get3A_1858 : vector<16xf32>
      %add3A_1860 = arith.addf %scan3A_1818, %abs3A_1859 : vector<16xf32>
      %get3A_1861 = arith.index_cast %scan3A_1811 : i32 to index
      %get3A_1862 = arith.constant 112 : index
      %get3A_1863 = tpu.vector_load %arg4[%get3A_1861, %get3A_1862] {strides = array<i32>} : memref<256x128xf32, #tpu.memory_space<vmem>>, vector<1x16xf32>,
      %get3A_1864 = vector.shape_cast %get3A_1863 : vector<1x16xf32> to vector<16xf32>
      %abs3A_1865 = math.absf %get3A_1864 : vector<16xf32>
      %add3A_1866 = arith.addf %scan3A_1819, %abs3A_1865 : vector<16xf32>
      scf.yield %add3A_1824, %add3A_1830, %add3A_1836, %add3A_1842, %add3A_1848, %add3A_1854, %add3A_1860, %add3A_1866 : vector<16xf32>, vector<16xf32>, vector<16xf32>, vector<16xf32>, vector<16xf32>, vector<16xf32>, vector<16xf32>, vector<16xf32>
    }
    %scan3A_76 = arith.constant 127 : i32
    %dma_wait3A_77 = arith.constant 128 : i32
    %dma_wait3A_78 = arith.constant 0 : i32
    %dma_wait3A_79 = tpu.memref_slice %arg4[%dma_wait3A_77, %dma_wait3A_78] : memref<256x128xf32, #tpu.memory_space<vmem>> -> memref<128x128xf32, #tpu.memory_space<vmem>>
    %dma_wait3A_80 = arith.constant 128 : i32
    %dma_wait3A_81 = tpu.memref_slice %arg2[%dma_wait3A_80, %add3A_4] : memref<256x16384xf32, #tpu.memory_space<hbm>> -> memref<128x128xf32, #tpu.memory_space<hbm>>
    %dma_wait3A_82 = arith.constant 128 : i32
    %dma_wait3A_83 = arith.constant 0 : i32
    %dma_wait3A_84 = tpu.memref_slice %arg4[%dma_wait3A_82, %dma_wait3A_83] : memref<256x128xf32, #tpu.memory_space<vmem>> -> memref<128x128xf32, #tpu.memory_space<vmem>>
    %dma_wait3A_85 = arith.constant 128 : i32
    %dma_wait3A_86 = tpu.memref_slice %arg2[%dma_wait3A_85, %add3A_4] : memref<256x16384xf32, #tpu.memory_space<hbm>> -> memref<128x128xf32, #tpu.memory_space<hbm>>
    tpu.wait_dma2 semaphore(%arg10 : memref<!tpu.dma_semaphore, #tpu.memory_space<semaphore_mem>>) src(%dma_wait3A_86 : memref<128x128xf32, #tpu.memory_space<hbm>>) dst(%dma_wait3A_84 : memref<128x128xf32, #tpu.memory_space<vmem>>)
    %scan3A_87 = arith.constant 128 : i32
    %scan3A_88 = arith.constant 128 : i32
    %scan3A_89 = arith.addi %scan3A_87, %scan3A_88 : i32
    %scan3A_90 = arith.constant 1 : i32
    %scan3A_91:8 = scf.for %scan3A_1811 = %scan3A_87 to %scan3A_89 step %scan3A_90 iter_args(%scan3A_1812 = %scan3A_75#0, %scan3A_1813 = %scan3A_75#1, %scan3A_1814 = %scan3A_75#2, %scan3A_1815 = %scan3A_75#3, %scan3A_1816 = %scan3A_75#4, %scan3A_1817 = %scan3A_75#5, %scan3A_1818 = %scan3A_75#6, %scan3A_1819 = %scan3A_75#7) -> (vector<16xf32>, vector<16xf32>, vector<16xf32>, vector<16xf32>, vector<16xf32>, vector<16xf32>, vector<16xf32>, vector<16xf32>)  : i32 {
      %get3A_1820 = arith.index_cast %scan3A_1811 : i32 to index
      %get3A_1821 = arith.constant 0 : index
      %get3A_1822 = tpu.vector_load %arg4[%get3A_1820, %get3A_1821] {strides = array<i32>} : memref<256x128xf32, #tpu.memory_space<vmem>>, vector<1x16xf32>,
      %get3A_1823 = vector.shape_cast %get3A_1822 : vector<1x16xf32> to vector<16xf32>
      %abs3A = math.absf %get3A_1823 : vector<16xf32>
      %add3A_1824 = arith.addf %scan3A_1812, %abs3A : vector<16xf32>
      %get3A_1825 = arith.index_cast %scan3A_1811 : i32 to index
      %get3A_1826 = arith.constant 16 : index
      %get3A_1827 = tpu.vector_load %arg4[%get3A_1825, %get3A_1826] {strides = array<i32>} : memref<256x128xf32, #tpu.memory_space<vmem>>, vector<1x16xf32>,
      %get3A_1828 = vector.shape_cast %get3A_1827 : vector<1x16xf32> to vector<16xf32>
      %abs3A_1829 = math.absf %get3A_1828 : vector<16xf32>
      %add3A_1830 = arith.addf %scan3A_1813, %abs3A_1829 : vector<16xf32>
      %get3A_1831 = arith.index_cast %scan3A_1811 : i32 to index
      %get3A_1832 = arith.constant 32 : index
      %get3A_1833 = tpu.vector_load %arg4[%get3A_1831, %get3A_1832] {strides = array<i32>} : memref<256x128xf32, #tpu.memory_space<vmem>>, vector<1x16xf32>,
      %get3A_1834 = vector.shape_cast %get3A_1833 : vector<1x16xf32> to vector<16xf32>
      %abs3A_1835 = math.absf %get3A_1834 : vector<16xf32>
      %add3A_1836 = arith.addf %scan3A_1814, %abs3A_1835 : vector<16xf32>
      %get3A_1837 = arith.index_cast %scan3A_1811 : i32 to index
      %get3A_1838 = arith.constant 48 : index
      %get3A_1839 = tpu.vector_load %arg4[%get3A_1837, %get3A_1838] {strides = array<i32>} : memref<256x128xf32, #tpu.memory_space<vmem>>, vector<1x16xf32>,
      %get3A_1840 = vector.shape_cast %get3A_1839 : vector<1x16xf32> to vector<16xf32>
      %abs3A_1841 = math.absf %get3A_1840 : vector<16xf32>
      %add3A_1842 = arith.addf %scan3A_1815, %abs3A_1841 : vector<16xf32>
      %get3A_1843 = arith.index_cast %scan3A_1811 : i32 to index
      %get3A_1844 = arith.constant 64 : index
      %get3A_1845 = tpu.vector_load %arg4[%get3A_1843, %get3A_1844] {strides = array<i32>} : memref<256x128xf32, #tpu.memory_space<vmem>>, vector<1x16xf32>,
      %get3A_1846 = vector.shape_cast %get3A_1845 : vector<1x16xf32> to vector<16xf32>
      %abs3A_1847 = math.absf %get3A_1846 : vector<16xf32>
      %add3A_1848 = arith.addf %scan3A_1816, %abs3A_1847 : vector<16xf32>
      %get3A_1849 = arith.index_cast %scan3A_1811 : i32 to index
      %get3A_1850 = arith.constant 80 : index
      %get3A_1851 = tpu.vector_load %arg4[%get3A_1849, %get3A_1850] {strides = array<i32>} : memref<256x128xf32, #tpu.memory_space<vmem>>, vector<1x16xf32>,
      %get3A_1852 = vector.shape_cast %get3A_1851 : vector<1x16xf32> to vector<16xf32>
      %abs3A_1853 = math.absf %get3A_1852 : vector<16xf32>
      %add3A_1854 = arith.addf %scan3A_1817, %abs3A_1853 : vector<16xf32>
      %get3A_1855 = arith.index_cast %scan3A_1811 : i32 to index
      %get3A_1856 = arith.constant 96 : index
      %get3A_1857 = tpu.vector_load %arg4[%get3A_1855, %get3A_1856] {strides = array<i32>} : memref<256x128xf32, #tpu.memory_space<vmem>>, vector<1x16xf32>,
      %get3A_1858 = vector.shape_cast %get3A_1857 : vector<1x16xf32> to vector<16xf32>
      %abs3A_1859 = math.absf %get3A_1858 : vector<16xf32>
      %add3A_1860 = arith.addf %scan3A_1818, %abs3A_1859 : vector<16xf32>
      %get3A_1861 = arith.index_cast %scan3A_1811 : i32 to index
      %get3A_1862 = arith.constant 112 : index
      %get3A_1863 = tpu.vector_load %arg4[%get3A_1861, %get3A_1862] {strides = array<i32>} : memref<256x128xf32, #tpu.memory_space<vmem>>, vector<1x16xf32>,
      %get3A_1864 = vector.shape_cast %get3A_1863 : vector<1x16xf32> to vector<16xf32>
      %abs3A_1865 = math.absf %get3A_1864 : vector<16xf32>
      %add3A_1866 = arith.addf %scan3A_1819, %abs3A_1865 : vector<16xf32>
      scf.yield %add3A_1824, %add3A_1830, %add3A_1836, %add3A_1842, %add3A_1848, %add3A_1854, %add3A_1860, %add3A_1866 : vector<16xf32>, vector<16xf32>, vector<16xf32>, vector<16xf32>, vector<16xf32>, vector<16xf32>, vector<16xf32>, vector<16xf32>
    }
    %scan3A_92 = arith.constant 128 : i32
    %get3A = arith.constant 0 : i32
    %get3A_93 = arith.index_cast %get3A : i32 to index
    %get3A_94 = arith.constant 0 : index
    %get3A_95 = tpu.vector_load %arg4[%get3A_93, %get3A_94] {strides = array<i32>} : memref<256x128xf32, #tpu.memory_space<vmem>>, vector<1x16xf32>,
    %get3A_96 = vector.shape_cast %get3A_95 : vector<1x16xf32> to vector<16xf32>
    %sub3A = arith.subf %get3A_96, %scan3A_91#0 : vector<16xf32>
    %add3A_97 = arith.addf %get3A_96, %scan3A_91#0 : vector<16xf32>
    %le3A = arith.constant 0.000000e+00 : f32
    %le3A_98 = vector.broadcast %le3A : f32 to vector<16xf32>
    %le3A_99 = arith.cmpf ole, %sub3A, %le3A_98 : vector<16xf32>
    %ge3A = arith.constant 0.000000e+00 : f32
    %ge3A_100 = vector.broadcast %ge3A : f32 to vector<16xf32>
    %ge3A_101 = arith.cmpf oge, %add3A_97, %ge3A_100 : vector<16xf32>
    %and3A = arith.andi %le3A_99, %ge3A_101 : vector<16xi1>
    %le3A_102 = arith.constant 0.000000e+00 : f32
    %le3A_103 = vector.broadcast %le3A_102 : f32 to vector<16xf32>
    %le3A_104 = arith.cmpf ole, %add3A_97, %le3A_103 : vector<16xf32>
    %sub3A_105 = arith.constant 1.000000e+00 : f32
    %sub3A_106 = vector.broadcast %sub3A_105 : f32 to vector<16xf32>
    %sub3A_107 = arith.subf %sub3A_106, %sub3A : vector<16xf32>
    %jit3A = arith.constant 1.000000e+00 : f32
    %broadcast_in_dim3A_108 = vector.broadcast %jit3A : f32 to vector<16xf32>
    %select_n3A = arith.select %and3A, %sub3A_107, %broadcast_in_dim3A_108 : vector<16xi1>, vector<16xf32>
    %jit3A_109 = arith.constant 0.000000e+00 : f32
    %broadcast_in_dim3A_110 = vector.broadcast %jit3A_109 : f32 to vector<16xf32>
    %select_n3A_111 = arith.select %le3A_104, %broadcast_in_dim3A_110, %select_n3A : vector<16xi1>, vector<16xf32>
    %mul3A_112 = arith.mulf %sub3A_107, %get3A_96 : vector<16xf32>
    %mul3A_113 = arith.mulf %sub3A_107, %sub3A : vector<16xf32>
    %mul3A_114 = arith.constant 5.000000e-01 : f32
    %mul3A_115 = vector.broadcast %mul3A_114 : f32 to vector<16xf32>
    %mul3A_116 = arith.mulf %mul3A_113, %mul3A_115 : vector<16xf32>
    %sub3A_117 = arith.subf %mul3A_112, %mul3A_116 : vector<16xf32>
    %select_n3A_118 = arith.select %and3A, %sub3A_117, %get3A_96 : vector<16xi1>, vector<16xf32>
    %jit3A_119 = arith.constant 0.000000e+00 : f32
    %broadcast_in_dim3A_120 = vector.broadcast %jit3A_119 : f32 to vector<16xf32>
    %select_n3A_121 = arith.select %le3A_104, %broadcast_in_dim3A_120, %select_n3A_118 : vector<16xi1>, vector<16xf32>
    %get3A_122 = arith.constant 0 : i32
    %get3A_123 = arith.index_cast %get3A_122 : i32 to index
    %get3A_124 = arith.constant 16 : index
    %get3A_125 = tpu.vector_load %arg4[%get3A_123, %get3A_124] {strides = array<i32>} : memref<256x128xf32, #tpu.memory_space<vmem>>, vector<1x16xf32>,
    %get3A_126 = vector.shape_cast %get3A_125 : vector<1x16xf32> to vector<16xf32>
    %sub3A_127 = arith.subf %get3A_126, %scan3A_91#1 : vector<16xf32>
    %add3A_128 = arith.addf %get3A_126, %scan3A_91#1 : vector<16xf32>
    %le3A_129 = arith.constant 0.000000e+00 : f32
    %le3A_130 = vector.broadcast %le3A_129 : f32 to vector<16xf32>
    %le3A_131 = arith.cmpf ole, %sub3A_127, %le3A_130 : vector<16xf32>
    %ge3A_132 = arith.constant 0.000000e+00 : f32
    %ge3A_133 = vector.broadcast %ge3A_132 : f32 to vector<16xf32>
    %ge3A_134 = arith.cmpf oge, %add3A_128, %ge3A_133 : vector<16xf32>
    %and3A_135 = arith.andi %le3A_131, %ge3A_134 : vector<16xi1>
    %le3A_136 = arith.constant 0.000000e+00 : f32
    %le3A_137 = vector.broadcast %le3A_136 : f32 to vector<16xf32>
    %le3A_138 = arith.cmpf ole, %add3A_128, %le3A_137 : vector<16xf32>
    %sub3A_139 = arith.constant 1.000000e+00 : f32
    %sub3A_140 = vector.broadcast %sub3A_139 : f32 to vector<16xf32>
    %sub3A_141 = arith.subf %sub3A_140, %sub3A_127 : vector<16xf32>
    %jit3A_142 = arith.constant 1.000000e+00 : f32
    %broadcast_in_dim3A_143 = vector.broadcast %jit3A_142 : f32 to vector<16xf32>
    %select_n3A_144 = arith.select %and3A_135, %sub3A_141, %broadcast_in_dim3A_143 : vector<16xi1>, vector<16xf32>
    %jit3A_145 = arith.constant 0.000000e+00 : f32
    %broadcast_in_dim3A_146 = vector.broadcast %jit3A_145 : f32 to vector<16xf32>
    %select_n3A_147 = arith.select %le3A_138, %broadcast_in_dim3A_146, %select_n3A_144 : vector<16xi1>, vector<16xf32>
    %mul3A_148 = arith.mulf %sub3A_141, %get3A_126 : vector<16xf32>
    %mul3A_149 = arith.mulf %sub3A_141, %sub3A_127 : vector<16xf32>
    %mul3A_150 = arith.constant 5.000000e-01 : f32
    %mul3A_151 = vector.broadcast %mul3A_150 : f32 to vector<16xf32>
    %mul3A_152 = arith.mulf %mul3A_149, %mul3A_151 : vector<16xf32>
    %sub3A_153 = arith.subf %mul3A_148, %mul3A_152 : vector<16xf32>
    %select_n3A_154 = arith.select %and3A_135, %sub3A_153, %get3A_126 : vector<16xi1>, vector<16xf32>
    %jit3A_155 = arith.constant 0.000000e+00 : f32
    %broadcast_in_dim3A_156 = vector.broadcast %jit3A_155 : f32 to vector<16xf32>
    %select_n3A_157 = arith.select %le3A_138, %broadcast_in_dim3A_156, %select_n3A_154 : vector<16xi1>, vector<16xf32>
    %get3A_158 = arith.constant 0 : i32
    %get3A_159 = arith.index_cast %get3A_158 : i32 to index
    %get3A_160 = arith.constant 32 : index
    %get3A_161 = tpu.vector_load %arg4[%get3A_159, %get3A_160] {strides = array<i32>} : memref<256x128xf32, #tpu.memory_space<vmem>>, vector<1x16xf32>,
    %get3A_162 = vector.shape_cast %get3A_161 : vector<1x16xf32> to vector<16xf32>
    %sub3A_163 = arith.subf %get3A_162, %scan3A_91#2 : vector<16xf32>
    %add3A_164 = arith.addf %get3A_162, %scan3A_91#2 : vector<16xf32>
    %le3A_165 = arith.constant 0.000000e+00 : f32
    %le3A_166 = vector.broadcast %le3A_165 : f32 to vector<16xf32>
    %le3A_167 = arith.cmpf ole, %sub3A_163, %le3A_166 : vector<16xf32>
    %ge3A_168 = arith.constant 0.000000e+00 : f32
    %ge3A_169 = vector.broadcast %ge3A_168 : f32 to vector<16xf32>
    %ge3A_170 = arith.cmpf oge, %add3A_164, %ge3A_169 : vector<16xf32>
    %and3A_171 = arith.andi %le3A_167, %ge3A_170 : vector<16xi1>
    %le3A_172 = arith.constant 0.000000e+00 : f32
    %le3A_173 = vector.broadcast %le3A_172 : f32 to vector<16xf32>
    %le3A_174 = arith.cmpf ole, %add3A_164, %le3A_173 : vector<16xf32>
    %sub3A_175 = arith.constant 1.000000e+00 : f32
    %sub3A_176 = vector.broadcast %sub3A_175 : f32 to vector<16xf32>
    %sub3A_177 = arith.subf %sub3A_176, %sub3A_163 : vector<16xf32>
    %jit3A_178 = arith.constant 1.000000e+00 : f32
    %broadcast_in_dim3A_179 = vector.broadcast %jit3A_178 : f32 to vector<16xf32>
    %select_n3A_180 = arith.select %and3A_171, %sub3A_177, %broadcast_in_dim3A_179 : vector<16xi1>, vector<16xf32>
    %jit3A_181 = arith.constant 0.000000e+00 : f32
    %broadcast_in_dim3A_182 = vector.broadcast %jit3A_181 : f32 to vector<16xf32>
    %select_n3A_183 = arith.select %le3A_174, %broadcast_in_dim3A_182, %select_n3A_180 : vector<16xi1>, vector<16xf32>
    %mul3A_184 = arith.mulf %sub3A_177, %get3A_162 : vector<16xf32>
    %mul3A_185 = arith.mulf %sub3A_177, %sub3A_163 : vector<16xf32>
    %mul3A_186 = arith.constant 5.000000e-01 : f32
    %mul3A_187 = vector.broadcast %mul3A_186 : f32 to vector<16xf32>
    %mul3A_188 = arith.mulf %mul3A_185, %mul3A_187 : vector<16xf32>
    %sub3A_189 = arith.subf %mul3A_184, %mul3A_188 : vector<16xf32>
    %select_n3A_190 = arith.select %and3A_171, %sub3A_189, %get3A_162 : vector<16xi1>, vector<16xf32>
    %jit3A_191 = arith.constant 0.000000e+00 : f32
    %broadcast_in_dim3A_192 = vector.broadcast %jit3A_191 : f32 to vector<16xf32>
    %select_n3A_193 = arith.select %le3A_174, %broadcast_in_dim3A_192, %select_n3A_190 : vector<16xi1>, vector<16xf32>
    %get3A_194 = arith.constant 0 : i32
    %get3A_195 = arith.index_cast %get3A_194 : i32 to index
    %get3A_196 = arith.constant 48 : index
    %get3A_197 = tpu.vector_load %arg4[%get3A_195, %get3A_196] {strides = array<i32>} : memref<256x128xf32, #tpu.memory_space<vmem>>, vector<1x16xf32>,
    %get3A_198 = vector.shape_cast %get3A_197 : vector<1x16xf32> to vector<16xf32>
    %sub3A_199 = arith.subf %get3A_198, %scan3A_91#3 : vector<16xf32>
    %add3A_200 = arith.addf %get3A_198, %scan3A_91#3 : vector<16xf32>
    %le3A_201 = arith.constant 0.000000e+00 : f32
    %le3A_202 = vector.broadcast %le3A_201 : f32 to vector<16xf32>
    %le3A_203 = arith.cmpf ole, %sub3A_199, %le3A_202 : vector<16xf32>
    %ge3A_204 = arith.constant 0.000000e+00 : f32
    %ge3A_205 = vector.broadcast %ge3A_204 : f32 to vector<16xf32>
    %ge3A_206 = arith.cmpf oge, %add3A_200, %ge3A_205 : vector<16xf32>
    %and3A_207 = arith.andi %le3A_203, %ge3A_206 : vector<16xi1>
    %le3A_208 = arith.constant 0.000000e+00 : f32
    %le3A_209 = vector.broadcast %le3A_208 : f32 to vector<16xf32>
    %le3A_210 = arith.cmpf ole, %add3A_200, %le3A_209 : vector<16xf32>
    %sub3A_211 = arith.constant 1.000000e+00 : f32
    %sub3A_212 = vector.broadcast %sub3A_211 : f32 to vector<16xf32>
    %sub3A_213 = arith.subf %sub3A_212, %sub3A_199 : vector<16xf32>
    %jit3A_214 = arith.constant 1.000000e+00 : f32
    %broadcast_in_dim3A_215 = vector.broadcast %jit3A_214 : f32 to vector<16xf32>
    %select_n3A_216 = arith.select %and3A_207, %sub3A_213, %broadcast_in_dim3A_215 : vector<16xi1>, vector<16xf32>
    %jit3A_217 = arith.constant 0.000000e+00 : f32
    %broadcast_in_dim3A_218 = vector.broadcast %jit3A_217 : f32 to vector<16xf32>
    %select_n3A_219 = arith.select %le3A_210, %broadcast_in_dim3A_218, %select_n3A_216 : vector<16xi1>, vector<16xf32>
    %mul3A_220 = arith.mulf %sub3A_213, %get3A_198 : vector<16xf32>
    %mul3A_221 = arith.mulf %sub3A_213, %sub3A_199 : vector<16xf32>
    %mul3A_222 = arith.constant 5.000000e-01 : f32
    %mul3A_223 = vector.broadcast %mul3A_222 : f32 to vector<16xf32>
    %mul3A_224 = arith.mulf %mul3A_221, %mul3A_223 : vector<16xf32>
    %sub3A_225 = arith.subf %mul3A_220, %mul3A_224 : vector<16xf32>
    %select_n3A_226 = arith.select %and3A_207, %sub3A_225, %get3A_198 : vector<16xi1>, vector<16xf32>
    %jit3A_227 = arith.constant 0.000000e+00 : f32
    %broadcast_in_dim3A_228 = vector.broadcast %jit3A_227 : f32 to vector<16xf32>
    %select_n3A_229 = arith.select %le3A_210, %broadcast_in_dim3A_228, %select_n3A_226 : vector<16xi1>, vector<16xf32>
    %get3A_230 = arith.constant 0 : i32
    %get3A_231 = arith.index_cast %get3A_230 : i32 to index
    %get3A_232 = arith.constant 64 : index
    %get3A_233 = tpu.vector_load %arg4[%get3A_231, %get3A_232] {strides = array<i32>} : memref<256x128xf32, #tpu.memory_space<vmem>>, vector<1x16xf32>,
    %get3A_234 = vector.shape_cast %get3A_233 : vector<1x16xf32> to vector<16xf32>
    %sub3A_235 = arith.subf %get3A_234, %scan3A_91#4 : vector<16xf32>
    %add3A_236 = arith.addf %get3A_234, %scan3A_91#4 : vector<16xf32>
    %le3A_237 = arith.constant 0.000000e+00 : f32
    %le3A_238 = vector.broadcast %le3A_237 : f32 to vector<16xf32>
    %le3A_239 = arith.cmpf ole, %sub3A_235, %le3A_238 : vector<16xf32>
    %ge3A_240 = arith.constant 0.000000e+00 : f32
    %ge3A_241 = vector.broadcast %ge3A_240 : f32 to vector<16xf32>
    %ge3A_242 = arith.cmpf oge, %add3A_236, %ge3A_241 : vector<16xf32>
    %and3A_243 = arith.andi %le3A_239, %ge3A_242 : vector<16xi1>
    %le3A_244 = arith.constant 0.000000e+00 : f32
    %le3A_245 = vector.broadcast %le3A_244 : f32 to vector<16xf32>
    %le3A_246 = arith.cmpf ole, %add3A_236, %le3A_245 : vector<16xf32>
    %sub3A_247 = arith.constant 1.000000e+00 : f32
    %sub3A_248 = vector.broadcast %sub3A_247 : f32 to vector<16xf32>
    %sub3A_249 = arith.subf %sub3A_248, %sub3A_235 : vector<16xf32>
    %jit3A_250 = arith.constant 1.000000e+00 : f32
    %broadcast_in_dim3A_251 = vector.broadcast %jit3A_250 : f32 to vector<16xf32>
    %select_n3A_252 = arith.select %and3A_243, %sub3A_249, %broadcast_in_dim3A_251 : vector<16xi1>, vector<16xf32>
    %jit3A_253 = arith.constant 0.000000e+00 : f32
    %broadcast_in_dim3A_254 = vector.broadcast %jit3A_253 : f32 to vector<16xf32>
    %select_n3A_255 = arith.select %le3A_246, %broadcast_in_dim3A_254, %select_n3A_252 : vector<16xi1>, vector<16xf32>
    %mul3A_256 = arith.mulf %sub3A_249, %get3A_234 : vector<16xf32>
    %mul3A_257 = arith.mulf %sub3A_249, %sub3A_235 : vector<16xf32>
    %mul3A_258 = arith.constant 5.000000e-01 : f32
    %mul3A_259 = vector.broadcast %mul3A_258 : f32 to vector<16xf32>
    %mul3A_260 = arith.mulf %mul3A_257, %mul3A_259 : vector<16xf32>
    %sub3A_261 = arith.subf %mul3A_256, %mul3A_260 : vector<16xf32>
    %select_n3A_262 = arith.select %and3A_243, %sub3A_261, %get3A_234 : vector<16xi1>, vector<16xf32>
    %jit3A_263 = arith.constant 0.000000e+00 : f32
    %broadcast_in_dim3A_264 = vector.broadcast %jit3A_263 : f32 to vector<16xf32>
    %select_n3A_265 = arith.select %le3A_246, %broadcast_in_dim3A_264, %select_n3A_262 : vector<16xi1>, vector<16xf32>
    %get3A_266 = arith.constant 0 : i32
    %get3A_267 = arith.index_cast %get3A_266 : i32 to index
    %get3A_268 = arith.constant 80 : index
    %get3A_269 = tpu.vector_load %arg4[%get3A_267, %get3A_268] {strides = array<i32>} : memref<256x128xf32, #tpu.memory_space<vmem>>, vector<1x16xf32>,
    %get3A_270 = vector.shape_cast %get3A_269 : vector<1x16xf32> to vector<16xf32>
    %sub3A_271 = arith.subf %get3A_270, %scan3A_91#5 : vector<16xf32>
    %add3A_272 = arith.addf %get3A_270, %scan3A_91#5 : vector<16xf32>
    %le3A_273 = arith.constant 0.000000e+00 : f32
    %le3A_274 = vector.broadcast %le3A_273 : f32 to vector<16xf32>
    %le3A_275 = arith.cmpf ole, %sub3A_271, %le3A_274 : vector<16xf32>
    %ge3A_276 = arith.constant 0.000000e+00 : f32
    %ge3A_277 = vector.broadcast %ge3A_276 : f32 to vector<16xf32>
    %ge3A_278 = arith.cmpf oge, %add3A_272, %ge3A_277 : vector<16xf32>
    %and3A_279 = arith.andi %le3A_275, %ge3A_278 : vector<16xi1>
    %le3A_280 = arith.constant 0.000000e+00 : f32
    %le3A_281 = vector.broadcast %le3A_280 : f32 to vector<16xf32>
    %le3A_282 = arith.cmpf ole, %add3A_272, %le3A_281 : vector<16xf32>
    %sub3A_283 = arith.constant 1.000000e+00 : f32
    %sub3A_284 = vector.broadcast %sub3A_283 : f32 to vector<16xf32>
    %sub3A_285 = arith.subf %sub3A_284, %sub3A_271 : vector<16xf32>
    %jit3A_286 = arith.constant 1.000000e+00 : f32
    %broadcast_in_dim3A_287 = vector.broadcast %jit3A_286 : f32 to vector<16xf32>
    %select_n3A_288 = arith.select %and3A_279, %sub3A_285, %broadcast_in_dim3A_287 : vector<16xi1>, vector<16xf32>
    %jit3A_289 = arith.constant 0.000000e+00 : f32
    %broadcast_in_dim3A_290 = vector.broadcast %jit3A_289 : f32 to vector<16xf32>
    %select_n3A_291 = arith.select %le3A_282, %broadcast_in_dim3A_290, %select_n3A_288 : vector<16xi1>, vector<16xf32>
    %mul3A_292 = arith.mulf %sub3A_285, %get3A_270 : vector<16xf32>
    %mul3A_293 = arith.mulf %sub3A_285, %sub3A_271 : vector<16xf32>
    %mul3A_294 = arith.constant 5.000000e-01 : f32
    %mul3A_295 = vector.broadcast %mul3A_294 : f32 to vector<16xf32>
    %mul3A_296 = arith.mulf %mul3A_293, %mul3A_295 : vector<16xf32>
    %sub3A_297 = arith.subf %mul3A_292, %mul3A_296 : vector<16xf32>
    %select_n3A_298 = arith.select %and3A_279, %sub3A_297, %get3A_270 : vector<16xi1>, vector<16xf32>
    %jit3A_299 = arith.constant 0.000000e+00 : f32
    %broadcast_in_dim3A_300 = vector.broadcast %jit3A_299 : f32 to vector<16xf32>
    %select_n3A_301 = arith.select %le3A_282, %broadcast_in_dim3A_300, %select_n3A_298 : vector<16xi1>, vector<16xf32>
    %get3A_302 = arith.constant 0 : i32
    %get3A_303 = arith.index_cast %get3A_302 : i32 to index
    %get3A_304 = arith.constant 96 : index
    %get3A_305 = tpu.vector_load %arg4[%get3A_303, %get3A_304] {strides = array<i32>} : memref<256x128xf32, #tpu.memory_space<vmem>>, vector<1x16xf32>,
    %get3A_306 = vector.shape_cast %get3A_305 : vector<1x16xf32> to vector<16xf32>
    %sub3A_307 = arith.subf %get3A_306, %scan3A_91#6 : vector<16xf32>
    %add3A_308 = arith.addf %get3A_306, %scan3A_91#6 : vector<16xf32>
    %le3A_309 = arith.constant 0.000000e+00 : f32
    %le3A_310 = vector.broadcast %le3A_309 : f32 to vector<16xf32>
    %le3A_311 = arith.cmpf ole, %sub3A_307, %le3A_310 : vector<16xf32>
    %ge3A_312 = arith.constant 0.000000e+00 : f32
    %ge3A_313 = vector.broadcast %ge3A_312 : f32 to vector<16xf32>
    %ge3A_314 = arith.cmpf oge, %add3A_308, %ge3A_313 : vector<16xf32>
    %and3A_315 = arith.andi %le3A_311, %ge3A_314 : vector<16xi1>
    %le3A_316 = arith.constant 0.000000e+00 : f32
    %le3A_317 = vector.broadcast %le3A_316 : f32 to vector<16xf32>
    %le3A_318 = arith.cmpf ole, %add3A_308, %le3A_317 : vector<16xf32>
    %sub3A_319 = arith.constant 1.000000e+00 : f32
    %sub3A_320 = vector.broadcast %sub3A_319 : f32 to vector<16xf32>
    %sub3A_321 = arith.subf %sub3A_320, %sub3A_307 : vector<16xf32>
    %jit3A_322 = arith.constant 1.000000e+00 : f32
    %broadcast_in_dim3A_323 = vector.broadcast %jit3A_322 : f32 to vector<16xf32>
    %select_n3A_324 = arith.select %and3A_315, %sub3A_321, %broadcast_in_dim3A_323 : vector<16xi1>, vector<16xf32>
    %jit3A_325 = arith.constant 0.000000e+00 : f32
    %broadcast_in_dim3A_326 = vector.broadcast %jit3A_325 : f32 to vector<16xf32>
    %select_n3A_327 = arith.select %le3A_318, %broadcast_in_dim3A_326, %select_n3A_324 : vector<16xi1>, vector<16xf32>
    %mul3A_328 = arith.mulf %sub3A_321, %get3A_306 : vector<16xf32>
    %mul3A_329 = arith.mulf %sub3A_321, %sub3A_307 : vector<16xf32>
    %mul3A_330 = arith.constant 5.000000e-01 : f32
    %mul3A_331 = vector.broadcast %mul3A_330 : f32 to vector<16xf32>
    %mul3A_332 = arith.mulf %mul3A_329, %mul3A_331 : vector<16xf32>
    %sub3A_333 = arith.subf %mul3A_328, %mul3A_332 : vector<16xf32>
    %select_n3A_334 = arith.select %and3A_315, %sub3A_333, %get3A_306 : vector<16xi1>, vector<16xf32>
    %jit3A_335 = arith.constant 0.000000e+00 : f32
    %broadcast_in_dim3A_336 = vector.broadcast %jit3A_335 : f32 to vector<16xf32>
    %select_n3A_337 = arith.select %le3A_318, %broadcast_in_dim3A_336, %select_n3A_334 : vector<16xi1>, vector<16xf32>
    %get3A_338 = arith.constant 0 : i32
    %get3A_339 = arith.index_cast %get3A_338 : i32 to index
    %get3A_340 = arith.constant 112 : index
    %get3A_341 = tpu.vector_load %arg4[%get3A_339, %get3A_340] {strides = array<i32>} : memref<256x128xf32, #tpu.memory_space<vmem>>, vector<1x16xf32>,
    %get3A_342 = vector.shape_cast %get3A_341 : vector<1x16xf32> to vector<16xf32>
    %sub3A_343 = arith.subf %get3A_342, %scan3A_91#7 : vector<16xf32>
    %add3A_344 = arith.addf %get3A_342, %scan3A_91#7 : vector<16xf32>
    %le3A_345 = arith.constant 0.000000e+00 : f32
    %le3A_346 = vector.broadcast %le3A_345 : f32 to vector<16xf32>
    %le3A_347 = arith.cmpf ole, %sub3A_343, %le3A_346 : vector<16xf32>
    %ge3A_348 = arith.constant 0.000000e+00 : f32
    %ge3A_349 = vector.broadcast %ge3A_348 : f32 to vector<16xf32>
    %ge3A_350 = arith.cmpf oge, %add3A_344, %ge3A_349 : vector<16xf32>
    %and3A_351 = arith.andi %le3A_347, %ge3A_350 : vector<16xi1>
    %le3A_352 = arith.constant 0.000000e+00 : f32
    %le3A_353 = vector.broadcast %le3A_352 : f32 to vector<16xf32>
    %le3A_354 = arith.cmpf ole, %add3A_344, %le3A_353 : vector<16xf32>
    %sub3A_355 = arith.constant 1.000000e+00 : f32
    %sub3A_356 = vector.broadcast %sub3A_355 : f32 to vector<16xf32>
    %sub3A_357 = arith.subf %sub3A_356, %sub3A_343 : vector<16xf32>
    %jit3A_358 = arith.constant 1.000000e+00 : f32
    %broadcast_in_dim3A_359 = vector.broadcast %jit3A_358 : f32 to vector<16xf32>
    %select_n3A_360 = arith.select %and3A_351, %sub3A_357, %broadcast_in_dim3A_359 : vector<16xi1>, vector<16xf32>
    %jit3A_361 = arith.constant 0.000000e+00 : f32
    %broadcast_in_dim3A_362 = vector.broadcast %jit3A_361 : f32 to vector<16xf32>
    %select_n3A_363 = arith.select %le3A_354, %broadcast_in_dim3A_362, %select_n3A_360 : vector<16xi1>, vector<16xf32>
    %mul3A_364 = arith.mulf %sub3A_357, %get3A_342 : vector<16xf32>
    %mul3A_365 = arith.mulf %sub3A_357, %sub3A_343 : vector<16xf32>
    %mul3A_366 = arith.constant 5.000000e-01 : f32
    %mul3A_367 = vector.broadcast %mul3A_366 : f32 to vector<16xf32>
    %mul3A_368 = arith.mulf %mul3A_365, %mul3A_367 : vector<16xf32>
    %sub3A_369 = arith.subf %mul3A_364, %mul3A_368 : vector<16xf32>
    %select_n3A_370 = arith.select %and3A_351, %sub3A_369, %get3A_342 : vector<16xi1>, vector<16xf32>
    %jit3A_371 = arith.constant 0.000000e+00 : f32
    %broadcast_in_dim3A_372 = vector.broadcast %jit3A_371 : f32 to vector<16xf32>
    %select_n3A_373 = arith.select %le3A_354, %broadcast_in_dim3A_372, %select_n3A_370 : vector<16xi1>, vector<16xf32>
    %scan3A_374 = arith.constant 0 : i32
    %scan3A_375 = arith.constant 1 : i32
    %scan3A_376 = arith.constant 127 : i32
    %scan3A_377 = arith.addi %scan3A_375, %scan3A_376 : i32
    %scan3A_378 = arith.constant 1 : i32
    scf.for %scan3A_1811 = %scan3A_375 to %scan3A_377 step %scan3A_378  : i32 {
      %get3A_1812 = arith.index_cast %scan3A_1811 : i32 to index
      %get3A_1813 = arith.constant 0 : index
      %get3A_1814 = tpu.vector_load %arg4[%get3A_1812, %get3A_1813] {strides = array<i32>} : memref<256x128xf32, #tpu.memory_space<vmem>>, vector<1x16xf32>,
      %get3A_1815 = vector.shape_cast %get3A_1814 : vector<1x16xf32> to vector<16xf32>
      %mul3A_1816 = arith.mulf %get3A_1815, %select_n3A_111 : vector<16xf32>
      %swap3A_1817 = arith.index_cast %scan3A_1811 : i32 to index
      %swap3A_1818 = arith.constant 0 : index
      %swap3A_1819 = tpu.vector_load %arg4[%swap3A_1817, %swap3A_1818] {strides = array<i32>} : memref<256x128xf32, #tpu.memory_space<vmem>>, vector<1x16xf32>,
      %swap3A_1820 = vector.shape_cast %swap3A_1819 : vector<1x16xf32> to vector<16xf32>
      %swap3A_1821 = vector.shape_cast %mul3A_1816 : vector<16xf32> to vector<1x16xf32>
      tpu.vector_store %arg4[%swap3A_1817, %swap3A_1818], %swap3A_1821 {strides = array<i32>} : memref<256x128xf32, #tpu.memory_space<vmem>>, vector<1x16xf32>,
      %get3A_1822 = arith.index_cast %scan3A_1811 : i32 to index
      %get3A_1823 = arith.constant 16 : index
      %get3A_1824 = tpu.vector_load %arg4[%get3A_1822, %get3A_1823] {strides = array<i32>} : memref<256x128xf32, #tpu.memory_space<vmem>>, vector<1x16xf32>,
      %get3A_1825 = vector.shape_cast %get3A_1824 : vector<1x16xf32> to vector<16xf32>
      %mul3A_1826 = arith.mulf %get3A_1825, %select_n3A_147 : vector<16xf32>
      %swap3A_1827 = arith.index_cast %scan3A_1811 : i32 to index
      %swap3A_1828 = arith.constant 16 : index
      %swap3A_1829 = tpu.vector_load %arg4[%swap3A_1827, %swap3A_1828] {strides = array<i32>} : memref<256x128xf32, #tpu.memory_space<vmem>>, vector<1x16xf32>,
      %swap3A_1830 = vector.shape_cast %swap3A_1829 : vector<1x16xf32> to vector<16xf32>
      %swap3A_1831 = vector.shape_cast %mul3A_1826 : vector<16xf32> to vector<1x16xf32>
      tpu.vector_store %arg4[%swap3A_1827, %swap3A_1828], %swap3A_1831 {strides = array<i32>} : memref<256x128xf32, #tpu.memory_space<vmem>>, vector<1x16xf32>,
      %get3A_1832 = arith.index_cast %scan3A_1811 : i32 to index
      %get3A_1833 = arith.constant 32 : index
      %get3A_1834 = tpu.vector_load %arg4[%get3A_1832, %get3A_1833] {strides = array<i32>} : memref<256x128xf32, #tpu.memory_space<vmem>>, vector<1x16xf32>,
      %get3A_1835 = vector.shape_cast %get3A_1834 : vector<1x16xf32> to vector<16xf32>
      %mul3A_1836 = arith.mulf %get3A_1835, %select_n3A_183 : vector<16xf32>
      %swap3A_1837 = arith.index_cast %scan3A_1811 : i32 to index
      %swap3A_1838 = arith.constant 32 : index
      %swap3A_1839 = tpu.vector_load %arg4[%swap3A_1837, %swap3A_1838] {strides = array<i32>} : memref<256x128xf32, #tpu.memory_space<vmem>>, vector<1x16xf32>,
      %swap3A_1840 = vector.shape_cast %swap3A_1839 : vector<1x16xf32> to vector<16xf32>
      %swap3A_1841 = vector.shape_cast %mul3A_1836 : vector<16xf32> to vector<1x16xf32>
      tpu.vector_store %arg4[%swap3A_1837, %swap3A_1838], %swap3A_1841 {strides = array<i32>} : memref<256x128xf32, #tpu.memory_space<vmem>>, vector<1x16xf32>,
      %get3A_1842 = arith.index_cast %scan3A_1811 : i32 to index
      %get3A_1843 = arith.constant 48 : index
      %get3A_1844 = tpu.vector_load %arg4[%get3A_1842, %get3A_1843] {strides = array<i32>} : memref<256x128xf32, #tpu.memory_space<vmem>>, vector<1x16xf32>,
      %get3A_1845 = vector.shape_cast %get3A_1844 : vector<1x16xf32> to vector<16xf32>
      %mul3A_1846 = arith.mulf %get3A_1845, %select_n3A_219 : vector<16xf32>
      %swap3A_1847 = arith.index_cast %scan3A_1811 : i32 to index
      %swap3A_1848 = arith.constant 48 : index
      %swap3A_1849 = tpu.vector_load %arg4[%swap3A_1847, %swap3A_1848] {strides = array<i32>} : memref<256x128xf32, #tpu.memory_space<vmem>>, vector<1x16xf32>,
      %swap3A_1850 = vector.shape_cast %swap3A_1849 : vector<1x16xf32> to vector<16xf32>
      %swap3A_1851 = vector.shape_cast %mul3A_1846 : vector<16xf32> to vector<1x16xf32>
      tpu.vector_store %arg4[%swap3A_1847, %swap3A_1848], %swap3A_1851 {strides = array<i32>} : memref<256x128xf32, #tpu.memory_space<vmem>>, vector<1x16xf32>,
      %get3A_1852 = arith.index_cast %scan3A_1811 : i32 to index
      %get3A_1853 = arith.constant 64 : index
      %get3A_1854 = tpu.vector_load %arg4[%get3A_1852, %get3A_1853] {strides = array<i32>} : memref<256x128xf32, #tpu.memory_space<vmem>>, vector<1x16xf32>,
      %get3A_1855 = vector.shape_cast %get3A_1854 : vector<1x16xf32> to vector<16xf32>
      %mul3A_1856 = arith.mulf %get3A_1855, %select_n3A_255 : vector<16xf32>
      %swap3A_1857 = arith.index_cast %scan3A_1811 : i32 to index
      %swap3A_1858 = arith.constant 64 : index
      %swap3A_1859 = tpu.vector_load %arg4[%swap3A_1857, %swap3A_1858] {strides = array<i32>} : memref<256x128xf32, #tpu.memory_space<vmem>>, vector<1x16xf32>,
      %swap3A_1860 = vector.shape_cast %swap3A_1859 : vector<1x16xf32> to vector<16xf32>
      %swap3A_1861 = vector.shape_cast %mul3A_1856 : vector<16xf32> to vector<1x16xf32>
      tpu.vector_store %arg4[%swap3A_1857, %swap3A_1858], %swap3A_1861 {strides = array<i32>} : memref<256x128xf32, #tpu.memory_space<vmem>>, vector<1x16xf32>,
      %get3A_1862 = arith.index_cast %scan3A_1811 : i32 to index
      %get3A_1863 = arith.constant 80 : index
      %get3A_1864 = tpu.vector_load %arg4[%get3A_1862, %get3A_1863] {strides = array<i32>} : memref<256x128xf32, #tpu.memory_space<vmem>>, vector<1x16xf32>,
      %get3A_1865 = vector.shape_cast %get3A_1864 : vector<1x16xf32> to vector<16xf32>
      %mul3A_1866 = arith.mulf %get3A_1865, %select_n3A_291 : vector<16xf32>
      %swap3A_1867 = arith.index_cast %scan3A_1811 : i32 to index
      %swap3A_1868 = arith.constant 80 : index
      %swap3A_1869 = tpu.vector_load %arg4[%swap3A_1867, %swap3A_1868] {strides = array<i32>} : memref<256x128xf32, #tpu.memory_space<vmem>>, vector<1x16xf32>,
      %swap3A_1870 = vector.shape_cast %swap3A_1869 : vector<1x16xf32> to vector<16xf32>
      %swap3A_1871 = vector.shape_cast %mul3A_1866 : vector<16xf32> to vector<1x16xf32>
      tpu.vector_store %arg4[%swap3A_1867, %swap3A_1868], %swap3A_1871 {strides = array<i32>} : memref<256x128xf32, #tpu.memory_space<vmem>>, vector<1x16xf32>,
      %get3A_1872 = arith.index_cast %scan3A_1811 : i32 to index
      %get3A_1873 = arith.constant 96 : index
      %get3A_1874 = tpu.vector_load %arg4[%get3A_1872, %get3A_1873] {strides = array<i32>} : memref<256x128xf32, #tpu.memory_space<vmem>>, vector<1x16xf32>,
      %get3A_1875 = vector.shape_cast %get3A_1874 : vector<1x16xf32> to vector<16xf32>
      %mul3A_1876 = arith.mulf %get3A_1875, %select_n3A_327 : vector<16xf32>
      %swap3A_1877 = arith.index_cast %scan3A_1811 : i32 to index
      %swap3A_1878 = arith.constant 96 : index
      %swap3A_1879 = tpu.vector_load %arg4[%swap3A_1877, %swap3A_1878] {strides = array<i32>} : memref<256x128xf32, #tpu.memory_space<vmem>>, vector<1x16xf32>,
      %swap3A_1880 = vector.shape_cast %swap3A_1879 : vector<1x16xf32> to vector<16xf32>
      %swap3A_1881 = vector.shape_cast %mul3A_1876 : vector<16xf32> to vector<1x16xf32>
      tpu.vector_store %arg4[%swap3A_1877, %swap3A_1878], %swap3A_1881 {strides = array<i32>} : memref<256x128xf32, #tpu.memory_space<vmem>>, vector<1x16xf32>,
      %get3A_1882 = arith.index_cast %scan3A_1811 : i32 to index
      %get3A_1883 = arith.constant 112 : index
      %get3A_1884 = tpu.vector_load %arg4[%get3A_1882, %get3A_1883] {strides = array<i32>} : memref<256x128xf32, #tpu.memory_space<vmem>>, vector<1x16xf32>,
      %get3A_1885 = vector.shape_cast %get3A_1884 : vector<1x16xf32> to vector<16xf32>
      %mul3A_1886 = arith.mulf %get3A_1885, %select_n3A_363 : vector<16xf32>
      %swap3A_1887 = arith.index_cast %scan3A_1811 : i32 to index
      %swap3A_1888 = arith.constant 112 : index
      %swap3A_1889 = tpu.vector_load %arg4[%swap3A_1887, %swap3A_1888] {strides = array<i32>} : memref<256x128xf32, #tpu.memory_space<vmem>>, vector<1x16xf32>,
      %swap3A_1890 = vector.shape_cast %swap3A_1889 : vector<1x16xf32> to vector<16xf32>
      %swap3A_1891 = vector.shape_cast %mul3A_1886 : vector<16xf32> to vector<1x16xf32>
      tpu.vector_store %arg4[%swap3A_1887, %swap3A_1888], %swap3A_1891 {strides = array<i32>} : memref<256x128xf32, #tpu.memory_space<vmem>>, vector<1x16xf32>,
    }
    %scan3A_379 = arith.constant 127 : i32
    %swap3A = arith.constant 0 : i32
    %swap3A_380 = arith.index_cast %swap3A : i32 to index
    %swap3A_381 = arith.constant 0 : index
    %swap3A_382 = tpu.vector_load %arg4[%swap3A_380, %swap3A_381] {strides = array<i32>} : memref<256x128xf32, #tpu.memory_space<vmem>>, vector<1x16xf32>,
    %swap3A_383 = vector.shape_cast %swap3A_382 : vector<1x16xf32> to vector<16xf32>
    %swap3A_384 = vector.shape_cast %select_n3A_121 : vector<16xf32> to vector<1x16xf32>
    tpu.vector_store %arg4[%swap3A_380, %swap3A_381], %swap3A_384 {strides = array<i32>} : memref<256x128xf32, #tpu.memory_space<vmem>>, vector<1x16xf32>,
    %swap3A_385 = arith.constant 0 : i32
    %swap3A_386 = arith.index_cast %swap3A_385 : i32 to index
    %swap3A_387 = arith.constant 16 : index
    %swap3A_388 = tpu.vector_load %arg4[%swap3A_386, %swap3A_387] {strides = array<i32>} : memref<256x128xf32, #tpu.memory_space<vmem>>, vector<1x16xf32>,
    %swap3A_389 = vector.shape_cast %swap3A_388 : vector<1x16xf32> to vector<16xf32>
    %swap3A_390 = vector.shape_cast %select_n3A_157 : vector<16xf32> to vector<1x16xf32>
    tpu.vector_store %arg4[%swap3A_386, %swap3A_387], %swap3A_390 {strides = array<i32>} : memref<256x128xf32, #tpu.memory_space<vmem>>, vector<1x16xf32>,
    %swap3A_391 = arith.constant 0 : i32
    %swap3A_392 = arith.index_cast %swap3A_391 : i32 to index
    %swap3A_393 = arith.constant 32 : index
    %swap3A_394 = tpu.vector_load %arg4[%swap3A_392, %swap3A_393] {strides = array<i32>} : memref<256x128xf32, #tpu.memory_space<vmem>>, vector<1x16xf32>,
    %swap3A_395 = vector.shape_cast %swap3A_394 : vector<1x16xf32> to vector<16xf32>
    %swap3A_396 = vector.shape_cast %select_n3A_193 : vector<16xf32> to vector<1x16xf32>
    tpu.vector_store %arg4[%swap3A_392, %swap3A_393], %swap3A_396 {strides = array<i32>} : memref<256x128xf32, #tpu.memory_space<vmem>>, vector<1x16xf32>,
    %swap3A_397 = arith.constant 0 : i32
    %swap3A_398 = arith.index_cast %swap3A_397 : i32 to index
    %swap3A_399 = arith.constant 48 : index
    %swap3A_400 = tpu.vector_load %arg4[%swap3A_398, %swap3A_399] {strides = array<i32>} : memref<256x128xf32, #tpu.memory_space<vmem>>, vector<1x16xf32>,
    %swap3A_401 = vector.shape_cast %swap3A_400 : vector<1x16xf32> to vector<16xf32>
    %swap3A_402 = vector.shape_cast %select_n3A_229 : vector<16xf32> to vector<1x16xf32>
    tpu.vector_store %arg4[%swap3A_398, %swap3A_399], %swap3A_402 {strides = array<i32>} : memref<256x128xf32, #tpu.memory_space<vmem>>, vector<1x16xf32>,
    %swap3A_403 = arith.constant 0 : i32
    %swap3A_404 = arith.index_cast %swap3A_403 : i32 to index
    %swap3A_405 = arith.constant 64 : index
    %swap3A_406 = tpu.vector_load %arg4[%swap3A_404, %swap3A_405] {strides = array<i32>} : memref<256x128xf32, #tpu.memory_space<vmem>>, vector<1x16xf32>,
    %swap3A_407 = vector.shape_cast %swap3A_406 : vector<1x16xf32> to vector<16xf32>
    %swap3A_408 = vector.shape_cast %select_n3A_265 : vector<16xf32> to vector<1x16xf32>
    tpu.vector_store %arg4[%swap3A_404, %swap3A_405], %swap3A_408 {strides = array<i32>} : memref<256x128xf32, #tpu.memory_space<vmem>>, vector<1x16xf32>,
    %swap3A_409 = arith.constant 0 : i32
    %swap3A_410 = arith.index_cast %swap3A_409 : i32 to index
    %swap3A_411 = arith.constant 80 : index
    %swap3A_412 = tpu.vector_load %arg4[%swap3A_410, %swap3A_411] {strides = array<i32>} : memref<256x128xf32, #tpu.memory_space<vmem>>, vector<1x16xf32>,
    %swap3A_413 = vector.shape_cast %swap3A_412 : vector<1x16xf32> to vector<16xf32>
    %swap3A_414 = vector.shape_cast %select_n3A_301 : vector<16xf32> to vector<1x16xf32>
    tpu.vector_store %arg4[%swap3A_410, %swap3A_411], %swap3A_414 {strides = array<i32>} : memref<256x128xf32, #tpu.memory_space<vmem>>, vector<1x16xf32>,
    %swap3A_415 = arith.constant 0 : i32
    %swap3A_416 = arith.index_cast %swap3A_415 : i32 to index
    %swap3A_417 = arith.constant 96 : index
    %swap3A_418 = tpu.vector_load %arg4[%swap3A_416, %swap3A_417] {strides = array<i32>} : memref<256x128xf32, #tpu.memory_space<vmem>>, vector<1x16xf32>,
    %swap3A_419 = vector.shape_cast %swap3A_418 : vector<1x16xf32> to vector<16xf32>
    %swap3A_420 = vector.shape_cast %select_n3A_337 : vector<16xf32> to vector<1x16xf32>
    tpu.vector_store %arg4[%swap3A_416, %swap3A_417], %swap3A_420 {strides = array<i32>} : memref<256x128xf32, #tpu.memory_space<vmem>>, vector<1x16xf32>,
    %swap3A_421 = arith.constant 0 : i32
    %swap3A_422 = arith.index_cast %swap3A_421 : i32 to index
    %swap3A_423 = arith.constant 112 : index
    %swap3A_424 = tpu.vector_load %arg4[%swap3A_422, %swap3A_423] {strides = array<i32>} : memref<256x128xf32, #tpu.memory_space<vmem>>, vector<1x16xf32>,
    %swap3A_425 = vector.shape_cast %swap3A_424 : vector<1x16xf32> to vector<16xf32>
    %swap3A_426 = vector.shape_cast %select_n3A_373 : vector<16xf32> to vector<1x16xf32>
    tpu.vector_store %arg4[%swap3A_422, %swap3A_423], %swap3A_426 {strides = array<i32>} : memref<256x128xf32, #tpu.memory_space<vmem>>, vector<1x16xf32>,
    %dma_start3A_427 = arith.constant 0 : i32
    %dma_start3A_428 = arith.constant 0 : i32
    %dma_start3A_429 = tpu.memref_slice %arg4[%dma_start3A_427, %dma_start3A_428] : memref<256x128xf32, #tpu.memory_space<vmem>> -> memref<128x128xf32, #tpu.memory_space<vmem>>
    %dma_start3A_430 = arith.constant 0 : i32
    %dma_start3A_431 = tpu.memref_slice %arg3[%dma_start3A_430, %add3A_47] : memref<256x16384xf32, #tpu.memory_space<hbm>> -> memref<128x128xf32, #tpu.memory_space<hbm>>
    %dma_start3A_432 = arith.constant 0 : i32
    %dma_start3A_433 = tpu.memref_slice %arg3[%dma_start3A_432, %add3A_47] : memref<256x16384xf32, #tpu.memory_space<hbm>> -> memref<128x128xf32, #tpu.memory_space<hbm>>
    %dma_start3A_434 = arith.constant 0 : i32
    %dma_start3A_435 = arith.constant 0 : i32
    %dma_start3A_436 = tpu.memref_slice %arg4[%dma_start3A_434, %dma_start3A_435] : memref<256x128xf32, #tpu.memory_space<vmem>> -> memref<128x128xf32, #tpu.memory_space<vmem>>
    tpu.enqueue_dma source(%dma_start3A_436 : memref<128x128xf32, #tpu.memory_space<vmem>>) target(%dma_start3A_433 : memref<128x128xf32, #tpu.memory_space<hbm>>) target_semaphore(%arg13 : memref<!tpu.dma_semaphore, #tpu.memory_space<semaphore_mem>>)
    %scan3A_437 = arith.constant 0 : i32
    %scan3A_438 = arith.constant 128 : i32
    %scan3A_439 = arith.constant 128 : i32
    %scan3A_440 = arith.addi %scan3A_438, %scan3A_439 : i32
    %scan3A_441 = arith.constant 1 : i32
    scf.for %scan3A_1811 = %scan3A_438 to %scan3A_440 step %scan3A_441  : i32 {
      %get3A_1812 = arith.index_cast %scan3A_1811 : i32 to index
      %get3A_1813 = arith.constant 0 : index
      %get3A_1814 = tpu.vector_load %arg4[%get3A_1812, %get3A_1813] {strides = array<i32>} : memref<256x128xf32, #tpu.memory_space<vmem>>, vector<1x16xf32>,
      %get3A_1815 = vector.shape_cast %get3A_1814 : vector<1x16xf32> to vector<16xf32>
      %mul3A_1816 = arith.mulf %get3A_1815, %select_n3A_111 : vector<16xf32>
      %swap3A_1817 = arith.index_cast %scan3A_1811 : i32 to index
      %swap3A_1818 = arith.constant 0 : index
      %swap3A_1819 = tpu.vector_load %arg4[%swap3A_1817, %swap3A_1818] {strides = array<i32>} : memref<256x128xf32, #tpu.memory_space<vmem>>, vector<1x16xf32>,
      %swap3A_1820 = vector.shape_cast %swap3A_1819 : vector<1x16xf32> to vector<16xf32>
      %swap3A_1821 = vector.shape_cast %mul3A_1816 : vector<16xf32> to vector<1x16xf32>
      tpu.vector_store %arg4[%swap3A_1817, %swap3A_1818], %swap3A_1821 {strides = array<i32>} : memref<256x128xf32, #tpu.memory_space<vmem>>, vector<1x16xf32>,
      %get3A_1822 = arith.index_cast %scan3A_1811 : i32 to index
      %get3A_1823 = arith.constant 16 : index
      %get3A_1824 = tpu.vector_load %arg4[%get3A_1822, %get3A_1823] {strides = array<i32>} : memref<256x128xf32, #tpu.memory_space<vmem>>, vector<1x16xf32>,
      %get3A_1825 = vector.shape_cast %get3A_1824 : vector<1x16xf32> to vector<16xf32>
      %mul3A_1826 = arith.mulf %get3A_1825, %select_n3A_147 : vector<16xf32>
      %swap3A_1827 = arith.index_cast %scan3A_1811 : i32 to index
      %swap3A_1828 = arith.constant 16 : index
      %swap3A_1829 = tpu.vector_load %arg4[%swap3A_1827, %swap3A_1828] {strides = array<i32>} : memref<256x128xf32, #tpu.memory_space<vmem>>, vector<1x16xf32>,
      %swap3A_1830 = vector.shape_cast %swap3A_1829 : vector<1x16xf32> to vector<16xf32>
      %swap3A_1831 = vector.shape_cast %mul3A_1826 : vector<16xf32> to vector<1x16xf32>
      tpu.vector_store %arg4[%swap3A_1827, %swap3A_1828], %swap3A_1831 {strides = array<i32>} : memref<256x128xf32, #tpu.memory_space<vmem>>, vector<1x16xf32>,
      %get3A_1832 = arith.index_cast %scan3A_1811 : i32 to index
      %get3A_1833 = arith.constant 32 : index
      %get3A_1834 = tpu.vector_load %arg4[%get3A_1832, %get3A_1833] {strides = array<i32>} : memref<256x128xf32, #tpu.memory_space<vmem>>, vector<1x16xf32>,
      %get3A_1835 = vector.shape_cast %get3A_1834 : vector<1x16xf32> to vector<16xf32>
      %mul3A_1836 = arith.mulf %get3A_1835, %select_n3A_183 : vector<16xf32>
      %swap3A_1837 = arith.index_cast %scan3A_1811 : i32 to index
      %swap3A_1838 = arith.constant 32 : index
      %swap3A_1839 = tpu.vector_load %arg4[%swap3A_1837, %swap3A_1838] {strides = array<i32>} : memref<256x128xf32, #tpu.memory_space<vmem>>, vector<1x16xf32>,
      %swap3A_1840 = vector.shape_cast %swap3A_1839 : vector<1x16xf32> to vector<16xf32>
      %swap3A_1841 = vector.shape_cast %mul3A_1836 : vector<16xf32> to vector<1x16xf32>
      tpu.vector_store %arg4[%swap3A_1837, %swap3A_1838], %swap3A_1841 {strides = array<i32>} : memref<256x128xf32, #tpu.memory_space<vmem>>, vector<1x16xf32>,
      %get3A_1842 = arith.index_cast %scan3A_1811 : i32 to index
      %get3A_1843 = arith.constant 48 : index
      %get3A_1844 = tpu.vector_load %arg4[%get3A_1842, %get3A_1843] {strides = array<i32>} : memref<256x128xf32, #tpu.memory_space<vmem>>, vector<1x16xf32>,
      %get3A_1845 = vector.shape_cast %get3A_1844 : vector<1x16xf32> to vector<16xf32>
      %mul3A_1846 = arith.mulf %get3A_1845, %select_n3A_219 : vector<16xf32>
      %swap3A_1847 = arith.index_cast %scan3A_1811 : i32 to index
      %swap3A_1848 = arith.constant 48 : index
      %swap3A_1849 = tpu.vector_load %arg4[%swap3A_1847, %swap3A_1848] {strides = array<i32>} : memref<256x128xf32, #tpu.memory_space<vmem>>, vector<1x16xf32>,
      %swap3A_1850 = vector.shape_cast %swap3A_1849 : vector<1x16xf32> to vector<16xf32>
      %swap3A_1851 = vector.shape_cast %mul3A_1846 : vector<16xf32> to vector<1x16xf32>
      tpu.vector_store %arg4[%swap3A_1847, %swap3A_1848], %swap3A_1851 {strides = array<i32>} : memref<256x128xf32, #tpu.memory_space<vmem>>, vector<1x16xf32>,
      %get3A_1852 = arith.index_cast %scan3A_1811 : i32 to index
      %get3A_1853 = arith.constant 64 : index
      %get3A_1854 = tpu.vector_load %arg4[%get3A_1852, %get3A_1853] {strides = array<i32>} : memref<256x128xf32, #tpu.memory_space<vmem>>, vector<1x16xf32>,
      %get3A_1855 = vector.shape_cast %get3A_1854 : vector<1x16xf32> to vector<16xf32>
      %mul3A_1856 = arith.mulf %get3A_1855, %select_n3A_255 : vector<16xf32>
      %swap3A_1857 = arith.index_cast %scan3A_1811 : i32 to index
      %swap3A_1858 = arith.constant 64 : index
      %swap3A_1859 = tpu.vector_load %arg4[%swap3A_1857, %swap3A_1858] {strides = array<i32>} : memref<256x128xf32, #tpu.memory_space<vmem>>, vector<1x16xf32>,
      %swap3A_1860 = vector.shape_cast %swap3A_1859 : vector<1x16xf32> to vector<16xf32>
      %swap3A_1861 = vector.shape_cast %mul3A_1856 : vector<16xf32> to vector<1x16xf32>
      tpu.vector_store %arg4[%swap3A_1857, %swap3A_1858], %swap3A_1861 {strides = array<i32>} : memref<256x128xf32, #tpu.memory_space<vmem>>, vector<1x16xf32>,
      %get3A_1862 = arith.index_cast %scan3A_1811 : i32 to index
      %get3A_1863 = arith.constant 80 : index
      %get3A_1864 = tpu.vector_load %arg4[%get3A_1862, %get3A_1863] {strides = array<i32>} : memref<256x128xf32, #tpu.memory_space<vmem>>, vector<1x16xf32>,
      %get3A_1865 = vector.shape_cast %get3A_1864 : vector<1x16xf32> to vector<16xf32>
      %mul3A_1866 = arith.mulf %get3A_1865, %select_n3A_291 : vector<16xf32>
      %swap3A_1867 = arith.index_cast %scan3A_1811 : i32 to index
      %swap3A_1868 = arith.constant 80 : index
      %swap3A_1869 = tpu.vector_load %arg4[%swap3A_1867, %swap3A_1868] {strides = array<i32>} : memref<256x128xf32, #tpu.memory_space<vmem>>, vector<1x16xf32>,
      %swap3A_1870 = vector.shape_cast %swap3A_1869 : vector<1x16xf32> to vector<16xf32>
      %swap3A_1871 = vector.shape_cast %mul3A_1866 : vector<16xf32> to vector<1x16xf32>
      tpu.vector_store %arg4[%swap3A_1867, %swap3A_1868], %swap3A_1871 {strides = array<i32>} : memref<256x128xf32, #tpu.memory_space<vmem>>, vector<1x16xf32>,
      %get3A_1872 = arith.index_cast %scan3A_1811 : i32 to index
      %get3A_1873 = arith.constant 96 : index
      %get3A_1874 = tpu.vector_load %arg4[%get3A_1872, %get3A_1873] {strides = array<i32>} : memref<256x128xf32, #tpu.memory_space<vmem>>, vector<1x16xf32>,
      %get3A_1875 = vector.shape_cast %get3A_1874 : vector<1x16xf32> to vector<16xf32>
      %mul3A_1876 = arith.mulf %get3A_1875, %select_n3A_327 : vector<16xf32>
      %swap3A_1877 = arith.index_cast %scan3A_1811 : i32 to index
      %swap3A_1878 = arith.constant 96 : index
      %swap3A_1879 = tpu.vector_load %arg4[%swap3A_1877, %swap3A_1878] {strides = array<i32>} : memref<256x128xf32, #tpu.memory_space<vmem>>, vector<1x16xf32>,
      %swap3A_1880 = vector.shape_cast %swap3A_1879 : vector<1x16xf32> to vector<16xf32>
      %swap3A_1881 = vector.shape_cast %mul3A_1876 : vector<16xf32> to vector<1x16xf32>
      tpu.vector_store %arg4[%swap3A_1877, %swap3A_1878], %swap3A_1881 {strides = array<i32>} : memref<256x128xf32, #tpu.memory_space<vmem>>, vector<1x16xf32>,
      %get3A_1882 = arith.index_cast %scan3A_1811 : i32 to index
      %get3A_1883 = arith.constant 112 : index
      %get3A_1884 = tpu.vector_load %arg4[%get3A_1882, %get3A_1883] {strides = array<i32>} : memref<256x128xf32, #tpu.memory_space<vmem>>, vector<1x16xf32>,
      %get3A_1885 = vector.shape_cast %get3A_1884 : vector<1x16xf32> to vector<16xf32>
      %mul3A_1886 = arith.mulf %get3A_1885, %select_n3A_363 : vector<16xf32>
      %swap3A_1887 = arith.index_cast %scan3A_1811 : i32 to index
      %swap3A_1888 = arith.constant 112 : index
      %swap3A_1889 = tpu.vector_load %arg4[%swap3A_1887, %swap3A_1888] {strides = array<i32>} : memref<256x128xf32, #tpu.memory_space<vmem>>, vector<1x16xf32>,
      %swap3A_1890 = vector.shape_cast %swap3A_1889 : vector<1x16xf32> to vector<16xf32>
      %swap3A_1891 = vector.shape_cast %mul3A_1886 : vector<16xf32> to vector<1x16xf32>
      tpu.vector_store %arg4[%swap3A_1887, %swap3A_1888], %swap3A_1891 {strides = array<i32>} : memref<256x128xf32, #tpu.memory_space<vmem>>, vector<1x16xf32>,
    }
    %scan3A_442 = arith.constant 128 : i32
    %dma_start3A_443 = arith.constant 128 : i32
    %dma_start3A_444 = arith.constant 0 : i32
    %dma_start3A_445 = tpu.memref_slice %arg4[%dma_start3A_443, %dma_start3A_444] : memref<256x128xf32, #tpu.memory_space<vmem>> -> memref<128x128xf32, #tpu.memory_space<vmem>>
    %dma_start3A_446 = arith.constant 128 : i32
    %dma_start3A_447 = tpu.memref_slice %arg3[%dma_start3A_446, %add3A_47] : memref<256x16384xf32, #tpu.memory_space<hbm>> -> memref<128x128xf32, #tpu.memory_space<hbm>>
    %dma_start3A_448 = arith.constant 128 : i32
    %dma_start3A_449 = tpu.memref_slice %arg3[%dma_start3A_448, %add3A_47] : memref<256x16384xf32, #tpu.memory_space<hbm>> -> memref<128x128xf32, #tpu.memory_space<hbm>>
    %dma_start3A_450 = arith.constant 128 : i32
    %dma_start3A_451 = arith.constant 0 : i32
    %dma_start3A_452 = tpu.memref_slice %arg4[%dma_start3A_450, %dma_start3A_451] : memref<256x128xf32, #tpu.memory_space<vmem>> -> memref<128x128xf32, #tpu.memory_space<vmem>>
    tpu.enqueue_dma source(%dma_start3A_452 : memref<128x128xf32, #tpu.memory_space<vmem>>) target(%dma_start3A_449 : memref<128x128xf32, #tpu.memory_space<hbm>>) target_semaphore(%arg16 : memref<!tpu.dma_semaphore, #tpu.memory_space<semaphore_mem>>)
    %add3A_453 = arith.constant 256 : i32
    %add3A_454 = arith.addi %mul3A_2, %add3A_453 : i32
    %dma_start3A_455 = arith.constant 0 : i32
    %dma_start3A_456 = arith.constant 0 : i32
    %dma_start3A_457 = tpu.memref_slice %arg6[%dma_start3A_455, %dma_start3A_456] : memref<256x128xf32, #tpu.memory_space<vmem>> -> memref<128x128xf32, #tpu.memory_space<vmem>>
    %dma_start3A_458 = arith.constant 0 : i32
    %dma_start3A_459 = tpu.memref_slice %arg2[%dma_start3A_458, %add3A_454] : memref<256x16384xf32, #tpu.memory_space<hbm>> -> memref<128x128xf32, #tpu.memory_space<hbm>>
    %dma_start3A_460 = arith.constant 0 : i32
    %dma_start3A_461 = arith.constant 0 : i32
    %dma_start3A_462 = tpu.memref_slice %arg6[%dma_start3A_460, %dma_start3A_461] : memref<256x128xf32, #tpu.memory_space<vmem>> -> memref<128x128xf32, #tpu.memory_space<vmem>>
    %dma_start3A_463 = arith.constant 0 : i32
    %dma_start3A_464 = tpu.memref_slice %arg2[%dma_start3A_463, %add3A_454] : memref<256x16384xf32, #tpu.memory_space<hbm>> -> memref<128x128xf32, #tpu.memory_space<hbm>>
    tpu.enqueue_dma source(%dma_start3A_464 : memref<128x128xf32, #tpu.memory_space<hbm>>) target(%dma_start3A_462 : memref<128x128xf32, #tpu.memory_space<vmem>>) target_semaphore(%arg9 : memref<!tpu.dma_semaphore, #tpu.memory_space<semaphore_mem>>)
    %dma_start3A_465 = arith.constant 128 : i32
    %dma_start3A_466 = arith.constant 0 : i32
    %dma_start3A_467 = tpu.memref_slice %arg6[%dma_start3A_465, %dma_start3A_466] : memref<256x128xf32, #tpu.memory_space<vmem>> -> memref<128x128xf32, #tpu.memory_space<vmem>>
    %dma_start3A_468 = arith.constant 128 : i32
    %dma_start3A_469 = tpu.memref_slice %arg2[%dma_start3A_468, %add3A_454] : memref<256x16384xf32, #tpu.memory_space<hbm>> -> memref<128x128xf32, #tpu.memory_space<hbm>>
    %dma_start3A_470 = arith.constant 128 : i32
    %dma_start3A_471 = arith.constant 0 : i32
    %dma_start3A_472 = tpu.memref_slice %arg6[%dma_start3A_470, %dma_start3A_471] : memref<256x128xf32, #tpu.memory_space<vmem>> -> memref<128x128xf32, #tpu.memory_space<vmem>>
    %dma_start3A_473 = arith.constant 128 : i32
    %dma_start3A_474 = tpu.memref_slice %arg2[%dma_start3A_473, %add3A_454] : memref<256x16384xf32, #tpu.memory_space<hbm>> -> memref<128x128xf32, #tpu.memory_space<hbm>>
    tpu.enqueue_dma source(%dma_start3A_474 : memref<128x128xf32, #tpu.memory_space<hbm>>) target(%dma_start3A_472 : memref<128x128xf32, #tpu.memory_space<vmem>>) target_semaphore(%arg12 : memref<!tpu.dma_semaphore, #tpu.memory_space<semaphore_mem>>)
    %add3A_475 = arith.constant 128 : i32
    %add3A_476 = arith.addi %mul3A_2, %add3A_475 : i32
    %dma_wait3A_477 = arith.constant 0 : i32
    %dma_wait3A_478 = arith.constant 0 : i32
    %dma_wait3A_479 = tpu.memref_slice %arg5[%dma_wait3A_477, %dma_wait3A_478] : memref<256x128xf32, #tpu.memory_space<vmem>> -> memref<128x128xf32, #tpu.memory_space<vmem>>
    %dma_wait3A_480 = arith.constant 0 : i32
    %dma_wait3A_481 = tpu.memref_slice %arg2[%dma_wait3A_480, %add3A_25] : memref<256x16384xf32, #tpu.memory_space<hbm>> -> memref<128x128xf32, #tpu.memory_space<hbm>>
    %dma_wait3A_482 = arith.constant 0 : i32
    %dma_wait3A_483 = arith.constant 0 : i32
    %dma_wait3A_484 = tpu.memref_slice %arg5[%dma_wait3A_482, %dma_wait3A_483] : memref<256x128xf32, #tpu.memory_space<vmem>> -> memref<128x128xf32, #tpu.memory_space<vmem>>
    %dma_wait3A_485 = arith.constant 0 : i32
    %dma_wait3A_486 = tpu.memref_slice %arg2[%dma_wait3A_485, %add3A_25] : memref<256x16384xf32, #tpu.memory_space<hbm>> -> memref<128x128xf32, #tpu.memory_space<hbm>>
    tpu.wait_dma2 semaphore(%arg8 : memref<!tpu.dma_semaphore, #tpu.memory_space<semaphore_mem>>) src(%dma_wait3A_486 : memref<128x128xf32, #tpu.memory_space<hbm>>) dst(%dma_wait3A_484 : memref<128x128xf32, #tpu.memory_space<vmem>>)
    %broadcast_in_dim3A_487 = arith.constant 0.000000e+00 : f32
    %broadcast_in_dim3A_488 = vector.broadcast %broadcast_in_dim3A_487 : f32 to vector<16xf32>
    %broadcast_in_dim3A_489 = arith.constant 0.000000e+00 : f32
    %broadcast_in_dim3A_490 = vector.broadcast %broadcast_in_dim3A_489 : f32 to vector<16xf32>
    %broadcast_in_dim3A_491 = arith.constant 0.000000e+00 : f32
    %broadcast_in_dim3A_492 = vector.broadcast %broadcast_in_dim3A_491 : f32 to vector<16xf32>
    %broadcast_in_dim3A_493 = arith.constant 0.000000e+00 : f32
    %broadcast_in_dim3A_494 = vector.broadcast %broadcast_in_dim3A_493 : f32 to vector<16xf32>
    %broadcast_in_dim3A_495 = arith.constant 0.000000e+00 : f32
    %broadcast_in_dim3A_496 = vector.broadcast %broadcast_in_dim3A_495 : f32 to vector<16xf32>
    %broadcast_in_dim3A_497 = arith.constant 0.000000e+00 : f32
    %broadcast_in_dim3A_498 = vector.broadcast %broadcast_in_dim3A_497 : f32 to vector<16xf32>
    %broadcast_in_dim3A_499 = arith.constant 0.000000e+00 : f32
    %broadcast_in_dim3A_500 = vector.broadcast %broadcast_in_dim3A_499 : f32 to vector<16xf32>
    %broadcast_in_dim3A_501 = arith.constant 0.000000e+00 : f32
    %broadcast_in_dim3A_502 = vector.broadcast %broadcast_in_dim3A_501 : f32 to vector<16xf32>
    %scan3A_503 = arith.constant 1 : i32
    %scan3A_504 = arith.constant 127 : i32
    %scan3A_505 = arith.addi %scan3A_503, %scan3A_504 : i32
    %scan3A_506 = arith.constant 1 : i32
    %scan3A_507:8 = scf.for %scan3A_1811 = %scan3A_503 to %scan3A_505 step %scan3A_506 iter_args(%scan3A_1812 = %broadcast_in_dim3A_488, %scan3A_1813 = %broadcast_in_dim3A_490, %scan3A_1814 = %broadcast_in_dim3A_492, %scan3A_1815 = %broadcast_in_dim3A_494, %scan3A_1816 = %broadcast_in_dim3A_496, %scan3A_1817 = %broadcast_in_dim3A_498, %scan3A_1818 = %broadcast_in_dim3A_500, %scan3A_1819 = %broadcast_in_dim3A_502) -> (vector<16xf32>, vector<16xf32>, vector<16xf32>, vector<16xf32>, vector<16xf32>, vector<16xf32>, vector<16xf32>, vector<16xf32>)  : i32 {
      %get3A_1820 = arith.index_cast %scan3A_1811 : i32 to index
      %get3A_1821 = arith.constant 0 : index
      %get3A_1822 = tpu.vector_load %arg5[%get3A_1820, %get3A_1821] {strides = array<i32>} : memref<256x128xf32, #tpu.memory_space<vmem>>, vector<1x16xf32>,
      %get3A_1823 = vector.shape_cast %get3A_1822 : vector<1x16xf32> to vector<16xf32>
      %abs3A = math.absf %get3A_1823 : vector<16xf32>
      %add3A_1824 = arith.addf %scan3A_1812, %abs3A : vector<16xf32>
      %get3A_1825 = arith.index_cast %scan3A_1811 : i32 to index
      %get3A_1826 = arith.constant 16 : index
      %get3A_1827 = tpu.vector_load %arg5[%get3A_1825, %get3A_1826] {strides = array<i32>} : memref<256x128xf32, #tpu.memory_space<vmem>>, vector<1x16xf32>,
      %get3A_1828 = vector.shape_cast %get3A_1827 : vector<1x16xf32> to vector<16xf32>
      %abs3A_1829 = math.absf %get3A_1828 : vector<16xf32>
      %add3A_1830 = arith.addf %scan3A_1813, %abs3A_1829 : vector<16xf32>
      %get3A_1831 = arith.index_cast %scan3A_1811 : i32 to index
      %get3A_1832 = arith.constant 32 : index
      %get3A_1833 = tpu.vector_load %arg5[%get3A_1831, %get3A_1832] {strides = array<i32>} : memref<256x128xf32, #tpu.memory_space<vmem>>, vector<1x16xf32>,
      %get3A_1834 = vector.shape_cast %get3A_1833 : vector<1x16xf32> to vector<16xf32>
      %abs3A_1835 = math.absf %get3A_1834 : vector<16xf32>
      %add3A_1836 = arith.addf %scan3A_1814, %abs3A_1835 : vector<16xf32>
      %get3A_1837 = arith.index_cast %scan3A_1811 : i32 to index
      %get3A_1838 = arith.constant 48 : index
      %get3A_1839 = tpu.vector_load %arg5[%get3A_1837, %get3A_1838] {strides = array<i32>} : memref<256x128xf32, #tpu.memory_space<vmem>>, vector<1x16xf32>,
      %get3A_1840 = vector.shape_cast %get3A_1839 : vector<1x16xf32> to vector<16xf32>
      %abs3A_1841 = math.absf %get3A_1840 : vector<16xf32>
      %add3A_1842 = arith.addf %scan3A_1815, %abs3A_1841 : vector<16xf32>
      %get3A_1843 = arith.index_cast %scan3A_1811 : i32 to index
      %get3A_1844 = arith.constant 64 : index
      %get3A_1845 = tpu.vector_load %arg5[%get3A_1843, %get3A_1844] {strides = array<i32>} : memref<256x128xf32, #tpu.memory_space<vmem>>, vector<1x16xf32>,
      %get3A_1846 = vector.shape_cast %get3A_1845 : vector<1x16xf32> to vector<16xf32>
      %abs3A_1847 = math.absf %get3A_1846 : vector<16xf32>
      %add3A_1848 = arith.addf %scan3A_1816, %abs3A_1847 : vector<16xf32>
      %get3A_1849 = arith.index_cast %scan3A_1811 : i32 to index
      %get3A_1850 = arith.constant 80 : index
      %get3A_1851 = tpu.vector_load %arg5[%get3A_1849, %get3A_1850] {strides = array<i32>} : memref<256x128xf32, #tpu.memory_space<vmem>>, vector<1x16xf32>,
      %get3A_1852 = vector.shape_cast %get3A_1851 : vector<1x16xf32> to vector<16xf32>
      %abs3A_1853 = math.absf %get3A_1852 : vector<16xf32>
      %add3A_1854 = arith.addf %scan3A_1817, %abs3A_1853 : vector<16xf32>
      %get3A_1855 = arith.index_cast %scan3A_1811 : i32 to index
      %get3A_1856 = arith.constant 96 : index
      %get3A_1857 = tpu.vector_load %arg5[%get3A_1855, %get3A_1856] {strides = array<i32>} : memref<256x128xf32, #tpu.memory_space<vmem>>, vector<1x16xf32>,
      %get3A_1858 = vector.shape_cast %get3A_1857 : vector<1x16xf32> to vector<16xf32>
      %abs3A_1859 = math.absf %get3A_1858 : vector<16xf32>
      %add3A_1860 = arith.addf %scan3A_1818, %abs3A_1859 : vector<16xf32>
      %get3A_1861 = arith.index_cast %scan3A_1811 : i32 to index
      %get3A_1862 = arith.constant 112 : index
      %get3A_1863 = tpu.vector_load %arg5[%get3A_1861, %get3A_1862] {strides = array<i32>} : memref<256x128xf32, #tpu.memory_space<vmem>>, vector<1x16xf32>,
      %get3A_1864 = vector.shape_cast %get3A_1863 : vector<1x16xf32> to vector<16xf32>
      %abs3A_1865 = math.absf %get3A_1864 : vector<16xf32>
      %add3A_1866 = arith.addf %scan3A_1819, %abs3A_1865 : vector<16xf32>
      scf.yield %add3A_1824, %add3A_1830, %add3A_1836, %add3A_1842, %add3A_1848, %add3A_1854, %add3A_1860, %add3A_1866 : vector<16xf32>, vector<16xf32>, vector<16xf32>, vector<16xf32>, vector<16xf32>, vector<16xf32>, vector<16xf32>, vector<16xf32>
    }
    %scan3A_508 = arith.constant 127 : i32
    %dma_wait3A_509 = arith.constant 128 : i32
    %dma_wait3A_510 = arith.constant 0 : i32
    %dma_wait3A_511 = tpu.memref_slice %arg5[%dma_wait3A_509, %dma_wait3A_510] : memref<256x128xf32, #tpu.memory_space<vmem>> -> memref<128x128xf32, #tpu.memory_space<vmem>>
    %dma_wait3A_512 = arith.constant 128 : i32
    %dma_wait3A_513 = tpu.memref_slice %arg2[%dma_wait3A_512, %add3A_25] : memref<256x16384xf32, #tpu.memory_space<hbm>> -> memref<128x128xf32, #tpu.memory_space<hbm>>
    %dma_wait3A_514 = arith.constant 128 : i32
    %dma_wait3A_515 = arith.constant 0 : i32
    %dma_wait3A_516 = tpu.memref_slice %arg5[%dma_wait3A_514, %dma_wait3A_515] : memref<256x128xf32, #tpu.memory_space<vmem>> -> memref<128x128xf32, #tpu.memory_space<vmem>>
    %dma_wait3A_517 = arith.constant 128 : i32
    %dma_wait3A_518 = tpu.memref_slice %arg2[%dma_wait3A_517, %add3A_25] : memref<256x16384xf32, #tpu.memory_space<hbm>> -> memref<128x128xf32, #tpu.memory_space<hbm>>
    tpu.wait_dma2 semaphore(%arg11 : memref<!tpu.dma_semaphore, #tpu.memory_space<semaphore_mem>>) src(%dma_wait3A_518 : memref<128x128xf32, #tpu.memory_space<hbm>>) dst(%dma_wait3A_516 : memref<128x128xf32, #tpu.memory_space<vmem>>)
    %scan3A_519 = arith.constant 128 : i32
    %scan3A_520 = arith.constant 128 : i32
    %scan3A_521 = arith.addi %scan3A_519, %scan3A_520 : i32
    %scan3A_522 = arith.constant 1 : i32
    %scan3A_523:8 = scf.for %scan3A_1811 = %scan3A_519 to %scan3A_521 step %scan3A_522 iter_args(%scan3A_1812 = %scan3A_507#0, %scan3A_1813 = %scan3A_507#1, %scan3A_1814 = %scan3A_507#2, %scan3A_1815 = %scan3A_507#3, %scan3A_1816 = %scan3A_507#4, %scan3A_1817 = %scan3A_507#5, %scan3A_1818 = %scan3A_507#6, %scan3A_1819 = %scan3A_507#7) -> (vector<16xf32>, vector<16xf32>, vector<16xf32>, vector<16xf32>, vector<16xf32>, vector<16xf32>, vector<16xf32>, vector<16xf32>)  : i32 {
      %get3A_1820 = arith.index_cast %scan3A_1811 : i32 to index
      %get3A_1821 = arith.constant 0 : index
      %get3A_1822 = tpu.vector_load %arg5[%get3A_1820, %get3A_1821] {strides = array<i32>} : memref<256x128xf32, #tpu.memory_space<vmem>>, vector<1x16xf32>,
      %get3A_1823 = vector.shape_cast %get3A_1822 : vector<1x16xf32> to vector<16xf32>
      %abs3A = math.absf %get3A_1823 : vector<16xf32>
      %add3A_1824 = arith.addf %scan3A_1812, %abs3A : vector<16xf32>
      %get3A_1825 = arith.index_cast %scan3A_1811 : i32 to index
      %get3A_1826 = arith.constant 16 : index
      %get3A_1827 = tpu.vector_load %arg5[%get3A_1825, %get3A_1826] {strides = array<i32>} : memref<256x128xf32, #tpu.memory_space<vmem>>, vector<1x16xf32>,
      %get3A_1828 = vector.shape_cast %get3A_1827 : vector<1x16xf32> to vector<16xf32>
      %abs3A_1829 = math.absf %get3A_1828 : vector<16xf32>
      %add3A_1830 = arith.addf %scan3A_1813, %abs3A_1829 : vector<16xf32>
      %get3A_1831 = arith.index_cast %scan3A_1811 : i32 to index
      %get3A_1832 = arith.constant 32 : index
      %get3A_1833 = tpu.vector_load %arg5[%get3A_1831, %get3A_1832] {strides = array<i32>} : memref<256x128xf32, #tpu.memory_space<vmem>>, vector<1x16xf32>,
      %get3A_1834 = vector.shape_cast %get3A_1833 : vector<1x16xf32> to vector<16xf32>
      %abs3A_1835 = math.absf %get3A_1834 : vector<16xf32>
      %add3A_1836 = arith.addf %scan3A_1814, %abs3A_1835 : vector<16xf32>
      %get3A_1837 = arith.index_cast %scan3A_1811 : i32 to index
      %get3A_1838 = arith.constant 48 : index
      %get3A_1839 = tpu.vector_load %arg5[%get3A_1837, %get3A_1838] {strides = array<i32>} : memref<256x128xf32, #tpu.memory_space<vmem>>, vector<1x16xf32>,
      %get3A_1840 = vector.shape_cast %get3A_1839 : vector<1x16xf32> to vector<16xf32>
      %abs3A_1841 = math.absf %get3A_1840 : vector<16xf32>
      %add3A_1842 = arith.addf %scan3A_1815, %abs3A_1841 : vector<16xf32>
      %get3A_1843 = arith.index_cast %scan3A_1811 : i32 to index
      %get3A_1844 = arith.constant 64 : index
      %get3A_1845 = tpu.vector_load %arg5[%get3A_1843, %get3A_1844] {strides = array<i32>} : memref<256x128xf32, #tpu.memory_space<vmem>>, vector<1x16xf32>,
      %get3A_1846 = vector.shape_cast %get3A_1845 : vector<1x16xf32> to vector<16xf32>
      %abs3A_1847 = math.absf %get3A_1846 : vector<16xf32>
      %add3A_1848 = arith.addf %scan3A_1816, %abs3A_1847 : vector<16xf32>
      %get3A_1849 = arith.index_cast %scan3A_1811 : i32 to index
      %get3A_1850 = arith.constant 80 : index
      %get3A_1851 = tpu.vector_load %arg5[%get3A_1849, %get3A_1850] {strides = array<i32>} : memref<256x128xf32, #tpu.memory_space<vmem>>, vector<1x16xf32>,
      %get3A_1852 = vector.shape_cast %get3A_1851 : vector<1x16xf32> to vector<16xf32>
      %abs3A_1853 = math.absf %get3A_1852 : vector<16xf32>
      %add3A_1854 = arith.addf %scan3A_1817, %abs3A_1853 : vector<16xf32>
      %get3A_1855 = arith.index_cast %scan3A_1811 : i32 to index
      %get3A_1856 = arith.constant 96 : index
      %get3A_1857 = tpu.vector_load %arg5[%get3A_1855, %get3A_1856] {strides = array<i32>} : memref<256x128xf32, #tpu.memory_space<vmem>>, vector<1x16xf32>,
      %get3A_1858 = vector.shape_cast %get3A_1857 : vector<1x16xf32> to vector<16xf32>
      %abs3A_1859 = math.absf %get3A_1858 : vector<16xf32>
      %add3A_1860 = arith.addf %scan3A_1818, %abs3A_1859 : vector<16xf32>
      %get3A_1861 = arith.index_cast %scan3A_1811 : i32 to index
      %get3A_1862 = arith.constant 112 : index
      %get3A_1863 = tpu.vector_load %arg5[%get3A_1861, %get3A_1862] {strides = array<i32>} : memref<256x128xf32, #tpu.memory_space<vmem>>, vector<1x16xf32>,
      %get3A_1864 = vector.shape_cast %get3A_1863 : vector<1x16xf32> to vector<16xf32>
      %abs3A_1865 = math.absf %get3A_1864 : vector<16xf32>
      %add3A_1866 = arith.addf %scan3A_1819, %abs3A_1865 : vector<16xf32>
      scf.yield %add3A_1824, %add3A_1830, %add3A_1836, %add3A_1842, %add3A_1848, %add3A_1854, %add3A_1860, %add3A_1866 : vector<16xf32>, vector<16xf32>, vector<16xf32>, vector<16xf32>, vector<16xf32>, vector<16xf32>, vector<16xf32>, vector<16xf32>
    }
    %scan3A_524 = arith.constant 128 : i32
    %get3A_525 = arith.constant 0 : i32
    %get3A_526 = arith.index_cast %get3A_525 : i32 to index
    %get3A_527 = arith.constant 0 : index
    %get3A_528 = tpu.vector_load %arg5[%get3A_526, %get3A_527] {strides = array<i32>} : memref<256x128xf32, #tpu.memory_space<vmem>>, vector<1x16xf32>,
    %get3A_529 = vector.shape_cast %get3A_528 : vector<1x16xf32> to vector<16xf32>
    %sub3A_530 = arith.subf %get3A_529, %scan3A_523#0 : vector<16xf32>
    %add3A_531 = arith.addf %get3A_529, %scan3A_523#0 : vector<16xf32>
    %le3A_532 = arith.constant 0.000000e+00 : f32
    %le3A_533 = vector.broadcast %le3A_532 : f32 to vector<16xf32>
    %le3A_534 = arith.cmpf ole, %sub3A_530, %le3A_533 : vector<16xf32>
    %ge3A_535 = arith.constant 0.000000e+00 : f32
    %ge3A_536 = vector.broadcast %ge3A_535 : f32 to vector<16xf32>
    %ge3A_537 = arith.cmpf oge, %add3A_531, %ge3A_536 : vector<16xf32>
    %and3A_538 = arith.andi %le3A_534, %ge3A_537 : vector<16xi1>
    %le3A_539 = arith.constant 0.000000e+00 : f32
    %le3A_540 = vector.broadcast %le3A_539 : f32 to vector<16xf32>
    %le3A_541 = arith.cmpf ole, %add3A_531, %le3A_540 : vector<16xf32>
    %sub3A_542 = arith.constant 1.000000e+00 : f32
    %sub3A_543 = vector.broadcast %sub3A_542 : f32 to vector<16xf32>
    %sub3A_544 = arith.subf %sub3A_543, %sub3A_530 : vector<16xf32>
    %jit3A_545 = arith.constant 1.000000e+00 : f32
    %broadcast_in_dim3A_546 = vector.broadcast %jit3A_545 : f32 to vector<16xf32>
    %select_n3A_547 = arith.select %and3A_538, %sub3A_544, %broadcast_in_dim3A_546 : vector<16xi1>, vector<16xf32>
    %jit3A_548 = arith.constant 0.000000e+00 : f32
    %broadcast_in_dim3A_549 = vector.broadcast %jit3A_548 : f32 to vector<16xf32>
    %select_n3A_550 = arith.select %le3A_541, %broadcast_in_dim3A_549, %select_n3A_547 : vector<16xi1>, vector<16xf32>
    %mul3A_551 = arith.mulf %sub3A_544, %get3A_529 : vector<16xf32>
    %mul3A_552 = arith.mulf %sub3A_544, %sub3A_530 : vector<16xf32>
    %mul3A_553 = arith.constant 5.000000e-01 : f32
    %mul3A_554 = vector.broadcast %mul3A_553 : f32 to vector<16xf32>
    %mul3A_555 = arith.mulf %mul3A_552, %mul3A_554 : vector<16xf32>
    %sub3A_556 = arith.subf %mul3A_551, %mul3A_555 : vector<16xf32>
    %select_n3A_557 = arith.select %and3A_538, %sub3A_556, %get3A_529 : vector<16xi1>, vector<16xf32>
    %jit3A_558 = arith.constant 0.000000e+00 : f32
    %broadcast_in_dim3A_559 = vector.broadcast %jit3A_558 : f32 to vector<16xf32>
    %select_n3A_560 = arith.select %le3A_541, %broadcast_in_dim3A_559, %select_n3A_557 : vector<16xi1>, vector<16xf32>
    %get3A_561 = arith.constant 0 : i32
    %get3A_562 = arith.index_cast %get3A_561 : i32 to index
    %get3A_563 = arith.constant 16 : index
    %get3A_564 = tpu.vector_load %arg5[%get3A_562, %get3A_563] {strides = array<i32>} : memref<256x128xf32, #tpu.memory_space<vmem>>, vector<1x16xf32>,
    %get3A_565 = vector.shape_cast %get3A_564 : vector<1x16xf32> to vector<16xf32>
    %sub3A_566 = arith.subf %get3A_565, %scan3A_523#1 : vector<16xf32>
    %add3A_567 = arith.addf %get3A_565, %scan3A_523#1 : vector<16xf32>
    %le3A_568 = arith.constant 0.000000e+00 : f32
    %le3A_569 = vector.broadcast %le3A_568 : f32 to vector<16xf32>
    %le3A_570 = arith.cmpf ole, %sub3A_566, %le3A_569 : vector<16xf32>
    %ge3A_571 = arith.constant 0.000000e+00 : f32
    %ge3A_572 = vector.broadcast %ge3A_571 : f32 to vector<16xf32>
    %ge3A_573 = arith.cmpf oge, %add3A_567, %ge3A_572 : vector<16xf32>
    %and3A_574 = arith.andi %le3A_570, %ge3A_573 : vector<16xi1>
    %le3A_575 = arith.constant 0.000000e+00 : f32
    %le3A_576 = vector.broadcast %le3A_575 : f32 to vector<16xf32>
    %le3A_577 = arith.cmpf ole, %add3A_567, %le3A_576 : vector<16xf32>
    %sub3A_578 = arith.constant 1.000000e+00 : f32
    %sub3A_579 = vector.broadcast %sub3A_578 : f32 to vector<16xf32>
    %sub3A_580 = arith.subf %sub3A_579, %sub3A_566 : vector<16xf32>
    %jit3A_581 = arith.constant 1.000000e+00 : f32
    %broadcast_in_dim3A_582 = vector.broadcast %jit3A_581 : f32 to vector<16xf32>
    %select_n3A_583 = arith.select %and3A_574, %sub3A_580, %broadcast_in_dim3A_582 : vector<16xi1>, vector<16xf32>
    %jit3A_584 = arith.constant 0.000000e+00 : f32
    %broadcast_in_dim3A_585 = vector.broadcast %jit3A_584 : f32 to vector<16xf32>
    %select_n3A_586 = arith.select %le3A_577, %broadcast_in_dim3A_585, %select_n3A_583 : vector<16xi1>, vector<16xf32>
    %mul3A_587 = arith.mulf %sub3A_580, %get3A_565 : vector<16xf32>
    %mul3A_588 = arith.mulf %sub3A_580, %sub3A_566 : vector<16xf32>
    %mul3A_589 = arith.constant 5.000000e-01 : f32
    %mul3A_590 = vector.broadcast %mul3A_589 : f32 to vector<16xf32>
    %mul3A_591 = arith.mulf %mul3A_588, %mul3A_590 : vector<16xf32>
    %sub3A_592 = arith.subf %mul3A_587, %mul3A_591 : vector<16xf32>
    %select_n3A_593 = arith.select %and3A_574, %sub3A_592, %get3A_565 : vector<16xi1>, vector<16xf32>
    %jit3A_594 = arith.constant 0.000000e+00 : f32
    %broadcast_in_dim3A_595 = vector.broadcast %jit3A_594 : f32 to vector<16xf32>
    %select_n3A_596 = arith.select %le3A_577, %broadcast_in_dim3A_595, %select_n3A_593 : vector<16xi1>, vector<16xf32>
    %get3A_597 = arith.constant 0 : i32
    %get3A_598 = arith.index_cast %get3A_597 : i32 to index
    %get3A_599 = arith.constant 32 : index
    %get3A_600 = tpu.vector_load %arg5[%get3A_598, %get3A_599] {strides = array<i32>} : memref<256x128xf32, #tpu.memory_space<vmem>>, vector<1x16xf32>,
    %get3A_601 = vector.shape_cast %get3A_600 : vector<1x16xf32> to vector<16xf32>
    %sub3A_602 = arith.subf %get3A_601, %scan3A_523#2 : vector<16xf32>
    %add3A_603 = arith.addf %get3A_601, %scan3A_523#2 : vector<16xf32>
    %le3A_604 = arith.constant 0.000000e+00 : f32
    %le3A_605 = vector.broadcast %le3A_604 : f32 to vector<16xf32>
    %le3A_606 = arith.cmpf ole, %sub3A_602, %le3A_605 : vector<16xf32>
    %ge3A_607 = arith.constant 0.000000e+00 : f32
    %ge3A_608 = vector.broadcast %ge3A_607 : f32 to vector<16xf32>
    %ge3A_609 = arith.cmpf oge, %add3A_603, %ge3A_608 : vector<16xf32>
    %and3A_610 = arith.andi %le3A_606, %ge3A_609 : vector<16xi1>
    %le3A_611 = arith.constant 0.000000e+00 : f32
    %le3A_612 = vector.broadcast %le3A_611 : f32 to vector<16xf32>
    %le3A_613 = arith.cmpf ole, %add3A_603, %le3A_612 : vector<16xf32>
    %sub3A_614 = arith.constant 1.000000e+00 : f32
    %sub3A_615 = vector.broadcast %sub3A_614 : f32 to vector<16xf32>
    %sub3A_616 = arith.subf %sub3A_615, %sub3A_602 : vector<16xf32>
    %jit3A_617 = arith.constant 1.000000e+00 : f32
    %broadcast_in_dim3A_618 = vector.broadcast %jit3A_617 : f32 to vector<16xf32>
    %select_n3A_619 = arith.select %and3A_610, %sub3A_616, %broadcast_in_dim3A_618 : vector<16xi1>, vector<16xf32>
    %jit3A_620 = arith.constant 0.000000e+00 : f32
    %broadcast_in_dim3A_621 = vector.broadcast %jit3A_620 : f32 to vector<16xf32>
    %select_n3A_622 = arith.select %le3A_613, %broadcast_in_dim3A_621, %select_n3A_619 : vector<16xi1>, vector<16xf32>
    %mul3A_623 = arith.mulf %sub3A_616, %get3A_601 : vector<16xf32>
    %mul3A_624 = arith.mulf %sub3A_616, %sub3A_602 : vector<16xf32>
    %mul3A_625 = arith.constant 5.000000e-01 : f32
    %mul3A_626 = vector.broadcast %mul3A_625 : f32 to vector<16xf32>
    %mul3A_627 = arith.mulf %mul3A_624, %mul3A_626 : vector<16xf32>
    %sub3A_628 = arith.subf %mul3A_623, %mul3A_627 : vector<16xf32>
    %select_n3A_629 = arith.select %and3A_610, %sub3A_628, %get3A_601 : vector<16xi1>, vector<16xf32>
    %jit3A_630 = arith.constant 0.000000e+00 : f32
    %broadcast_in_dim3A_631 = vector.broadcast %jit3A_630 : f32 to vector<16xf32>
    %select_n3A_632 = arith.select %le3A_613, %broadcast_in_dim3A_631, %select_n3A_629 : vector<16xi1>, vector<16xf32>
    %get3A_633 = arith.constant 0 : i32
    %get3A_634 = arith.index_cast %get3A_633 : i32 to index
    %get3A_635 = arith.constant 48 : index
    %get3A_636 = tpu.vector_load %arg5[%get3A_634, %get3A_635] {strides = array<i32>} : memref<256x128xf32, #tpu.memory_space<vmem>>, vector<1x16xf32>,
    %get3A_637 = vector.shape_cast %get3A_636 : vector<1x16xf32> to vector<16xf32>
    %sub3A_638 = arith.subf %get3A_637, %scan3A_523#3 : vector<16xf32>
    %add3A_639 = arith.addf %get3A_637, %scan3A_523#3 : vector<16xf32>
    %le3A_640 = arith.constant 0.000000e+00 : f32
    %le3A_641 = vector.broadcast %le3A_640 : f32 to vector<16xf32>
    %le3A_642 = arith.cmpf ole, %sub3A_638, %le3A_641 : vector<16xf32>
    %ge3A_643 = arith.constant 0.000000e+00 : f32
    %ge3A_644 = vector.broadcast %ge3A_643 : f32 to vector<16xf32>
    %ge3A_645 = arith.cmpf oge, %add3A_639, %ge3A_644 : vector<16xf32>
    %and3A_646 = arith.andi %le3A_642, %ge3A_645 : vector<16xi1>
    %le3A_647 = arith.constant 0.000000e+00 : f32
    %le3A_648 = vector.broadcast %le3A_647 : f32 to vector<16xf32>
    %le3A_649 = arith.cmpf ole, %add3A_639, %le3A_648 : vector<16xf32>
    %sub3A_650 = arith.constant 1.000000e+00 : f32
    %sub3A_651 = vector.broadcast %sub3A_650 : f32 to vector<16xf32>
    %sub3A_652 = arith.subf %sub3A_651, %sub3A_638 : vector<16xf32>
    %jit3A_653 = arith.constant 1.000000e+00 : f32
    %broadcast_in_dim3A_654 = vector.broadcast %jit3A_653 : f32 to vector<16xf32>
    %select_n3A_655 = arith.select %and3A_646, %sub3A_652, %broadcast_in_dim3A_654 : vector<16xi1>, vector<16xf32>
    %jit3A_656 = arith.constant 0.000000e+00 : f32
    %broadcast_in_dim3A_657 = vector.broadcast %jit3A_656 : f32 to vector<16xf32>
    %select_n3A_658 = arith.select %le3A_649, %broadcast_in_dim3A_657, %select_n3A_655 : vector<16xi1>, vector<16xf32>
    %mul3A_659 = arith.mulf %sub3A_652, %get3A_637 : vector<16xf32>
    %mul3A_660 = arith.mulf %sub3A_652, %sub3A_638 : vector<16xf32>
    %mul3A_661 = arith.constant 5.000000e-01 : f32
    %mul3A_662 = vector.broadcast %mul3A_661 : f32 to vector<16xf32>
    %mul3A_663 = arith.mulf %mul3A_660, %mul3A_662 : vector<16xf32>
    %sub3A_664 = arith.subf %mul3A_659, %mul3A_663 : vector<16xf32>
    %select_n3A_665 = arith.select %and3A_646, %sub3A_664, %get3A_637 : vector<16xi1>, vector<16xf32>
    %jit3A_666 = arith.constant 0.000000e+00 : f32
    %broadcast_in_dim3A_667 = vector.broadcast %jit3A_666 : f32 to vector<16xf32>
    %select_n3A_668 = arith.select %le3A_649, %broadcast_in_dim3A_667, %select_n3A_665 : vector<16xi1>, vector<16xf32>
    %get3A_669 = arith.constant 0 : i32
    %get3A_670 = arith.index_cast %get3A_669 : i32 to index
    %get3A_671 = arith.constant 64 : index
    %get3A_672 = tpu.vector_load %arg5[%get3A_670, %get3A_671] {strides = array<i32>} : memref<256x128xf32, #tpu.memory_space<vmem>>, vector<1x16xf32>,
    %get3A_673 = vector.shape_cast %get3A_672 : vector<1x16xf32> to vector<16xf32>
    %sub3A_674 = arith.subf %get3A_673, %scan3A_523#4 : vector<16xf32>
    %add3A_675 = arith.addf %get3A_673, %scan3A_523#4 : vector<16xf32>
    %le3A_676 = arith.constant 0.000000e+00 : f32
    %le3A_677 = vector.broadcast %le3A_676 : f32 to vector<16xf32>
    %le3A_678 = arith.cmpf ole, %sub3A_674, %le3A_677 : vector<16xf32>
    %ge3A_679 = arith.constant 0.000000e+00 : f32
    %ge3A_680 = vector.broadcast %ge3A_679 : f32 to vector<16xf32>
    %ge3A_681 = arith.cmpf oge, %add3A_675, %ge3A_680 : vector<16xf32>
    %and3A_682 = arith.andi %le3A_678, %ge3A_681 : vector<16xi1>
    %le3A_683 = arith.constant 0.000000e+00 : f32
    %le3A_684 = vector.broadcast %le3A_683 : f32 to vector<16xf32>
    %le3A_685 = arith.cmpf ole, %add3A_675, %le3A_684 : vector<16xf32>
    %sub3A_686 = arith.constant 1.000000e+00 : f32
    %sub3A_687 = vector.broadcast %sub3A_686 : f32 to vector<16xf32>
    %sub3A_688 = arith.subf %sub3A_687, %sub3A_674 : vector<16xf32>
    %jit3A_689 = arith.constant 1.000000e+00 : f32
    %broadcast_in_dim3A_690 = vector.broadcast %jit3A_689 : f32 to vector<16xf32>
    %select_n3A_691 = arith.select %and3A_682, %sub3A_688, %broadcast_in_dim3A_690 : vector<16xi1>, vector<16xf32>
    %jit3A_692 = arith.constant 0.000000e+00 : f32
    %broadcast_in_dim3A_693 = vector.broadcast %jit3A_692 : f32 to vector<16xf32>
    %select_n3A_694 = arith.select %le3A_685, %broadcast_in_dim3A_693, %select_n3A_691 : vector<16xi1>, vector<16xf32>
    %mul3A_695 = arith.mulf %sub3A_688, %get3A_673 : vector<16xf32>
    %mul3A_696 = arith.mulf %sub3A_688, %sub3A_674 : vector<16xf32>
    %mul3A_697 = arith.constant 5.000000e-01 : f32
    %mul3A_698 = vector.broadcast %mul3A_697 : f32 to vector<16xf32>
    %mul3A_699 = arith.mulf %mul3A_696, %mul3A_698 : vector<16xf32>
    %sub3A_700 = arith.subf %mul3A_695, %mul3A_699 : vector<16xf32>
    %select_n3A_701 = arith.select %and3A_682, %sub3A_700, %get3A_673 : vector<16xi1>, vector<16xf32>
    %jit3A_702 = arith.constant 0.000000e+00 : f32
    %broadcast_in_dim3A_703 = vector.broadcast %jit3A_702 : f32 to vector<16xf32>
    %select_n3A_704 = arith.select %le3A_685, %broadcast_in_dim3A_703, %select_n3A_701 : vector<16xi1>, vector<16xf32>
    %get3A_705 = arith.constant 0 : i32
    %get3A_706 = arith.index_cast %get3A_705 : i32 to index
    %get3A_707 = arith.constant 80 : index
    %get3A_708 = tpu.vector_load %arg5[%get3A_706, %get3A_707] {strides = array<i32>} : memref<256x128xf32, #tpu.memory_space<vmem>>, vector<1x16xf32>,
    %get3A_709 = vector.shape_cast %get3A_708 : vector<1x16xf32> to vector<16xf32>
    %sub3A_710 = arith.subf %get3A_709, %scan3A_523#5 : vector<16xf32>
    %add3A_711 = arith.addf %get3A_709, %scan3A_523#5 : vector<16xf32>
    %le3A_712 = arith.constant 0.000000e+00 : f32
    %le3A_713 = vector.broadcast %le3A_712 : f32 to vector<16xf32>
    %le3A_714 = arith.cmpf ole, %sub3A_710, %le3A_713 : vector<16xf32>
    %ge3A_715 = arith.constant 0.000000e+00 : f32
    %ge3A_716 = vector.broadcast %ge3A_715 : f32 to vector<16xf32>
    %ge3A_717 = arith.cmpf oge, %add3A_711, %ge3A_716 : vector<16xf32>
    %and3A_718 = arith.andi %le3A_714, %ge3A_717 : vector<16xi1>
    %le3A_719 = arith.constant 0.000000e+00 : f32
    %le3A_720 = vector.broadcast %le3A_719 : f32 to vector<16xf32>
    %le3A_721 = arith.cmpf ole, %add3A_711, %le3A_720 : vector<16xf32>
    %sub3A_722 = arith.constant 1.000000e+00 : f32
    %sub3A_723 = vector.broadcast %sub3A_722 : f32 to vector<16xf32>
    %sub3A_724 = arith.subf %sub3A_723, %sub3A_710 : vector<16xf32>
    %jit3A_725 = arith.constant 1.000000e+00 : f32
    %broadcast_in_dim3A_726 = vector.broadcast %jit3A_725 : f32 to vector<16xf32>
    %select_n3A_727 = arith.select %and3A_718, %sub3A_724, %broadcast_in_dim3A_726 : vector<16xi1>, vector<16xf32>
    %jit3A_728 = arith.constant 0.000000e+00 : f32
    %broadcast_in_dim3A_729 = vector.broadcast %jit3A_728 : f32 to vector<16xf32>
    %select_n3A_730 = arith.select %le3A_721, %broadcast_in_dim3A_729, %select_n3A_727 : vector<16xi1>, vector<16xf32>
    %mul3A_731 = arith.mulf %sub3A_724, %get3A_709 : vector<16xf32>
    %mul3A_732 = arith.mulf %sub3A_724, %sub3A_710 : vector<16xf32>
    %mul3A_733 = arith.constant 5.000000e-01 : f32
    %mul3A_734 = vector.broadcast %mul3A_733 : f32 to vector<16xf32>
    %mul3A_735 = arith.mulf %mul3A_732, %mul3A_734 : vector<16xf32>
    %sub3A_736 = arith.subf %mul3A_731, %mul3A_735 : vector<16xf32>
    %select_n3A_737 = arith.select %and3A_718, %sub3A_736, %get3A_709 : vector<16xi1>, vector<16xf32>
    %jit3A_738 = arith.constant 0.000000e+00 : f32
    %broadcast_in_dim3A_739 = vector.broadcast %jit3A_738 : f32 to vector<16xf32>
    %select_n3A_740 = arith.select %le3A_721, %broadcast_in_dim3A_739, %select_n3A_737 : vector<16xi1>, vector<16xf32>
    %get3A_741 = arith.constant 0 : i32
    %get3A_742 = arith.index_cast %get3A_741 : i32 to index
    %get3A_743 = arith.constant 96 : index
    %get3A_744 = tpu.vector_load %arg5[%get3A_742, %get3A_743] {strides = array<i32>} : memref<256x128xf32, #tpu.memory_space<vmem>>, vector<1x16xf32>,
    %get3A_745 = vector.shape_cast %get3A_744 : vector<1x16xf32> to vector<16xf32>
    %sub3A_746 = arith.subf %get3A_745, %scan3A_523#6 : vector<16xf32>
    %add3A_747 = arith.addf %get3A_745, %scan3A_523#6 : vector<16xf32>
    %le3A_748 = arith.constant 0.000000e+00 : f32
    %le3A_749 = vector.broadcast %le3A_748 : f32 to vector<16xf32>
    %le3A_750 = arith.cmpf ole, %sub3A_746, %le3A_749 : vector<16xf32>
    %ge3A_751 = arith.constant 0.000000e+00 : f32
    %ge3A_752 = vector.broadcast %ge3A_751 : f32 to vector<16xf32>
    %ge3A_753 = arith.cmpf oge, %add3A_747, %ge3A_752 : vector<16xf32>
    %and3A_754 = arith.andi %le3A_750, %ge3A_753 : vector<16xi1>
    %le3A_755 = arith.constant 0.000000e+00 : f32
    %le3A_756 = vector.broadcast %le3A_755 : f32 to vector<16xf32>
    %le3A_757 = arith.cmpf ole, %add3A_747, %le3A_756 : vector<16xf32>
    %sub3A_758 = arith.constant 1.000000e+00 : f32
    %sub3A_759 = vector.broadcast %sub3A_758 : f32 to vector<16xf32>
    %sub3A_760 = arith.subf %sub3A_759, %sub3A_746 : vector<16xf32>
    %jit3A_761 = arith.constant 1.000000e+00 : f32
    %broadcast_in_dim3A_762 = vector.broadcast %jit3A_761 : f32 to vector<16xf32>
    %select_n3A_763 = arith.select %and3A_754, %sub3A_760, %broadcast_in_dim3A_762 : vector<16xi1>, vector<16xf32>
    %jit3A_764 = arith.constant 0.000000e+00 : f32
    %broadcast_in_dim3A_765 = vector.broadcast %jit3A_764 : f32 to vector<16xf32>
    %select_n3A_766 = arith.select %le3A_757, %broadcast_in_dim3A_765, %select_n3A_763 : vector<16xi1>, vector<16xf32>
    %mul3A_767 = arith.mulf %sub3A_760, %get3A_745 : vector<16xf32>
    %mul3A_768 = arith.mulf %sub3A_760, %sub3A_746 : vector<16xf32>
    %mul3A_769 = arith.constant 5.000000e-01 : f32
    %mul3A_770 = vector.broadcast %mul3A_769 : f32 to vector<16xf32>
    %mul3A_771 = arith.mulf %mul3A_768, %mul3A_770 : vector<16xf32>
    %sub3A_772 = arith.subf %mul3A_767, %mul3A_771 : vector<16xf32>
    %select_n3A_773 = arith.select %and3A_754, %sub3A_772, %get3A_745 : vector<16xi1>, vector<16xf32>
    %jit3A_774 = arith.constant 0.000000e+00 : f32
    %broadcast_in_dim3A_775 = vector.broadcast %jit3A_774 : f32 to vector<16xf32>
    %select_n3A_776 = arith.select %le3A_757, %broadcast_in_dim3A_775, %select_n3A_773 : vector<16xi1>, vector<16xf32>
    %get3A_777 = arith.constant 0 : i32
    %get3A_778 = arith.index_cast %get3A_777 : i32 to index
    %get3A_779 = arith.constant 112 : index
    %get3A_780 = tpu.vector_load %arg5[%get3A_778, %get3A_779] {strides = array<i32>} : memref<256x128xf32, #tpu.memory_space<vmem>>, vector<1x16xf32>,
    %get3A_781 = vector.shape_cast %get3A_780 : vector<1x16xf32> to vector<16xf32>
    %sub3A_782 = arith.subf %get3A_781, %scan3A_523#7 : vector<16xf32>
    %add3A_783 = arith.addf %get3A_781, %scan3A_523#7 : vector<16xf32>
    %le3A_784 = arith.constant 0.000000e+00 : f32
    %le3A_785 = vector.broadcast %le3A_784 : f32 to vector<16xf32>
    %le3A_786 = arith.cmpf ole, %sub3A_782, %le3A_785 : vector<16xf32>
    %ge3A_787 = arith.constant 0.000000e+00 : f32
    %ge3A_788 = vector.broadcast %ge3A_787 : f32 to vector<16xf32>
    %ge3A_789 = arith.cmpf oge, %add3A_783, %ge3A_788 : vector<16xf32>
    %and3A_790 = arith.andi %le3A_786, %ge3A_789 : vector<16xi1>
    %le3A_791 = arith.constant 0.000000e+00 : f32
    %le3A_792 = vector.broadcast %le3A_791 : f32 to vector<16xf32>
    %le3A_793 = arith.cmpf ole, %add3A_783, %le3A_792 : vector<16xf32>
    %sub3A_794 = arith.constant 1.000000e+00 : f32
    %sub3A_795 = vector.broadcast %sub3A_794 : f32 to vector<16xf32>
    %sub3A_796 = arith.subf %sub3A_795, %sub3A_782 : vector<16xf32>
    %jit3A_797 = arith.constant 1.000000e+00 : f32
    %broadcast_in_dim3A_798 = vector.broadcast %jit3A_797 : f32 to vector<16xf32>
    %select_n3A_799 = arith.select %and3A_790, %sub3A_796, %broadcast_in_dim3A_798 : vector<16xi1>, vector<16xf32>
    %jit3A_800 = arith.constant 0.000000e+00 : f32
    %broadcast_in_dim3A_801 = vector.broadcast %jit3A_800 : f32 to vector<16xf32>
    %select_n3A_802 = arith.select %le3A_793, %broadcast_in_dim3A_801, %select_n3A_799 : vector<16xi1>, vector<16xf32>
    %mul3A_803 = arith.mulf %sub3A_796, %get3A_781 : vector<16xf32>
    %mul3A_804 = arith.mulf %sub3A_796, %sub3A_782 : vector<16xf32>
    %mul3A_805 = arith.constant 5.000000e-01 : f32
    %mul3A_806 = vector.broadcast %mul3A_805 : f32 to vector<16xf32>
    %mul3A_807 = arith.mulf %mul3A_804, %mul3A_806 : vector<16xf32>
    %sub3A_808 = arith.subf %mul3A_803, %mul3A_807 : vector<16xf32>
    %select_n3A_809 = arith.select %and3A_790, %sub3A_808, %get3A_781 : vector<16xi1>, vector<16xf32>
    %jit3A_810 = arith.constant 0.000000e+00 : f32
    %broadcast_in_dim3A_811 = vector.broadcast %jit3A_810 : f32 to vector<16xf32>
    %select_n3A_812 = arith.select %le3A_793, %broadcast_in_dim3A_811, %select_n3A_809 : vector<16xi1>, vector<16xf32>
    %scan3A_813 = arith.constant 0 : i32
    %scan3A_814 = arith.constant 1 : i32
    %scan3A_815 = arith.constant 127 : i32
    %scan3A_816 = arith.addi %scan3A_814, %scan3A_815 : i32
    %scan3A_817 = arith.constant 1 : i32
    scf.for %scan3A_1811 = %scan3A_814 to %scan3A_816 step %scan3A_817  : i32 {
      %get3A_1812 = arith.index_cast %scan3A_1811 : i32 to index
      %get3A_1813 = arith.constant 0 : index
      %get3A_1814 = tpu.vector_load %arg5[%get3A_1812, %get3A_1813] {strides = array<i32>} : memref<256x128xf32, #tpu.memory_space<vmem>>, vector<1x16xf32>,
      %get3A_1815 = vector.shape_cast %get3A_1814 : vector<1x16xf32> to vector<16xf32>
      %mul3A_1816 = arith.mulf %get3A_1815, %select_n3A_550 : vector<16xf32>
      %swap3A_1817 = arith.index_cast %scan3A_1811 : i32 to index
      %swap3A_1818 = arith.constant 0 : index
      %swap3A_1819 = tpu.vector_load %arg5[%swap3A_1817, %swap3A_1818] {strides = array<i32>} : memref<256x128xf32, #tpu.memory_space<vmem>>, vector<1x16xf32>,
      %swap3A_1820 = vector.shape_cast %swap3A_1819 : vector<1x16xf32> to vector<16xf32>
      %swap3A_1821 = vector.shape_cast %mul3A_1816 : vector<16xf32> to vector<1x16xf32>
      tpu.vector_store %arg5[%swap3A_1817, %swap3A_1818], %swap3A_1821 {strides = array<i32>} : memref<256x128xf32, #tpu.memory_space<vmem>>, vector<1x16xf32>,
      %get3A_1822 = arith.index_cast %scan3A_1811 : i32 to index
      %get3A_1823 = arith.constant 16 : index
      %get3A_1824 = tpu.vector_load %arg5[%get3A_1822, %get3A_1823] {strides = array<i32>} : memref<256x128xf32, #tpu.memory_space<vmem>>, vector<1x16xf32>,
      %get3A_1825 = vector.shape_cast %get3A_1824 : vector<1x16xf32> to vector<16xf32>
      %mul3A_1826 = arith.mulf %get3A_1825, %select_n3A_586 : vector<16xf32>
      %swap3A_1827 = arith.index_cast %scan3A_1811 : i32 to index
      %swap3A_1828 = arith.constant 16 : index
      %swap3A_1829 = tpu.vector_load %arg5[%swap3A_1827, %swap3A_1828] {strides = array<i32>} : memref<256x128xf32, #tpu.memory_space<vmem>>, vector<1x16xf32>,
      %swap3A_1830 = vector.shape_cast %swap3A_1829 : vector<1x16xf32> to vector<16xf32>
      %swap3A_1831 = vector.shape_cast %mul3A_1826 : vector<16xf32> to vector<1x16xf32>
      tpu.vector_store %arg5[%swap3A_1827, %swap3A_1828], %swap3A_1831 {strides = array<i32>} : memref<256x128xf32, #tpu.memory_space<vmem>>, vector<1x16xf32>,
      %get3A_1832 = arith.index_cast %scan3A_1811 : i32 to index
      %get3A_1833 = arith.constant 32 : index
      %get3A_1834 = tpu.vector_load %arg5[%get3A_1832, %get3A_1833] {strides = array<i32>} : memref<256x128xf32, #tpu.memory_space<vmem>>, vector<1x16xf32>,
      %get3A_1835 = vector.shape_cast %get3A_1834 : vector<1x16xf32> to vector<16xf32>
      %mul3A_1836 = arith.mulf %get3A_1835, %select_n3A_622 : vector<16xf32>
      %swap3A_1837 = arith.index_cast %scan3A_1811 : i32 to index
      %swap3A_1838 = arith.constant 32 : index
      %swap3A_1839 = tpu.vector_load %arg5[%swap3A_1837, %swap3A_1838] {strides = array<i32>} : memref<256x128xf32, #tpu.memory_space<vmem>>, vector<1x16xf32>,
      %swap3A_1840 = vector.shape_cast %swap3A_1839 : vector<1x16xf32> to vector<16xf32>
      %swap3A_1841 = vector.shape_cast %mul3A_1836 : vector<16xf32> to vector<1x16xf32>
      tpu.vector_store %arg5[%swap3A_1837, %swap3A_1838], %swap3A_1841 {strides = array<i32>} : memref<256x128xf32, #tpu.memory_space<vmem>>, vector<1x16xf32>,
      %get3A_1842 = arith.index_cast %scan3A_1811 : i32 to index
      %get3A_1843 = arith.constant 48 : index
      %get3A_1844 = tpu.vector_load %arg5[%get3A_1842, %get3A_1843] {strides = array<i32>} : memref<256x128xf32, #tpu.memory_space<vmem>>, vector<1x16xf32>,
      %get3A_1845 = vector.shape_cast %get3A_1844 : vector<1x16xf32> to vector<16xf32>
      %mul3A_1846 = arith.mulf %get3A_1845, %select_n3A_658 : vector<16xf32>
      %swap3A_1847 = arith.index_cast %scan3A_1811 : i32 to index
      %swap3A_1848 = arith.constant 48 : index
      %swap3A_1849 = tpu.vector_load %arg5[%swap3A_1847, %swap3A_1848] {strides = array<i32>} : memref<256x128xf32, #tpu.memory_space<vmem>>, vector<1x16xf32>,
      %swap3A_1850 = vector.shape_cast %swap3A_1849 : vector<1x16xf32> to vector<16xf32>
      %swap3A_1851 = vector.shape_cast %mul3A_1846 : vector<16xf32> to vector<1x16xf32>
      tpu.vector_store %arg5[%swap3A_1847, %swap3A_1848], %swap3A_1851 {strides = array<i32>} : memref<256x128xf32, #tpu.memory_space<vmem>>, vector<1x16xf32>,
      %get3A_1852 = arith.index_cast %scan3A_1811 : i32 to index
      %get3A_1853 = arith.constant 64 : index
      %get3A_1854 = tpu.vector_load %arg5[%get3A_1852, %get3A_1853] {strides = array<i32>} : memref<256x128xf32, #tpu.memory_space<vmem>>, vector<1x16xf32>,
      %get3A_1855 = vector.shape_cast %get3A_1854 : vector<1x16xf32> to vector<16xf32>
      %mul3A_1856 = arith.mulf %get3A_1855, %select_n3A_694 : vector<16xf32>
      %swap3A_1857 = arith.index_cast %scan3A_1811 : i32 to index
      %swap3A_1858 = arith.constant 64 : index
      %swap3A_1859 = tpu.vector_load %arg5[%swap3A_1857, %swap3A_1858] {strides = array<i32>} : memref<256x128xf32, #tpu.memory_space<vmem>>, vector<1x16xf32>,
      %swap3A_1860 = vector.shape_cast %swap3A_1859 : vector<1x16xf32> to vector<16xf32>
      %swap3A_1861 = vector.shape_cast %mul3A_1856 : vector<16xf32> to vector<1x16xf32>
      tpu.vector_store %arg5[%swap3A_1857, %swap3A_1858], %swap3A_1861 {strides = array<i32>} : memref<256x128xf32, #tpu.memory_space<vmem>>, vector<1x16xf32>,
      %get3A_1862 = arith.index_cast %scan3A_1811 : i32 to index
      %get3A_1863 = arith.constant 80 : index
      %get3A_1864 = tpu.vector_load %arg5[%get3A_1862, %get3A_1863] {strides = array<i32>} : memref<256x128xf32, #tpu.memory_space<vmem>>, vector<1x16xf32>,
      %get3A_1865 = vector.shape_cast %get3A_1864 : vector<1x16xf32> to vector<16xf32>
      %mul3A_1866 = arith.mulf %get3A_1865, %select_n3A_730 : vector<16xf32>
      %swap3A_1867 = arith.index_cast %scan3A_1811 : i32 to index
      %swap3A_1868 = arith.constant 80 : index
      %swap3A_1869 = tpu.vector_load %arg5[%swap3A_1867, %swap3A_1868] {strides = array<i32>} : memref<256x128xf32, #tpu.memory_space<vmem>>, vector<1x16xf32>,
      %swap3A_1870 = vector.shape_cast %swap3A_1869 : vector<1x16xf32> to vector<16xf32>
      %swap3A_1871 = vector.shape_cast %mul3A_1866 : vector<16xf32> to vector<1x16xf32>
      tpu.vector_store %arg5[%swap3A_1867, %swap3A_1868], %swap3A_1871 {strides = array<i32>} : memref<256x128xf32, #tpu.memory_space<vmem>>, vector<1x16xf32>,
      %get3A_1872 = arith.index_cast %scan3A_1811 : i32 to index
      %get3A_1873 = arith.constant 96 : index
      %get3A_1874 = tpu.vector_load %arg5[%get3A_1872, %get3A_1873] {strides = array<i32>} : memref<256x128xf32, #tpu.memory_space<vmem>>, vector<1x16xf32>,
      %get3A_1875 = vector.shape_cast %get3A_1874 : vector<1x16xf32> to vector<16xf32>
      %mul3A_1876 = arith.mulf %get3A_1875, %select_n3A_766 : vector<16xf32>
      %swap3A_1877 = arith.index_cast %scan3A_1811 : i32 to index
      %swap3A_1878 = arith.constant 96 : index
      %swap3A_1879 = tpu.vector_load %arg5[%swap3A_1877, %swap3A_1878] {strides = array<i32>} : memref<256x128xf32, #tpu.memory_space<vmem>>, vector<1x16xf32>,
      %swap3A_1880 = vector.shape_cast %swap3A_1879 : vector<1x16xf32> to vector<16xf32>
      %swap3A_1881 = vector.shape_cast %mul3A_1876 : vector<16xf32> to vector<1x16xf32>
      tpu.vector_store %arg5[%swap3A_1877, %swap3A_1878], %swap3A_1881 {strides = array<i32>} : memref<256x128xf32, #tpu.memory_space<vmem>>, vector<1x16xf32>,
      %get3A_1882 = arith.index_cast %scan3A_1811 : i32 to index
      %get3A_1883 = arith.constant 112 : index
      %get3A_1884 = tpu.vector_load %arg5[%get3A_1882, %get3A_1883] {strides = array<i32>} : memref<256x128xf32, #tpu.memory_space<vmem>>, vector<1x16xf32>,
      %get3A_1885 = vector.shape_cast %get3A_1884 : vector<1x16xf32> to vector<16xf32>
      %mul3A_1886 = arith.mulf %get3A_1885, %select_n3A_802 : vector<16xf32>
      %swap3A_1887 = arith.index_cast %scan3A_1811 : i32 to index
      %swap3A_1888 = arith.constant 112 : index
      %swap3A_1889 = tpu.vector_load %arg5[%swap3A_1887, %swap3A_1888] {strides = array<i32>} : memref<256x128xf32, #tpu.memory_space<vmem>>, vector<1x16xf32>,
      %swap3A_1890 = vector.shape_cast %swap3A_1889 : vector<1x16xf32> to vector<16xf32>
      %swap3A_1891 = vector.shape_cast %mul3A_1886 : vector<16xf32> to vector<1x16xf32>
      tpu.vector_store %arg5[%swap3A_1887, %swap3A_1888], %swap3A_1891 {strides = array<i32>} : memref<256x128xf32, #tpu.memory_space<vmem>>, vector<1x16xf32>,
    }
    %scan3A_818 = arith.constant 127 : i32
    %swap3A_819 = arith.constant 0 : i32
    %swap3A_820 = arith.index_cast %swap3A_819 : i32 to index
    %swap3A_821 = arith.constant 0 : index
    %swap3A_822 = tpu.vector_load %arg5[%swap3A_820, %swap3A_821] {strides = array<i32>} : memref<256x128xf32, #tpu.memory_space<vmem>>, vector<1x16xf32>,
    %swap3A_823 = vector.shape_cast %swap3A_822 : vector<1x16xf32> to vector<16xf32>
    %swap3A_824 = vector.shape_cast %select_n3A_560 : vector<16xf32> to vector<1x16xf32>
    tpu.vector_store %arg5[%swap3A_820, %swap3A_821], %swap3A_824 {strides = array<i32>} : memref<256x128xf32, #tpu.memory_space<vmem>>, vector<1x16xf32>,
    %swap3A_825 = arith.constant 0 : i32
    %swap3A_826 = arith.index_cast %swap3A_825 : i32 to index
    %swap3A_827 = arith.constant 16 : index
    %swap3A_828 = tpu.vector_load %arg5[%swap3A_826, %swap3A_827] {strides = array<i32>} : memref<256x128xf32, #tpu.memory_space<vmem>>, vector<1x16xf32>,
    %swap3A_829 = vector.shape_cast %swap3A_828 : vector<1x16xf32> to vector<16xf32>
    %swap3A_830 = vector.shape_cast %select_n3A_596 : vector<16xf32> to vector<1x16xf32>
    tpu.vector_store %arg5[%swap3A_826, %swap3A_827], %swap3A_830 {strides = array<i32>} : memref<256x128xf32, #tpu.memory_space<vmem>>, vector<1x16xf32>,
    %swap3A_831 = arith.constant 0 : i32
    %swap3A_832 = arith.index_cast %swap3A_831 : i32 to index
    %swap3A_833 = arith.constant 32 : index
    %swap3A_834 = tpu.vector_load %arg5[%swap3A_832, %swap3A_833] {strides = array<i32>} : memref<256x128xf32, #tpu.memory_space<vmem>>, vector<1x16xf32>,
    %swap3A_835 = vector.shape_cast %swap3A_834 : vector<1x16xf32> to vector<16xf32>
    %swap3A_836 = vector.shape_cast %select_n3A_632 : vector<16xf32> to vector<1x16xf32>
    tpu.vector_store %arg5[%swap3A_832, %swap3A_833], %swap3A_836 {strides = array<i32>} : memref<256x128xf32, #tpu.memory_space<vmem>>, vector<1x16xf32>,
    %swap3A_837 = arith.constant 0 : i32
    %swap3A_838 = arith.index_cast %swap3A_837 : i32 to index
    %swap3A_839 = arith.constant 48 : index
    %swap3A_840 = tpu.vector_load %arg5[%swap3A_838, %swap3A_839] {strides = array<i32>} : memref<256x128xf32, #tpu.memory_space<vmem>>, vector<1x16xf32>,
    %swap3A_841 = vector.shape_cast %swap3A_840 : vector<1x16xf32> to vector<16xf32>
    %swap3A_842 = vector.shape_cast %select_n3A_668 : vector<16xf32> to vector<1x16xf32>
    tpu.vector_store %arg5[%swap3A_838, %swap3A_839], %swap3A_842 {strides = array<i32>} : memref<256x128xf32, #tpu.memory_space<vmem>>, vector<1x16xf32>,
    %swap3A_843 = arith.constant 0 : i32
    %swap3A_844 = arith.index_cast %swap3A_843 : i32 to index
    %swap3A_845 = arith.constant 64 : index
    %swap3A_846 = tpu.vector_load %arg5[%swap3A_844, %swap3A_845] {strides = array<i32>} : memref<256x128xf32, #tpu.memory_space<vmem>>, vector<1x16xf32>,
    %swap3A_847 = vector.shape_cast %swap3A_846 : vector<1x16xf32> to vector<16xf32>
    %swap3A_848 = vector.shape_cast %select_n3A_704 : vector<16xf32> to vector<1x16xf32>
    tpu.vector_store %arg5[%swap3A_844, %swap3A_845], %swap3A_848 {strides = array<i32>} : memref<256x128xf32, #tpu.memory_space<vmem>>, vector<1x16xf32>,
    %swap3A_849 = arith.constant 0 : i32
    %swap3A_850 = arith.index_cast %swap3A_849 : i32 to index
    %swap3A_851 = arith.constant 80 : index
    %swap3A_852 = tpu.vector_load %arg5[%swap3A_850, %swap3A_851] {strides = array<i32>} : memref<256x128xf32, #tpu.memory_space<vmem>>, vector<1x16xf32>,
    %swap3A_853 = vector.shape_cast %swap3A_852 : vector<1x16xf32> to vector<16xf32>
    %swap3A_854 = vector.shape_cast %select_n3A_740 : vector<16xf32> to vector<1x16xf32>
    tpu.vector_store %arg5[%swap3A_850, %swap3A_851], %swap3A_854 {strides = array<i32>} : memref<256x128xf32, #tpu.memory_space<vmem>>, vector<1x16xf32>,
    %swap3A_855 = arith.constant 0 : i32
    %swap3A_856 = arith.index_cast %swap3A_855 : i32 to index
    %swap3A_857 = arith.constant 96 : index
    %swap3A_858 = tpu.vector_load %arg5[%swap3A_856, %swap3A_857] {strides = array<i32>} : memref<256x128xf32, #tpu.memory_space<vmem>>, vector<1x16xf32>,
    %swap3A_859 = vector.shape_cast %swap3A_858 : vector<1x16xf32> to vector<16xf32>
    %swap3A_860 = vector.shape_cast %select_n3A_776 : vector<16xf32> to vector<1x16xf32>
    tpu.vector_store %arg5[%swap3A_856, %swap3A_857], %swap3A_860 {strides = array<i32>} : memref<256x128xf32, #tpu.memory_space<vmem>>, vector<1x16xf32>,
    %swap3A_861 = arith.constant 0 : i32
    %swap3A_862 = arith.index_cast %swap3A_861 : i32 to index
    %swap3A_863 = arith.constant 112 : index
    %swap3A_864 = tpu.vector_load %arg5[%swap3A_862, %swap3A_863] {strides = array<i32>} : memref<256x128xf32, #tpu.memory_space<vmem>>, vector<1x16xf32>,
    %swap3A_865 = vector.shape_cast %swap3A_864 : vector<1x16xf32> to vector<16xf32>
    %swap3A_866 = vector.shape_cast %select_n3A_812 : vector<16xf32> to vector<1x16xf32>
    tpu.vector_store %arg5[%swap3A_862, %swap3A_863], %swap3A_866 {strides = array<i32>} : memref<256x128xf32, #tpu.memory_space<vmem>>, vector<1x16xf32>,
    %dma_start3A_867 = arith.constant 0 : i32
    %dma_start3A_868 = arith.constant 0 : i32
    %dma_start3A_869 = tpu.memref_slice %arg5[%dma_start3A_867, %dma_start3A_868] : memref<256x128xf32, #tpu.memory_space<vmem>> -> memref<128x128xf32, #tpu.memory_space<vmem>>
    %dma_start3A_870 = arith.constant 0 : i32
    %dma_start3A_871 = tpu.memref_slice %arg3[%dma_start3A_870, %add3A_476] : memref<256x16384xf32, #tpu.memory_space<hbm>> -> memref<128x128xf32, #tpu.memory_space<hbm>>
    %dma_start3A_872 = arith.constant 0 : i32
    %dma_start3A_873 = tpu.memref_slice %arg3[%dma_start3A_872, %add3A_476] : memref<256x16384xf32, #tpu.memory_space<hbm>> -> memref<128x128xf32, #tpu.memory_space<hbm>>
    %dma_start3A_874 = arith.constant 0 : i32
    %dma_start3A_875 = arith.constant 0 : i32
    %dma_start3A_876 = tpu.memref_slice %arg5[%dma_start3A_874, %dma_start3A_875] : memref<256x128xf32, #tpu.memory_space<vmem>> -> memref<128x128xf32, #tpu.memory_space<vmem>>
    tpu.enqueue_dma source(%dma_start3A_876 : memref<128x128xf32, #tpu.memory_space<vmem>>) target(%dma_start3A_873 : memref<128x128xf32, #tpu.memory_space<hbm>>) target_semaphore(%arg14 : memref<!tpu.dma_semaphore, #tpu.memory_space<semaphore_mem>>)
    %scan3A_877 = arith.constant 0 : i32
    %scan3A_878 = arith.constant 128 : i32
    %scan3A_879 = arith.constant 128 : i32
    %scan3A_880 = arith.addi %scan3A_878, %scan3A_879 : i32
    %scan3A_881 = arith.constant 1 : i32
    scf.for %scan3A_1811 = %scan3A_878 to %scan3A_880 step %scan3A_881  : i32 {
      %get3A_1812 = arith.index_cast %scan3A_1811 : i32 to index
      %get3A_1813 = arith.constant 0 : index
      %get3A_1814 = tpu.vector_load %arg5[%get3A_1812, %get3A_1813] {strides = array<i32>} : memref<256x128xf32, #tpu.memory_space<vmem>>, vector<1x16xf32>,
      %get3A_1815 = vector.shape_cast %get3A_1814 : vector<1x16xf32> to vector<16xf32>
      %mul3A_1816 = arith.mulf %get3A_1815, %select_n3A_550 : vector<16xf32>
      %swap3A_1817 = arith.index_cast %scan3A_1811 : i32 to index
      %swap3A_1818 = arith.constant 0 : index
      %swap3A_1819 = tpu.vector_load %arg5[%swap3A_1817, %swap3A_1818] {strides = array<i32>} : memref<256x128xf32, #tpu.memory_space<vmem>>, vector<1x16xf32>,
      %swap3A_1820 = vector.shape_cast %swap3A_1819 : vector<1x16xf32> to vector<16xf32>
      %swap3A_1821 = vector.shape_cast %mul3A_1816 : vector<16xf32> to vector<1x16xf32>
      tpu.vector_store %arg5[%swap3A_1817, %swap3A_1818], %swap3A_1821 {strides = array<i32>} : memref<256x128xf32, #tpu.memory_space<vmem>>, vector<1x16xf32>,
      %get3A_1822 = arith.index_cast %scan3A_1811 : i32 to index
      %get3A_1823 = arith.constant 16 : index
      %get3A_1824 = tpu.vector_load %arg5[%get3A_1822, %get3A_1823] {strides = array<i32>} : memref<256x128xf32, #tpu.memory_space<vmem>>, vector<1x16xf32>,
      %get3A_1825 = vector.shape_cast %get3A_1824 : vector<1x16xf32> to vector<16xf32>
      %mul3A_1826 = arith.mulf %get3A_1825, %select_n3A_586 : vector<16xf32>
      %swap3A_1827 = arith.index_cast %scan3A_1811 : i32 to index
      %swap3A_1828 = arith.constant 16 : index
      %swap3A_1829 = tpu.vector_load %arg5[%swap3A_1827, %swap3A_1828] {strides = array<i32>} : memref<256x128xf32, #tpu.memory_space<vmem>>, vector<1x16xf32>,
      %swap3A_1830 = vector.shape_cast %swap3A_1829 : vector<1x16xf32> to vector<16xf32>
      %swap3A_1831 = vector.shape_cast %mul3A_1826 : vector<16xf32> to vector<1x16xf32>
      tpu.vector_store %arg5[%swap3A_1827, %swap3A_1828], %swap3A_1831 {strides = array<i32>} : memref<256x128xf32, #tpu.memory_space<vmem>>, vector<1x16xf32>,
      %get3A_1832 = arith.index_cast %scan3A_1811 : i32 to index
      %get3A_1833 = arith.constant 32 : index
      %get3A_1834 = tpu.vector_load %arg5[%get3A_1832, %get3A_1833] {strides = array<i32>} : memref<256x128xf32, #tpu.memory_space<vmem>>, vector<1x16xf32>,
      %get3A_1835 = vector.shape_cast %get3A_1834 : vector<1x16xf32> to vector<16xf32>
      %mul3A_1836 = arith.mulf %get3A_1835, %select_n3A_622 : vector<16xf32>
      %swap3A_1837 = arith.index_cast %scan3A_1811 : i32 to index
      %swap3A_1838 = arith.constant 32 : index
      %swap3A_1839 = tpu.vector_load %arg5[%swap3A_1837, %swap3A_1838] {strides = array<i32>} : memref<256x128xf32, #tpu.memory_space<vmem>>, vector<1x16xf32>,
      %swap3A_1840 = vector.shape_cast %swap3A_1839 : vector<1x16xf32> to vector<16xf32>
      %swap3A_1841 = vector.shape_cast %mul3A_1836 : vector<16xf32> to vector<1x16xf32>
      tpu.vector_store %arg5[%swap3A_1837, %swap3A_1838], %swap3A_1841 {strides = array<i32>} : memref<256x128xf32, #tpu.memory_space<vmem>>, vector<1x16xf32>,
      %get3A_1842 = arith.index_cast %scan3A_1811 : i32 to index
      %get3A_1843 = arith.constant 48 : index
      %get3A_1844 = tpu.vector_load %arg5[%get3A_1842, %get3A_1843] {strides = array<i32>} : memref<256x128xf32, #tpu.memory_space<vmem>>, vector<1x16xf32>,
      %get3A_1845 = vector.shape_cast %get3A_1844 : vector<1x16xf32> to vector<16xf32>
      %mul3A_1846 = arith.mulf %get3A_1845, %select_n3A_658 : vector<16xf32>
      %swap3A_1847 = arith.index_cast %scan3A_1811 : i32 to index
      %swap3A_1848 = arith.constant 48 : index
      %swap3A_1849 = tpu.vector_load %arg5[%swap3A_1847, %swap3A_1848] {strides = array<i32>} : memref<256x128xf32, #tpu.memory_space<vmem>>, vector<1x16xf32>,
      %swap3A_1850 = vector.shape_cast %swap3A_1849 : vector<1x16xf32> to vector<16xf32>
      %swap3A_1851 = vector.shape_cast %mul3A_1846 : vector<16xf32> to vector<1x16xf32>
      tpu.vector_store %arg5[%swap3A_1847, %swap3A_1848], %swap3A_1851 {strides = array<i32>} : memref<256x128xf32, #tpu.memory_space<vmem>>, vector<1x16xf32>,
      %get3A_1852 = arith.index_cast %scan3A_1811 : i32 to index
      %get3A_1853 = arith.constant 64 : index
      %get3A_1854 = tpu.vector_load %arg5[%get3A_1852, %get3A_1853] {strides = array<i32>} : memref<256x128xf32, #tpu.memory_space<vmem>>, vector<1x16xf32>,
      %get3A_1855 = vector.shape_cast %get3A_1854 : vector<1x16xf32> to vector<16xf32>
      %mul3A_1856 = arith.mulf %get3A_1855, %select_n3A_694 : vector<16xf32>
      %swap3A_1857 = arith.index_cast %scan3A_1811 : i32 to index
      %swap3A_1858 = arith.constant 64 : index
      %swap3A_1859 = tpu.vector_load %arg5[%swap3A_1857, %swap3A_1858] {strides = array<i32>} : memref<256x128xf32, #tpu.memory_space<vmem>>, vector<1x16xf32>,
      %swap3A_1860 = vector.shape_cast %swap3A_1859 : vector<1x16xf32> to vector<16xf32>
      %swap3A_1861 = vector.shape_cast %mul3A_1856 : vector<16xf32> to vector<1x16xf32>
      tpu.vector_store %arg5[%swap3A_1857, %swap3A_1858], %swap3A_1861 {strides = array<i32>} : memref<256x128xf32, #tpu.memory_space<vmem>>, vector<1x16xf32>,
      %get3A_1862 = arith.index_cast %scan3A_1811 : i32 to index
      %get3A_1863 = arith.constant 80 : index
      %get3A_1864 = tpu.vector_load %arg5[%get3A_1862, %get3A_1863] {strides = array<i32>} : memref<256x128xf32, #tpu.memory_space<vmem>>, vector<1x16xf32>,
      %get3A_1865 = vector.shape_cast %get3A_1864 : vector<1x16xf32> to vector<16xf32>
      %mul3A_1866 = arith.mulf %get3A_1865, %select_n3A_730 : vector<16xf32>
      %swap3A_1867 = arith.index_cast %scan3A_1811 : i32 to index
      %swap3A_1868 = arith.constant 80 : index
      %swap3A_1869 = tpu.vector_load %arg5[%swap3A_1867, %swap3A_1868] {strides = array<i32>} : memref<256x128xf32, #tpu.memory_space<vmem>>, vector<1x16xf32>,
      %swap3A_1870 = vector.shape_cast %swap3A_1869 : vector<1x16xf32> to vector<16xf32>
      %swap3A_1871 = vector.shape_cast %mul3A_1866 : vector<16xf32> to vector<1x16xf32>
      tpu.vector_store %arg5[%swap3A_1867, %swap3A_1868], %swap3A_1871 {strides = array<i32>} : memref<256x128xf32, #tpu.memory_space<vmem>>, vector<1x16xf32>,
      %get3A_1872 = arith.index_cast %scan3A_1811 : i32 to index
      %get3A_1873 = arith.constant 96 : index
      %get3A_1874 = tpu.vector_load %arg5[%get3A_1872, %get3A_1873] {strides = array<i32>} : memref<256x128xf32, #tpu.memory_space<vmem>>, vector<1x16xf32>,
      %get3A_1875 = vector.shape_cast %get3A_1874 : vector<1x16xf32> to vector<16xf32>
      %mul3A_1876 = arith.mulf %get3A_1875, %select_n3A_766 : vector<16xf32>
      %swap3A_1877 = arith.index_cast %scan3A_1811 : i32 to index
      %swap3A_1878 = arith.constant 96 : index
      %swap3A_1879 = tpu.vector_load %arg5[%swap3A_1877, %swap3A_1878] {strides = array<i32>} : memref<256x128xf32, #tpu.memory_space<vmem>>, vector<1x16xf32>,
      %swap3A_1880 = vector.shape_cast %swap3A_1879 : vector<1x16xf32> to vector<16xf32>
      %swap3A_1881 = vector.shape_cast %mul3A_1876 : vector<16xf32> to vector<1x16xf32>
      tpu.vector_store %arg5[%swap3A_1877, %swap3A_1878], %swap3A_1881 {strides = array<i32>} : memref<256x128xf32, #tpu.memory_space<vmem>>, vector<1x16xf32>,
      %get3A_1882 = arith.index_cast %scan3A_1811 : i32 to index
      %get3A_1883 = arith.constant 112 : index
      %get3A_1884 = tpu.vector_load %arg5[%get3A_1882, %get3A_1883] {strides = array<i32>} : memref<256x128xf32, #tpu.memory_space<vmem>>, vector<1x16xf32>,
      %get3A_1885 = vector.shape_cast %get3A_1884 : vector<1x16xf32> to vector<16xf32>
      %mul3A_1886 = arith.mulf %get3A_1885, %select_n3A_802 : vector<16xf32>
      %swap3A_1887 = arith.index_cast %scan3A_1811 : i32 to index
      %swap3A_1888 = arith.constant 112 : index
      %swap3A_1889 = tpu.vector_load %arg5[%swap3A_1887, %swap3A_1888] {strides = array<i32>} : memref<256x128xf32, #tpu.memory_space<vmem>>, vector<1x16xf32>,
      %swap3A_1890 = vector.shape_cast %swap3A_1889 : vector<1x16xf32> to vector<16xf32>
      %swap3A_1891 = vector.shape_cast %mul3A_1886 : vector<16xf32> to vector<1x16xf32>
      tpu.vector_store %arg5[%swap3A_1887, %swap3A_1888], %swap3A_1891 {strides = array<i32>} : memref<256x128xf32, #tpu.memory_space<vmem>>, vector<1x16xf32>,
    }
    %scan3A_882 = arith.constant 128 : i32
    %dma_start3A_883 = arith.constant 128 : i32
    %dma_start3A_884 = arith.constant 0 : i32
    %dma_start3A_885 = tpu.memref_slice %arg5[%dma_start3A_883, %dma_start3A_884] : memref<256x128xf32, #tpu.memory_space<vmem>> -> memref<128x128xf32, #tpu.memory_space<vmem>>
    %dma_start3A_886 = arith.constant 128 : i32
    %dma_start3A_887 = tpu.memref_slice %arg3[%dma_start3A_886, %add3A_476] : memref<256x16384xf32, #tpu.memory_space<hbm>> -> memref<128x128xf32, #tpu.memory_space<hbm>>
    %dma_start3A_888 = arith.constant 128 : i32
    %dma_start3A_889 = tpu.memref_slice %arg3[%dma_start3A_888, %add3A_476] : memref<256x16384xf32, #tpu.memory_space<hbm>> -> memref<128x128xf32, #tpu.memory_space<hbm>>
    %dma_start3A_890 = arith.constant 128 : i32
    %dma_start3A_891 = arith.constant 0 : i32
    %dma_start3A_892 = tpu.memref_slice %arg5[%dma_start3A_890, %dma_start3A_891] : memref<256x128xf32, #tpu.memory_space<vmem>> -> memref<128x128xf32, #tpu.memory_space<vmem>>
    tpu.enqueue_dma source(%dma_start3A_892 : memref<128x128xf32, #tpu.memory_space<vmem>>) target(%dma_start3A_889 : memref<128x128xf32, #tpu.memory_space<hbm>>) target_semaphore(%arg17 : memref<!tpu.dma_semaphore, #tpu.memory_space<semaphore_mem>>)
    %dma_wait3A_893 = arith.constant 0 : i32
    %dma_wait3A_894 = arith.constant 0 : i32
    %dma_wait3A_895 = tpu.memref_slice %arg4[%dma_wait3A_893, %dma_wait3A_894] : memref<256x128xf32, #tpu.memory_space<vmem>> -> memref<128x128xf32, #tpu.memory_space<vmem>>
    %dma_wait3A_896 = arith.constant 0 : i32
    %dma_wait3A_897 = tpu.memref_slice %arg3[%dma_wait3A_896, %add3A_47] : memref<256x16384xf32, #tpu.memory_space<hbm>> -> memref<128x128xf32, #tpu.memory_space<hbm>>
    %dma_wait3A_898 = arith.constant 0 : i32
    %dma_wait3A_899 = tpu.memref_slice %arg3[%dma_wait3A_898, %add3A_47] : memref<256x16384xf32, #tpu.memory_space<hbm>> -> memref<128x128xf32, #tpu.memory_space<hbm>>
    %dma_wait3A_900 = arith.constant 0 : i32
    %dma_wait3A_901 = arith.constant 0 : i32
    %dma_wait3A_902 = tpu.memref_slice %arg4[%dma_wait3A_900, %dma_wait3A_901] : memref<256x128xf32, #tpu.memory_space<vmem>> -> memref<128x128xf32, #tpu.memory_space<vmem>>
    tpu.wait_dma2 semaphore(%arg13 : memref<!tpu.dma_semaphore, #tpu.memory_space<semaphore_mem>>) src(%dma_wait3A_902 : memref<128x128xf32, #tpu.memory_space<vmem>>) dst(%dma_wait3A_899 : memref<128x128xf32, #tpu.memory_space<hbm>>)
    %dma_wait3A_903 = arith.constant 128 : i32
    %dma_wait3A_904 = arith.constant 0 : i32
    %dma_wait3A_905 = tpu.memref_slice %arg4[%dma_wait3A_903, %dma_wait3A_904] : memref<256x128xf32, #tpu.memory_space<vmem>> -> memref<128x128xf32, #tpu.memory_space<vmem>>
    %dma_wait3A_906 = arith.constant 128 : i32
    %dma_wait3A_907 = tpu.memref_slice %arg3[%dma_wait3A_906, %add3A_47] : memref<256x16384xf32, #tpu.memory_space<hbm>> -> memref<128x128xf32, #tpu.memory_space<hbm>>
    %dma_wait3A_908 = arith.constant 128 : i32
    %dma_wait3A_909 = tpu.memref_slice %arg3[%dma_wait3A_908, %add3A_47] : memref<256x16384xf32, #tpu.memory_space<hbm>> -> memref<128x128xf32, #tpu.memory_space<hbm>>
    %dma_wait3A_910 = arith.constant 128 : i32
    %dma_wait3A_911 = arith.constant 0 : i32
    %dma_wait3A_912 = tpu.memref_slice %arg4[%dma_wait3A_910, %dma_wait3A_911] : memref<256x128xf32, #tpu.memory_space<vmem>> -> memref<128x128xf32, #tpu.memory_space<vmem>>
    tpu.wait_dma2 semaphore(%arg16 : memref<!tpu.dma_semaphore, #tpu.memory_space<semaphore_mem>>) src(%dma_wait3A_912 : memref<128x128xf32, #tpu.memory_space<vmem>>) dst(%dma_wait3A_909 : memref<128x128xf32, #tpu.memory_space<hbm>>)
    %add3A_913 = arith.constant 384 : i32
    %add3A_914 = arith.addi %mul3A_2, %add3A_913 : i32
    %dma_start3A_915 = arith.constant 0 : i32
    %dma_start3A_916 = arith.constant 0 : i32
    %dma_start3A_917 = tpu.memref_slice %arg4[%dma_start3A_915, %dma_start3A_916] : memref<256x128xf32, #tpu.memory_space<vmem>> -> memref<128x128xf32, #tpu.memory_space<vmem>>
    %dma_start3A_918 = arith.constant 0 : i32
    %dma_start3A_919 = tpu.memref_slice %arg2[%dma_start3A_918, %add3A_914] : memref<256x16384xf32, #tpu.memory_space<hbm>> -> memref<128x128xf32, #tpu.memory_space<hbm>>
    %dma_start3A_920 = arith.constant 0 : i32
    %dma_start3A_921 = arith.constant 0 : i32
    %dma_start3A_922 = tpu.memref_slice %arg4[%dma_start3A_920, %dma_start3A_921] : memref<256x128xf32, #tpu.memory_space<vmem>> -> memref<128x128xf32, #tpu.memory_space<vmem>>
    %dma_start3A_923 = arith.constant 0 : i32
    %dma_start3A_924 = tpu.memref_slice %arg2[%dma_start3A_923, %add3A_914] : memref<256x16384xf32, #tpu.memory_space<hbm>> -> memref<128x128xf32, #tpu.memory_space<hbm>>
    tpu.enqueue_dma source(%dma_start3A_924 : memref<128x128xf32, #tpu.memory_space<hbm>>) target(%dma_start3A_922 : memref<128x128xf32, #tpu.memory_space<vmem>>) target_semaphore(%arg7 : memref<!tpu.dma_semaphore, #tpu.memory_space<semaphore_mem>>)
    %dma_start3A_925 = arith.constant 128 : i32
    %dma_start3A_926 = arith.constant 0 : i32
    %dma_start3A_927 = tpu.memref_slice %arg4[%dma_start3A_925, %dma_start3A_926] : memref<256x128xf32, #tpu.memory_space<vmem>> -> memref<128x128xf32, #tpu.memory_space<vmem>>
    %dma_start3A_928 = arith.constant 128 : i32
    %dma_start3A_929 = tpu.memref_slice %arg2[%dma_start3A_928, %add3A_914] : memref<256x16384xf32, #tpu.memory_space<hbm>> -> memref<128x128xf32, #tpu.memory_space<hbm>>
    %dma_start3A_930 = arith.constant 128 : i32
    %dma_start3A_931 = arith.constant 0 : i32
    %dma_start3A_932 = tpu.memref_slice %arg4[%dma_start3A_930, %dma_start3A_931] : memref<256x128xf32, #tpu.memory_space<vmem>> -> memref<128x128xf32, #tpu.memory_space<vmem>>
    %dma_start3A_933 = arith.constant 128 : i32
    %dma_start3A_934 = tpu.memref_slice %arg2[%dma_start3A_933, %add3A_914] : memref<256x16384xf32, #tpu.memory_space<hbm>> -> memref<128x128xf32, #tpu.memory_space<hbm>>
    tpu.enqueue_dma source(%dma_start3A_934 : memref<128x128xf32, #tpu.memory_space<hbm>>) target(%dma_start3A_932 : memref<128x128xf32, #tpu.memory_space<vmem>>) target_semaphore(%arg10 : memref<!tpu.dma_semaphore, #tpu.memory_space<semaphore_mem>>)
    %add3A_935 = arith.constant 256 : i32
    %add3A_936 = arith.addi %mul3A_2, %add3A_935 : i32
    %dma_wait3A_937 = arith.constant 0 : i32
    %dma_wait3A_938 = arith.constant 0 : i32
    %dma_wait3A_939 = tpu.memref_slice %arg6[%dma_wait3A_937, %dma_wait3A_938] : memref<256x128xf32, #tpu.memory_space<vmem>> -> memref<128x128xf32, #tpu.memory_space<vmem>>
    %dma_wait3A_940 = arith.constant 0 : i32
    %dma_wait3A_941 = tpu.memref_slice %arg2[%dma_wait3A_940, %add3A_454] : memref<256x16384xf32, #tpu.memory_space<hbm>> -> memref<128x128xf32, #tpu.memory_space<hbm>>
    %dma_wait3A_942 = arith.constant 0 : i32
    %dma_wait3A_943 = arith.constant 0 : i32
    %dma_wait3A_944 = tpu.memref_slice %arg6[%dma_wait3A_942, %dma_wait3A_943] : memref<256x128xf32, #tpu.memory_space<vmem>> -> memref<128x128xf32, #tpu.memory_space<vmem>>
    %dma_wait3A_945 = arith.constant 0 : i32
    %dma_wait3A_946 = tpu.memref_slice %arg2[%dma_wait3A_945, %add3A_454] : memref<256x16384xf32, #tpu.memory_space<hbm>> -> memref<128x128xf32, #tpu.memory_space<hbm>>
    tpu.wait_dma2 semaphore(%arg9 : memref<!tpu.dma_semaphore, #tpu.memory_space<semaphore_mem>>) src(%dma_wait3A_946 : memref<128x128xf32, #tpu.memory_space<hbm>>) dst(%dma_wait3A_944 : memref<128x128xf32, #tpu.memory_space<vmem>>)
    %broadcast_in_dim3A_947 = arith.constant 0.000000e+00 : f32
    %broadcast_in_dim3A_948 = vector.broadcast %broadcast_in_dim3A_947 : f32 to vector<16xf32>
    %broadcast_in_dim3A_949 = arith.constant 0.000000e+00 : f32
    %broadcast_in_dim3A_950 = vector.broadcast %broadcast_in_dim3A_949 : f32 to vector<16xf32>
    %broadcast_in_dim3A_951 = arith.constant 0.000000e+00 : f32
    %broadcast_in_dim3A_952 = vector.broadcast %broadcast_in_dim3A_951 : f32 to vector<16xf32>
    %broadcast_in_dim3A_953 = arith.constant 0.000000e+00 : f32
    %broadcast_in_dim3A_954 = vector.broadcast %broadcast_in_dim3A_953 : f32 to vector<16xf32>
    %broadcast_in_dim3A_955 = arith.constant 0.000000e+00 : f32
    %broadcast_in_dim3A_956 = vector.broadcast %broadcast_in_dim3A_955 : f32 to vector<16xf32>
    %broadcast_in_dim3A_957 = arith.constant 0.000000e+00 : f32
    %broadcast_in_dim3A_958 = vector.broadcast %broadcast_in_dim3A_957 : f32 to vector<16xf32>
    %broadcast_in_dim3A_959 = arith.constant 0.000000e+00 : f32
    %broadcast_in_dim3A_960 = vector.broadcast %broadcast_in_dim3A_959 : f32 to vector<16xf32>
    %broadcast_in_dim3A_961 = arith.constant 0.000000e+00 : f32
    %broadcast_in_dim3A_962 = vector.broadcast %broadcast_in_dim3A_961 : f32 to vector<16xf32>
    %scan3A_963 = arith.constant 1 : i32
    %scan3A_964 = arith.constant 127 : i32
    %scan3A_965 = arith.addi %scan3A_963, %scan3A_964 : i32
    %scan3A_966 = arith.constant 1 : i32
    %scan3A_967:8 = scf.for %scan3A_1811 = %scan3A_963 to %scan3A_965 step %scan3A_966 iter_args(%scan3A_1812 = %broadcast_in_dim3A_948, %scan3A_1813 = %broadcast_in_dim3A_950, %scan3A_1814 = %broadcast_in_dim3A_952, %scan3A_1815 = %broadcast_in_dim3A_954, %scan3A_1816 = %broadcast_in_dim3A_956, %scan3A_1817 = %broadcast_in_dim3A_958, %scan3A_1818 = %broadcast_in_dim3A_960, %scan3A_1819 = %broadcast_in_dim3A_962) -> (vector<16xf32>, vector<16xf32>, vector<16xf32>, vector<16xf32>, vector<16xf32>, vector<16xf32>, vector<16xf32>, vector<16xf32>)  : i32 {
      %get3A_1820 = arith.index_cast %scan3A_1811 : i32 to index
      %get3A_1821 = arith.constant 0 : index
      %get3A_1822 = tpu.vector_load %arg6[%get3A_1820, %get3A_1821] {strides = array<i32>} : memref<256x128xf32, #tpu.memory_space<vmem>>, vector<1x16xf32>,
      %get3A_1823 = vector.shape_cast %get3A_1822 : vector<1x16xf32> to vector<16xf32>
      %abs3A = math.absf %get3A_1823 : vector<16xf32>
      %add3A_1824 = arith.addf %scan3A_1812, %abs3A : vector<16xf32>
      %get3A_1825 = arith.index_cast %scan3A_1811 : i32 to index
      %get3A_1826 = arith.constant 16 : index
      %get3A_1827 = tpu.vector_load %arg6[%get3A_1825, %get3A_1826] {strides = array<i32>} : memref<256x128xf32, #tpu.memory_space<vmem>>, vector<1x16xf32>,
      %get3A_1828 = vector.shape_cast %get3A_1827 : vector<1x16xf32> to vector<16xf32>
      %abs3A_1829 = math.absf %get3A_1828 : vector<16xf32>
      %add3A_1830 = arith.addf %scan3A_1813, %abs3A_1829 : vector<16xf32>
      %get3A_1831 = arith.index_cast %scan3A_1811 : i32 to index
      %get3A_1832 = arith.constant 32 : index
      %get3A_1833 = tpu.vector_load %arg6[%get3A_1831, %get3A_1832] {strides = array<i32>} : memref<256x128xf32, #tpu.memory_space<vmem>>, vector<1x16xf32>,
      %get3A_1834 = vector.shape_cast %get3A_1833 : vector<1x16xf32> to vector<16xf32>
      %abs3A_1835 = math.absf %get3A_1834 : vector<16xf32>
      %add3A_1836 = arith.addf %scan3A_1814, %abs3A_1835 : vector<16xf32>
      %get3A_1837 = arith.index_cast %scan3A_1811 : i32 to index
      %get3A_1838 = arith.constant 48 : index
      %get3A_1839 = tpu.vector_load %arg6[%get3A_1837, %get3A_1838] {strides = array<i32>} : memref<256x128xf32, #tpu.memory_space<vmem>>, vector<1x16xf32>,
      %get3A_1840 = vector.shape_cast %get3A_1839 : vector<1x16xf32> to vector<16xf32>
      %abs3A_1841 = math.absf %get3A_1840 : vector<16xf32>
      %add3A_1842 = arith.addf %scan3A_1815, %abs3A_1841 : vector<16xf32>
      %get3A_1843 = arith.index_cast %scan3A_1811 : i32 to index
      %get3A_1844 = arith.constant 64 : index
      %get3A_1845 = tpu.vector_load %arg6[%get3A_1843, %get3A_1844] {strides = array<i32>} : memref<256x128xf32, #tpu.memory_space<vmem>>, vector<1x16xf32>,
      %get3A_1846 = vector.shape_cast %get3A_1845 : vector<1x16xf32> to vector<16xf32>
      %abs3A_1847 = math.absf %get3A_1846 : vector<16xf32>
      %add3A_1848 = arith.addf %scan3A_1816, %abs3A_1847 : vector<16xf32>
      %get3A_1849 = arith.index_cast %scan3A_1811 : i32 to index
      %get3A_1850 = arith.constant 80 : index
      %get3A_1851 = tpu.vector_load %arg6[%get3A_1849, %get3A_1850] {strides = array<i32>} : memref<256x128xf32, #tpu.memory_space<vmem>>, vector<1x16xf32>,
      %get3A_1852 = vector.shape_cast %get3A_1851 : vector<1x16xf32> to vector<16xf32>
      %abs3A_1853 = math.absf %get3A_1852 : vector<16xf32>
      %add3A_1854 = arith.addf %scan3A_1817, %abs3A_1853 : vector<16xf32>
      %get3A_1855 = arith.index_cast %scan3A_1811 : i32 to index
      %get3A_1856 = arith.constant 96 : index
      %get3A_1857 = tpu.vector_load %arg6[%get3A_1855, %get3A_1856] {strides = array<i32>} : memref<256x128xf32, #tpu.memory_space<vmem>>, vector<1x16xf32>,
      %get3A_1858 = vector.shape_cast %get3A_1857 : vector<1x16xf32> to vector<16xf32>
      %abs3A_1859 = math.absf %get3A_1858 : vector<16xf32>
      %add3A_1860 = arith.addf %scan3A_1818, %abs3A_1859 : vector<16xf32>
      %get3A_1861 = arith.index_cast %scan3A_1811 : i32 to index
      %get3A_1862 = arith.constant 112 : index
      %get3A_1863 = tpu.vector_load %arg6[%get3A_1861, %get3A_1862] {strides = array<i32>} : memref<256x128xf32, #tpu.memory_space<vmem>>, vector<1x16xf32>,
      %get3A_1864 = vector.shape_cast %get3A_1863 : vector<1x16xf32> to vector<16xf32>
      %abs3A_1865 = math.absf %get3A_1864 : vector<16xf32>
      %add3A_1866 = arith.addf %scan3A_1819, %abs3A_1865 : vector<16xf32>
      scf.yield %add3A_1824, %add3A_1830, %add3A_1836, %add3A_1842, %add3A_1848, %add3A_1854, %add3A_1860, %add3A_1866 : vector<16xf32>, vector<16xf32>, vector<16xf32>, vector<16xf32>, vector<16xf32>, vector<16xf32>, vector<16xf32>, vector<16xf32>
    }
    %scan3A_968 = arith.constant 127 : i32
    %dma_wait3A_969 = arith.constant 128 : i32
    %dma_wait3A_970 = arith.constant 0 : i32
    %dma_wait3A_971 = tpu.memref_slice %arg6[%dma_wait3A_969, %dma_wait3A_970] : memref<256x128xf32, #tpu.memory_space<vmem>> -> memref<128x128xf32, #tpu.memory_space<vmem>>
    %dma_wait3A_972 = arith.constant 128 : i32
    %dma_wait3A_973 = tpu.memref_slice %arg2[%dma_wait3A_972, %add3A_454] : memref<256x16384xf32, #tpu.memory_space<hbm>> -> memref<128x128xf32, #tpu.memory_space<hbm>>
    %dma_wait3A_974 = arith.constant 128 : i32
    %dma_wait3A_975 = arith.constant 0 : i32
    %dma_wait3A_976 = tpu.memref_slice %arg6[%dma_wait3A_974, %dma_wait3A_975] : memref<256x128xf32, #tpu.memory_space<vmem>> -> memref<128x128xf32, #tpu.memory_space<vmem>>
    %dma_wait3A_977 = arith.constant 128 : i32
    %dma_wait3A_978 = tpu.memref_slice %arg2[%dma_wait3A_977, %add3A_454] : memref<256x16384xf32, #tpu.memory_space<hbm>> -> memref<128x128xf32, #tpu.memory_space<hbm>>
    tpu.wait_dma2 semaphore(%arg12 : memref<!tpu.dma_semaphore, #tpu.memory_space<semaphore_mem>>) src(%dma_wait3A_978 : memref<128x128xf32, #tpu.memory_space<hbm>>) dst(%dma_wait3A_976 : memref<128x128xf32, #tpu.memory_space<vmem>>)
    %scan3A_979 = arith.constant 128 : i32
    %scan3A_980 = arith.constant 128 : i32
    %scan3A_981 = arith.addi %scan3A_979, %scan3A_980 : i32
    %scan3A_982 = arith.constant 1 : i32
    %scan3A_983:8 = scf.for %scan3A_1811 = %scan3A_979 to %scan3A_981 step %scan3A_982 iter_args(%scan3A_1812 = %scan3A_967#0, %scan3A_1813 = %scan3A_967#1, %scan3A_1814 = %scan3A_967#2, %scan3A_1815 = %scan3A_967#3, %scan3A_1816 = %scan3A_967#4, %scan3A_1817 = %scan3A_967#5, %scan3A_1818 = %scan3A_967#6, %scan3A_1819 = %scan3A_967#7) -> (vector<16xf32>, vector<16xf32>, vector<16xf32>, vector<16xf32>, vector<16xf32>, vector<16xf32>, vector<16xf32>, vector<16xf32>)  : i32 {
      %get3A_1820 = arith.index_cast %scan3A_1811 : i32 to index
      %get3A_1821 = arith.constant 0 : index
      %get3A_1822 = tpu.vector_load %arg6[%get3A_1820, %get3A_1821] {strides = array<i32>} : memref<256x128xf32, #tpu.memory_space<vmem>>, vector<1x16xf32>,
      %get3A_1823 = vector.shape_cast %get3A_1822 : vector<1x16xf32> to vector<16xf32>
      %abs3A = math.absf %get3A_1823 : vector<16xf32>
      %add3A_1824 = arith.addf %scan3A_1812, %abs3A : vector<16xf32>
      %get3A_1825 = arith.index_cast %scan3A_1811 : i32 to index
      %get3A_1826 = arith.constant 16 : index
      %get3A_1827 = tpu.vector_load %arg6[%get3A_1825, %get3A_1826] {strides = array<i32>} : memref<256x128xf32, #tpu.memory_space<vmem>>, vector<1x16xf32>,
      %get3A_1828 = vector.shape_cast %get3A_1827 : vector<1x16xf32> to vector<16xf32>
      %abs3A_1829 = math.absf %get3A_1828 : vector<16xf32>
      %add3A_1830 = arith.addf %scan3A_1813, %abs3A_1829 : vector<16xf32>
      %get3A_1831 = arith.index_cast %scan3A_1811 : i32 to index
      %get3A_1832 = arith.constant 32 : index
      %get3A_1833 = tpu.vector_load %arg6[%get3A_1831, %get3A_1832] {strides = array<i32>} : memref<256x128xf32, #tpu.memory_space<vmem>>, vector<1x16xf32>,
      %get3A_1834 = vector.shape_cast %get3A_1833 : vector<1x16xf32> to vector<16xf32>
      %abs3A_1835 = math.absf %get3A_1834 : vector<16xf32>
      %add3A_1836 = arith.addf %scan3A_1814, %abs3A_1835 : vector<16xf32>
      %get3A_1837 = arith.index_cast %scan3A_1811 : i32 to index
      %get3A_1838 = arith.constant 48 : index
      %get3A_1839 = tpu.vector_load %arg6[%get3A_1837, %get3A_1838] {strides = array<i32>} : memref<256x128xf32, #tpu.memory_space<vmem>>, vector<1x16xf32>,
      %get3A_1840 = vector.shape_cast %get3A_1839 : vector<1x16xf32> to vector<16xf32>
      %abs3A_1841 = math.absf %get3A_1840 : vector<16xf32>
      %add3A_1842 = arith.addf %scan3A_1815, %abs3A_1841 : vector<16xf32>
      %get3A_1843 = arith.index_cast %scan3A_1811 : i32 to index
      %get3A_1844 = arith.constant 64 : index
      %get3A_1845 = tpu.vector_load %arg6[%get3A_1843, %get3A_1844] {strides = array<i32>} : memref<256x128xf32, #tpu.memory_space<vmem>>, vector<1x16xf32>,
      %get3A_1846 = vector.shape_cast %get3A_1845 : vector<1x16xf32> to vector<16xf32>
      %abs3A_1847 = math.absf %get3A_1846 : vector<16xf32>
      %add3A_1848 = arith.addf %scan3A_1816, %abs3A_1847 : vector<16xf32>
      %get3A_1849 = arith.index_cast %scan3A_1811 : i32 to index
      %get3A_1850 = arith.constant 80 : index
      %get3A_1851 = tpu.vector_load %arg6[%get3A_1849, %get3A_1850] {strides = array<i32>} : memref<256x128xf32, #tpu.memory_space<vmem>>, vector<1x16xf32>,
      %get3A_1852 = vector.shape_cast %get3A_1851 : vector<1x16xf32> to vector<16xf32>
      %abs3A_1853 = math.absf %get3A_1852 : vector<16xf32>
      %add3A_1854 = arith.addf %scan3A_1817, %abs3A_1853 : vector<16xf32>
      %get3A_1855 = arith.index_cast %scan3A_1811 : i32 to index
      %get3A_1856 = arith.constant 96 : index
      %get3A_1857 = tpu.vector_load %arg6[%get3A_1855, %get3A_1856] {strides = array<i32>} : memref<256x128xf32, #tpu.memory_space<vmem>>, vector<1x16xf32>,
      %get3A_1858 = vector.shape_cast %get3A_1857 : vector<1x16xf32> to vector<16xf32>
      %abs3A_1859 = math.absf %get3A_1858 : vector<16xf32>
      %add3A_1860 = arith.addf %scan3A_1818, %abs3A_1859 : vector<16xf32>
      %get3A_1861 = arith.index_cast %scan3A_1811 : i32 to index
      %get3A_1862 = arith.constant 112 : index
      %get3A_1863 = tpu.vector_load %arg6[%get3A_1861, %get3A_1862] {strides = array<i32>} : memref<256x128xf32, #tpu.memory_space<vmem>>, vector<1x16xf32>,
      %get3A_1864 = vector.shape_cast %get3A_1863 : vector<1x16xf32> to vector<16xf32>
      %abs3A_1865 = math.absf %get3A_1864 : vector<16xf32>
      %add3A_1866 = arith.addf %scan3A_1819, %abs3A_1865 : vector<16xf32>
      scf.yield %add3A_1824, %add3A_1830, %add3A_1836, %add3A_1842, %add3A_1848, %add3A_1854, %add3A_1860, %add3A_1866 : vector<16xf32>, vector<16xf32>, vector<16xf32>, vector<16xf32>, vector<16xf32>, vector<16xf32>, vector<16xf32>, vector<16xf32>
    }
    %scan3A_984 = arith.constant 128 : i32
    %get3A_985 = arith.constant 0 : i32
    %get3A_986 = arith.index_cast %get3A_985 : i32 to index
    %get3A_987 = arith.constant 0 : index
    %get3A_988 = tpu.vector_load %arg6[%get3A_986, %get3A_987] {strides = array<i32>} : memref<256x128xf32, #tpu.memory_space<vmem>>, vector<1x16xf32>,
    %get3A_989 = vector.shape_cast %get3A_988 : vector<1x16xf32> to vector<16xf32>
    %sub3A_990 = arith.subf %get3A_989, %scan3A_983#0 : vector<16xf32>
    %add3A_991 = arith.addf %get3A_989, %scan3A_983#0 : vector<16xf32>
    %le3A_992 = arith.constant 0.000000e+00 : f32
    %le3A_993 = vector.broadcast %le3A_992 : f32 to vector<16xf32>
    %le3A_994 = arith.cmpf ole, %sub3A_990, %le3A_993 : vector<16xf32>
    %ge3A_995 = arith.constant 0.000000e+00 : f32
    %ge3A_996 = vector.broadcast %ge3A_995 : f32 to vector<16xf32>
    %ge3A_997 = arith.cmpf oge, %add3A_991, %ge3A_996 : vector<16xf32>
    %and3A_998 = arith.andi %le3A_994, %ge3A_997 : vector<16xi1>
    %le3A_999 = arith.constant 0.000000e+00 : f32
    %le3A_1000 = vector.broadcast %le3A_999 : f32 to vector<16xf32>
    %le3A_1001 = arith.cmpf ole, %add3A_991, %le3A_1000 : vector<16xf32>
    %sub3A_1002 = arith.constant 1.000000e+00 : f32
    %sub3A_1003 = vector.broadcast %sub3A_1002 : f32 to vector<16xf32>
    %sub3A_1004 = arith.subf %sub3A_1003, %sub3A_990 : vector<16xf32>
    %jit3A_1005 = arith.constant 1.000000e+00 : f32
    %broadcast_in_dim3A_1006 = vector.broadcast %jit3A_1005 : f32 to vector<16xf32>
    %select_n3A_1007 = arith.select %and3A_998, %sub3A_1004, %broadcast_in_dim3A_1006 : vector<16xi1>, vector<16xf32>
    %jit3A_1008 = arith.constant 0.000000e+00 : f32
    %broadcast_in_dim3A_1009 = vector.broadcast %jit3A_1008 : f32 to vector<16xf32>
    %select_n3A_1010 = arith.select %le3A_1001, %broadcast_in_dim3A_1009, %select_n3A_1007 : vector<16xi1>, vector<16xf32>
    %mul3A_1011 = arith.mulf %sub3A_1004, %get3A_989 : vector<16xf32>
    %mul3A_1012 = arith.mulf %sub3A_1004, %sub3A_990 : vector<16xf32>
    %mul3A_1013 = arith.constant 5.000000e-01 : f32
    %mul3A_1014 = vector.broadcast %mul3A_1013 : f32 to vector<16xf32>
    %mul3A_1015 = arith.mulf %mul3A_1012, %mul3A_1014 : vector<16xf32>
    %sub3A_1016 = arith.subf %mul3A_1011, %mul3A_1015 : vector<16xf32>
    %select_n3A_1017 = arith.select %and3A_998, %sub3A_1016, %get3A_989 : vector<16xi1>, vector<16xf32>
    %jit3A_1018 = arith.constant 0.000000e+00 : f32
    %broadcast_in_dim3A_1019 = vector.broadcast %jit3A_1018 : f32 to vector<16xf32>
    %select_n3A_1020 = arith.select %le3A_1001, %broadcast_in_dim3A_1019, %select_n3A_1017 : vector<16xi1>, vector<16xf32>
    %get3A_1021 = arith.constant 0 : i32
    %get3A_1022 = arith.index_cast %get3A_1021 : i32 to index
    %get3A_1023 = arith.constant 16 : index
    %get3A_1024 = tpu.vector_load %arg6[%get3A_1022, %get3A_1023] {strides = array<i32>} : memref<256x128xf32, #tpu.memory_space<vmem>>, vector<1x16xf32>,
    %get3A_1025 = vector.shape_cast %get3A_1024 : vector<1x16xf32> to vector<16xf32>
    %sub3A_1026 = arith.subf %get3A_1025, %scan3A_983#1 : vector<16xf32>
    %add3A_1027 = arith.addf %get3A_1025, %scan3A_983#1 : vector<16xf32>
    %le3A_1028 = arith.constant 0.000000e+00 : f32
    %le3A_1029 = vector.broadcast %le3A_1028 : f32 to vector<16xf32>
    %le3A_1030 = arith.cmpf ole, %sub3A_1026, %le3A_1029 : vector<16xf32>
    %ge3A_1031 = arith.constant 0.000000e+00 : f32
    %ge3A_1032 = vector.broadcast %ge3A_1031 : f32 to vector<16xf32>
    %ge3A_1033 = arith.cmpf oge, %add3A_1027, %ge3A_1032 : vector<16xf32>
    %and3A_1034 = arith.andi %le3A_1030, %ge3A_1033 : vector<16xi1>
    %le3A_1035 = arith.constant 0.000000e+00 : f32
    %le3A_1036 = vector.broadcast %le3A_1035 : f32 to vector<16xf32>
    %le3A_1037 = arith.cmpf ole, %add3A_1027, %le3A_1036 : vector<16xf32>
    %sub3A_1038 = arith.constant 1.000000e+00 : f32
    %sub3A_1039 = vector.broadcast %sub3A_1038 : f32 to vector<16xf32>
    %sub3A_1040 = arith.subf %sub3A_1039, %sub3A_1026 : vector<16xf32>
    %jit3A_1041 = arith.constant 1.000000e+00 : f32
    %broadcast_in_dim3A_1042 = vector.broadcast %jit3A_1041 : f32 to vector<16xf32>
    %select_n3A_1043 = arith.select %and3A_1034, %sub3A_1040, %broadcast_in_dim3A_1042 : vector<16xi1>, vector<16xf32>
    %jit3A_1044 = arith.constant 0.000000e+00 : f32
    %broadcast_in_dim3A_1045 = vector.broadcast %jit3A_1044 : f32 to vector<16xf32>
    %select_n3A_1046 = arith.select %le3A_1037, %broadcast_in_dim3A_1045, %select_n3A_1043 : vector<16xi1>, vector<16xf32>
    %mul3A_1047 = arith.mulf %sub3A_1040, %get3A_1025 : vector<16xf32>
    %mul3A_1048 = arith.mulf %sub3A_1040, %sub3A_1026 : vector<16xf32>
    %mul3A_1049 = arith.constant 5.000000e-01 : f32
    %mul3A_1050 = vector.broadcast %mul3A_1049 : f32 to vector<16xf32>
    %mul3A_1051 = arith.mulf %mul3A_1048, %mul3A_1050 : vector<16xf32>
    %sub3A_1052 = arith.subf %mul3A_1047, %mul3A_1051 : vector<16xf32>
    %select_n3A_1053 = arith.select %and3A_1034, %sub3A_1052, %get3A_1025 : vector<16xi1>, vector<16xf32>
    %jit3A_1054 = arith.constant 0.000000e+00 : f32
    %broadcast_in_dim3A_1055 = vector.broadcast %jit3A_1054 : f32 to vector<16xf32>
    %select_n3A_1056 = arith.select %le3A_1037, %broadcast_in_dim3A_1055, %select_n3A_1053 : vector<16xi1>, vector<16xf32>
    %get3A_1057 = arith.constant 0 : i32
    %get3A_1058 = arith.index_cast %get3A_1057 : i32 to index
    %get3A_1059 = arith.constant 32 : index
    %get3A_1060 = tpu.vector_load %arg6[%get3A_1058, %get3A_1059] {strides = array<i32>} : memref<256x128xf32, #tpu.memory_space<vmem>>, vector<1x16xf32>,
    %get3A_1061 = vector.shape_cast %get3A_1060 : vector<1x16xf32> to vector<16xf32>
    %sub3A_1062 = arith.subf %get3A_1061, %scan3A_983#2 : vector<16xf32>
    %add3A_1063 = arith.addf %get3A_1061, %scan3A_983#2 : vector<16xf32>
    %le3A_1064 = arith.constant 0.000000e+00 : f32
    %le3A_1065 = vector.broadcast %le3A_1064 : f32 to vector<16xf32>
    %le3A_1066 = arith.cmpf ole, %sub3A_1062, %le3A_1065 : vector<16xf32>
    %ge3A_1067 = arith.constant 0.000000e+00 : f32
    %ge3A_1068 = vector.broadcast %ge3A_1067 : f32 to vector<16xf32>
    %ge3A_1069 = arith.cmpf oge, %add3A_1063, %ge3A_1068 : vector<16xf32>
    %and3A_1070 = arith.andi %le3A_1066, %ge3A_1069 : vector<16xi1>
    %le3A_1071 = arith.constant 0.000000e+00 : f32
    %le3A_1072 = vector.broadcast %le3A_1071 : f32 to vector<16xf32>
    %le3A_1073 = arith.cmpf ole, %add3A_1063, %le3A_1072 : vector<16xf32>
    %sub3A_1074 = arith.constant 1.000000e+00 : f32
    %sub3A_1075 = vector.broadcast %sub3A_1074 : f32 to vector<16xf32>
    %sub3A_1076 = arith.subf %sub3A_1075, %sub3A_1062 : vector<16xf32>
    %jit3A_1077 = arith.constant 1.000000e+00 : f32
    %broadcast_in_dim3A_1078 = vector.broadcast %jit3A_1077 : f32 to vector<16xf32>
    %select_n3A_1079 = arith.select %and3A_1070, %sub3A_1076, %broadcast_in_dim3A_1078 : vector<16xi1>, vector<16xf32>
    %jit3A_1080 = arith.constant 0.000000e+00 : f32
    %broadcast_in_dim3A_1081 = vector.broadcast %jit3A_1080 : f32 to vector<16xf32>
    %select_n3A_1082 = arith.select %le3A_1073, %broadcast_in_dim3A_1081, %select_n3A_1079 : vector<16xi1>, vector<16xf32>
    %mul3A_1083 = arith.mulf %sub3A_1076, %get3A_1061 : vector<16xf32>
    %mul3A_1084 = arith.mulf %sub3A_1076, %sub3A_1062 : vector<16xf32>
    %mul3A_1085 = arith.constant 5.000000e-01 : f32
    %mul3A_1086 = vector.broadcast %mul3A_1085 : f32 to vector<16xf32>
    %mul3A_1087 = arith.mulf %mul3A_1084, %mul3A_1086 : vector<16xf32>
    %sub3A_1088 = arith.subf %mul3A_1083, %mul3A_1087 : vector<16xf32>
    %select_n3A_1089 = arith.select %and3A_1070, %sub3A_1088, %get3A_1061 : vector<16xi1>, vector<16xf32>
    %jit3A_1090 = arith.constant 0.000000e+00 : f32
    %broadcast_in_dim3A_1091 = vector.broadcast %jit3A_1090 : f32 to vector<16xf32>
    %select_n3A_1092 = arith.select %le3A_1073, %broadcast_in_dim3A_1091, %select_n3A_1089 : vector<16xi1>, vector<16xf32>
    %get3A_1093 = arith.constant 0 : i32
    %get3A_1094 = arith.index_cast %get3A_1093 : i32 to index
    %get3A_1095 = arith.constant 48 : index
    %get3A_1096 = tpu.vector_load %arg6[%get3A_1094, %get3A_1095] {strides = array<i32>} : memref<256x128xf32, #tpu.memory_space<vmem>>, vector<1x16xf32>,
    %get3A_1097 = vector.shape_cast %get3A_1096 : vector<1x16xf32> to vector<16xf32>
    %sub3A_1098 = arith.subf %get3A_1097, %scan3A_983#3 : vector<16xf32>
    %add3A_1099 = arith.addf %get3A_1097, %scan3A_983#3 : vector<16xf32>
    %le3A_1100 = arith.constant 0.000000e+00 : f32
    %le3A_1101 = vector.broadcast %le3A_1100 : f32 to vector<16xf32>
    %le3A_1102 = arith.cmpf ole, %sub3A_1098, %le3A_1101 : vector<16xf32>
    %ge3A_1103 = arith.constant 0.000000e+00 : f32
    %ge3A_1104 = vector.broadcast %ge3A_1103 : f32 to vector<16xf32>
    %ge3A_1105 = arith.cmpf oge, %add3A_1099, %ge3A_1104 : vector<16xf32>
    %and3A_1106 = arith.andi %le3A_1102, %ge3A_1105 : vector<16xi1>
    %le3A_1107 = arith.constant 0.000000e+00 : f32
    %le3A_1108 = vector.broadcast %le3A_1107 : f32 to vector<16xf32>
    %le3A_1109 = arith.cmpf ole, %add3A_1099, %le3A_1108 : vector<16xf32>
    %sub3A_1110 = arith.constant 1.000000e+00 : f32
    %sub3A_1111 = vector.broadcast %sub3A_1110 : f32 to vector<16xf32>
    %sub3A_1112 = arith.subf %sub3A_1111, %sub3A_1098 : vector<16xf32>
    %jit3A_1113 = arith.constant 1.000000e+00 : f32
    %broadcast_in_dim3A_1114 = vector.broadcast %jit3A_1113 : f32 to vector<16xf32>
    %select_n3A_1115 = arith.select %and3A_1106, %sub3A_1112, %broadcast_in_dim3A_1114 : vector<16xi1>, vector<16xf32>
    %jit3A_1116 = arith.constant 0.000000e+00 : f32
    %broadcast_in_dim3A_1117 = vector.broadcast %jit3A_1116 : f32 to vector<16xf32>
    %select_n3A_1118 = arith.select %le3A_1109, %broadcast_in_dim3A_1117, %select_n3A_1115 : vector<16xi1>, vector<16xf32>
    %mul3A_1119 = arith.mulf %sub3A_1112, %get3A_1097 : vector<16xf32>
    %mul3A_1120 = arith.mulf %sub3A_1112, %sub3A_1098 : vector<16xf32>
    %mul3A_1121 = arith.constant 5.000000e-01 : f32
    %mul3A_1122 = vector.broadcast %mul3A_1121 : f32 to vector<16xf32>
    %mul3A_1123 = arith.mulf %mul3A_1120, %mul3A_1122 : vector<16xf32>
    %sub3A_1124 = arith.subf %mul3A_1119, %mul3A_1123 : vector<16xf32>
    %select_n3A_1125 = arith.select %and3A_1106, %sub3A_1124, %get3A_1097 : vector<16xi1>, vector<16xf32>
    %jit3A_1126 = arith.constant 0.000000e+00 : f32
    %broadcast_in_dim3A_1127 = vector.broadcast %jit3A_1126 : f32 to vector<16xf32>
    %select_n3A_1128 = arith.select %le3A_1109, %broadcast_in_dim3A_1127, %select_n3A_1125 : vector<16xi1>, vector<16xf32>
    %get3A_1129 = arith.constant 0 : i32
    %get3A_1130 = arith.index_cast %get3A_1129 : i32 to index
    %get3A_1131 = arith.constant 64 : index
    %get3A_1132 = tpu.vector_load %arg6[%get3A_1130, %get3A_1131] {strides = array<i32>} : memref<256x128xf32, #tpu.memory_space<vmem>>, vector<1x16xf32>,
    %get3A_1133 = vector.shape_cast %get3A_1132 : vector<1x16xf32> to vector<16xf32>
    %sub3A_1134 = arith.subf %get3A_1133, %scan3A_983#4 : vector<16xf32>
    %add3A_1135 = arith.addf %get3A_1133, %scan3A_983#4 : vector<16xf32>
    %le3A_1136 = arith.constant 0.000000e+00 : f32
    %le3A_1137 = vector.broadcast %le3A_1136 : f32 to vector<16xf32>
    %le3A_1138 = arith.cmpf ole, %sub3A_1134, %le3A_1137 : vector<16xf32>
    %ge3A_1139 = arith.constant 0.000000e+00 : f32
    %ge3A_1140 = vector.broadcast %ge3A_1139 : f32 to vector<16xf32>
    %ge3A_1141 = arith.cmpf oge, %add3A_1135, %ge3A_1140 : vector<16xf32>
    %and3A_1142 = arith.andi %le3A_1138, %ge3A_1141 : vector<16xi1>
    %le3A_1143 = arith.constant 0.000000e+00 : f32
    %le3A_1144 = vector.broadcast %le3A_1143 : f32 to vector<16xf32>
    %le3A_1145 = arith.cmpf ole, %add3A_1135, %le3A_1144 : vector<16xf32>
    %sub3A_1146 = arith.constant 1.000000e+00 : f32
    %sub3A_1147 = vector.broadcast %sub3A_1146 : f32 to vector<16xf32>
    %sub3A_1148 = arith.subf %sub3A_1147, %sub3A_1134 : vector<16xf32>
    %jit3A_1149 = arith.constant 1.000000e+00 : f32
    %broadcast_in_dim3A_1150 = vector.broadcast %jit3A_1149 : f32 to vector<16xf32>
    %select_n3A_1151 = arith.select %and3A_1142, %sub3A_1148, %broadcast_in_dim3A_1150 : vector<16xi1>, vector<16xf32>
    %jit3A_1152 = arith.constant 0.000000e+00 : f32
    %broadcast_in_dim3A_1153 = vector.broadcast %jit3A_1152 : f32 to vector<16xf32>
    %select_n3A_1154 = arith.select %le3A_1145, %broadcast_in_dim3A_1153, %select_n3A_1151 : vector<16xi1>, vector<16xf32>
    %mul3A_1155 = arith.mulf %sub3A_1148, %get3A_1133 : vector<16xf32>
    %mul3A_1156 = arith.mulf %sub3A_1148, %sub3A_1134 : vector<16xf32>
    %mul3A_1157 = arith.constant 5.000000e-01 : f32
    %mul3A_1158 = vector.broadcast %mul3A_1157 : f32 to vector<16xf32>
    %mul3A_1159 = arith.mulf %mul3A_1156, %mul3A_1158 : vector<16xf32>
    %sub3A_1160 = arith.subf %mul3A_1155, %mul3A_1159 : vector<16xf32>
    %select_n3A_1161 = arith.select %and3A_1142, %sub3A_1160, %get3A_1133 : vector<16xi1>, vector<16xf32>
    %jit3A_1162 = arith.constant 0.000000e+00 : f32
    %broadcast_in_dim3A_1163 = vector.broadcast %jit3A_1162 : f32 to vector<16xf32>
    %select_n3A_1164 = arith.select %le3A_1145, %broadcast_in_dim3A_1163, %select_n3A_1161 : vector<16xi1>, vector<16xf32>
    %get3A_1165 = arith.constant 0 : i32
    %get3A_1166 = arith.index_cast %get3A_1165 : i32 to index
    %get3A_1167 = arith.constant 80 : index
    %get3A_1168 = tpu.vector_load %arg6[%get3A_1166, %get3A_1167] {strides = array<i32>} : memref<256x128xf32, #tpu.memory_space<vmem>>, vector<1x16xf32>,
    %get3A_1169 = vector.shape_cast %get3A_1168 : vector<1x16xf32> to vector<16xf32>
    %sub3A_1170 = arith.subf %get3A_1169, %scan3A_983#5 : vector<16xf32>
    %add3A_1171 = arith.addf %get3A_1169, %scan3A_983#5 : vector<16xf32>
    %le3A_1172 = arith.constant 0.000000e+00 : f32
    %le3A_1173 = vector.broadcast %le3A_1172 : f32 to vector<16xf32>
    %le3A_1174 = arith.cmpf ole, %sub3A_1170, %le3A_1173 : vector<16xf32>
    %ge3A_1175 = arith.constant 0.000000e+00 : f32
    %ge3A_1176 = vector.broadcast %ge3A_1175 : f32 to vector<16xf32>
    %ge3A_1177 = arith.cmpf oge, %add3A_1171, %ge3A_1176 : vector<16xf32>
    %and3A_1178 = arith.andi %le3A_1174, %ge3A_1177 : vector<16xi1>
    %le3A_1179 = arith.constant 0.000000e+00 : f32
    %le3A_1180 = vector.broadcast %le3A_1179 : f32 to vector<16xf32>
    %le3A_1181 = arith.cmpf ole, %add3A_1171, %le3A_1180 : vector<16xf32>
    %sub3A_1182 = arith.constant 1.000000e+00 : f32
    %sub3A_1183 = vector.broadcast %sub3A_1182 : f32 to vector<16xf32>
    %sub3A_1184 = arith.subf %sub3A_1183, %sub3A_1170 : vector<16xf32>
    %jit3A_1185 = arith.constant 1.000000e+00 : f32
    %broadcast_in_dim3A_1186 = vector.broadcast %jit3A_1185 : f32 to vector<16xf32>
    %select_n3A_1187 = arith.select %and3A_1178, %sub3A_1184, %broadcast_in_dim3A_1186 : vector<16xi1>, vector<16xf32>
    %jit3A_1188 = arith.constant 0.000000e+00 : f32
    %broadcast_in_dim3A_1189 = vector.broadcast %jit3A_1188 : f32 to vector<16xf32>
    %select_n3A_1190 = arith.select %le3A_1181, %broadcast_in_dim3A_1189, %select_n3A_1187 : vector<16xi1>, vector<16xf32>
    %mul3A_1191 = arith.mulf %sub3A_1184, %get3A_1169 : vector<16xf32>
    %mul3A_1192 = arith.mulf %sub3A_1184, %sub3A_1170 : vector<16xf32>
    %mul3A_1193 = arith.constant 5.000000e-01 : f32
    %mul3A_1194 = vector.broadcast %mul3A_1193 : f32 to vector<16xf32>
    %mul3A_1195 = arith.mulf %mul3A_1192, %mul3A_1194 : vector<16xf32>
    %sub3A_1196 = arith.subf %mul3A_1191, %mul3A_1195 : vector<16xf32>
    %select_n3A_1197 = arith.select %and3A_1178, %sub3A_1196, %get3A_1169 : vector<16xi1>, vector<16xf32>
    %jit3A_1198 = arith.constant 0.000000e+00 : f32
    %broadcast_in_dim3A_1199 = vector.broadcast %jit3A_1198 : f32 to vector<16xf32>
    %select_n3A_1200 = arith.select %le3A_1181, %broadcast_in_dim3A_1199, %select_n3A_1197 : vector<16xi1>, vector<16xf32>
    %get3A_1201 = arith.constant 0 : i32
    %get3A_1202 = arith.index_cast %get3A_1201 : i32 to index
    %get3A_1203 = arith.constant 96 : index
    %get3A_1204 = tpu.vector_load %arg6[%get3A_1202, %get3A_1203] {strides = array<i32>} : memref<256x128xf32, #tpu.memory_space<vmem>>, vector<1x16xf32>,
    %get3A_1205 = vector.shape_cast %get3A_1204 : vector<1x16xf32> to vector<16xf32>
    %sub3A_1206 = arith.subf %get3A_1205, %scan3A_983#6 : vector<16xf32>
    %add3A_1207 = arith.addf %get3A_1205, %scan3A_983#6 : vector<16xf32>
    %le3A_1208 = arith.constant 0.000000e+00 : f32
    %le3A_1209 = vector.broadcast %le3A_1208 : f32 to vector<16xf32>
    %le3A_1210 = arith.cmpf ole, %sub3A_1206, %le3A_1209 : vector<16xf32>
    %ge3A_1211 = arith.constant 0.000000e+00 : f32
    %ge3A_1212 = vector.broadcast %ge3A_1211 : f32 to vector<16xf32>
    %ge3A_1213 = arith.cmpf oge, %add3A_1207, %ge3A_1212 : vector<16xf32>
    %and3A_1214 = arith.andi %le3A_1210, %ge3A_1213 : vector<16xi1>
    %le3A_1215 = arith.constant 0.000000e+00 : f32
    %le3A_1216 = vector.broadcast %le3A_1215 : f32 to vector<16xf32>
    %le3A_1217 = arith.cmpf ole, %add3A_1207, %le3A_1216 : vector<16xf32>
    %sub3A_1218 = arith.constant 1.000000e+00 : f32
    %sub3A_1219 = vector.broadcast %sub3A_1218 : f32 to vector<16xf32>
    %sub3A_1220 = arith.subf %sub3A_1219, %sub3A_1206 : vector<16xf32>
    %jit3A_1221 = arith.constant 1.000000e+00 : f32
    %broadcast_in_dim3A_1222 = vector.broadcast %jit3A_1221 : f32 to vector<16xf32>
    %select_n3A_1223 = arith.select %and3A_1214, %sub3A_1220, %broadcast_in_dim3A_1222 : vector<16xi1>, vector<16xf32>
    %jit3A_1224 = arith.constant 0.000000e+00 : f32
    %broadcast_in_dim3A_1225 = vector.broadcast %jit3A_1224 : f32 to vector<16xf32>
    %select_n3A_1226 = arith.select %le3A_1217, %broadcast_in_dim3A_1225, %select_n3A_1223 : vector<16xi1>, vector<16xf32>
    %mul3A_1227 = arith.mulf %sub3A_1220, %get3A_1205 : vector<16xf32>
    %mul3A_1228 = arith.mulf %sub3A_1220, %sub3A_1206 : vector<16xf32>
    %mul3A_1229 = arith.constant 5.000000e-01 : f32
    %mul3A_1230 = vector.broadcast %mul3A_1229 : f32 to vector<16xf32>
    %mul3A_1231 = arith.mulf %mul3A_1228, %mul3A_1230 : vector<16xf32>
    %sub3A_1232 = arith.subf %mul3A_1227, %mul3A_1231 : vector<16xf32>
    %select_n3A_1233 = arith.select %and3A_1214, %sub3A_1232, %get3A_1205 : vector<16xi1>, vector<16xf32>
    %jit3A_1234 = arith.constant 0.000000e+00 : f32
    %broadcast_in_dim3A_1235 = vector.broadcast %jit3A_1234 : f32 to vector<16xf32>
    %select_n3A_1236 = arith.select %le3A_1217, %broadcast_in_dim3A_1235, %select_n3A_1233 : vector<16xi1>, vector<16xf32>
    %get3A_1237 = arith.constant 0 : i32
    %get3A_1238 = arith.index_cast %get3A_1237 : i32 to index
    %get3A_1239 = arith.constant 112 : index
    %get3A_1240 = tpu.vector_load %arg6[%get3A_1238, %get3A_1239] {strides = array<i32>} : memref<256x128xf32, #tpu.memory_space<vmem>>, vector<1x16xf32>,
    %get3A_1241 = vector.shape_cast %get3A_1240 : vector<1x16xf32> to vector<16xf32>
    %sub3A_1242 = arith.subf %get3A_1241, %scan3A_983#7 : vector<16xf32>
    %add3A_1243 = arith.addf %get3A_1241, %scan3A_983#7 : vector<16xf32>
    %le3A_1244 = arith.constant 0.000000e+00 : f32
    %le3A_1245 = vector.broadcast %le3A_1244 : f32 to vector<16xf32>
    %le3A_1246 = arith.cmpf ole, %sub3A_1242, %le3A_1245 : vector<16xf32>
    %ge3A_1247 = arith.constant 0.000000e+00 : f32
    %ge3A_1248 = vector.broadcast %ge3A_1247 : f32 to vector<16xf32>
    %ge3A_1249 = arith.cmpf oge, %add3A_1243, %ge3A_1248 : vector<16xf32>
    %and3A_1250 = arith.andi %le3A_1246, %ge3A_1249 : vector<16xi1>
    %le3A_1251 = arith.constant 0.000000e+00 : f32
    %le3A_1252 = vector.broadcast %le3A_1251 : f32 to vector<16xf32>
    %le3A_1253 = arith.cmpf ole, %add3A_1243, %le3A_1252 : vector<16xf32>
    %sub3A_1254 = arith.constant 1.000000e+00 : f32
    %sub3A_1255 = vector.broadcast %sub3A_1254 : f32 to vector<16xf32>
    %sub3A_1256 = arith.subf %sub3A_1255, %sub3A_1242 : vector<16xf32>
    %jit3A_1257 = arith.constant 1.000000e+00 : f32
    %broadcast_in_dim3A_1258 = vector.broadcast %jit3A_1257 : f32 to vector<16xf32>
    %select_n3A_1259 = arith.select %and3A_1250, %sub3A_1256, %broadcast_in_dim3A_1258 : vector<16xi1>, vector<16xf32>
    %jit3A_1260 = arith.constant 0.000000e+00 : f32
    %broadcast_in_dim3A_1261 = vector.broadcast %jit3A_1260 : f32 to vector<16xf32>
    %select_n3A_1262 = arith.select %le3A_1253, %broadcast_in_dim3A_1261, %select_n3A_1259 : vector<16xi1>, vector<16xf32>
    %mul3A_1263 = arith.mulf %sub3A_1256, %get3A_1241 : vector<16xf32>
    %mul3A_1264 = arith.mulf %sub3A_1256, %sub3A_1242 : vector<16xf32>
    %mul3A_1265 = arith.constant 5.000000e-01 : f32
    %mul3A_1266 = vector.broadcast %mul3A_1265 : f32 to vector<16xf32>
    %mul3A_1267 = arith.mulf %mul3A_1264, %mul3A_1266 : vector<16xf32>
    %sub3A_1268 = arith.subf %mul3A_1263, %mul3A_1267 : vector<16xf32>
    %select_n3A_1269 = arith.select %and3A_1250, %sub3A_1268, %get3A_1241 : vector<16xi1>, vector<16xf32>
    %jit3A_1270 = arith.constant 0.000000e+00 : f32
    %broadcast_in_dim3A_1271 = vector.broadcast %jit3A_1270 : f32 to vector<16xf32>
    %select_n3A_1272 = arith.select %le3A_1253, %broadcast_in_dim3A_1271, %select_n3A_1269 : vector<16xi1>, vector<16xf32>
    %scan3A_1273 = arith.constant 0 : i32
    %scan3A_1274 = arith.constant 1 : i32
    %scan3A_1275 = arith.constant 127 : i32
    %scan3A_1276 = arith.addi %scan3A_1274, %scan3A_1275 : i32
    %scan3A_1277 = arith.constant 1 : i32
    scf.for %scan3A_1811 = %scan3A_1274 to %scan3A_1276 step %scan3A_1277  : i32 {
      %get3A_1812 = arith.index_cast %scan3A_1811 : i32 to index
      %get3A_1813 = arith.constant 0 : index
      %get3A_1814 = tpu.vector_load %arg6[%get3A_1812, %get3A_1813] {strides = array<i32>} : memref<256x128xf32, #tpu.memory_space<vmem>>, vector<1x16xf32>,
      %get3A_1815 = vector.shape_cast %get3A_1814 : vector<1x16xf32> to vector<16xf32>
      %mul3A_1816 = arith.mulf %get3A_1815, %select_n3A_1010 : vector<16xf32>
      %swap3A_1817 = arith.index_cast %scan3A_1811 : i32 to index
      %swap3A_1818 = arith.constant 0 : index
      %swap3A_1819 = tpu.vector_load %arg6[%swap3A_1817, %swap3A_1818] {strides = array<i32>} : memref<256x128xf32, #tpu.memory_space<vmem>>, vector<1x16xf32>,
      %swap3A_1820 = vector.shape_cast %swap3A_1819 : vector<1x16xf32> to vector<16xf32>
      %swap3A_1821 = vector.shape_cast %mul3A_1816 : vector<16xf32> to vector<1x16xf32>
      tpu.vector_store %arg6[%swap3A_1817, %swap3A_1818], %swap3A_1821 {strides = array<i32>} : memref<256x128xf32, #tpu.memory_space<vmem>>, vector<1x16xf32>,
      %get3A_1822 = arith.index_cast %scan3A_1811 : i32 to index
      %get3A_1823 = arith.constant 16 : index
      %get3A_1824 = tpu.vector_load %arg6[%get3A_1822, %get3A_1823] {strides = array<i32>} : memref<256x128xf32, #tpu.memory_space<vmem>>, vector<1x16xf32>,
      %get3A_1825 = vector.shape_cast %get3A_1824 : vector<1x16xf32> to vector<16xf32>
      %mul3A_1826 = arith.mulf %get3A_1825, %select_n3A_1046 : vector<16xf32>
      %swap3A_1827 = arith.index_cast %scan3A_1811 : i32 to index
      %swap3A_1828 = arith.constant 16 : index
      %swap3A_1829 = tpu.vector_load %arg6[%swap3A_1827, %swap3A_1828] {strides = array<i32>} : memref<256x128xf32, #tpu.memory_space<vmem>>, vector<1x16xf32>,
      %swap3A_1830 = vector.shape_cast %swap3A_1829 : vector<1x16xf32> to vector<16xf32>
      %swap3A_1831 = vector.shape_cast %mul3A_1826 : vector<16xf32> to vector<1x16xf32>
      tpu.vector_store %arg6[%swap3A_1827, %swap3A_1828], %swap3A_1831 {strides = array<i32>} : memref<256x128xf32, #tpu.memory_space<vmem>>, vector<1x16xf32>,
      %get3A_1832 = arith.index_cast %scan3A_1811 : i32 to index
      %get3A_1833 = arith.constant 32 : index
      %get3A_1834 = tpu.vector_load %arg6[%get3A_1832, %get3A_1833] {strides = array<i32>} : memref<256x128xf32, #tpu.memory_space<vmem>>, vector<1x16xf32>,
      %get3A_1835 = vector.shape_cast %get3A_1834 : vector<1x16xf32> to vector<16xf32>
      %mul3A_1836 = arith.mulf %get3A_1835, %select_n3A_1082 : vector<16xf32>
      %swap3A_1837 = arith.index_cast %scan3A_1811 : i32 to index
      %swap3A_1838 = arith.constant 32 : index
      %swap3A_1839 = tpu.vector_load %arg6[%swap3A_1837, %swap3A_1838] {strides = array<i32>} : memref<256x128xf32, #tpu.memory_space<vmem>>, vector<1x16xf32>,
      %swap3A_1840 = vector.shape_cast %swap3A_1839 : vector<1x16xf32> to vector<16xf32>
      %swap3A_1841 = vector.shape_cast %mul3A_1836 : vector<16xf32> to vector<1x16xf32>
      tpu.vector_store %arg6[%swap3A_1837, %swap3A_1838], %swap3A_1841 {strides = array<i32>} : memref<256x128xf32, #tpu.memory_space<vmem>>, vector<1x16xf32>,
      %get3A_1842 = arith.index_cast %scan3A_1811 : i32 to index
      %get3A_1843 = arith.constant 48 : index
      %get3A_1844 = tpu.vector_load %arg6[%get3A_1842, %get3A_1843] {strides = array<i32>} : memref<256x128xf32, #tpu.memory_space<vmem>>, vector<1x16xf32>,
      %get3A_1845 = vector.shape_cast %get3A_1844 : vector<1x16xf32> to vector<16xf32>
      %mul3A_1846 = arith.mulf %get3A_1845, %select_n3A_1118 : vector<16xf32>
      %swap3A_1847 = arith.index_cast %scan3A_1811 : i32 to index
      %swap3A_1848 = arith.constant 48 : index
      %swap3A_1849 = tpu.vector_load %arg6[%swap3A_1847, %swap3A_1848] {strides = array<i32>} : memref<256x128xf32, #tpu.memory_space<vmem>>, vector<1x16xf32>,
      %swap3A_1850 = vector.shape_cast %swap3A_1849 : vector<1x16xf32> to vector<16xf32>
      %swap3A_1851 = vector.shape_cast %mul3A_1846 : vector<16xf32> to vector<1x16xf32>
      tpu.vector_store %arg6[%swap3A_1847, %swap3A_1848], %swap3A_1851 {strides = array<i32>} : memref<256x128xf32, #tpu.memory_space<vmem>>, vector<1x16xf32>,
      %get3A_1852 = arith.index_cast %scan3A_1811 : i32 to index
      %get3A_1853 = arith.constant 64 : index
      %get3A_1854 = tpu.vector_load %arg6[%get3A_1852, %get3A_1853] {strides = array<i32>} : memref<256x128xf32, #tpu.memory_space<vmem>>, vector<1x16xf32>,
      %get3A_1855 = vector.shape_cast %get3A_1854 : vector<1x16xf32> to vector<16xf32>
      %mul3A_1856 = arith.mulf %get3A_1855, %select_n3A_1154 : vector<16xf32>
      %swap3A_1857 = arith.index_cast %scan3A_1811 : i32 to index
      %swap3A_1858 = arith.constant 64 : index
      %swap3A_1859 = tpu.vector_load %arg6[%swap3A_1857, %swap3A_1858] {strides = array<i32>} : memref<256x128xf32, #tpu.memory_space<vmem>>, vector<1x16xf32>,
      %swap3A_1860 = vector.shape_cast %swap3A_1859 : vector<1x16xf32> to vector<16xf32>
      %swap3A_1861 = vector.shape_cast %mul3A_1856 : vector<16xf32> to vector<1x16xf32>
      tpu.vector_store %arg6[%swap3A_1857, %swap3A_1858], %swap3A_1861 {strides = array<i32>} : memref<256x128xf32, #tpu.memory_space<vmem>>, vector<1x16xf32>,
      %get3A_1862 = arith.index_cast %scan3A_1811 : i32 to index
      %get3A_1863 = arith.constant 80 : index
      %get3A_1864 = tpu.vector_load %arg6[%get3A_1862, %get3A_1863] {strides = array<i32>} : memref<256x128xf32, #tpu.memory_space<vmem>>, vector<1x16xf32>,
      %get3A_1865 = vector.shape_cast %get3A_1864 : vector<1x16xf32> to vector<16xf32>
      %mul3A_1866 = arith.mulf %get3A_1865, %select_n3A_1190 : vector<16xf32>
      %swap3A_1867 = arith.index_cast %scan3A_1811 : i32 to index
      %swap3A_1868 = arith.constant 80 : index
      %swap3A_1869 = tpu.vector_load %arg6[%swap3A_1867, %swap3A_1868] {strides = array<i32>} : memref<256x128xf32, #tpu.memory_space<vmem>>, vector<1x16xf32>,
      %swap3A_1870 = vector.shape_cast %swap3A_1869 : vector<1x16xf32> to vector<16xf32>
      %swap3A_1871 = vector.shape_cast %mul3A_1866 : vector<16xf32> to vector<1x16xf32>
      tpu.vector_store %arg6[%swap3A_1867, %swap3A_1868], %swap3A_1871 {strides = array<i32>} : memref<256x128xf32, #tpu.memory_space<vmem>>, vector<1x16xf32>,
      %get3A_1872 = arith.index_cast %scan3A_1811 : i32 to index
      %get3A_1873 = arith.constant 96 : index
      %get3A_1874 = tpu.vector_load %arg6[%get3A_1872, %get3A_1873] {strides = array<i32>} : memref<256x128xf32, #tpu.memory_space<vmem>>, vector<1x16xf32>,
      %get3A_1875 = vector.shape_cast %get3A_1874 : vector<1x16xf32> to vector<16xf32>
      %mul3A_1876 = arith.mulf %get3A_1875, %select_n3A_1226 : vector<16xf32>
      %swap3A_1877 = arith.index_cast %scan3A_1811 : i32 to index
      %swap3A_1878 = arith.constant 96 : index
      %swap3A_1879 = tpu.vector_load %arg6[%swap3A_1877, %swap3A_1878] {strides = array<i32>} : memref<256x128xf32, #tpu.memory_space<vmem>>, vector<1x16xf32>,
      %swap3A_1880 = vector.shape_cast %swap3A_1879 : vector<1x16xf32> to vector<16xf32>
      %swap3A_1881 = vector.shape_cast %mul3A_1876 : vector<16xf32> to vector<1x16xf32>
      tpu.vector_store %arg6[%swap3A_1877, %swap3A_1878], %swap3A_1881 {strides = array<i32>} : memref<256x128xf32, #tpu.memory_space<vmem>>, vector<1x16xf32>,
      %get3A_1882 = arith.index_cast %scan3A_1811 : i32 to index
      %get3A_1883 = arith.constant 112 : index
      %get3A_1884 = tpu.vector_load %arg6[%get3A_1882, %get3A_1883] {strides = array<i32>} : memref<256x128xf32, #tpu.memory_space<vmem>>, vector<1x16xf32>,
      %get3A_1885 = vector.shape_cast %get3A_1884 : vector<1x16xf32> to vector<16xf32>
      %mul3A_1886 = arith.mulf %get3A_1885, %select_n3A_1262 : vector<16xf32>
      %swap3A_1887 = arith.index_cast %scan3A_1811 : i32 to index
      %swap3A_1888 = arith.constant 112 : index
      %swap3A_1889 = tpu.vector_load %arg6[%swap3A_1887, %swap3A_1888] {strides = array<i32>} : memref<256x128xf32, #tpu.memory_space<vmem>>, vector<1x16xf32>,
      %swap3A_1890 = vector.shape_cast %swap3A_1889 : vector<1x16xf32> to vector<16xf32>
      %swap3A_1891 = vector.shape_cast %mul3A_1886 : vector<16xf32> to vector<1x16xf32>
      tpu.vector_store %arg6[%swap3A_1887, %swap3A_1888], %swap3A_1891 {strides = array<i32>} : memref<256x128xf32, #tpu.memory_space<vmem>>, vector<1x16xf32>,
    }
    %scan3A_1278 = arith.constant 127 : i32
    %swap3A_1279 = arith.constant 0 : i32
    %swap3A_1280 = arith.index_cast %swap3A_1279 : i32 to index
    %swap3A_1281 = arith.constant 0 : index
    %swap3A_1282 = tpu.vector_load %arg6[%swap3A_1280, %swap3A_1281] {strides = array<i32>} : memref<256x128xf32, #tpu.memory_space<vmem>>, vector<1x16xf32>,
    %swap3A_1283 = vector.shape_cast %swap3A_1282 : vector<1x16xf32> to vector<16xf32>
    %swap3A_1284 = vector.shape_cast %select_n3A_1020 : vector<16xf32> to vector<1x16xf32>
    tpu.vector_store %arg6[%swap3A_1280, %swap3A_1281], %swap3A_1284 {strides = array<i32>} : memref<256x128xf32, #tpu.memory_space<vmem>>, vector<1x16xf32>,
    %swap3A_1285 = arith.constant 0 : i32
    %swap3A_1286 = arith.index_cast %swap3A_1285 : i32 to index
    %swap3A_1287 = arith.constant 16 : index
    %swap3A_1288 = tpu.vector_load %arg6[%swap3A_1286, %swap3A_1287] {strides = array<i32>} : memref<256x128xf32, #tpu.memory_space<vmem>>, vector<1x16xf32>,
    %swap3A_1289 = vector.shape_cast %swap3A_1288 : vector<1x16xf32> to vector<16xf32>
    %swap3A_1290 = vector.shape_cast %select_n3A_1056 : vector<16xf32> to vector<1x16xf32>
    tpu.vector_store %arg6[%swap3A_1286, %swap3A_1287], %swap3A_1290 {strides = array<i32>} : memref<256x128xf32, #tpu.memory_space<vmem>>, vector<1x16xf32>,
    %swap3A_1291 = arith.constant 0 : i32
    %swap3A_1292 = arith.index_cast %swap3A_1291 : i32 to index
    %swap3A_1293 = arith.constant 32 : index
    %swap3A_1294 = tpu.vector_load %arg6[%swap3A_1292, %swap3A_1293] {strides = array<i32>} : memref<256x128xf32, #tpu.memory_space<vmem>>, vector<1x16xf32>,
    %swap3A_1295 = vector.shape_cast %swap3A_1294 : vector<1x16xf32> to vector<16xf32>
    %swap3A_1296 = vector.shape_cast %select_n3A_1092 : vector<16xf32> to vector<1x16xf32>
    tpu.vector_store %arg6[%swap3A_1292, %swap3A_1293], %swap3A_1296 {strides = array<i32>} : memref<256x128xf32, #tpu.memory_space<vmem>>, vector<1x16xf32>,
    %swap3A_1297 = arith.constant 0 : i32
    %swap3A_1298 = arith.index_cast %swap3A_1297 : i32 to index
    %swap3A_1299 = arith.constant 48 : index
    %swap3A_1300 = tpu.vector_load %arg6[%swap3A_1298, %swap3A_1299] {strides = array<i32>} : memref<256x128xf32, #tpu.memory_space<vmem>>, vector<1x16xf32>,
    %swap3A_1301 = vector.shape_cast %swap3A_1300 : vector<1x16xf32> to vector<16xf32>
    %swap3A_1302 = vector.shape_cast %select_n3A_1128 : vector<16xf32> to vector<1x16xf32>
    tpu.vector_store %arg6[%swap3A_1298, %swap3A_1299], %swap3A_1302 {strides = array<i32>} : memref<256x128xf32, #tpu.memory_space<vmem>>, vector<1x16xf32>,
    %swap3A_1303 = arith.constant 0 : i32
    %swap3A_1304 = arith.index_cast %swap3A_1303 : i32 to index
    %swap3A_1305 = arith.constant 64 : index
    %swap3A_1306 = tpu.vector_load %arg6[%swap3A_1304, %swap3A_1305] {strides = array<i32>} : memref<256x128xf32, #tpu.memory_space<vmem>>, vector<1x16xf32>,
    %swap3A_1307 = vector.shape_cast %swap3A_1306 : vector<1x16xf32> to vector<16xf32>
    %swap3A_1308 = vector.shape_cast %select_n3A_1164 : vector<16xf32> to vector<1x16xf32>
    tpu.vector_store %arg6[%swap3A_1304, %swap3A_1305], %swap3A_1308 {strides = array<i32>} : memref<256x128xf32, #tpu.memory_space<vmem>>, vector<1x16xf32>,
    %swap3A_1309 = arith.constant 0 : i32
    %swap3A_1310 = arith.index_cast %swap3A_1309 : i32 to index
    %swap3A_1311 = arith.constant 80 : index
    %swap3A_1312 = tpu.vector_load %arg6[%swap3A_1310, %swap3A_1311] {strides = array<i32>} : memref<256x128xf32, #tpu.memory_space<vmem>>, vector<1x16xf32>,
    %swap3A_1313 = vector.shape_cast %swap3A_1312 : vector<1x16xf32> to vector<16xf32>
    %swap3A_1314 = vector.shape_cast %select_n3A_1200 : vector<16xf32> to vector<1x16xf32>
    tpu.vector_store %arg6[%swap3A_1310, %swap3A_1311], %swap3A_1314 {strides = array<i32>} : memref<256x128xf32, #tpu.memory_space<vmem>>, vector<1x16xf32>,
    %swap3A_1315 = arith.constant 0 : i32
    %swap3A_1316 = arith.index_cast %swap3A_1315 : i32 to index
    %swap3A_1317 = arith.constant 96 : index
    %swap3A_1318 = tpu.vector_load %arg6[%swap3A_1316, %swap3A_1317] {strides = array<i32>} : memref<256x128xf32, #tpu.memory_space<vmem>>, vector<1x16xf32>,
    %swap3A_1319 = vector.shape_cast %swap3A_1318 : vector<1x16xf32> to vector<16xf32>
    %swap3A_1320 = vector.shape_cast %select_n3A_1236 : vector<16xf32> to vector<1x16xf32>
    tpu.vector_store %arg6[%swap3A_1316, %swap3A_1317], %swap3A_1320 {strides = array<i32>} : memref<256x128xf32, #tpu.memory_space<vmem>>, vector<1x16xf32>,
    %swap3A_1321 = arith.constant 0 : i32
    %swap3A_1322 = arith.index_cast %swap3A_1321 : i32 to index
    %swap3A_1323 = arith.constant 112 : index
    %swap3A_1324 = tpu.vector_load %arg6[%swap3A_1322, %swap3A_1323] {strides = array<i32>} : memref<256x128xf32, #tpu.memory_space<vmem>>, vector<1x16xf32>,
    %swap3A_1325 = vector.shape_cast %swap3A_1324 : vector<1x16xf32> to vector<16xf32>
    %swap3A_1326 = vector.shape_cast %select_n3A_1272 : vector<16xf32> to vector<1x16xf32>
    tpu.vector_store %arg6[%swap3A_1322, %swap3A_1323], %swap3A_1326 {strides = array<i32>} : memref<256x128xf32, #tpu.memory_space<vmem>>, vector<1x16xf32>,
    %dma_start3A_1327 = arith.constant 0 : i32
    %dma_start3A_1328 = arith.constant 0 : i32
    %dma_start3A_1329 = tpu.memref_slice %arg6[%dma_start3A_1327, %dma_start3A_1328] : memref<256x128xf32, #tpu.memory_space<vmem>> -> memref<128x128xf32, #tpu.memory_space<vmem>>
    %dma_start3A_1330 = arith.constant 0 : i32
    %dma_start3A_1331 = tpu.memref_slice %arg3[%dma_start3A_1330, %add3A_936] : memref<256x16384xf32, #tpu.memory_space<hbm>> -> memref<128x128xf32, #tpu.memory_space<hbm>>
    %dma_start3A_1332 = arith.constant 0 : i32
    %dma_start3A_1333 = tpu.memref_slice %arg3[%dma_start3A_1332, %add3A_936] : memref<256x16384xf32, #tpu.memory_space<hbm>> -> memref<128x128xf32, #tpu.memory_space<hbm>>
    %dma_start3A_1334 = arith.constant 0 : i32
    %dma_start3A_1335 = arith.constant 0 : i32
    %dma_start3A_1336 = tpu.memref_slice %arg6[%dma_start3A_1334, %dma_start3A_1335] : memref<256x128xf32, #tpu.memory_space<vmem>> -> memref<128x128xf32, #tpu.memory_space<vmem>>
    tpu.enqueue_dma source(%dma_start3A_1336 : memref<128x128xf32, #tpu.memory_space<vmem>>) target(%dma_start3A_1333 : memref<128x128xf32, #tpu.memory_space<hbm>>) target_semaphore(%arg15 : memref<!tpu.dma_semaphore, #tpu.memory_space<semaphore_mem>>)
    %scan3A_1337 = arith.constant 0 : i32
    %scan3A_1338 = arith.constant 128 : i32
    %scan3A_1339 = arith.constant 128 : i32
    %scan3A_1340 = arith.addi %scan3A_1338, %scan3A_1339 : i32
    %scan3A_1341 = arith.constant 1 : i32
    scf.for %scan3A_1811 = %scan3A_1338 to %scan3A_1340 step %scan3A_1341  : i32 {
      %get3A_1812 = arith.index_cast %scan3A_1811 : i32 to index
      %get3A_1813 = arith.constant 0 : index
      %get3A_1814 = tpu.vector_load %arg6[%get3A_1812, %get3A_1813] {strides = array<i32>} : memref<256x128xf32, #tpu.memory_space<vmem>>, vector<1x16xf32>,
      %get3A_1815 = vector.shape_cast %get3A_1814 : vector<1x16xf32> to vector<16xf32>
      %mul3A_1816 = arith.mulf %get3A_1815, %select_n3A_1010 : vector<16xf32>
      %swap3A_1817 = arith.index_cast %scan3A_1811 : i32 to index
      %swap3A_1818 = arith.constant 0 : index
      %swap3A_1819 = tpu.vector_load %arg6[%swap3A_1817, %swap3A_1818] {strides = array<i32>} : memref<256x128xf32, #tpu.memory_space<vmem>>, vector<1x16xf32>,
      %swap3A_1820 = vector.shape_cast %swap3A_1819 : vector<1x16xf32> to vector<16xf32>
      %swap3A_1821 = vector.shape_cast %mul3A_1816 : vector<16xf32> to vector<1x16xf32>
      tpu.vector_store %arg6[%swap3A_1817, %swap3A_1818], %swap3A_1821 {strides = array<i32>} : memref<256x128xf32, #tpu.memory_space<vmem>>, vector<1x16xf32>,
      %get3A_1822 = arith.index_cast %scan3A_1811 : i32 to index
      %get3A_1823 = arith.constant 16 : index
      %get3A_1824 = tpu.vector_load %arg6[%get3A_1822, %get3A_1823] {strides = array<i32>} : memref<256x128xf32, #tpu.memory_space<vmem>>, vector<1x16xf32>,
      %get3A_1825 = vector.shape_cast %get3A_1824 : vector<1x16xf32> to vector<16xf32>
      %mul3A_1826 = arith.mulf %get3A_1825, %select_n3A_1046 : vector<16xf32>
      %swap3A_1827 = arith.index_cast %scan3A_1811 : i32 to index
      %swap3A_1828 = arith.constant 16 : index
      %swap3A_1829 = tpu.vector_load %arg6[%swap3A_1827, %swap3A_1828] {strides = array<i32>} : memref<256x128xf32, #tpu.memory_space<vmem>>, vector<1x16xf32>,
      %swap3A_1830 = vector.shape_cast %swap3A_1829 : vector<1x16xf32> to vector<16xf32>
      %swap3A_1831 = vector.shape_cast %mul3A_1826 : vector<16xf32> to vector<1x16xf32>
      tpu.vector_store %arg6[%swap3A_1827, %swap3A_1828], %swap3A_1831 {strides = array<i32>} : memref<256x128xf32, #tpu.memory_space<vmem>>, vector<1x16xf32>,
      %get3A_1832 = arith.index_cast %scan3A_1811 : i32 to index
      %get3A_1833 = arith.constant 32 : index
      %get3A_1834 = tpu.vector_load %arg6[%get3A_1832, %get3A_1833] {strides = array<i32>} : memref<256x128xf32, #tpu.memory_space<vmem>>, vector<1x16xf32>,
      %get3A_1835 = vector.shape_cast %get3A_1834 : vector<1x16xf32> to vector<16xf32>
      %mul3A_1836 = arith.mulf %get3A_1835, %select_n3A_1082 : vector<16xf32>
      %swap3A_1837 = arith.index_cast %scan3A_1811 : i32 to index
      %swap3A_1838 = arith.constant 32 : index
      %swap3A_1839 = tpu.vector_load %arg6[%swap3A_1837, %swap3A_1838] {strides = array<i32>} : memref<256x128xf32, #tpu.memory_space<vmem>>, vector<1x16xf32>,
      %swap3A_1840 = vector.shape_cast %swap3A_1839 : vector<1x16xf32> to vector<16xf32>
      %swap3A_1841 = vector.shape_cast %mul3A_1836 : vector<16xf32> to vector<1x16xf32>
      tpu.vector_store %arg6[%swap3A_1837, %swap3A_1838], %swap3A_1841 {strides = array<i32>} : memref<256x128xf32, #tpu.memory_space<vmem>>, vector<1x16xf32>,
      %get3A_1842 = arith.index_cast %scan3A_1811 : i32 to index
      %get3A_1843 = arith.constant 48 : index
      %get3A_1844 = tpu.vector_load %arg6[%get3A_1842, %get3A_1843] {strides = array<i32>} : memref<256x128xf32, #tpu.memory_space<vmem>>, vector<1x16xf32>,
      %get3A_1845 = vector.shape_cast %get3A_1844 : vector<1x16xf32> to vector<16xf32>
      %mul3A_1846 = arith.mulf %get3A_1845, %select_n3A_1118 : vector<16xf32>
      %swap3A_1847 = arith.index_cast %scan3A_1811 : i32 to index
      %swap3A_1848 = arith.constant 48 : index
      %swap3A_1849 = tpu.vector_load %arg6[%swap3A_1847, %swap3A_1848] {strides = array<i32>} : memref<256x128xf32, #tpu.memory_space<vmem>>, vector<1x16xf32>,
      %swap3A_1850 = vector.shape_cast %swap3A_1849 : vector<1x16xf32> to vector<16xf32>
      %swap3A_1851 = vector.shape_cast %mul3A_1846 : vector<16xf32> to vector<1x16xf32>
      tpu.vector_store %arg6[%swap3A_1847, %swap3A_1848], %swap3A_1851 {strides = array<i32>} : memref<256x128xf32, #tpu.memory_space<vmem>>, vector<1x16xf32>,
      %get3A_1852 = arith.index_cast %scan3A_1811 : i32 to index
      %get3A_1853 = arith.constant 64 : index
      %get3A_1854 = tpu.vector_load %arg6[%get3A_1852, %get3A_1853] {strides = array<i32>} : memref<256x128xf32, #tpu.memory_space<vmem>>, vector<1x16xf32>,
      %get3A_1855 = vector.shape_cast %get3A_1854 : vector<1x16xf32> to vector<16xf32>
      %mul3A_1856 = arith.mulf %get3A_1855, %select_n3A_1154 : vector<16xf32>
      %swap3A_1857 = arith.index_cast %scan3A_1811 : i32 to index
      %swap3A_1858 = arith.constant 64 : index
      %swap3A_1859 = tpu.vector_load %arg6[%swap3A_1857, %swap3A_1858] {strides = array<i32>} : memref<256x128xf32, #tpu.memory_space<vmem>>, vector<1x16xf32>,
      %swap3A_1860 = vector.shape_cast %swap3A_1859 : vector<1x16xf32> to vector<16xf32>
      %swap3A_1861 = vector.shape_cast %mul3A_1856 : vector<16xf32> to vector<1x16xf32>
      tpu.vector_store %arg6[%swap3A_1857, %swap3A_1858], %swap3A_1861 {strides = array<i32>} : memref<256x128xf32, #tpu.memory_space<vmem>>, vector<1x16xf32>,
      %get3A_1862 = arith.index_cast %scan3A_1811 : i32 to index
      %get3A_1863 = arith.constant 80 : index
      %get3A_1864 = tpu.vector_load %arg6[%get3A_1862, %get3A_1863] {strides = array<i32>} : memref<256x128xf32, #tpu.memory_space<vmem>>, vector<1x16xf32>,
      %get3A_1865 = vector.shape_cast %get3A_1864 : vector<1x16xf32> to vector<16xf32>
      %mul3A_1866 = arith.mulf %get3A_1865, %select_n3A_1190 : vector<16xf32>
      %swap3A_1867 = arith.index_cast %scan3A_1811 : i32 to index
      %swap3A_1868 = arith.constant 80 : index
      %swap3A_1869 = tpu.vector_load %arg6[%swap3A_1867, %swap3A_1868] {strides = array<i32>} : memref<256x128xf32, #tpu.memory_space<vmem>>, vector<1x16xf32>,
      %swap3A_1870 = vector.shape_cast %swap3A_1869 : vector<1x16xf32> to vector<16xf32>
      %swap3A_1871 = vector.shape_cast %mul3A_1866 : vector<16xf32> to vector<1x16xf32>
      tpu.vector_store %arg6[%swap3A_1867, %swap3A_1868], %swap3A_1871 {strides = array<i32>} : memref<256x128xf32, #tpu.memory_space<vmem>>, vector<1x16xf32>,
      %get3A_1872 = arith.index_cast %scan3A_1811 : i32 to index
      %get3A_1873 = arith.constant 96 : index
      %get3A_1874 = tpu.vector_load %arg6[%get3A_1872, %get3A_1873] {strides = array<i32>} : memref<256x128xf32, #tpu.memory_space<vmem>>, vector<1x16xf32>,
      %get3A_1875 = vector.shape_cast %get3A_1874 : vector<1x16xf32> to vector<16xf32>
      %mul3A_1876 = arith.mulf %get3A_1875, %select_n3A_1226 : vector<16xf32>
      %swap3A_1877 = arith.index_cast %scan3A_1811 : i32 to index
      %swap3A_1878 = arith.constant 96 : index
      %swap3A_1879 = tpu.vector_load %arg6[%swap3A_1877, %swap3A_1878] {strides = array<i32>} : memref<256x128xf32, #tpu.memory_space<vmem>>, vector<1x16xf32>,
      %swap3A_1880 = vector.shape_cast %swap3A_1879 : vector<1x16xf32> to vector<16xf32>
      %swap3A_1881 = vector.shape_cast %mul3A_1876 : vector<16xf32> to vector<1x16xf32>
      tpu.vector_store %arg6[%swap3A_1877, %swap3A_1878], %swap3A_1881 {strides = array<i32>} : memref<256x128xf32, #tpu.memory_space<vmem>>, vector<1x16xf32>,
      %get3A_1882 = arith.index_cast %scan3A_1811 : i32 to index
      %get3A_1883 = arith.constant 112 : index
      %get3A_1884 = tpu.vector_load %arg6[%get3A_1882, %get3A_1883] {strides = array<i32>} : memref<256x128xf32, #tpu.memory_space<vmem>>, vector<1x16xf32>,
      %get3A_1885 = vector.shape_cast %get3A_1884 : vector<1x16xf32> to vector<16xf32>
      %mul3A_1886 = arith.mulf %get3A_1885, %select_n3A_1262 : vector<16xf32>
      %swap3A_1887 = arith.index_cast %scan3A_1811 : i32 to index
      %swap3A_1888 = arith.constant 112 : index
      %swap3A_1889 = tpu.vector_load %arg6[%swap3A_1887, %swap3A_1888] {strides = array<i32>} : memref<256x128xf32, #tpu.memory_space<vmem>>, vector<1x16xf32>,
      %swap3A_1890 = vector.shape_cast %swap3A_1889 : vector<1x16xf32> to vector<16xf32>
      %swap3A_1891 = vector.shape_cast %mul3A_1886 : vector<16xf32> to vector<1x16xf32>
      tpu.vector_store %arg6[%swap3A_1887, %swap3A_1888], %swap3A_1891 {strides = array<i32>} : memref<256x128xf32, #tpu.memory_space<vmem>>, vector<1x16xf32>,
    }
    %scan3A_1342 = arith.constant 128 : i32
    %dma_start3A_1343 = arith.constant 128 : i32
    %dma_start3A_1344 = arith.constant 0 : i32
    %dma_start3A_1345 = tpu.memref_slice %arg6[%dma_start3A_1343, %dma_start3A_1344] : memref<256x128xf32, #tpu.memory_space<vmem>> -> memref<128x128xf32, #tpu.memory_space<vmem>>
    %dma_start3A_1346 = arith.constant 128 : i32
    %dma_start3A_1347 = tpu.memref_slice %arg3[%dma_start3A_1346, %add3A_936] : memref<256x16384xf32, #tpu.memory_space<hbm>> -> memref<128x128xf32, #tpu.memory_space<hbm>>
    %dma_start3A_1348 = arith.constant 128 : i32
    %dma_start3A_1349 = tpu.memref_slice %arg3[%dma_start3A_1348, %add3A_936] : memref<256x16384xf32, #tpu.memory_space<hbm>> -> memref<128x128xf32, #tpu.memory_space<hbm>>
    %dma_start3A_1350 = arith.constant 128 : i32
    %dma_start3A_1351 = arith.constant 0 : i32
    %dma_start3A_1352 = tpu.memref_slice %arg6[%dma_start3A_1350, %dma_start3A_1351] : memref<256x128xf32, #tpu.memory_space<vmem>> -> memref<128x128xf32, #tpu.memory_space<vmem>>
    tpu.enqueue_dma source(%dma_start3A_1352 : memref<128x128xf32, #tpu.memory_space<vmem>>) target(%dma_start3A_1349 : memref<128x128xf32, #tpu.memory_space<hbm>>) target_semaphore(%arg18 : memref<!tpu.dma_semaphore, #tpu.memory_space<semaphore_mem>>)
    %add3A_1353 = arith.constant 384 : i32
    %add3A_1354 = arith.addi %mul3A_2, %add3A_1353 : i32
    %dma_wait3A_1355 = arith.constant 0 : i32
    %dma_wait3A_1356 = arith.constant 0 : i32
    %dma_wait3A_1357 = tpu.memref_slice %arg4[%dma_wait3A_1355, %dma_wait3A_1356] : memref<256x128xf32, #tpu.memory_space<vmem>> -> memref<128x128xf32, #tpu.memory_space<vmem>>
    %dma_wait3A_1358 = arith.constant 0 : i32
    %dma_wait3A_1359 = tpu.memref_slice %arg2[%dma_wait3A_1358, %add3A_914] : memref<256x16384xf32, #tpu.memory_space<hbm>> -> memref<128x128xf32, #tpu.memory_space<hbm>>
    %dma_wait3A_1360 = arith.constant 0 : i32
    %dma_wait3A_1361 = arith.constant 0 : i32
    %dma_wait3A_1362 = tpu.memref_slice %arg4[%dma_wait3A_1360, %dma_wait3A_1361] : memref<256x128xf32, #tpu.memory_space<vmem>> -> memref<128x128xf32, #tpu.memory_space<vmem>>
    %dma_wait3A_1363 = arith.constant 0 : i32
    %dma_wait3A_1364 = tpu.memref_slice %arg2[%dma_wait3A_1363, %add3A_914] : memref<256x16384xf32, #tpu.memory_space<hbm>> -> memref<128x128xf32, #tpu.memory_space<hbm>>
    tpu.wait_dma2 semaphore(%arg7 : memref<!tpu.dma_semaphore, #tpu.memory_space<semaphore_mem>>) src(%dma_wait3A_1364 : memref<128x128xf32, #tpu.memory_space<hbm>>) dst(%dma_wait3A_1362 : memref<128x128xf32, #tpu.memory_space<vmem>>)
    %broadcast_in_dim3A_1365 = arith.constant 0.000000e+00 : f32
    %broadcast_in_dim3A_1366 = vector.broadcast %broadcast_in_dim3A_1365 : f32 to vector<16xf32>
    %broadcast_in_dim3A_1367 = arith.constant 0.000000e+00 : f32
    %broadcast_in_dim3A_1368 = vector.broadcast %broadcast_in_dim3A_1367 : f32 to vector<16xf32>
    %broadcast_in_dim3A_1369 = arith.constant 0.000000e+00 : f32
    %broadcast_in_dim3A_1370 = vector.broadcast %broadcast_in_dim3A_1369 : f32 to vector<16xf32>
    %broadcast_in_dim3A_1371 = arith.constant 0.000000e+00 : f32
    %broadcast_in_dim3A_1372 = vector.broadcast %broadcast_in_dim3A_1371 : f32 to vector<16xf32>
    %broadcast_in_dim3A_1373 = arith.constant 0.000000e+00 : f32
    %broadcast_in_dim3A_1374 = vector.broadcast %broadcast_in_dim3A_1373 : f32 to vector<16xf32>
    %broadcast_in_dim3A_1375 = arith.constant 0.000000e+00 : f32
    %broadcast_in_dim3A_1376 = vector.broadcast %broadcast_in_dim3A_1375 : f32 to vector<16xf32>
    %broadcast_in_dim3A_1377 = arith.constant 0.000000e+00 : f32
    %broadcast_in_dim3A_1378 = vector.broadcast %broadcast_in_dim3A_1377 : f32 to vector<16xf32>
    %broadcast_in_dim3A_1379 = arith.constant 0.000000e+00 : f32
    %broadcast_in_dim3A_1380 = vector.broadcast %broadcast_in_dim3A_1379 : f32 to vector<16xf32>
    %scan3A_1381 = arith.constant 1 : i32
    %scan3A_1382 = arith.constant 127 : i32
    %scan3A_1383 = arith.addi %scan3A_1381, %scan3A_1382 : i32
    %scan3A_1384 = arith.constant 1 : i32
    %scan3A_1385:8 = scf.for %scan3A_1811 = %scan3A_1381 to %scan3A_1383 step %scan3A_1384 iter_args(%scan3A_1812 = %broadcast_in_dim3A_1366, %scan3A_1813 = %broadcast_in_dim3A_1368, %scan3A_1814 = %broadcast_in_dim3A_1370, %scan3A_1815 = %broadcast_in_dim3A_1372, %scan3A_1816 = %broadcast_in_dim3A_1374, %scan3A_1817 = %broadcast_in_dim3A_1376, %scan3A_1818 = %broadcast_in_dim3A_1378, %scan3A_1819 = %broadcast_in_dim3A_1380) -> (vector<16xf32>, vector<16xf32>, vector<16xf32>, vector<16xf32>, vector<16xf32>, vector<16xf32>, vector<16xf32>, vector<16xf32>)  : i32 {
      %get3A_1820 = arith.index_cast %scan3A_1811 : i32 to index
      %get3A_1821 = arith.constant 0 : index
      %get3A_1822 = tpu.vector_load %arg4[%get3A_1820, %get3A_1821] {strides = array<i32>} : memref<256x128xf32, #tpu.memory_space<vmem>>, vector<1x16xf32>,
      %get3A_1823 = vector.shape_cast %get3A_1822 : vector<1x16xf32> to vector<16xf32>
      %abs3A = math.absf %get3A_1823 : vector<16xf32>
      %add3A_1824 = arith.addf %scan3A_1812, %abs3A : vector<16xf32>
      %get3A_1825 = arith.index_cast %scan3A_1811 : i32 to index
      %get3A_1826 = arith.constant 16 : index
      %get3A_1827 = tpu.vector_load %arg4[%get3A_1825, %get3A_1826] {strides = array<i32>} : memref<256x128xf32, #tpu.memory_space<vmem>>, vector<1x16xf32>,
      %get3A_1828 = vector.shape_cast %get3A_1827 : vector<1x16xf32> to vector<16xf32>
      %abs3A_1829 = math.absf %get3A_1828 : vector<16xf32>
      %add3A_1830 = arith.addf %scan3A_1813, %abs3A_1829 : vector<16xf32>
      %get3A_1831 = arith.index_cast %scan3A_1811 : i32 to index
      %get3A_1832 = arith.constant 32 : index
      %get3A_1833 = tpu.vector_load %arg4[%get3A_1831, %get3A_1832] {strides = array<i32>} : memref<256x128xf32, #tpu.memory_space<vmem>>, vector<1x16xf32>,
      %get3A_1834 = vector.shape_cast %get3A_1833 : vector<1x16xf32> to vector<16xf32>
      %abs3A_1835 = math.absf %get3A_1834 : vector<16xf32>
      %add3A_1836 = arith.addf %scan3A_1814, %abs3A_1835 : vector<16xf32>
      %get3A_1837 = arith.index_cast %scan3A_1811 : i32 to index
      %get3A_1838 = arith.constant 48 : index
      %get3A_1839 = tpu.vector_load %arg4[%get3A_1837, %get3A_1838] {strides = array<i32>} : memref<256x128xf32, #tpu.memory_space<vmem>>, vector<1x16xf32>,
      %get3A_1840 = vector.shape_cast %get3A_1839 : vector<1x16xf32> to vector<16xf32>
      %abs3A_1841 = math.absf %get3A_1840 : vector<16xf32>
      %add3A_1842 = arith.addf %scan3A_1815, %abs3A_1841 : vector<16xf32>
      %get3A_1843 = arith.index_cast %scan3A_1811 : i32 to index
      %get3A_1844 = arith.constant 64 : index
      %get3A_1845 = tpu.vector_load %arg4[%get3A_1843, %get3A_1844] {strides = array<i32>} : memref<256x128xf32, #tpu.memory_space<vmem>>, vector<1x16xf32>,
      %get3A_1846 = vector.shape_cast %get3A_1845 : vector<1x16xf32> to vector<16xf32>
      %abs3A_1847 = math.absf %get3A_1846 : vector<16xf32>
      %add3A_1848 = arith.addf %scan3A_1816, %abs3A_1847 : vector<16xf32>
      %get3A_1849 = arith.index_cast %scan3A_1811 : i32 to index
      %get3A_1850 = arith.constant 80 : index
      %get3A_1851 = tpu.vector_load %arg4[%get3A_1849, %get3A_1850] {strides = array<i32>} : memref<256x128xf32, #tpu.memory_space<vmem>>, vector<1x16xf32>,
      %get3A_1852 = vector.shape_cast %get3A_1851 : vector<1x16xf32> to vector<16xf32>
      %abs3A_1853 = math.absf %get3A_1852 : vector<16xf32>
      %add3A_1854 = arith.addf %scan3A_1817, %abs3A_1853 : vector<16xf32>
      %get3A_1855 = arith.index_cast %scan3A_1811 : i32 to index
      %get3A_1856 = arith.constant 96 : index
      %get3A_1857 = tpu.vector_load %arg4[%get3A_1855, %get3A_1856] {strides = array<i32>} : memref<256x128xf32, #tpu.memory_space<vmem>>, vector<1x16xf32>,
      %get3A_1858 = vector.shape_cast %get3A_1857 : vector<1x16xf32> to vector<16xf32>
      %abs3A_1859 = math.absf %get3A_1858 : vector<16xf32>
      %add3A_1860 = arith.addf %scan3A_1818, %abs3A_1859 : vector<16xf32>
      %get3A_1861 = arith.index_cast %scan3A_1811 : i32 to index
      %get3A_1862 = arith.constant 112 : index
      %get3A_1863 = tpu.vector_load %arg4[%get3A_1861, %get3A_1862] {strides = array<i32>} : memref<256x128xf32, #tpu.memory_space<vmem>>, vector<1x16xf32>,
      %get3A_1864 = vector.shape_cast %get3A_1863 : vector<1x16xf32> to vector<16xf32>
      %abs3A_1865 = math.absf %get3A_1864 : vector<16xf32>
      %add3A_1866 = arith.addf %scan3A_1819, %abs3A_1865 : vector<16xf32>
      scf.yield %add3A_1824, %add3A_1830, %add3A_1836, %add3A_1842, %add3A_1848, %add3A_1854, %add3A_1860, %add3A_1866 : vector<16xf32>, vector<16xf32>, vector<16xf32>, vector<16xf32>, vector<16xf32>, vector<16xf32>, vector<16xf32>, vector<16xf32>
    }
    %scan3A_1386 = arith.constant 127 : i32
    %dma_wait3A_1387 = arith.constant 128 : i32
    %dma_wait3A_1388 = arith.constant 0 : i32
    %dma_wait3A_1389 = tpu.memref_slice %arg4[%dma_wait3A_1387, %dma_wait3A_1388] : memref<256x128xf32, #tpu.memory_space<vmem>> -> memref<128x128xf32, #tpu.memory_space<vmem>>
    %dma_wait3A_1390 = arith.constant 128 : i32
    %dma_wait3A_1391 = tpu.memref_slice %arg2[%dma_wait3A_1390, %add3A_914] : memref<256x16384xf32, #tpu.memory_space<hbm>> -> memref<128x128xf32, #tpu.memory_space<hbm>>
    %dma_wait3A_1392 = arith.constant 128 : i32
    %dma_wait3A_1393 = arith.constant 0 : i32
    %dma_wait3A_1394 = tpu.memref_slice %arg4[%dma_wait3A_1392, %dma_wait3A_1393] : memref<256x128xf32, #tpu.memory_space<vmem>> -> memref<128x128xf32, #tpu.memory_space<vmem>>
    %dma_wait3A_1395 = arith.constant 128 : i32
    %dma_wait3A_1396 = tpu.memref_slice %arg2[%dma_wait3A_1395, %add3A_914] : memref<256x16384xf32, #tpu.memory_space<hbm>> -> memref<128x128xf32, #tpu.memory_space<hbm>>
    tpu.wait_dma2 semaphore(%arg10 : memref<!tpu.dma_semaphore, #tpu.memory_space<semaphore_mem>>) src(%dma_wait3A_1396 : memref<128x128xf32, #tpu.memory_space<hbm>>) dst(%dma_wait3A_1394 : memref<128x128xf32, #tpu.memory_space<vmem>>)
    %scan3A_1397 = arith.constant 128 : i32
    %scan3A_1398 = arith.constant 128 : i32
    %scan3A_1399 = arith.addi %scan3A_1397, %scan3A_1398 : i32
    %scan3A_1400 = arith.constant 1 : i32
    %scan3A_1401:8 = scf.for %scan3A_1811 = %scan3A_1397 to %scan3A_1399 step %scan3A_1400 iter_args(%scan3A_1812 = %scan3A_1385#0, %scan3A_1813 = %scan3A_1385#1, %scan3A_1814 = %scan3A_1385#2, %scan3A_1815 = %scan3A_1385#3, %scan3A_1816 = %scan3A_1385#4, %scan3A_1817 = %scan3A_1385#5, %scan3A_1818 = %scan3A_1385#6, %scan3A_1819 = %scan3A_1385#7) -> (vector<16xf32>, vector<16xf32>, vector<16xf32>, vector<16xf32>, vector<16xf32>, vector<16xf32>, vector<16xf32>, vector<16xf32>)  : i32 {
      %get3A_1820 = arith.index_cast %scan3A_1811 : i32 to index
      %get3A_1821 = arith.constant 0 : index
      %get3A_1822 = tpu.vector_load %arg4[%get3A_1820, %get3A_1821] {strides = array<i32>} : memref<256x128xf32, #tpu.memory_space<vmem>>, vector<1x16xf32>,
      %get3A_1823 = vector.shape_cast %get3A_1822 : vector<1x16xf32> to vector<16xf32>
      %abs3A = math.absf %get3A_1823 : vector<16xf32>
      %add3A_1824 = arith.addf %scan3A_1812, %abs3A : vector<16xf32>
      %get3A_1825 = arith.index_cast %scan3A_1811 : i32 to index
      %get3A_1826 = arith.constant 16 : index
      %get3A_1827 = tpu.vector_load %arg4[%get3A_1825, %get3A_1826] {strides = array<i32>} : memref<256x128xf32, #tpu.memory_space<vmem>>, vector<1x16xf32>,
      %get3A_1828 = vector.shape_cast %get3A_1827 : vector<1x16xf32> to vector<16xf32>
      %abs3A_1829 = math.absf %get3A_1828 : vector<16xf32>
      %add3A_1830 = arith.addf %scan3A_1813, %abs3A_1829 : vector<16xf32>
      %get3A_1831 = arith.index_cast %scan3A_1811 : i32 to index
      %get3A_1832 = arith.constant 32 : index
      %get3A_1833 = tpu.vector_load %arg4[%get3A_1831, %get3A_1832] {strides = array<i32>} : memref<256x128xf32, #tpu.memory_space<vmem>>, vector<1x16xf32>,
      %get3A_1834 = vector.shape_cast %get3A_1833 : vector<1x16xf32> to vector<16xf32>
      %abs3A_1835 = math.absf %get3A_1834 : vector<16xf32>
      %add3A_1836 = arith.addf %scan3A_1814, %abs3A_1835 : vector<16xf32>
      %get3A_1837 = arith.index_cast %scan3A_1811 : i32 to index
      %get3A_1838 = arith.constant 48 : index
      %get3A_1839 = tpu.vector_load %arg4[%get3A_1837, %get3A_1838] {strides = array<i32>} : memref<256x128xf32, #tpu.memory_space<vmem>>, vector<1x16xf32>,
      %get3A_1840 = vector.shape_cast %get3A_1839 : vector<1x16xf32> to vector<16xf32>
      %abs3A_1841 = math.absf %get3A_1840 : vector<16xf32>
      %add3A_1842 = arith.addf %scan3A_1815, %abs3A_1841 : vector<16xf32>
      %get3A_1843 = arith.index_cast %scan3A_1811 : i32 to index
      %get3A_1844 = arith.constant 64 : index
      %get3A_1845 = tpu.vector_load %arg4[%get3A_1843, %get3A_1844] {strides = array<i32>} : memref<256x128xf32, #tpu.memory_space<vmem>>, vector<1x16xf32>,
      %get3A_1846 = vector.shape_cast %get3A_1845 : vector<1x16xf32> to vector<16xf32>
      %abs3A_1847 = math.absf %get3A_1846 : vector<16xf32>
      %add3A_1848 = arith.addf %scan3A_1816, %abs3A_1847 : vector<16xf32>
      %get3A_1849 = arith.index_cast %scan3A_1811 : i32 to index
      %get3A_1850 = arith.constant 80 : index
      %get3A_1851 = tpu.vector_load %arg4[%get3A_1849, %get3A_1850] {strides = array<i32>} : memref<256x128xf32, #tpu.memory_space<vmem>>, vector<1x16xf32>,
      %get3A_1852 = vector.shape_cast %get3A_1851 : vector<1x16xf32> to vector<16xf32>
      %abs3A_1853 = math.absf %get3A_1852 : vector<16xf32>
      %add3A_1854 = arith.addf %scan3A_1817, %abs3A_1853 : vector<16xf32>
      %get3A_1855 = arith.index_cast %scan3A_1811 : i32 to index
      %get3A_1856 = arith.constant 96 : index
      %get3A_1857 = tpu.vector_load %arg4[%get3A_1855, %get3A_1856] {strides = array<i32>} : memref<256x128xf32, #tpu.memory_space<vmem>>, vector<1x16xf32>,
      %get3A_1858 = vector.shape_cast %get3A_1857 : vector<1x16xf32> to vector<16xf32>
      %abs3A_1859 = math.absf %get3A_1858 : vector<16xf32>
      %add3A_1860 = arith.addf %scan3A_1818, %abs3A_1859 : vector<16xf32>
      %get3A_1861 = arith.index_cast %scan3A_1811 : i32 to index
      %get3A_1862 = arith.constant 112 : index
      %get3A_1863 = tpu.vector_load %arg4[%get3A_1861, %get3A_1862] {strides = array<i32>} : memref<256x128xf32, #tpu.memory_space<vmem>>, vector<1x16xf32>,
      %get3A_1864 = vector.shape_cast %get3A_1863 : vector<1x16xf32> to vector<16xf32>
      %abs3A_1865 = math.absf %get3A_1864 : vector<16xf32>
      %add3A_1866 = arith.addf %scan3A_1819, %abs3A_1865 : vector<16xf32>
      scf.yield %add3A_1824, %add3A_1830, %add3A_1836, %add3A_1842, %add3A_1848, %add3A_1854, %add3A_1860, %add3A_1866 : vector<16xf32>, vector<16xf32>, vector<16xf32>, vector<16xf32>, vector<16xf32>, vector<16xf32>, vector<16xf32>, vector<16xf32>
    }
    %scan3A_1402 = arith.constant 128 : i32
    %get3A_1403 = arith.constant 0 : i32
    %get3A_1404 = arith.index_cast %get3A_1403 : i32 to index
    %get3A_1405 = arith.constant 0 : index
    %get3A_1406 = tpu.vector_load %arg4[%get3A_1404, %get3A_1405] {strides = array<i32>} : memref<256x128xf32, #tpu.memory_space<vmem>>, vector<1x16xf32>,
    %get3A_1407 = vector.shape_cast %get3A_1406 : vector<1x16xf32> to vector<16xf32>
    %sub3A_1408 = arith.subf %get3A_1407, %scan3A_1401#0 : vector<16xf32>
    %add3A_1409 = arith.addf %get3A_1407, %scan3A_1401#0 : vector<16xf32>
    %le3A_1410 = arith.constant 0.000000e+00 : f32
    %le3A_1411 = vector.broadcast %le3A_1410 : f32 to vector<16xf32>
    %le3A_1412 = arith.cmpf ole, %sub3A_1408, %le3A_1411 : vector<16xf32>
    %ge3A_1413 = arith.constant 0.000000e+00 : f32
    %ge3A_1414 = vector.broadcast %ge3A_1413 : f32 to vector<16xf32>
    %ge3A_1415 = arith.cmpf oge, %add3A_1409, %ge3A_1414 : vector<16xf32>
    %and3A_1416 = arith.andi %le3A_1412, %ge3A_1415 : vector<16xi1>
    %le3A_1417 = arith.constant 0.000000e+00 : f32
    %le3A_1418 = vector.broadcast %le3A_1417 : f32 to vector<16xf32>
    %le3A_1419 = arith.cmpf ole, %add3A_1409, %le3A_1418 : vector<16xf32>
    %sub3A_1420 = arith.constant 1.000000e+00 : f32
    %sub3A_1421 = vector.broadcast %sub3A_1420 : f32 to vector<16xf32>
    %sub3A_1422 = arith.subf %sub3A_1421, %sub3A_1408 : vector<16xf32>
    %jit3A_1423 = arith.constant 1.000000e+00 : f32
    %broadcast_in_dim3A_1424 = vector.broadcast %jit3A_1423 : f32 to vector<16xf32>
    %select_n3A_1425 = arith.select %and3A_1416, %sub3A_1422, %broadcast_in_dim3A_1424 : vector<16xi1>, vector<16xf32>
    %jit3A_1426 = arith.constant 0.000000e+00 : f32
    %broadcast_in_dim3A_1427 = vector.broadcast %jit3A_1426 : f32 to vector<16xf32>
    %select_n3A_1428 = arith.select %le3A_1419, %broadcast_in_dim3A_1427, %select_n3A_1425 : vector<16xi1>, vector<16xf32>
    %mul3A_1429 = arith.mulf %sub3A_1422, %get3A_1407 : vector<16xf32>
    %mul3A_1430 = arith.mulf %sub3A_1422, %sub3A_1408 : vector<16xf32>
    %mul3A_1431 = arith.constant 5.000000e-01 : f32
    %mul3A_1432 = vector.broadcast %mul3A_1431 : f32 to vector<16xf32>
    %mul3A_1433 = arith.mulf %mul3A_1430, %mul3A_1432 : vector<16xf32>
    %sub3A_1434 = arith.subf %mul3A_1429, %mul3A_1433 : vector<16xf32>
    %select_n3A_1435 = arith.select %and3A_1416, %sub3A_1434, %get3A_1407 : vector<16xi1>, vector<16xf32>
    %jit3A_1436 = arith.constant 0.000000e+00 : f32
    %broadcast_in_dim3A_1437 = vector.broadcast %jit3A_1436 : f32 to vector<16xf32>
    %select_n3A_1438 = arith.select %le3A_1419, %broadcast_in_dim3A_1437, %select_n3A_1435 : vector<16xi1>, vector<16xf32>
    %get3A_1439 = arith.constant 0 : i32
    %get3A_1440 = arith.index_cast %get3A_1439 : i32 to index
    %get3A_1441 = arith.constant 16 : index
    %get3A_1442 = tpu.vector_load %arg4[%get3A_1440, %get3A_1441] {strides = array<i32>} : memref<256x128xf32, #tpu.memory_space<vmem>>, vector<1x16xf32>,
    %get3A_1443 = vector.shape_cast %get3A_1442 : vector<1x16xf32> to vector<16xf32>
    %sub3A_1444 = arith.subf %get3A_1443, %scan3A_1401#1 : vector<16xf32>
    %add3A_1445 = arith.addf %get3A_1443, %scan3A_1401#1 : vector<16xf32>
    %le3A_1446 = arith.constant 0.000000e+00 : f32
    %le3A_1447 = vector.broadcast %le3A_1446 : f32 to vector<16xf32>
    %le3A_1448 = arith.cmpf ole, %sub3A_1444, %le3A_1447 : vector<16xf32>
    %ge3A_1449 = arith.constant 0.000000e+00 : f32
    %ge3A_1450 = vector.broadcast %ge3A_1449 : f32 to vector<16xf32>
    %ge3A_1451 = arith.cmpf oge, %add3A_1445, %ge3A_1450 : vector<16xf32>
    %and3A_1452 = arith.andi %le3A_1448, %ge3A_1451 : vector<16xi1>
    %le3A_1453 = arith.constant 0.000000e+00 : f32
    %le3A_1454 = vector.broadcast %le3A_1453 : f32 to vector<16xf32>
    %le3A_1455 = arith.cmpf ole, %add3A_1445, %le3A_1454 : vector<16xf32>
    %sub3A_1456 = arith.constant 1.000000e+00 : f32
    %sub3A_1457 = vector.broadcast %sub3A_1456 : f32 to vector<16xf32>
    %sub3A_1458 = arith.subf %sub3A_1457, %sub3A_1444 : vector<16xf32>
    %jit3A_1459 = arith.constant 1.000000e+00 : f32
    %broadcast_in_dim3A_1460 = vector.broadcast %jit3A_1459 : f32 to vector<16xf32>
    %select_n3A_1461 = arith.select %and3A_1452, %sub3A_1458, %broadcast_in_dim3A_1460 : vector<16xi1>, vector<16xf32>
    %jit3A_1462 = arith.constant 0.000000e+00 : f32
    %broadcast_in_dim3A_1463 = vector.broadcast %jit3A_1462 : f32 to vector<16xf32>
    %select_n3A_1464 = arith.select %le3A_1455, %broadcast_in_dim3A_1463, %select_n3A_1461 : vector<16xi1>, vector<16xf32>
    %mul3A_1465 = arith.mulf %sub3A_1458, %get3A_1443 : vector<16xf32>
    %mul3A_1466 = arith.mulf %sub3A_1458, %sub3A_1444 : vector<16xf32>
    %mul3A_1467 = arith.constant 5.000000e-01 : f32
    %mul3A_1468 = vector.broadcast %mul3A_1467 : f32 to vector<16xf32>
    %mul3A_1469 = arith.mulf %mul3A_1466, %mul3A_1468 : vector<16xf32>
    %sub3A_1470 = arith.subf %mul3A_1465, %mul3A_1469 : vector<16xf32>
    %select_n3A_1471 = arith.select %and3A_1452, %sub3A_1470, %get3A_1443 : vector<16xi1>, vector<16xf32>
    %jit3A_1472 = arith.constant 0.000000e+00 : f32
    %broadcast_in_dim3A_1473 = vector.broadcast %jit3A_1472 : f32 to vector<16xf32>
    %select_n3A_1474 = arith.select %le3A_1455, %broadcast_in_dim3A_1473, %select_n3A_1471 : vector<16xi1>, vector<16xf32>
    %get3A_1475 = arith.constant 0 : i32
    %get3A_1476 = arith.index_cast %get3A_1475 : i32 to index
    %get3A_1477 = arith.constant 32 : index
    %get3A_1478 = tpu.vector_load %arg4[%get3A_1476, %get3A_1477] {strides = array<i32>} : memref<256x128xf32, #tpu.memory_space<vmem>>, vector<1x16xf32>,
    %get3A_1479 = vector.shape_cast %get3A_1478 : vector<1x16xf32> to vector<16xf32>
    %sub3A_1480 = arith.subf %get3A_1479, %scan3A_1401#2 : vector<16xf32>
    %add3A_1481 = arith.addf %get3A_1479, %scan3A_1401#2 : vector<16xf32>
    %le3A_1482 = arith.constant 0.000000e+00 : f32
    %le3A_1483 = vector.broadcast %le3A_1482 : f32 to vector<16xf32>
    %le3A_1484 = arith.cmpf ole, %sub3A_1480, %le3A_1483 : vector<16xf32>
    %ge3A_1485 = arith.constant 0.000000e+00 : f32
    %ge3A_1486 = vector.broadcast %ge3A_1485 : f32 to vector<16xf32>
    %ge3A_1487 = arith.cmpf oge, %add3A_1481, %ge3A_1486 : vector<16xf32>
    %and3A_1488 = arith.andi %le3A_1484, %ge3A_1487 : vector<16xi1>
    %le3A_1489 = arith.constant 0.000000e+00 : f32
    %le3A_1490 = vector.broadcast %le3A_1489 : f32 to vector<16xf32>
    %le3A_1491 = arith.cmpf ole, %add3A_1481, %le3A_1490 : vector<16xf32>
    %sub3A_1492 = arith.constant 1.000000e+00 : f32
    %sub3A_1493 = vector.broadcast %sub3A_1492 : f32 to vector<16xf32>
    %sub3A_1494 = arith.subf %sub3A_1493, %sub3A_1480 : vector<16xf32>
    %jit3A_1495 = arith.constant 1.000000e+00 : f32
    %broadcast_in_dim3A_1496 = vector.broadcast %jit3A_1495 : f32 to vector<16xf32>
    %select_n3A_1497 = arith.select %and3A_1488, %sub3A_1494, %broadcast_in_dim3A_1496 : vector<16xi1>, vector<16xf32>
    %jit3A_1498 = arith.constant 0.000000e+00 : f32
    %broadcast_in_dim3A_1499 = vector.broadcast %jit3A_1498 : f32 to vector<16xf32>
    %select_n3A_1500 = arith.select %le3A_1491, %broadcast_in_dim3A_1499, %select_n3A_1497 : vector<16xi1>, vector<16xf32>
    %mul3A_1501 = arith.mulf %sub3A_1494, %get3A_1479 : vector<16xf32>
    %mul3A_1502 = arith.mulf %sub3A_1494, %sub3A_1480 : vector<16xf32>
    %mul3A_1503 = arith.constant 5.000000e-01 : f32
    %mul3A_1504 = vector.broadcast %mul3A_1503 : f32 to vector<16xf32>
    %mul3A_1505 = arith.mulf %mul3A_1502, %mul3A_1504 : vector<16xf32>
    %sub3A_1506 = arith.subf %mul3A_1501, %mul3A_1505 : vector<16xf32>
    %select_n3A_1507 = arith.select %and3A_1488, %sub3A_1506, %get3A_1479 : vector<16xi1>, vector<16xf32>
    %jit3A_1508 = arith.constant 0.000000e+00 : f32
    %broadcast_in_dim3A_1509 = vector.broadcast %jit3A_1508 : f32 to vector<16xf32>
    %select_n3A_1510 = arith.select %le3A_1491, %broadcast_in_dim3A_1509, %select_n3A_1507 : vector<16xi1>, vector<16xf32>
    %get3A_1511 = arith.constant 0 : i32
    %get3A_1512 = arith.index_cast %get3A_1511 : i32 to index
    %get3A_1513 = arith.constant 48 : index
    %get3A_1514 = tpu.vector_load %arg4[%get3A_1512, %get3A_1513] {strides = array<i32>} : memref<256x128xf32, #tpu.memory_space<vmem>>, vector<1x16xf32>,
    %get3A_1515 = vector.shape_cast %get3A_1514 : vector<1x16xf32> to vector<16xf32>
    %sub3A_1516 = arith.subf %get3A_1515, %scan3A_1401#3 : vector<16xf32>
    %add3A_1517 = arith.addf %get3A_1515, %scan3A_1401#3 : vector<16xf32>
    %le3A_1518 = arith.constant 0.000000e+00 : f32
    %le3A_1519 = vector.broadcast %le3A_1518 : f32 to vector<16xf32>
    %le3A_1520 = arith.cmpf ole, %sub3A_1516, %le3A_1519 : vector<16xf32>
    %ge3A_1521 = arith.constant 0.000000e+00 : f32
    %ge3A_1522 = vector.broadcast %ge3A_1521 : f32 to vector<16xf32>
    %ge3A_1523 = arith.cmpf oge, %add3A_1517, %ge3A_1522 : vector<16xf32>
    %and3A_1524 = arith.andi %le3A_1520, %ge3A_1523 : vector<16xi1>
    %le3A_1525 = arith.constant 0.000000e+00 : f32
    %le3A_1526 = vector.broadcast %le3A_1525 : f32 to vector<16xf32>
    %le3A_1527 = arith.cmpf ole, %add3A_1517, %le3A_1526 : vector<16xf32>
    %sub3A_1528 = arith.constant 1.000000e+00 : f32
    %sub3A_1529 = vector.broadcast %sub3A_1528 : f32 to vector<16xf32>
    %sub3A_1530 = arith.subf %sub3A_1529, %sub3A_1516 : vector<16xf32>
    %jit3A_1531 = arith.constant 1.000000e+00 : f32
    %broadcast_in_dim3A_1532 = vector.broadcast %jit3A_1531 : f32 to vector<16xf32>
    %select_n3A_1533 = arith.select %and3A_1524, %sub3A_1530, %broadcast_in_dim3A_1532 : vector<16xi1>, vector<16xf32>
    %jit3A_1534 = arith.constant 0.000000e+00 : f32
    %broadcast_in_dim3A_1535 = vector.broadcast %jit3A_1534 : f32 to vector<16xf32>
    %select_n3A_1536 = arith.select %le3A_1527, %broadcast_in_dim3A_1535, %select_n3A_1533 : vector<16xi1>, vector<16xf32>
    %mul3A_1537 = arith.mulf %sub3A_1530, %get3A_1515 : vector<16xf32>
    %mul3A_1538 = arith.mulf %sub3A_1530, %sub3A_1516 : vector<16xf32>
    %mul3A_1539 = arith.constant 5.000000e-01 : f32
    %mul3A_1540 = vector.broadcast %mul3A_1539 : f32 to vector<16xf32>
    %mul3A_1541 = arith.mulf %mul3A_1538, %mul3A_1540 : vector<16xf32>
    %sub3A_1542 = arith.subf %mul3A_1537, %mul3A_1541 : vector<16xf32>
    %select_n3A_1543 = arith.select %and3A_1524, %sub3A_1542, %get3A_1515 : vector<16xi1>, vector<16xf32>
    %jit3A_1544 = arith.constant 0.000000e+00 : f32
    %broadcast_in_dim3A_1545 = vector.broadcast %jit3A_1544 : f32 to vector<16xf32>
    %select_n3A_1546 = arith.select %le3A_1527, %broadcast_in_dim3A_1545, %select_n3A_1543 : vector<16xi1>, vector<16xf32>
    %get3A_1547 = arith.constant 0 : i32
    %get3A_1548 = arith.index_cast %get3A_1547 : i32 to index
    %get3A_1549 = arith.constant 64 : index
    %get3A_1550 = tpu.vector_load %arg4[%get3A_1548, %get3A_1549] {strides = array<i32>} : memref<256x128xf32, #tpu.memory_space<vmem>>, vector<1x16xf32>,
    %get3A_1551 = vector.shape_cast %get3A_1550 : vector<1x16xf32> to vector<16xf32>
    %sub3A_1552 = arith.subf %get3A_1551, %scan3A_1401#4 : vector<16xf32>
    %add3A_1553 = arith.addf %get3A_1551, %scan3A_1401#4 : vector<16xf32>
    %le3A_1554 = arith.constant 0.000000e+00 : f32
    %le3A_1555 = vector.broadcast %le3A_1554 : f32 to vector<16xf32>
    %le3A_1556 = arith.cmpf ole, %sub3A_1552, %le3A_1555 : vector<16xf32>
    %ge3A_1557 = arith.constant 0.000000e+00 : f32
    %ge3A_1558 = vector.broadcast %ge3A_1557 : f32 to vector<16xf32>
    %ge3A_1559 = arith.cmpf oge, %add3A_1553, %ge3A_1558 : vector<16xf32>
    %and3A_1560 = arith.andi %le3A_1556, %ge3A_1559 : vector<16xi1>
    %le3A_1561 = arith.constant 0.000000e+00 : f32
    %le3A_1562 = vector.broadcast %le3A_1561 : f32 to vector<16xf32>
    %le3A_1563 = arith.cmpf ole, %add3A_1553, %le3A_1562 : vector<16xf32>
    %sub3A_1564 = arith.constant 1.000000e+00 : f32
    %sub3A_1565 = vector.broadcast %sub3A_1564 : f32 to vector<16xf32>
    %sub3A_1566 = arith.subf %sub3A_1565, %sub3A_1552 : vector<16xf32>
    %jit3A_1567 = arith.constant 1.000000e+00 : f32
    %broadcast_in_dim3A_1568 = vector.broadcast %jit3A_1567 : f32 to vector<16xf32>
    %select_n3A_1569 = arith.select %and3A_1560, %sub3A_1566, %broadcast_in_dim3A_1568 : vector<16xi1>, vector<16xf32>
    %jit3A_1570 = arith.constant 0.000000e+00 : f32
    %broadcast_in_dim3A_1571 = vector.broadcast %jit3A_1570 : f32 to vector<16xf32>
    %select_n3A_1572 = arith.select %le3A_1563, %broadcast_in_dim3A_1571, %select_n3A_1569 : vector<16xi1>, vector<16xf32>
    %mul3A_1573 = arith.mulf %sub3A_1566, %get3A_1551 : vector<16xf32>
    %mul3A_1574 = arith.mulf %sub3A_1566, %sub3A_1552 : vector<16xf32>
    %mul3A_1575 = arith.constant 5.000000e-01 : f32
    %mul3A_1576 = vector.broadcast %mul3A_1575 : f32 to vector<16xf32>
    %mul3A_1577 = arith.mulf %mul3A_1574, %mul3A_1576 : vector<16xf32>
    %sub3A_1578 = arith.subf %mul3A_1573, %mul3A_1577 : vector<16xf32>
    %select_n3A_1579 = arith.select %and3A_1560, %sub3A_1578, %get3A_1551 : vector<16xi1>, vector<16xf32>
    %jit3A_1580 = arith.constant 0.000000e+00 : f32
    %broadcast_in_dim3A_1581 = vector.broadcast %jit3A_1580 : f32 to vector<16xf32>
    %select_n3A_1582 = arith.select %le3A_1563, %broadcast_in_dim3A_1581, %select_n3A_1579 : vector<16xi1>, vector<16xf32>
    %get3A_1583 = arith.constant 0 : i32
    %get3A_1584 = arith.index_cast %get3A_1583 : i32 to index
    %get3A_1585 = arith.constant 80 : index
    %get3A_1586 = tpu.vector_load %arg4[%get3A_1584, %get3A_1585] {strides = array<i32>} : memref<256x128xf32, #tpu.memory_space<vmem>>, vector<1x16xf32>,
    %get3A_1587 = vector.shape_cast %get3A_1586 : vector<1x16xf32> to vector<16xf32>
    %sub3A_1588 = arith.subf %get3A_1587, %scan3A_1401#5 : vector<16xf32>
    %add3A_1589 = arith.addf %get3A_1587, %scan3A_1401#5 : vector<16xf32>
    %le3A_1590 = arith.constant 0.000000e+00 : f32
    %le3A_1591 = vector.broadcast %le3A_1590 : f32 to vector<16xf32>
    %le3A_1592 = arith.cmpf ole, %sub3A_1588, %le3A_1591 : vector<16xf32>
    %ge3A_1593 = arith.constant 0.000000e+00 : f32
    %ge3A_1594 = vector.broadcast %ge3A_1593 : f32 to vector<16xf32>
    %ge3A_1595 = arith.cmpf oge, %add3A_1589, %ge3A_1594 : vector<16xf32>
    %and3A_1596 = arith.andi %le3A_1592, %ge3A_1595 : vector<16xi1>
    %le3A_1597 = arith.constant 0.000000e+00 : f32
    %le3A_1598 = vector.broadcast %le3A_1597 : f32 to vector<16xf32>
    %le3A_1599 = arith.cmpf ole, %add3A_1589, %le3A_1598 : vector<16xf32>
    %sub3A_1600 = arith.constant 1.000000e+00 : f32
    %sub3A_1601 = vector.broadcast %sub3A_1600 : f32 to vector<16xf32>
    %sub3A_1602 = arith.subf %sub3A_1601, %sub3A_1588 : vector<16xf32>
    %jit3A_1603 = arith.constant 1.000000e+00 : f32
    %broadcast_in_dim3A_1604 = vector.broadcast %jit3A_1603 : f32 to vector<16xf32>
    %select_n3A_1605 = arith.select %and3A_1596, %sub3A_1602, %broadcast_in_dim3A_1604 : vector<16xi1>, vector<16xf32>
    %jit3A_1606 = arith.constant 0.000000e+00 : f32
    %broadcast_in_dim3A_1607 = vector.broadcast %jit3A_1606 : f32 to vector<16xf32>
    %select_n3A_1608 = arith.select %le3A_1599, %broadcast_in_dim3A_1607, %select_n3A_1605 : vector<16xi1>, vector<16xf32>
    %mul3A_1609 = arith.mulf %sub3A_1602, %get3A_1587 : vector<16xf32>
    %mul3A_1610 = arith.mulf %sub3A_1602, %sub3A_1588 : vector<16xf32>
    %mul3A_1611 = arith.constant 5.000000e-01 : f32
    %mul3A_1612 = vector.broadcast %mul3A_1611 : f32 to vector<16xf32>
    %mul3A_1613 = arith.mulf %mul3A_1610, %mul3A_1612 : vector<16xf32>
    %sub3A_1614 = arith.subf %mul3A_1609, %mul3A_1613 : vector<16xf32>
    %select_n3A_1615 = arith.select %and3A_1596, %sub3A_1614, %get3A_1587 : vector<16xi1>, vector<16xf32>
    %jit3A_1616 = arith.constant 0.000000e+00 : f32
    %broadcast_in_dim3A_1617 = vector.broadcast %jit3A_1616 : f32 to vector<16xf32>
    %select_n3A_1618 = arith.select %le3A_1599, %broadcast_in_dim3A_1617, %select_n3A_1615 : vector<16xi1>, vector<16xf32>
    %get3A_1619 = arith.constant 0 : i32
    %get3A_1620 = arith.index_cast %get3A_1619 : i32 to index
    %get3A_1621 = arith.constant 96 : index
    %get3A_1622 = tpu.vector_load %arg4[%get3A_1620, %get3A_1621] {strides = array<i32>} : memref<256x128xf32, #tpu.memory_space<vmem>>, vector<1x16xf32>,
    %get3A_1623 = vector.shape_cast %get3A_1622 : vector<1x16xf32> to vector<16xf32>
    %sub3A_1624 = arith.subf %get3A_1623, %scan3A_1401#6 : vector<16xf32>
    %add3A_1625 = arith.addf %get3A_1623, %scan3A_1401#6 : vector<16xf32>
    %le3A_1626 = arith.constant 0.000000e+00 : f32
    %le3A_1627 = vector.broadcast %le3A_1626 : f32 to vector<16xf32>
    %le3A_1628 = arith.cmpf ole, %sub3A_1624, %le3A_1627 : vector<16xf32>
    %ge3A_1629 = arith.constant 0.000000e+00 : f32
    %ge3A_1630 = vector.broadcast %ge3A_1629 : f32 to vector<16xf32>
    %ge3A_1631 = arith.cmpf oge, %add3A_1625, %ge3A_1630 : vector<16xf32>
    %and3A_1632 = arith.andi %le3A_1628, %ge3A_1631 : vector<16xi1>
    %le3A_1633 = arith.constant 0.000000e+00 : f32
    %le3A_1634 = vector.broadcast %le3A_1633 : f32 to vector<16xf32>
    %le3A_1635 = arith.cmpf ole, %add3A_1625, %le3A_1634 : vector<16xf32>
    %sub3A_1636 = arith.constant 1.000000e+00 : f32
    %sub3A_1637 = vector.broadcast %sub3A_1636 : f32 to vector<16xf32>
    %sub3A_1638 = arith.subf %sub3A_1637, %sub3A_1624 : vector<16xf32>
    %jit3A_1639 = arith.constant 1.000000e+00 : f32
    %broadcast_in_dim3A_1640 = vector.broadcast %jit3A_1639 : f32 to vector<16xf32>
    %select_n3A_1641 = arith.select %and3A_1632, %sub3A_1638, %broadcast_in_dim3A_1640 : vector<16xi1>, vector<16xf32>
    %jit3A_1642 = arith.constant 0.000000e+00 : f32
    %broadcast_in_dim3A_1643 = vector.broadcast %jit3A_1642 : f32 to vector<16xf32>
    %select_n3A_1644 = arith.select %le3A_1635, %broadcast_in_dim3A_1643, %select_n3A_1641 : vector<16xi1>, vector<16xf32>
    %mul3A_1645 = arith.mulf %sub3A_1638, %get3A_1623 : vector<16xf32>
    %mul3A_1646 = arith.mulf %sub3A_1638, %sub3A_1624 : vector<16xf32>
    %mul3A_1647 = arith.constant 5.000000e-01 : f32
    %mul3A_1648 = vector.broadcast %mul3A_1647 : f32 to vector<16xf32>
    %mul3A_1649 = arith.mulf %mul3A_1646, %mul3A_1648 : vector<16xf32>
    %sub3A_1650 = arith.subf %mul3A_1645, %mul3A_1649 : vector<16xf32>
    %select_n3A_1651 = arith.select %and3A_1632, %sub3A_1650, %get3A_1623 : vector<16xi1>, vector<16xf32>
    %jit3A_1652 = arith.constant 0.000000e+00 : f32
    %broadcast_in_dim3A_1653 = vector.broadcast %jit3A_1652 : f32 to vector<16xf32>
    %select_n3A_1654 = arith.select %le3A_1635, %broadcast_in_dim3A_1653, %select_n3A_1651 : vector<16xi1>, vector<16xf32>
    %get3A_1655 = arith.constant 0 : i32
    %get3A_1656 = arith.index_cast %get3A_1655 : i32 to index
    %get3A_1657 = arith.constant 112 : index
    %get3A_1658 = tpu.vector_load %arg4[%get3A_1656, %get3A_1657] {strides = array<i32>} : memref<256x128xf32, #tpu.memory_space<vmem>>, vector<1x16xf32>,
    %get3A_1659 = vector.shape_cast %get3A_1658 : vector<1x16xf32> to vector<16xf32>
    %sub3A_1660 = arith.subf %get3A_1659, %scan3A_1401#7 : vector<16xf32>
    %add3A_1661 = arith.addf %get3A_1659, %scan3A_1401#7 : vector<16xf32>
    %le3A_1662 = arith.constant 0.000000e+00 : f32
    %le3A_1663 = vector.broadcast %le3A_1662 : f32 to vector<16xf32>
    %le3A_1664 = arith.cmpf ole, %sub3A_1660, %le3A_1663 : vector<16xf32>
    %ge3A_1665 = arith.constant 0.000000e+00 : f32
    %ge3A_1666 = vector.broadcast %ge3A_1665 : f32 to vector<16xf32>
    %ge3A_1667 = arith.cmpf oge, %add3A_1661, %ge3A_1666 : vector<16xf32>
    %and3A_1668 = arith.andi %le3A_1664, %ge3A_1667 : vector<16xi1>
    %le3A_1669 = arith.constant 0.000000e+00 : f32
    %le3A_1670 = vector.broadcast %le3A_1669 : f32 to vector<16xf32>
    %le3A_1671 = arith.cmpf ole, %add3A_1661, %le3A_1670 : vector<16xf32>
    %sub3A_1672 = arith.constant 1.000000e+00 : f32
    %sub3A_1673 = vector.broadcast %sub3A_1672 : f32 to vector<16xf32>
    %sub3A_1674 = arith.subf %sub3A_1673, %sub3A_1660 : vector<16xf32>
    %jit3A_1675 = arith.constant 1.000000e+00 : f32
    %broadcast_in_dim3A_1676 = vector.broadcast %jit3A_1675 : f32 to vector<16xf32>
    %select_n3A_1677 = arith.select %and3A_1668, %sub3A_1674, %broadcast_in_dim3A_1676 : vector<16xi1>, vector<16xf32>
    %jit3A_1678 = arith.constant 0.000000e+00 : f32
    %broadcast_in_dim3A_1679 = vector.broadcast %jit3A_1678 : f32 to vector<16xf32>
    %select_n3A_1680 = arith.select %le3A_1671, %broadcast_in_dim3A_1679, %select_n3A_1677 : vector<16xi1>, vector<16xf32>
    %mul3A_1681 = arith.mulf %sub3A_1674, %get3A_1659 : vector<16xf32>
    %mul3A_1682 = arith.mulf %sub3A_1674, %sub3A_1660 : vector<16xf32>
    %mul3A_1683 = arith.constant 5.000000e-01 : f32
    %mul3A_1684 = vector.broadcast %mul3A_1683 : f32 to vector<16xf32>
    %mul3A_1685 = arith.mulf %mul3A_1682, %mul3A_1684 : vector<16xf32>
    %sub3A_1686 = arith.subf %mul3A_1681, %mul3A_1685 : vector<16xf32>
    %select_n3A_1687 = arith.select %and3A_1668, %sub3A_1686, %get3A_1659 : vector<16xi1>, vector<16xf32>
    %jit3A_1688 = arith.constant 0.000000e+00 : f32
    %broadcast_in_dim3A_1689 = vector.broadcast %jit3A_1688 : f32 to vector<16xf32>
    %select_n3A_1690 = arith.select %le3A_1671, %broadcast_in_dim3A_1689, %select_n3A_1687 : vector<16xi1>, vector<16xf32>
    %scan3A_1691 = arith.constant 0 : i32
    %scan3A_1692 = arith.constant 1 : i32
    %scan3A_1693 = arith.constant 127 : i32
    %scan3A_1694 = arith.addi %scan3A_1692, %scan3A_1693 : i32
    %scan3A_1695 = arith.constant 1 : i32
    scf.for %scan3A_1811 = %scan3A_1692 to %scan3A_1694 step %scan3A_1695  : i32 {
      %get3A_1812 = arith.index_cast %scan3A_1811 : i32 to index
      %get3A_1813 = arith.constant 0 : index
      %get3A_1814 = tpu.vector_load %arg4[%get3A_1812, %get3A_1813] {strides = array<i32>} : memref<256x128xf32, #tpu.memory_space<vmem>>, vector<1x16xf32>,
      %get3A_1815 = vector.shape_cast %get3A_1814 : vector<1x16xf32> to vector<16xf32>
      %mul3A_1816 = arith.mulf %get3A_1815, %select_n3A_1428 : vector<16xf32>
      %swap3A_1817 = arith.index_cast %scan3A_1811 : i32 to index
      %swap3A_1818 = arith.constant 0 : index
      %swap3A_1819 = tpu.vector_load %arg4[%swap3A_1817, %swap3A_1818] {strides = array<i32>} : memref<256x128xf32, #tpu.memory_space<vmem>>, vector<1x16xf32>,
      %swap3A_1820 = vector.shape_cast %swap3A_1819 : vector<1x16xf32> to vector<16xf32>
      %swap3A_1821 = vector.shape_cast %mul3A_1816 : vector<16xf32> to vector<1x16xf32>
      tpu.vector_store %arg4[%swap3A_1817, %swap3A_1818], %swap3A_1821 {strides = array<i32>} : memref<256x128xf32, #tpu.memory_space<vmem>>, vector<1x16xf32>,
      %get3A_1822 = arith.index_cast %scan3A_1811 : i32 to index
      %get3A_1823 = arith.constant 16 : index
      %get3A_1824 = tpu.vector_load %arg4[%get3A_1822, %get3A_1823] {strides = array<i32>} : memref<256x128xf32, #tpu.memory_space<vmem>>, vector<1x16xf32>,
      %get3A_1825 = vector.shape_cast %get3A_1824 : vector<1x16xf32> to vector<16xf32>
      %mul3A_1826 = arith.mulf %get3A_1825, %select_n3A_1464 : vector<16xf32>
      %swap3A_1827 = arith.index_cast %scan3A_1811 : i32 to index
      %swap3A_1828 = arith.constant 16 : index
      %swap3A_1829 = tpu.vector_load %arg4[%swap3A_1827, %swap3A_1828] {strides = array<i32>} : memref<256x128xf32, #tpu.memory_space<vmem>>, vector<1x16xf32>,
      %swap3A_1830 = vector.shape_cast %swap3A_1829 : vector<1x16xf32> to vector<16xf32>
      %swap3A_1831 = vector.shape_cast %mul3A_1826 : vector<16xf32> to vector<1x16xf32>
      tpu.vector_store %arg4[%swap3A_1827, %swap3A_1828], %swap3A_1831 {strides = array<i32>} : memref<256x128xf32, #tpu.memory_space<vmem>>, vector<1x16xf32>,
      %get3A_1832 = arith.index_cast %scan3A_1811 : i32 to index
      %get3A_1833 = arith.constant 32 : index
      %get3A_1834 = tpu.vector_load %arg4[%get3A_1832, %get3A_1833] {strides = array<i32>} : memref<256x128xf32, #tpu.memory_space<vmem>>, vector<1x16xf32>,
      %get3A_1835 = vector.shape_cast %get3A_1834 : vector<1x16xf32> to vector<16xf32>
      %mul3A_1836 = arith.mulf %get3A_1835, %select_n3A_1500 : vector<16xf32>
      %swap3A_1837 = arith.index_cast %scan3A_1811 : i32 to index
      %swap3A_1838 = arith.constant 32 : index
      %swap3A_1839 = tpu.vector_load %arg4[%swap3A_1837, %swap3A_1838] {strides = array<i32>} : memref<256x128xf32, #tpu.memory_space<vmem>>, vector<1x16xf32>,
      %swap3A_1840 = vector.shape_cast %swap3A_1839 : vector<1x16xf32> to vector<16xf32>
      %swap3A_1841 = vector.shape_cast %mul3A_1836 : vector<16xf32> to vector<1x16xf32>
      tpu.vector_store %arg4[%swap3A_1837, %swap3A_1838], %swap3A_1841 {strides = array<i32>} : memref<256x128xf32, #tpu.memory_space<vmem>>, vector<1x16xf32>,
      %get3A_1842 = arith.index_cast %scan3A_1811 : i32 to index
      %get3A_1843 = arith.constant 48 : index
      %get3A_1844 = tpu.vector_load %arg4[%get3A_1842, %get3A_1843] {strides = array<i32>} : memref<256x128xf32, #tpu.memory_space<vmem>>, vector<1x16xf32>,
      %get3A_1845 = vector.shape_cast %get3A_1844 : vector<1x16xf32> to vector<16xf32>
      %mul3A_1846 = arith.mulf %get3A_1845, %select_n3A_1536 : vector<16xf32>
      %swap3A_1847 = arith.index_cast %scan3A_1811 : i32 to index
      %swap3A_1848 = arith.constant 48 : index
      %swap3A_1849 = tpu.vector_load %arg4[%swap3A_1847, %swap3A_1848] {strides = array<i32>} : memref<256x128xf32, #tpu.memory_space<vmem>>, vector<1x16xf32>,
      %swap3A_1850 = vector.shape_cast %swap3A_1849 : vector<1x16xf32> to vector<16xf32>
      %swap3A_1851 = vector.shape_cast %mul3A_1846 : vector<16xf32> to vector<1x16xf32>
      tpu.vector_store %arg4[%swap3A_1847, %swap3A_1848], %swap3A_1851 {strides = array<i32>} : memref<256x128xf32, #tpu.memory_space<vmem>>, vector<1x16xf32>,
      %get3A_1852 = arith.index_cast %scan3A_1811 : i32 to index
      %get3A_1853 = arith.constant 64 : index
      %get3A_1854 = tpu.vector_load %arg4[%get3A_1852, %get3A_1853] {strides = array<i32>} : memref<256x128xf32, #tpu.memory_space<vmem>>, vector<1x16xf32>,
      %get3A_1855 = vector.shape_cast %get3A_1854 : vector<1x16xf32> to vector<16xf32>
      %mul3A_1856 = arith.mulf %get3A_1855, %select_n3A_1572 : vector<16xf32>
      %swap3A_1857 = arith.index_cast %scan3A_1811 : i32 to index
      %swap3A_1858 = arith.constant 64 : index
      %swap3A_1859 = tpu.vector_load %arg4[%swap3A_1857, %swap3A_1858] {strides = array<i32>} : memref<256x128xf32, #tpu.memory_space<vmem>>, vector<1x16xf32>,
      %swap3A_1860 = vector.shape_cast %swap3A_1859 : vector<1x16xf32> to vector<16xf32>
      %swap3A_1861 = vector.shape_cast %mul3A_1856 : vector<16xf32> to vector<1x16xf32>
      tpu.vector_store %arg4[%swap3A_1857, %swap3A_1858], %swap3A_1861 {strides = array<i32>} : memref<256x128xf32, #tpu.memory_space<vmem>>, vector<1x16xf32>,
      %get3A_1862 = arith.index_cast %scan3A_1811 : i32 to index
      %get3A_1863 = arith.constant 80 : index
      %get3A_1864 = tpu.vector_load %arg4[%get3A_1862, %get3A_1863] {strides = array<i32>} : memref<256x128xf32, #tpu.memory_space<vmem>>, vector<1x16xf32>,
      %get3A_1865 = vector.shape_cast %get3A_1864 : vector<1x16xf32> to vector<16xf32>
      %mul3A_1866 = arith.mulf %get3A_1865, %select_n3A_1608 : vector<16xf32>
      %swap3A_1867 = arith.index_cast %scan3A_1811 : i32 to index
      %swap3A_1868 = arith.constant 80 : index
      %swap3A_1869 = tpu.vector_load %arg4[%swap3A_1867, %swap3A_1868] {strides = array<i32>} : memref<256x128xf32, #tpu.memory_space<vmem>>, vector<1x16xf32>,
      %swap3A_1870 = vector.shape_cast %swap3A_1869 : vector<1x16xf32> to vector<16xf32>
      %swap3A_1871 = vector.shape_cast %mul3A_1866 : vector<16xf32> to vector<1x16xf32>
      tpu.vector_store %arg4[%swap3A_1867, %swap3A_1868], %swap3A_1871 {strides = array<i32>} : memref<256x128xf32, #tpu.memory_space<vmem>>, vector<1x16xf32>,
      %get3A_1872 = arith.index_cast %scan3A_1811 : i32 to index
      %get3A_1873 = arith.constant 96 : index
      %get3A_1874 = tpu.vector_load %arg4[%get3A_1872, %get3A_1873] {strides = array<i32>} : memref<256x128xf32, #tpu.memory_space<vmem>>, vector<1x16xf32>,
      %get3A_1875 = vector.shape_cast %get3A_1874 : vector<1x16xf32> to vector<16xf32>
      %mul3A_1876 = arith.mulf %get3A_1875, %select_n3A_1644 : vector<16xf32>
      %swap3A_1877 = arith.index_cast %scan3A_1811 : i32 to index
      %swap3A_1878 = arith.constant 96 : index
      %swap3A_1879 = tpu.vector_load %arg4[%swap3A_1877, %swap3A_1878] {strides = array<i32>} : memref<256x128xf32, #tpu.memory_space<vmem>>, vector<1x16xf32>,
      %swap3A_1880 = vector.shape_cast %swap3A_1879 : vector<1x16xf32> to vector<16xf32>
      %swap3A_1881 = vector.shape_cast %mul3A_1876 : vector<16xf32> to vector<1x16xf32>
      tpu.vector_store %arg4[%swap3A_1877, %swap3A_1878], %swap3A_1881 {strides = array<i32>} : memref<256x128xf32, #tpu.memory_space<vmem>>, vector<1x16xf32>,
      %get3A_1882 = arith.index_cast %scan3A_1811 : i32 to index
      %get3A_1883 = arith.constant 112 : index
      %get3A_1884 = tpu.vector_load %arg4[%get3A_1882, %get3A_1883] {strides = array<i32>} : memref<256x128xf32, #tpu.memory_space<vmem>>, vector<1x16xf32>,
      %get3A_1885 = vector.shape_cast %get3A_1884 : vector<1x16xf32> to vector<16xf32>
      %mul3A_1886 = arith.mulf %get3A_1885, %select_n3A_1680 : vector<16xf32>
      %swap3A_1887 = arith.index_cast %scan3A_1811 : i32 to index
      %swap3A_1888 = arith.constant 112 : index
      %swap3A_1889 = tpu.vector_load %arg4[%swap3A_1887, %swap3A_1888] {strides = array<i32>} : memref<256x128xf32, #tpu.memory_space<vmem>>, vector<1x16xf32>,
      %swap3A_1890 = vector.shape_cast %swap3A_1889 : vector<1x16xf32> to vector<16xf32>
      %swap3A_1891 = vector.shape_cast %mul3A_1886 : vector<16xf32> to vector<1x16xf32>
      tpu.vector_store %arg4[%swap3A_1887, %swap3A_1888], %swap3A_1891 {strides = array<i32>} : memref<256x128xf32, #tpu.memory_space<vmem>>, vector<1x16xf32>,
    }
    %scan3A_1696 = arith.constant 127 : i32
    %swap3A_1697 = arith.constant 0 : i32
    %swap3A_1698 = arith.index_cast %swap3A_1697 : i32 to index
    %swap3A_1699 = arith.constant 0 : index
    %swap3A_1700 = tpu.vector_load %arg4[%swap3A_1698, %swap3A_1699] {strides = array<i32>} : memref<256x128xf32, #tpu.memory_space<vmem>>, vector<1x16xf32>,
    %swap3A_1701 = vector.shape_cast %swap3A_1700 : vector<1x16xf32> to vector<16xf32>
    %swap3A_1702 = vector.shape_cast %select_n3A_1438 : vector<16xf32> to vector<1x16xf32>
    tpu.vector_store %arg4[%swap3A_1698, %swap3A_1699], %swap3A_1702 {strides = array<i32>} : memref<256x128xf32, #tpu.memory_space<vmem>>, vector<1x16xf32>,
    %swap3A_1703 = arith.constant 0 : i32
    %swap3A_1704 = arith.index_cast %swap3A_1703 : i32 to index
    %swap3A_1705 = arith.constant 16 : index
    %swap3A_1706 = tpu.vector_load %arg4[%swap3A_1704, %swap3A_1705] {strides = array<i32>} : memref<256x128xf32, #tpu.memory_space<vmem>>, vector<1x16xf32>,
    %swap3A_1707 = vector.shape_cast %swap3A_1706 : vector<1x16xf32> to vector<16xf32>
    %swap3A_1708 = vector.shape_cast %select_n3A_1474 : vector<16xf32> to vector<1x16xf32>
    tpu.vector_store %arg4[%swap3A_1704, %swap3A_1705], %swap3A_1708 {strides = array<i32>} : memref<256x128xf32, #tpu.memory_space<vmem>>, vector<1x16xf32>,
    %swap3A_1709 = arith.constant 0 : i32
    %swap3A_1710 = arith.index_cast %swap3A_1709 : i32 to index
    %swap3A_1711 = arith.constant 32 : index
    %swap3A_1712 = tpu.vector_load %arg4[%swap3A_1710, %swap3A_1711] {strides = array<i32>} : memref<256x128xf32, #tpu.memory_space<vmem>>, vector<1x16xf32>,
    %swap3A_1713 = vector.shape_cast %swap3A_1712 : vector<1x16xf32> to vector<16xf32>
    %swap3A_1714 = vector.shape_cast %select_n3A_1510 : vector<16xf32> to vector<1x16xf32>
    tpu.vector_store %arg4[%swap3A_1710, %swap3A_1711], %swap3A_1714 {strides = array<i32>} : memref<256x128xf32, #tpu.memory_space<vmem>>, vector<1x16xf32>,
    %swap3A_1715 = arith.constant 0 : i32
    %swap3A_1716 = arith.index_cast %swap3A_1715 : i32 to index
    %swap3A_1717 = arith.constant 48 : index
    %swap3A_1718 = tpu.vector_load %arg4[%swap3A_1716, %swap3A_1717] {strides = array<i32>} : memref<256x128xf32, #tpu.memory_space<vmem>>, vector<1x16xf32>,
    %swap3A_1719 = vector.shape_cast %swap3A_1718 : vector<1x16xf32> to vector<16xf32>
    %swap3A_1720 = vector.shape_cast %select_n3A_1546 : vector<16xf32> to vector<1x16xf32>
    tpu.vector_store %arg4[%swap3A_1716, %swap3A_1717], %swap3A_1720 {strides = array<i32>} : memref<256x128xf32, #tpu.memory_space<vmem>>, vector<1x16xf32>,
    %swap3A_1721 = arith.constant 0 : i32
    %swap3A_1722 = arith.index_cast %swap3A_1721 : i32 to index
    %swap3A_1723 = arith.constant 64 : index
    %swap3A_1724 = tpu.vector_load %arg4[%swap3A_1722, %swap3A_1723] {strides = array<i32>} : memref<256x128xf32, #tpu.memory_space<vmem>>, vector<1x16xf32>,
    %swap3A_1725 = vector.shape_cast %swap3A_1724 : vector<1x16xf32> to vector<16xf32>
    %swap3A_1726 = vector.shape_cast %select_n3A_1582 : vector<16xf32> to vector<1x16xf32>
    tpu.vector_store %arg4[%swap3A_1722, %swap3A_1723], %swap3A_1726 {strides = array<i32>} : memref<256x128xf32, #tpu.memory_space<vmem>>, vector<1x16xf32>,
    %swap3A_1727 = arith.constant 0 : i32
    %swap3A_1728 = arith.index_cast %swap3A_1727 : i32 to index
    %swap3A_1729 = arith.constant 80 : index
    %swap3A_1730 = tpu.vector_load %arg4[%swap3A_1728, %swap3A_1729] {strides = array<i32>} : memref<256x128xf32, #tpu.memory_space<vmem>>, vector<1x16xf32>,
    %swap3A_1731 = vector.shape_cast %swap3A_1730 : vector<1x16xf32> to vector<16xf32>
    %swap3A_1732 = vector.shape_cast %select_n3A_1618 : vector<16xf32> to vector<1x16xf32>
    tpu.vector_store %arg4[%swap3A_1728, %swap3A_1729], %swap3A_1732 {strides = array<i32>} : memref<256x128xf32, #tpu.memory_space<vmem>>, vector<1x16xf32>,
    %swap3A_1733 = arith.constant 0 : i32
    %swap3A_1734 = arith.index_cast %swap3A_1733 : i32 to index
    %swap3A_1735 = arith.constant 96 : index
    %swap3A_1736 = tpu.vector_load %arg4[%swap3A_1734, %swap3A_1735] {strides = array<i32>} : memref<256x128xf32, #tpu.memory_space<vmem>>, vector<1x16xf32>,
    %swap3A_1737 = vector.shape_cast %swap3A_1736 : vector<1x16xf32> to vector<16xf32>
    %swap3A_1738 = vector.shape_cast %select_n3A_1654 : vector<16xf32> to vector<1x16xf32>
    tpu.vector_store %arg4[%swap3A_1734, %swap3A_1735], %swap3A_1738 {strides = array<i32>} : memref<256x128xf32, #tpu.memory_space<vmem>>, vector<1x16xf32>,
    %swap3A_1739 = arith.constant 0 : i32
    %swap3A_1740 = arith.index_cast %swap3A_1739 : i32 to index
    %swap3A_1741 = arith.constant 112 : index
    %swap3A_1742 = tpu.vector_load %arg4[%swap3A_1740, %swap3A_1741] {strides = array<i32>} : memref<256x128xf32, #tpu.memory_space<vmem>>, vector<1x16xf32>,
    %swap3A_1743 = vector.shape_cast %swap3A_1742 : vector<1x16xf32> to vector<16xf32>
    %swap3A_1744 = vector.shape_cast %select_n3A_1690 : vector<16xf32> to vector<1x16xf32>
    tpu.vector_store %arg4[%swap3A_1740, %swap3A_1741], %swap3A_1744 {strides = array<i32>} : memref<256x128xf32, #tpu.memory_space<vmem>>, vector<1x16xf32>,
    %dma_start3A_1745 = arith.constant 0 : i32
    %dma_start3A_1746 = arith.constant 0 : i32
    %dma_start3A_1747 = tpu.memref_slice %arg4[%dma_start3A_1745, %dma_start3A_1746] : memref<256x128xf32, #tpu.memory_space<vmem>> -> memref<128x128xf32, #tpu.memory_space<vmem>>
    %dma_start3A_1748 = arith.constant 0 : i32
    %dma_start3A_1749 = tpu.memref_slice %arg3[%dma_start3A_1748, %add3A_1354] : memref<256x16384xf32, #tpu.memory_space<hbm>> -> memref<128x128xf32, #tpu.memory_space<hbm>>
    %dma_start3A_1750 = arith.constant 0 : i32
    %dma_start3A_1751 = tpu.memref_slice %arg3[%dma_start3A_1750, %add3A_1354] : memref<256x16384xf32, #tpu.memory_space<hbm>> -> memref<128x128xf32, #tpu.memory_space<hbm>>
    %dma_start3A_1752 = arith.constant 0 : i32
    %dma_start3A_1753 = arith.constant 0 : i32
    %dma_start3A_1754 = tpu.memref_slice %arg4[%dma_start3A_1752, %dma_start3A_1753] : memref<256x128xf32, #tpu.memory_space<vmem>> -> memref<128x128xf32, #tpu.memory_space<vmem>>
    tpu.enqueue_dma source(%dma_start3A_1754 : memref<128x128xf32, #tpu.memory_space<vmem>>) target(%dma_start3A_1751 : memref<128x128xf32, #tpu.memory_space<hbm>>) target_semaphore(%arg13 : memref<!tpu.dma_semaphore, #tpu.memory_space<semaphore_mem>>)
    %scan3A_1755 = arith.constant 0 : i32
    %scan3A_1756 = arith.constant 128 : i32
    %scan3A_1757 = arith.constant 128 : i32
    %scan3A_1758 = arith.addi %scan3A_1756, %scan3A_1757 : i32
    %scan3A_1759 = arith.constant 1 : i32
    scf.for %scan3A_1811 = %scan3A_1756 to %scan3A_1758 step %scan3A_1759  : i32 {
      %get3A_1812 = arith.index_cast %scan3A_1811 : i32 to index
      %get3A_1813 = arith.constant 0 : index
      %get3A_1814 = tpu.vector_load %arg4[%get3A_1812, %get3A_1813] {strides = array<i32>} : memref<256x128xf32, #tpu.memory_space<vmem>>, vector<1x16xf32>,
      %get3A_1815 = vector.shape_cast %get3A_1814 : vector<1x16xf32> to vector<16xf32>
      %mul3A_1816 = arith.mulf %get3A_1815, %select_n3A_1428 : vector<16xf32>
      %swap3A_1817 = arith.index_cast %scan3A_1811 : i32 to index
      %swap3A_1818 = arith.constant 0 : index
      %swap3A_1819 = tpu.vector_load %arg4[%swap3A_1817, %swap3A_1818] {strides = array<i32>} : memref<256x128xf32, #tpu.memory_space<vmem>>, vector<1x16xf32>,
      %swap3A_1820 = vector.shape_cast %swap3A_1819 : vector<1x16xf32> to vector<16xf32>
      %swap3A_1821 = vector.shape_cast %mul3A_1816 : vector<16xf32> to vector<1x16xf32>
      tpu.vector_store %arg4[%swap3A_1817, %swap3A_1818], %swap3A_1821 {strides = array<i32>} : memref<256x128xf32, #tpu.memory_space<vmem>>, vector<1x16xf32>,
      %get3A_1822 = arith.index_cast %scan3A_1811 : i32 to index
      %get3A_1823 = arith.constant 16 : index
      %get3A_1824 = tpu.vector_load %arg4[%get3A_1822, %get3A_1823] {strides = array<i32>} : memref<256x128xf32, #tpu.memory_space<vmem>>, vector<1x16xf32>,
      %get3A_1825 = vector.shape_cast %get3A_1824 : vector<1x16xf32> to vector<16xf32>
      %mul3A_1826 = arith.mulf %get3A_1825, %select_n3A_1464 : vector<16xf32>
      %swap3A_1827 = arith.index_cast %scan3A_1811 : i32 to index
      %swap3A_1828 = arith.constant 16 : index
      %swap3A_1829 = tpu.vector_load %arg4[%swap3A_1827, %swap3A_1828] {strides = array<i32>} : memref<256x128xf32, #tpu.memory_space<vmem>>, vector<1x16xf32>,
      %swap3A_1830 = vector.shape_cast %swap3A_1829 : vector<1x16xf32> to vector<16xf32>
      %swap3A_1831 = vector.shape_cast %mul3A_1826 : vector<16xf32> to vector<1x16xf32>
      tpu.vector_store %arg4[%swap3A_1827, %swap3A_1828], %swap3A_1831 {strides = array<i32>} : memref<256x128xf32, #tpu.memory_space<vmem>>, vector<1x16xf32>,
      %get3A_1832 = arith.index_cast %scan3A_1811 : i32 to index
      %get3A_1833 = arith.constant 32 : index
      %get3A_1834 = tpu.vector_load %arg4[%get3A_1832, %get3A_1833] {strides = array<i32>} : memref<256x128xf32, #tpu.memory_space<vmem>>, vector<1x16xf32>,
      %get3A_1835 = vector.shape_cast %get3A_1834 : vector<1x16xf32> to vector<16xf32>
      %mul3A_1836 = arith.mulf %get3A_1835, %select_n3A_1500 : vector<16xf32>
      %swap3A_1837 = arith.index_cast %scan3A_1811 : i32 to index
      %swap3A_1838 = arith.constant 32 : index
      %swap3A_1839 = tpu.vector_load %arg4[%swap3A_1837, %swap3A_1838] {strides = array<i32>} : memref<256x128xf32, #tpu.memory_space<vmem>>, vector<1x16xf32>,
      %swap3A_1840 = vector.shape_cast %swap3A_1839 : vector<1x16xf32> to vector<16xf32>
      %swap3A_1841 = vector.shape_cast %mul3A_1836 : vector<16xf32> to vector<1x16xf32>
      tpu.vector_store %arg4[%swap3A_1837, %swap3A_1838], %swap3A_1841 {strides = array<i32>} : memref<256x128xf32, #tpu.memory_space<vmem>>, vector<1x16xf32>,
      %get3A_1842 = arith.index_cast %scan3A_1811 : i32 to index
      %get3A_1843 = arith.constant 48 : index
      %get3A_1844 = tpu.vector_load %arg4[%get3A_1842, %get3A_1843] {strides = array<i32>} : memref<256x128xf32, #tpu.memory_space<vmem>>, vector<1x16xf32>,
      %get3A_1845 = vector.shape_cast %get3A_1844 : vector<1x16xf32> to vector<16xf32>
      %mul3A_1846 = arith.mulf %get3A_1845, %select_n3A_1536 : vector<16xf32>
      %swap3A_1847 = arith.index_cast %scan3A_1811 : i32 to index
      %swap3A_1848 = arith.constant 48 : index
      %swap3A_1849 = tpu.vector_load %arg4[%swap3A_1847, %swap3A_1848] {strides = array<i32>} : memref<256x128xf32, #tpu.memory_space<vmem>>, vector<1x16xf32>,
      %swap3A_1850 = vector.shape_cast %swap3A_1849 : vector<1x16xf32> to vector<16xf32>
      %swap3A_1851 = vector.shape_cast %mul3A_1846 : vector<16xf32> to vector<1x16xf32>
      tpu.vector_store %arg4[%swap3A_1847, %swap3A_1848], %swap3A_1851 {strides = array<i32>} : memref<256x128xf32, #tpu.memory_space<vmem>>, vector<1x16xf32>,
      %get3A_1852 = arith.index_cast %scan3A_1811 : i32 to index
      %get3A_1853 = arith.constant 64 : index
      %get3A_1854 = tpu.vector_load %arg4[%get3A_1852, %get3A_1853] {strides = array<i32>} : memref<256x128xf32, #tpu.memory_space<vmem>>, vector<1x16xf32>,
      %get3A_1855 = vector.shape_cast %get3A_1854 : vector<1x16xf32> to vector<16xf32>
      %mul3A_1856 = arith.mulf %get3A_1855, %select_n3A_1572 : vector<16xf32>
      %swap3A_1857 = arith.index_cast %scan3A_1811 : i32 to index
      %swap3A_1858 = arith.constant 64 : index
      %swap3A_1859 = tpu.vector_load %arg4[%swap3A_1857, %swap3A_1858] {strides = array<i32>} : memref<256x128xf32, #tpu.memory_space<vmem>>, vector<1x16xf32>,
      %swap3A_1860 = vector.shape_cast %swap3A_1859 : vector<1x16xf32> to vector<16xf32>
      %swap3A_1861 = vector.shape_cast %mul3A_1856 : vector<16xf32> to vector<1x16xf32>
      tpu.vector_store %arg4[%swap3A_1857, %swap3A_1858], %swap3A_1861 {strides = array<i32>} : memref<256x128xf32, #tpu.memory_space<vmem>>, vector<1x16xf32>,
      %get3A_1862 = arith.index_cast %scan3A_1811 : i32 to index
      %get3A_1863 = arith.constant 80 : index
      %get3A_1864 = tpu.vector_load %arg4[%get3A_1862, %get3A_1863] {strides = array<i32>} : memref<256x128xf32, #tpu.memory_space<vmem>>, vector<1x16xf32>,
      %get3A_1865 = vector.shape_cast %get3A_1864 : vector<1x16xf32> to vector<16xf32>
      %mul3A_1866 = arith.mulf %get3A_1865, %select_n3A_1608 : vector<16xf32>
      %swap3A_1867 = arith.index_cast %scan3A_1811 : i32 to index
      %swap3A_1868 = arith.constant 80 : index
      %swap3A_1869 = tpu.vector_load %arg4[%swap3A_1867, %swap3A_1868] {strides = array<i32>} : memref<256x128xf32, #tpu.memory_space<vmem>>, vector<1x16xf32>,
      %swap3A_1870 = vector.shape_cast %swap3A_1869 : vector<1x16xf32> to vector<16xf32>
      %swap3A_1871 = vector.shape_cast %mul3A_1866 : vector<16xf32> to vector<1x16xf32>
      tpu.vector_store %arg4[%swap3A_1867, %swap3A_1868], %swap3A_1871 {strides = array<i32>} : memref<256x128xf32, #tpu.memory_space<vmem>>, vector<1x16xf32>,
      %get3A_1872 = arith.index_cast %scan3A_1811 : i32 to index
      %get3A_1873 = arith.constant 96 : index
      %get3A_1874 = tpu.vector_load %arg4[%get3A_1872, %get3A_1873] {strides = array<i32>} : memref<256x128xf32, #tpu.memory_space<vmem>>, vector<1x16xf32>,
      %get3A_1875 = vector.shape_cast %get3A_1874 : vector<1x16xf32> to vector<16xf32>
      %mul3A_1876 = arith.mulf %get3A_1875, %select_n3A_1644 : vector<16xf32>
      %swap3A_1877 = arith.index_cast %scan3A_1811 : i32 to index
      %swap3A_1878 = arith.constant 96 : index
      %swap3A_1879 = tpu.vector_load %arg4[%swap3A_1877, %swap3A_1878] {strides = array<i32>} : memref<256x128xf32, #tpu.memory_space<vmem>>, vector<1x16xf32>,
      %swap3A_1880 = vector.shape_cast %swap3A_1879 : vector<1x16xf32> to vector<16xf32>
      %swap3A_1881 = vector.shape_cast %mul3A_1876 : vector<16xf32> to vector<1x16xf32>
      tpu.vector_store %arg4[%swap3A_1877, %swap3A_1878], %swap3A_1881 {strides = array<i32>} : memref<256x128xf32, #tpu.memory_space<vmem>>, vector<1x16xf32>,
      %get3A_1882 = arith.index_cast %scan3A_1811 : i32 to index
      %get3A_1883 = arith.constant 112 : index
      %get3A_1884 = tpu.vector_load %arg4[%get3A_1882, %get3A_1883] {strides = array<i32>} : memref<256x128xf32, #tpu.memory_space<vmem>>, vector<1x16xf32>,
      %get3A_1885 = vector.shape_cast %get3A_1884 : vector<1x16xf32> to vector<16xf32>
      %mul3A_1886 = arith.mulf %get3A_1885, %select_n3A_1680 : vector<16xf32>
      %swap3A_1887 = arith.index_cast %scan3A_1811 : i32 to index
      %swap3A_1888 = arith.constant 112 : index
      %swap3A_1889 = tpu.vector_load %arg4[%swap3A_1887, %swap3A_1888] {strides = array<i32>} : memref<256x128xf32, #tpu.memory_space<vmem>>, vector<1x16xf32>,
      %swap3A_1890 = vector.shape_cast %swap3A_1889 : vector<1x16xf32> to vector<16xf32>
      %swap3A_1891 = vector.shape_cast %mul3A_1886 : vector<16xf32> to vector<1x16xf32>
      tpu.vector_store %arg4[%swap3A_1887, %swap3A_1888], %swap3A_1891 {strides = array<i32>} : memref<256x128xf32, #tpu.memory_space<vmem>>, vector<1x16xf32>,
    }
    %scan3A_1760 = arith.constant 128 : i32
    %dma_start3A_1761 = arith.constant 128 : i32
    %dma_start3A_1762 = arith.constant 0 : i32
    %dma_start3A_1763 = tpu.memref_slice %arg4[%dma_start3A_1761, %dma_start3A_1762] : memref<256x128xf32, #tpu.memory_space<vmem>> -> memref<128x128xf32, #tpu.memory_space<vmem>>
    %dma_start3A_1764 = arith.constant 128 : i32
    %dma_start3A_1765 = tpu.memref_slice %arg3[%dma_start3A_1764, %add3A_1354] : memref<256x16384xf32, #tpu.memory_space<hbm>> -> memref<128x128xf32, #tpu.memory_space<hbm>>
    %dma_start3A_1766 = arith.constant 128 : i32
    %dma_start3A_1767 = tpu.memref_slice %arg3[%dma_start3A_1766, %add3A_1354] : memref<256x16384xf32, #tpu.memory_space<hbm>> -> memref<128x128xf32, #tpu.memory_space<hbm>>
    %dma_start3A_1768 = arith.constant 128 : i32
    %dma_start3A_1769 = arith.constant 0 : i32
    %dma_start3A_1770 = tpu.memref_slice %arg4[%dma_start3A_1768, %dma_start3A_1769] : memref<256x128xf32, #tpu.memory_space<vmem>> -> memref<128x128xf32, #tpu.memory_space<vmem>>
    tpu.enqueue_dma source(%dma_start3A_1770 : memref<128x128xf32, #tpu.memory_space<vmem>>) target(%dma_start3A_1767 : memref<128x128xf32, #tpu.memory_space<hbm>>) target_semaphore(%arg16 : memref<!tpu.dma_semaphore, #tpu.memory_space<semaphore_mem>>)
    %dma_wait3A_1771 = arith.constant 0 : i32
    %dma_wait3A_1772 = arith.constant 0 : i32
    %dma_wait3A_1773 = tpu.memref_slice %arg6[%dma_wait3A_1771, %dma_wait3A_1772] : memref<256x128xf32, #tpu.memory_space<vmem>> -> memref<128x128xf32, #tpu.memory_space<vmem>>
    %dma_wait3A_1774 = arith.constant 0 : i32
    %dma_wait3A_1775 = tpu.memref_slice %arg3[%dma_wait3A_1774, %add3A_936] : memref<256x16384xf32, #tpu.memory_space<hbm>> -> memref<128x128xf32, #tpu.memory_space<hbm>>
    %dma_wait3A_1776 = arith.constant 0 : i32
    %dma_wait3A_1777 = tpu.memref_slice %arg3[%dma_wait3A_1776, %add3A_936] : memref<256x16384xf32, #tpu.memory_space<hbm>> -> memref<128x128xf32, #tpu.memory_space<hbm>>
    %dma_wait3A_1778 = arith.constant 0 : i32
    %dma_wait3A_1779 = arith.constant 0 : i32
    %dma_wait3A_1780 = tpu.memref_slice %arg6[%dma_wait3A_1778, %dma_wait3A_1779] : memref<256x128xf32, #tpu.memory_space<vmem>> -> memref<128x128xf32, #tpu.memory_space<vmem>>
    tpu.wait_dma2 semaphore(%arg15 : memref<!tpu.dma_semaphore, #tpu.memory_space<semaphore_mem>>) src(%dma_wait3A_1780 : memref<128x128xf32, #tpu.memory_space<vmem>>) dst(%dma_wait3A_1777 : memref<128x128xf32, #tpu.memory_space<hbm>>)
    %dma_wait3A_1781 = arith.constant 128 : i32
    %dma_wait3A_1782 = arith.constant 0 : i32
    %dma_wait3A_1783 = tpu.memref_slice %arg6[%dma_wait3A_1781, %dma_wait3A_1782] : memref<256x128xf32, #tpu.memory_space<vmem>> -> memref<128x128xf32, #tpu.memory_space<vmem>>
    %dma_wait3A_1784 = arith.constant 128 : i32
    %dma_wait3A_1785 = tpu.memref_slice %arg3[%dma_wait3A_1784, %add3A_936] : memref<256x16384xf32, #tpu.memory_space<hbm>> -> memref<128x128xf32, #tpu.memory_space<hbm>>
    %dma_wait3A_1786 = arith.constant 128 : i32
    %dma_wait3A_1787 = tpu.memref_slice %arg3[%dma_wait3A_1786, %add3A_936] : memref<256x16384xf32, #tpu.memory_space<hbm>> -> memref<128x128xf32, #tpu.memory_space<hbm>>
    %dma_wait3A_1788 = arith.constant 128 : i32
    %dma_wait3A_1789 = arith.constant 0 : i32
    %dma_wait3A_1790 = tpu.memref_slice %arg6[%dma_wait3A_1788, %dma_wait3A_1789] : memref<256x128xf32, #tpu.memory_space<vmem>> -> memref<128x128xf32, #tpu.memory_space<vmem>>
    tpu.wait_dma2 semaphore(%arg18 : memref<!tpu.dma_semaphore, #tpu.memory_space<semaphore_mem>>) src(%dma_wait3A_1790 : memref<128x128xf32, #tpu.memory_space<vmem>>) dst(%dma_wait3A_1787 : memref<128x128xf32, #tpu.memory_space<hbm>>)
    %dma_wait3A_1791 = arith.constant 0 : i32
    %dma_wait3A_1792 = arith.constant 0 : i32
    %dma_wait3A_1793 = tpu.memref_slice %arg4[%dma_wait3A_1791, %dma_wait3A_1792] : memref<256x128xf32, #tpu.memory_space<vmem>> -> memref<128x128xf32, #tpu.memory_space<vmem>>
    %dma_wait3A_1794 = arith.constant 0 : i32
    %dma_wait3A_1795 = tpu.memref_slice %arg3[%dma_wait3A_1794, %add3A_1354] : memref<256x16384xf32, #tpu.memory_space<hbm>> -> memref<128x128xf32, #tpu.memory_space<hbm>>
    %dma_wait3A_1796 = arith.constant 0 : i32
    %dma_wait3A_1797 = tpu.memref_slice %arg3[%dma_wait3A_1796, %add3A_1354] : memref<256x16384xf32, #tpu.memory_space<hbm>> -> memref<128x128xf32, #tpu.memory_space<hbm>>
    %dma_wait3A_1798 = arith.constant 0 : i32
    %dma_wait3A_1799 = arith.constant 0 : i32
    %dma_wait3A_1800 = tpu.memref_slice %arg4[%dma_wait3A_1798, %dma_wait3A_1799] : memref<256x128xf32, #tpu.memory_space<vmem>> -> memref<128x128xf32, #tpu.memory_space<vmem>>
    tpu.wait_dma2 semaphore(%arg13 : memref<!tpu.dma_semaphore, #tpu.memory_space<semaphore_mem>>) src(%dma_wait3A_1800 : memref<128x128xf32, #tpu.memory_space<vmem>>) dst(%dma_wait3A_1797 : memref<128x128xf32, #tpu.memory_space<hbm>>)
    %dma_wait3A_1801 = arith.constant 128 : i32
    %dma_wait3A_1802 = arith.constant 0 : i32
    %dma_wait3A_1803 = tpu.memref_slice %arg4[%dma_wait3A_1801, %dma_wait3A_1802] : memref<256x128xf32, #tpu.memory_space<vmem>> -> memref<128x128xf32, #tpu.memory_space<vmem>>
    %dma_wait3A_1804 = arith.constant 128 : i32
    %dma_wait3A_1805 = tpu.memref_slice %arg3[%dma_wait3A_1804, %add3A_1354] : memref<256x16384xf32, #tpu.memory_space<hbm>> -> memref<128x128xf32, #tpu.memory_space<hbm>>
    %dma_wait3A_1806 = arith.constant 128 : i32
    %dma_wait3A_1807 = tpu.memref_slice %arg3[%dma_wait3A_1806, %add3A_1354] : memref<256x16384xf32, #tpu.memory_space<hbm>> -> memref<128x128xf32, #tpu.memory_space<hbm>>
    %dma_wait3A_1808 = arith.constant 128 : i32
    %dma_wait3A_1809 = arith.constant 0 : i32
    %dma_wait3A_1810 = tpu.memref_slice %arg4[%dma_wait3A_1808, %dma_wait3A_1809] : memref<256x128xf32, #tpu.memory_space<vmem>> -> memref<128x128xf32, #tpu.memory_space<vmem>>
    tpu.wait_dma2 semaphore(%arg16 : memref<!tpu.dma_semaphore, #tpu.memory_space<semaphore_mem>>) src(%dma_wait3A_1810 : memref<128x128xf32, #tpu.memory_space<vmem>>) dst(%dma_wait3A_1807 : memref<128x128xf32, #tpu.memory_space<hbm>>)
    return
  }
}

</mosaic_0001>

<sc_bundles>
// kernel: kernel.3.cloned.1.call-start
scs
__scs_entry_jumppad:
0x0: {  	(pc) =	sbr.rel $0x88, $3  }
0x1: {  	(tag) =	ssettag $0x0;
	lr =	simm.s32 $0x1  }
0x2: {  	[smem:$0x3FA0] =	sst lr;
	_ =	strace $0xD0000000  }
0x3: {  	_ = 	snop  }
0x4: {  	_ = 	snop  }
0x5: {  	_ = 	snop  }
0x6: {  	_ = 	snop  }
0x7: {  	_ = 	snop  }
__scs_overlays_trampoline_lowered:
0x8: {  	[smem:$0x3FAF] =	sst s0  }
0x9: {  	[smem:$0x3FB0] =	sst s1  }
0xa: {  	[smem:$0x3FB1] =	sst s2  }
0xb: {  	[smem:$0x3FB2] =	sst s3  }
0xc: {  	[smem:$0x3FB3] =	sst s4  }
0xd: {  	[smem:$0x3FB4] =	sst s5  }
0xe: {  	[smem:$0x3FB5] =	sst s6  }
0xf: {  	[smem:$0x3FB6] =	sst s7  }
0x10: {  	[smem:$0x3FB7] =	sst s8  }
0x11: {  	[smem:$0x3FB8] =	sst s9;
	s0 =	simm.s32 @!p0 $0x0  }
0x12: {  	s1 =	sld [smem:$0x3F9E];
	s0 =	simm.s32 @p0 $0x1  }
0x13: {  	[smem:$0x3FB9] =	sst s0;
	s0 =	simm.s32 @!p1 $0x0  }
0x14: {  	s2 =	sld [smem:$0x3F9D];
	s0 =	simm.s32 @p1 $0x1  }
0x15: {  	[smem:$0x3FBA] =	sst s0;
	s0 =	simm.s32 @!p2 $0x0  }
0x16: {  	s3 =	sld [smem:$0x3FDB];
	s0 =	simm.s32 @p2 $0x1  }
0x17: {  	s4 =	simm.s32 $0x1BF5;
	[smem:$0x3FBC] =	sst s0  }
0x18: {  	s0 =	sld [smem:$0x3F9F];
	_ =	swait.ge [sflag:s4], $0x0  }
0x19: {  	s7 =	sld [smem:$0x3FA0]  }
0x1a: {  	s8 =	sadd.s32 $0xFFFFE003, lr  }
0x1b: {  	s9 =	sadd.s32 $0xFFFFFEF7, lr;
	s5 =	simm.s32 $0xFFFFFFFF;
	p2 =	slt.u32 s8, $0xFFFFF086  }
0x1c: {  	p1 =	slt.u32 s9, $0xF7A;
	s5 =	simm.s32 @!p2 $0x0  }
0x1d: {  	s5 =	simm.s32 @p1 $0x1;
	p0 =	seq.s32 s7, s2  }
0x1e: {  	s7 =	smul.u32 @!p0 $0xF7A, s2;
	p2 =	seq.s32 @!p0 s5, $0x0  }
0x1f: {  	s9 =	smul.u32 $0xF7A, s1;
	s8 =	simm.s32 @!p0 $0x1BF5;
	p2 =	por !p2, p0  }
0x20: {  	[sflag:s8] =	ssyncset.s32 @!p0 $0xFFFFF086;
	s6 =	sadd.s32 @!p0 s3, s7;
	s7 =	simm.s32 @!p0 $0x108  }
0x21: {  	s3 =	sadd.s32 s3, s9;
	s6 =	sadd.s32 @!p0 $0x88, s6;
	s7 =	simm.s32 @p2 $0x1082  }
0x22: {  	[simem:s7], [sflag:s8] =	dma.local @!p0 [hbm:s6], $0xF7A  }
0x23: {  	s9 =	sor.u32 $0xD0000000, s2;
	s6 =	simm.s32 $0x108;
	_ =	swait.ge @!p0 [sflag:s8], $0x0  }
0x24: {  	s3 =	sadd.s32 $0x88, s3;
	s6 =	simm.s32 @!p1 $0x1082;
	[sflag:s4] =	ssyncset.s32 $0xFFFFF086  }
0x25: {  	[simem:s6], [sflag:s4] =	dma.local [hbm:s3], $0xF7A  }
0x26: {  	[smem:$0x3FA0] =	sst s1;
	(tag) =	ssettag s2;
	_ =	strace s9  }
0x27: {  	s1 =	sld [smem:$0x3FB0]  }
0x28: {  	s2 =	sld [smem:$0x3FB1]  }
0x29: {  	s4 =	sld [smem:$0x3FB3]  }
0x2a: {  	p0 =	seq.s32 s5, $0x0;
	s5 =	sld [smem:$0x3FB4]  }
0x2b: {  	s6 =	sld [smem:$0x3FB5]  }
0x2c: {  	s7 =	sld [smem:$0x3FB6]  }
0x2d: {  	s3 =	simm.s32 $0x108;
	s8 =	sld [smem:$0x3FB7]  }
0x2e: {  	s3 =	simm.s32 @!p0 $0x1082;
	s9 =	sld [smem:$0x3FB8]  }
0x2f: {  	lr =	sadd.s32 s0, s3;
	s0 =	sld [smem:$0x3FAF]  }
0x30: {  	s3 =	sld [smem:$0x3FB2]  }
0x31: {  	[smem:$0x3FBB] =	sst s10  }
0x32: {  	s10 =	sld [smem:$0x3FB9];
	_ =	sdelay $0x3  }
0x33: {  	p0 =	seq.s32 s10, $0x1;
	s10 =	sld [smem:$0x3FBB];
	_ =	sdelay $0x3  }
0x34: {  	[smem:$0x3FBB] =	sst s10  }
0x35: {  	s10 =	sld [smem:$0x3FBA];
	_ =	sdelay $0x3  }
0x36: {  	p1 =	seq.s32 s10, $0x1;
	s10 =	sld [smem:$0x3FBB];
	_ =	sdelay $0x3  }
0x37: {  	[smem:$0x3FBB] =	sst s10  }
0x38: {  	s10 =	sld [smem:$0x3FBC]  }
0x39: {  	_ = 	snop;
	(pc) =	sbr.ind lr, $3  }
0x3a: {  	_ = 	snop  }
0x3b: {  	_ = 	snop  }
0x3c: {  	p2 =	seq.s32 s10, $0x1;
	s10 =	sld [smem:$0x3FBB]  }
0x3d: {  	_ =	shalt  }
0x3e: {  	_ =	shalt  }
0x3f: {  	_ =	shalt  }
0x40: {  	_ =	shalt  }
0x41: {  	_ =	shalt  }
0x42: {  	_ =	shalt  }
0x43: {  	_ =	shalt  }
0x44: {  	_ =	shalt  }
0x45: {  	_ =	shalt  }
0x46: {  	_ =	shalt  }
0x47: {  	_ =	shalt  }
0x48: {  	_ =	shalt  }
0x49: {  	_ =	shalt  }
0x4a: {  	_ =	shalt  }
0x4b: {  	_ =	shalt  }
0x4c: {  	_ =	shalt  }
0x4d: {  	_ =	shalt  }
0x4e: {  	_ =	shalt  }
0x4f: {  	_ =	shalt  }
0x50: {  	_ =	shalt  }
0x51: {  	_ =	shalt  }
0x52: {  	_ =	shalt  }
0x53: {  	_ =	shalt  }
0x54: {  	_ =	shalt  }
0x55: {  	_ =	shalt  }
0x56: {  	_ =	shalt  }
0x57: {  	_ =	shalt  }
0x58: {  	_ =	shalt  }
0x59: {  	_ =	shalt  }
0x5a: {  	_ =	shalt  }
0x5b: {  	_ =	shalt  }
0x5c: {  	_ =	shalt  }
0x5d: {  	_ =	shalt  }
0x5e: {  	_ =	shalt  }
0x5f: {  	_ =	shalt  }
0x60: {  	_ =	shalt  }
0x61: {  	_ =	shalt  }
0x62: {  	_ =	shalt  }
0x63: {  	_ =	shalt  }
0x64: {  	_ =	shalt  }
0x65: {  	_ =	shalt  }
0x66: {  	_ =	shalt  }
0x67: {  	_ =	shalt  }
0x68: {  	_ =	shalt  }
0x69: {  	_ =	shalt  }
0x6a: {  	_ =	shalt  }
0x6b: {  	_ =	shalt  }
0x6c: {  	_ =	shalt  }
0x6d: {  	_ =	shalt  }
0x6e: {  	_ =	shalt  }
0x6f: {  	_ =	shalt  }
0x70: {  	_ =	shalt  }
0x71: {  	_ =	shalt  }
0x72: {  	_ =	shalt  }
0x73: {  	_ =	shalt  }
0x74: {  	_ =	shalt  }
0x75: {  	_ =	shalt  }
0x76: {  	_ =	shalt  }
0x77: {  	_ =	shalt  }
0x78: {  	_ =	shalt  }
0x79: {  	_ =	shalt  }
0x7a: {  	_ =	shalt  }
0x7b: {  	_ =	shalt  }
0x7c: {  	_ =	shalt  }
0x7d: {  	_ =	shalt  }
0x7e: {  	_ =	shalt  }
0x7f: {  	_ =	shalt  }
0x80: {  	_ =	shalt  }
0x81: {  	_ =	shalt  }
0x82: {  	_ =	shalt  }
0x83: {  	_ =	shalt  }
0x84: {  	_ =	shalt  }
0x85: {  	_ =	shalt  }
0x86: {  	_ =	shalt  }
0x87: {  	_ =	shalt  }
.Lfunc_end0:
.L_simem_size_0:
called_computation_lowered:
.L_overlay_start_0:
0x88: {  	s2 =	sld [smem:$0x3FD9]  }
0x89: {  	s3 =	sld [smem:$0x3FFE];
	_ =	sdelay $0x1  }
0x8a: {  	s1 =	srdreg.scid  }
0x8b: {  	s0 =	sand.u32 $0x1, s1  }
0x8c: {  	s18 =	sshll.u32 s0, $0xA;
	s2 =	sadd.s32 s3, s2  }
0x8d: {  	s2 =	sadd.s32 s2, s18  }
0x8e: {  	[smem:$0x3FC7] =	sst s2  }
0x8f: {  	_ = 	snop  }
0x90: {  	s2 =	sld [smem:$0x3FC9]  }
0x91: {  	s19 =	sld [smem:$0x3FD0];
	(tm) =	ssettm $0x1  }
0x92: {  	s4 =	sld [smem:$0x3FFB];
	_ =	sdelay $0x3  }
0x93: {  	_ =	strace s4  }
0x94: {  	s4 =	sld [smem:$0x3FFC];
	_ =	sdelay $0x3  }
0x95: {  	_ =	strace s4  }
0x96: {  	s4 =	sld [smem:$0x3FFD];
	_ =	sdelay $0x3  }
0x97: {  	_ =	strace s4  }
0x98: {  	_ =	strace $0x8FFFFFFF  }
0x99: {  	s20 =	sld [smem:$0x3FDB];
	_ =	sdelay $0x1  }
0x9a: {  	s5 =	simm.s32 $_scs_section_size  }
0x9b: {  	s6 =	simm.s32 $_size__tile_overlayer_lowered;
	s7 =	simm.s32 $_tile_overlayer_lowered  }
0x9c: {  	s23 =	simm.s32 $0x1BFF;
	s22 =	sshll.u32 s7, $0x1;
	s4 =	sadd.s32 s5, s20  }
0x9d: {  	s8 =	simm.s32 $0x0;
	s21 =	sshll.u32 s6, $0x1;
	s6 =	sadd.s32 s22, s4  }
0x9e: {  	[timem:s8], [sflag:s23] =	dma.local [hbm:s6], s21  }
0x9f: {  	_ =	swait.ge [sflag:s23], s21  }
0xa0: {  	s5 =	ssub.s32 $0x0, s21;
	[sflag:s23] =	ssyncset.done $0x0  }
0xa1: {  	[sflag:s23] =	ssyncadd.s32 s5;
	_ =	sdelay $0x1  }
0xa2: {  	s24 =	simm.s32 $0x1B8B  }
0xa3: {  	_ =	swait.ge [sflag:s24], $0x1  }
0xa4: {  	[sflag:s24] =	ssyncset.done $0x0  }
0xa5: {  	s25 =	simm.s32 $0x1B8E;
	[sflag:s24] =	ssyncadd.s32 $0xFFFFFFFF  }
0xa6: {  	s26 =	simm.s32 $execute0_lowered;
	[smem:$0x3FD2] =	sst s25  }
0xa7: {  	s5 =	sshll.u32 s26, $0x1;
	_ =	strace $0x80000046;
	[dreg:$0x1] =	wrdreg $0xFFFFFFFF  }
0xa8: {  	s28 =	simm.s32 $_size_execute0_lowered;
	s4 =	sadd.s32 s4, s5;
	[dreg:$0x0] =	wrdreg $0x0  }
0xa9: {  	s5 =	sshll.u32 s28, $0x1;
	[dreg:$0x2] =	wrdreg s4  }
0xaa: {  	[dreg:$0x3] =	wrdreg s5  }
0xab: {  	[dreg:$0x4] =	wrdreg $0xC0  }
0xac: {  	_ =	task [dreg:s8], $0x5FFFF  }
0xad: {  	[dreg:$0x1] =	wrdreg $0xFFFFFFFF  }
0xae: {  	[dreg:$0x0] =	wrdreg $0x60  }
0xaf: {  	[dreg:$0x2] =	wrdreg s2  }
0xb0: {  	[dreg:$0x3] =	wrdreg s19  }
0xb1: {  	[dreg:$0x4] =	wrdreg $0x9  }
0xb2: {  	_ =	task.clear_ibuf [dreg:s8], $0x5FFFF;
	_ =	strace $0x90000046  }
0xb3: {  	s29 =	simm.s32 $0x9;
	_ =	strace $0x80000048  }
0xb4: {  	_ =	swait.ge [sflag:s29], $0x1  }
0xb5: {  	[sflag:s29] =	ssyncadd.s32 $0xFFFFFFFF  }
0xb6: {  	_ =	strace $0x90000048  }
0xb7: {  	_ =	sfence  }
0xb8: {  	s30 =	sld [smem:$0x0];
	_ =	sdelay $0x2  }
0xb9: {  	s31 =	sshll.u32 s1, $0xD;
	s1 =	sshrl.u32 s1, $0x2  }
0xba: {  	s3 =	sand.u32 $0x4000, s31;
	s1 =	sadd.s32 s1, s30  }
0xbb: {  	s0 =	sor.u32 s3, s0;
	s1 =	sshll.u32 s1, $0x11  }
0xbc: {  	s0 =	sor.u32 s1, s0  }
0xbd: {  	s0 =	sadd.s32 $0x8F2B, s0  }
0xbe: {  	[sflag:s0] =	ssyncadd.remote.s32 $0x1  }
0xbf: {  	_ =	sfence.sel $0xFFFF  }
0xc0: {  	[dreg:$0x0] =	wrdreg $0xFFFFFFFF;
	(pc) =	sbr.abs _section_cstart, $3  }
0xc1: {  	[dreg:$0x1] =	wrdreg $0xFFFFFFFF  }
0xc2: {  	_ =	task.clear_ibuf [dreg:s8], $0x2FFFF;
	_ =	strace $0x9FFFFFFF  }
0xc3: {  	(tm) =	ssettm $0x7FFFFFFF  }
tec
execute0_lowered:
.L_overlay_start_1:
0x0: {  	(tag) =	ssettag $0x1  }
0x1: {  	s0 =	rddreg [dreg:$0x0]  }
0x2: {  	s1 =	rddreg [dreg:$0x1];
	s2 =	srdreg.scid;
	s3 =	simm.s32 $0x0  }
0x3: {  	s5 =	stileid.u32;
	s20 =	simm.s32 $0x400;
	s21 =	simm.s32 $0x20000  }
0x4: {  	s30 =	simm.s32 $0x2;
	s31 =	simm.s32 $0x5;
	s2 =	sand.u32 $0x1, s2  }
0x5: {  	s28 =	simm.s32 $0x0;
	[smem:$0x7FF] =	sst s3;
	s22 =	ssub.s32 $0x2, s2  }
0x6: {  	s5 =	sshll.u32 s5, $0xA;
	s2 =	sshll.u32 s2, $0x9;
	s4 =	sshrl.u32 s22, $0x1  }
0x7: {  	_ =	strace $0x80000047;
	s2 =	sor.u32 s2, s5;
	s3 =	ssub.s32 s22, s4  }
0x8: {  	s23 =	sadd.s32 s0, s2;
	s24 =	sor.u32 $0x40000, s2;
	s11 =	sor.u32 $0x80, s2  }
0x9: {  	s12 =	sor.u32 $0x40080, s2;
	s7 =	sadd.s32 s1, s2;
	s15 =	sor.u32 $0x100, s2  }
0xa: {  	s29 =	sor.u32 $0x40100, s2;
	s17 =	sor.u32 $0x180, s2;
	s2 =	sor.u32 $0x40180, s2  }
0xb: {  	s22 =	simm.s32 $0x4000;
	[dreg:$0x3] =	wrdreg s23;
	s25 =	sadd.s32 s0, s24  }
0xc: {  	s26 =	sadd.s32 s0, s11;
	s6 =	sadd.s32 s0, s12;
	s8 =	sadd.s32 s1, s24  }
0xd: {  	s9 =	sadd.s32 s0, s15;
	s10 =	sadd.s32 s0, s29;
	s11 =	sadd.s32 s1, s11  }
0xe: {  	s12 =	sadd.s32 s1, s12;
	s13 =	sadd.s32 s0, s17;
	s14 =	sadd.s32 s0, s2  }
0xf: {  	s15 =	sadd.s32 s1, s15;
	s16 =	sadd.s32 s1, s29;
	s17 =	sadd.s32 s1, s17  }
0x10: {  	s18 =	sadd.s32 s1, s2;
	s19 =	smax.u32 s3, $0x1;
	s0 =	simm.s32 $0x7  }
0x11: {  	s1 =	simm.s32 $0xA;
	s2 =	simm.s32 $0x3;
	s23 =	simm.s32 $0x6  }
0x12: {  	s24 =	simm.s32 $0x9;
	s3 =	simm.s32 $0xC;
	[dreg:$0x4] =	wrdreg s25  }
0x13: {  	[dreg:$0x5] =	wrdreg s26;
	s25 =	simm.s32 $0x1;
	s26 =	simm.s32 $0x4  }
.LBB2_1:
0x14: {  	s4 =	simm.s32 $0x0;
	s5 =	rddreg [dreg:$0x3]  }
0x15: {  	[tilespmem:s4], [sflag:$0x1] =	stream.strided.gather [hbm4b:s5+s20], $0x4000, s21, s20, $0x38;
	[tilespmem:$0x18000] =	vst v63  }
0x16: {  	s5 =	rddreg [dreg:$0x4]  }
0x17: {  	[tilespmem:s22], [sflag:$0x4] =	stream.strided.gather [hbm4b:s5+s20], $0x4000, s21, s20, $0x38;
	[tilespmem:$0x18000] =	vst v63  }
0x18: {  	s4 =	rddreg [dreg:$0x5];
	s5 =	simm.s32 $0x8000  }
0x19: {  	[tilespmem:s5], [sflag:$0x2] =	stream.strided.gather [hbm4b:s4+s20], $0x4000, s21, s20, $0x38;
	[tilespmem:$0x18000] =	vst v63  }
0x1a: {  	s5 =	simm.s32 $0xC000  }
0x1b: {  	[tilespmem:s5], [sflag:$0x5] =	stream.strided.gather [hbm4b:s6+s20], $0x4000, s21, s20, $0x38;
	[tilespmem:$0x18000] =	vst v63  }
0x1c: {  	_ =	swait.ge [sflag:s25], $0x4000  }
0x1d: {  	[sflag:s25] =	ssyncset.done $0x0  }
0x1e: {  	s5 =	simm.s32 $0x0;
	[sflag:s25] =	ssyncadd.s32 $0xFFFFC000  }
0x1f: {  	v0 =	vld [tilespmem:s5+$0xF0]  }
0x20: {  	v1 =	vld [tilespmem:s5+$0x80]  }
0x21: {  	v3 =	vld [tilespmem:s5+$0x90];
	_ =	sdelay $0x1  }
0x22: {  	v9 =	vld [tilespmem:s5+$0xA0]  }
0x23: {  	v2 =	vimm.f32 $0.0e+00;
	v6 =	vimm.f32 $0.0e+00;
	v8 =	vld [tilespmem:s5+$0xB0]  }
0x24: {  	v7 =	vimm.f32 $0.0e+00;
	v5 =	vimm.f32 $0.0e+00;
	v10 =	vld [tilespmem:s5+$0xC0];
	v0 =	vand.u32 $0x7FFFFFFF, v0  }
0x25: {  	v11 =	vld [tilespmem:s5+$0xD0];
	v4 =	vand.u32 $0x7FFFFFFF, v1;
	v13 =	vand.u32 $0x7FFFFFFF, v3;
	v3 =	vimm.f32 $0.0e+00  }
0x26: {  	s29 =	simm.s32 $0x80;
	s4 =	simm.s32 $0x400;
	v12 =	vld [tilespmem:s5+$0xE0];
	v1 =	vadd.f32 v0, v2;
	v0 =	vadd.f32 v4, v2;
	v4 =	vimm.f32 $0.0e+00  }
.LBB2_2:
0x27: {  	p0 =	sne.s32 s4, $0xFC00;
	v14 =	vld [tilespmem:s29+$0xF0];
	v2 =	vadd.f32 v13, v2;
	v9 =	vand.u32 $0x7FFFFFFF, v9  }
0x28: {  	v13 =	vld [tilespmem:s29+$0x80];
	v6 =	vadd.f32 v9, v6;
	v8 =	vand.u32 $0x7FFFFFFF, v8  }
0x29: {  	v15 =	vld [tilespmem:s29+$0x90];
	v4 =	vadd.f32 v8, v4;
	v8 =	vand.u32 $0x7FFFFFFF, v10  }
.Ltmp0:
0x2a: {  	v9 =	vld [tilespmem:s29+$0xA0];
	v7 =	vadd.f32 v8, v7;
	v10 =	vand.u32 $0x7FFFFFFF, v11;
	(pc) =	sbr.rel @p0 .LBB2_2-.Ltmp0, $4  }
0x2b: {  	v8 =	vld [tilespmem:s29+$0xB0];
	v5 =	vadd.f32 v10, v5;
	v11 =	vand.u32 $0x7FFFFFFF, v12  }
0x2c: {  	v10 =	vld [tilespmem:s29+$0xC0];
	v12 =	vand.u32 $0x7FFFFFFF, v14;
	v3 =	vadd.f32 v11, v3  }
0x2d: {  	v13 =	vand.u32 $0x7FFFFFFF, v13;
	v11 =	vld [tilespmem:s29+$0xD0];
	v1 =	vadd.f32 v12, v1  }
0x2e: {  	v0 =	vadd.f32 v13, v0;
	v13 =	vand.u32 $0x7FFFFFFF, v15;
	v12 =	vld [tilespmem:s29+$0xE0];
	s29 =	sshra.s32 s4, $0x2;
	s4 =	sadd.s32 $0x200, s4  }
0x2f: {  	v14 =	vld [tilespmem:s29+$0xF0]  }
0x30: {  	v15 =	vld [tilespmem:s29+$0x80]  }
0x31: {  	v16 =	vld [tilespmem:s29+$0x90]  }
0x32: {  	v17 =	vld [tilespmem:s29+$0xA0]  }
0x33: {  	v18 =	vld [tilespmem:s29+$0xB0]  }
0x34: {  	v19 =	vld [tilespmem:s29+$0xC0]  }
0x35: {  	v20 =	vld [tilespmem:s29+$0xD0]  }
0x36: {  	v21 =	vld [tilespmem:s29+$0xE0];
	v2 =	vadd.f32 v13, v2;
	v9 =	vand.u32 $0x7FFFFFFF, v9;
	_ =	swait.ge [sflag:s26], $0x4000  }
0x37: {  	v6 =	vadd.f32 v9, v6;
	v8 =	vand.u32 $0x7FFFFFFF, v8;
	[sflag:s26] =	ssyncset.done $0x0;
	v9 =	vand.u32 $0x7FFFFFFF, v10  }
0x38: {  	s5 =	simm.s32 $0x0;
	v4 =	vadd.f32 v8, v4;
	[sflag:s26] =	ssyncadd.s32 $0xFFFFC000;
	v7 =	vadd.f32 v9, v7;
	v8 =	vand.u32 $0x7FFFFFFF, v11  }
0x39: {  	v11 =	vld [tilespmem:s5+$0x4070];
	v10 =	vadd.f32 v8, v5;
	v5 =	vand.u32 $0x7FFFFFFF, v12;
	v8 =	vand.u32 $0x7FFFFFFF, v14  }
0x3a: {  	v12 =	vadd.f32 v5, v3;
	v3 =	vand.u32 $0x7FFFFFFF, v15;
	v14 =	vld [tilespmem:s5+$0x4000];
	v13 =	vadd.f32 v8, v1  }
0x3b: {  	v63 =	vld [tilespmem:s5+$0x4010];
	v15 =	vadd.f32 v3, v0;
	v0 =	vand.u32 $0x7FFFFFFF, v16;
	v1 =	vand.u32 $0x7FFFFFFF, v17  }
0x3c: {  	v8 =	vld [tilespmem:s5+$0x4020];
	v3 =	vand.u32 $0x7FFFFFFF, v20;
	v5 =	vadd.f32 v0, v2;
	v2 =	vadd.f32 v1, v6  }
0x3d: {  	v9 =	vld [tilespmem:s5+$0x4030];
	v0 =	vand.u32 $0x7FFFFFFF, v18;
	v1 =	vand.u32 $0x7FFFFFFF, v19;
	v3 =	vadd.f32 v3, v10  }
0x3e: {  	v10 =	vld [tilespmem:s5+$0x4040];
	v0 =	vadd.f32 v0, v4;
	v6 =	vadd.f32 v1, v7;
	v1 =	vand.u32 $0x7FFFFFFF, v21  }
0x3f: {  	v4 =	vand.u32 $0x7FFFFFFF, v11;
	v11 =	vld [tilespmem:s5+$0x4050];
	v1 =	vadd.f32 v1, v12;
	v7 =	vand.u32 $0x7FFFFFFF, v14  }
0x40: {  	s29 =	simm.s32 $0x80;
	s4 =	simm.s32 $0x400;
	v4 =	vadd.f32 v4, v13;
	v13 =	vand.u32 $0x7FFFFFFF, v63;
	v12 =	vld [tilespmem:s5+$0x4060];
	v7 =	vadd.f32 v7, v15  }
.LBB2_4:
0x41: {  	p0 =	sne.s32 s4, $0xFE00;
	v14 =	vld [tilespmem:s29+$0x4070];
	v5 =	vadd.f32 v13, v5;
	v8 =	vand.u32 $0x7FFFFFFF, v8  }
0x42: {  	v13 =	vld [tilespmem:s29+$0x4000];
	v2 =	vadd.f32 v8, v2;
	v8 =	vand.u32 $0x7FFFFFFF, v9  }
0x43: {  	v15 =	vld [tilespmem:s29+$0x4010];
	v0 =	vadd.f32 v8, v0;
	v9 =	vand.u32 $0x7FFFFFFF, v10  }
.Ltmp1:
0x44: {  	v8 =	vld [tilespmem:s29+$0x4020];
	v6 =	vadd.f32 v9, v6;
	v10 =	vand.u32 $0x7FFFFFFF, v11;
	(pc) =	sbr.rel @p0 .LBB2_4-.Ltmp1, $4  }
0x45: {  	v9 =	vld [tilespmem:s29+$0x4030];
	v3 =	vadd.f32 v10, v3;
	v11 =	vand.u32 $0x7FFFFFFF, v12  }
0x46: {  	v10 =	vld [tilespmem:s29+$0x4040];
	v12 =	vand.u32 $0x7FFFFFFF, v14;
	v1 =	vadd.f32 v11, v1  }
0x47: {  	v13 =	vand.u32 $0x7FFFFFFF, v13;
	v11 =	vld [tilespmem:s29+$0x4050];
	v4 =	vadd.f32 v12, v4  }
0x48: {  	v7 =	vadd.f32 v13, v7;
	v13 =	vand.u32 $0x7FFFFFFF, v15;
	v12 =	vld [tilespmem:s29+$0x4060];
	s29 =	sshra.s32 s4, $0x2;
	s4 =	sadd.s32 $0x200, s4  }
0x49: {  	v14 =	vld [tilespmem:s29+$0x4070]  }
0x4a: {  	v15 =	vld [tilespmem:s29+$0x4000]  }
0x4b: {  	v16 =	vld [tilespmem:s29+$0x4010]  }
0x4c: {  	v17 =	vld [tilespmem:s29+$0x4020];
	v5 =	vadd.f32 v13, v5;
	v8 =	vand.u32 $0x7FFFFFFF, v8  }
0x4d: {  	v13 =	vld [tilespmem:s29+$0x4030];
	v2 =	vadd.f32 v8, v2;
	v8 =	vand.u32 $0x7FFFFFFF, v9;
	v9 =	vand.u32 $0x7FFFFFFF, v10  }
0x4e: {  	v10 =	vld [tilespmem:s29+$0x4040];
	v6 =	vadd.f32 v9, v6;
	v9 =	vand.u32 $0x7FFFFFFF, v11  }
0x4f: {  	v0 =	vadd.f32 v8, v0;
	v8 =	vld [tilespmem:$0x0];
	v3 =	vadd.f32 v9, v3;
	v9 =	vand.u32 $0x7FFFFFFF, v12  }
0x50: {  	v12 =	vld [tilespmem:s29+$0x4050];
	v11 =	vand.u32 $0x7FFFFFFF, v14;
	v1 =	vadd.f32 v9, v1;
	v9 =	vand.u32 $0x7FFFFFFF, v15  }
0x51: {  	v14 =	vand.u32 $0x7FFFFFFF, v17;
	v30 =	vadd.f32 v11, v4;
	v4 =	vld [tilespmem:s29+$0x4060];
	v11 =	vand.u32 $0x7FFFFFFF, v16  }
0x52: {  	v7 =	vadd.f32 v9, v7;
	v9 =	vld [tilespmem:$0x10];
	v5 =	vadd.f32 v11, v5;
	v11 =	vand.u32 $0x7FFFFFFF, v13  }
0x53: {  	v2 =	vadd.f32 v14, v2;
	v13 =	vadd.f32 v11, v0  }
0x54: {  	v14 =	vld [tilespmem:$0x60];
	v0 =	vand.u32 $0x7FFFFFFF, v10;
	v16 =	vsub.f32 v8, v7;
	v7 =	vadd.f32 v8, v7  }
0x55: {  	v11 =	vld [tilespmem:$0x30];
	v6 =	vadd.f32 v0, v6;
	v0 =	vand.u32 $0x7FFFFFFF, v12  }
0x56: {  	v10 =	vld [tilespmem:$0x40];
	v15 =	vadd.f32 v0, v3;
	vm0 =	vle.f32 v16, $0.0e+00;
	vm1 =	vge.f32 v7, $0.0e+00  }
0x57: {  	s29 =	simm.s32 $0x0;
	v12 =	vld [tilespmem:$0x20];
	v18 =	vsub.f32 $1.000000000e+00, v16;
	v0 =	vand.u32 $0x7FFFFFFF, v4;
	v17 =	vsub.f32 v9, v5  }
0x58: {  	v36 =	vld [tilespmem:s29+$0x80];
	vm2 =	vmand vm0, vm1;
	vm1 =	vle.f32 v7, $0.0e+00;
	v29 =	vadd.f32 v0, v1  }
0x59: {  	v1 =	vadd.f32 v9, v5;
	v0 =	vnsel vm2, $0x3F800000, v18;
	v19 =	vsub.f32 $1.000000000e+00, v17  }
0x5a: {  	vm0 =	vle.f32 v17, $0.0e+00;
	v21 =	vsub.f32 v11, v13;
	v3 =	vadd.f32 v11, v13  }
0x5b: {  	v0 =	vsel vm1, $0x0, v0;
	v22 =	vsub.f32 v10, v6;
	v4 =	vadd.f32 v10, v6  }
0x5c: {  	vm3 =	vge.f32 v1, $0.0e+00;
	v20 =	vsub.f32 v12, v2;
	v2 =	vadd.f32 v12, v2  }
0x5d: {  	v28 =	vsub.f32 v14, v29;
	v6 =	vadd.f32 v14, v29;
	v38 =	vmul.f32 v36, v0  }
0x5e: {  	vm4 =	vmand vm0, vm3;
	vm3 =	vle.f32 v1, $0.0e+00;
	vm6 =	vge.f32 v3, $0.0e+00  }
0x5f: {  	v13 =	vld [tilespmem:$0x50];
	v25 =	vsub.f32 $1.000000000e+00, v21;
	vm7 =	vge.f32 v4, $0.0e+00;
	v26 =	vsub.f32 $1.000000000e+00, v22  }
0x60: {  	v1 =	vnsel vm4, $0x3F800000, v19;
	vm0 =	vle.f32 v20, $0.0e+00;
	vm5 =	vge.f32 v2, $0.0e+00  }
0x61: {  	v37 =	vld [tilespmem:s29+$0x90];
	v23 =	vsub.f32 $1.000000000e+00, v20;
	vm12 =	vle.f32 v28, $0.0e+00;
	vm13 =	vge.f32 v6, $0.0e+00  }
0x62: {  	v1 =	vsel vm3, $0x0, v1;
	vm9 =	vmand vm0, vm5;
	vm5 =	vle.f32 v2, $0.0e+00  }
0x63: {  	vm0 =	vle.f32 v21, $0.0e+00;
	vm12 =	vmand vm12, vm13;
	vm13 =	vle.f32 v6, $0.0e+00  }
0x64: {  	v2 =	vnsel vm9, $0x3F800000, v23;
	v24 =	vsub.f32 v13, v15;
	v5 =	vadd.f32 v13, v15;
	v15 =	vld [tilespmem:$0x70]  }
0x65: {  	vm8 =	vmand vm0, vm6;
	vm0 =	vle.f32 v3, $0.0e+00;
	vm6 =	vle.f32 v22, $0.0e+00  }
0x66: {  	v36 =	vmul.f32 v37, v1;
	v2 =	vsel vm5, $0x0, v2;
	v3 =	vnsel vm8, $0x3F800000, v25  }
0x67: {  	vm6 =	vmand vm6, vm7;
	vm7 =	vle.f32 v4, $0.0e+00;
	v3 =	vsel vm0, $0x0, v3  }
0x68: {  	v4 =	vnsel vm6, $0x3F800000, v26;
	vm10 =	vle.f32 v24, $0.0e+00;
	v27 =	vsub.f32 $1.000000000e+00, v24  }
0x69: {  	vm11 =	vge.f32 v5, $0.0e+00;
	v29 =	vsub.f32 v15, v30;
	v7 =	vadd.f32 v15, v30  }
0x6a: {  	v32 =	vld [tilespmem:s29+$0xA0];
	v4 =	vsel vm7, $0x0, v4;
	vm10 =	vmand vm10, vm11;
	v30 =	vsub.f32 $1.000000000e+00, v28  }
0x6b: {  	v33 =	vld [tilespmem:s29+$0xB0];
	vm14 =	vle.f32 v29, $0.0e+00;
	vm15 =	vge.f32 v7, $0.0e+00;
	v31 =	vsub.f32 $1.000000000e+00, v29  }
0x6c: {  	v34 =	vld [tilespmem:s29+$0xC0];
	vm11 =	vle.f32 v5, $0.0e+00;
	v5 =	vnsel vm10, $0x3F800000, v27;
	vm14 =	vmand vm14, vm15  }
0x6d: {  	v35 =	vld [tilespmem:s29+$0xD0];
	v6 =	vnsel vm12, $0x3F800000, v30;
	vm15 =	vle.f32 v7, $0.0e+00;
	v7 =	vnsel vm14, $0x3F800000, v31  }
0x6e: {  	s4 =	simm.s32 $0x200;
	v37 =	vld [tilespmem:s29+$0xE0];
	v5 =	vsel vm11, $0x0, v5;
	v6 =	vsel vm13, $0x0, v6;
	v7 =	vsel vm15, $0x0, v7  }
.LBB2_6:
0x6f: {  	s5 =	sshra.s32 s4, $0x2;
	p0 =	sne.s32 s4, $0xFC00;
	[tilespmem:s29+$0x80] =	vst v38;
	v32 =	vmul.f32 v32, v2;
	v38 =	vld [tilespmem:s29+$0xF0]  }
0x70: {  	v39 =	vld [tilespmem:s5+$0x80];
	[tilespmem:s29+$0x90] =	vst v36;
	v33 =	vmul.f32 v33, v3  }
0x71: {  	v36 =	vld [tilespmem:s5+$0x90];
	[tilespmem:s29+$0xA0] =	vst v32;
	v34 =	vmul.f32 v34, v4  }
.Ltmp2:
0x72: {  	v32 =	vld [tilespmem:s5+$0xA0];
	[tilespmem:s29+$0xB0] =	vst v33;
	v35 =	vmul.f32 v35, v5;
	(pc) =	sbr.rel @p0 .LBB2_6-.Ltmp2, $4  }
0x73: {  	v33 =	vld [tilespmem:s5+$0xB0];
	[tilespmem:s29+$0xC0] =	vst v34;
	v37 =	vmul.f32 v37, v6  }
0x74: {  	v34 =	vld [tilespmem:s5+$0xC0];
	[tilespmem:s29+$0xD0] =	vst v35;
	v40 =	vmul.f32 v38, v7  }
0x75: {  	v38 =	vmul.f32 v39, v0;
	v35 =	vld [tilespmem:s5+$0xD0];
	[tilespmem:s29+$0xE0] =	vst v37  }
0x76: {  	s4 =	sadd.s32 $0x200, s4;
	v36 =	vmul.f32 v36, v1;
	v37 =	vld [tilespmem:s5+$0xE0];
	[tilespmem:s29+$0xF0] =	vst v40;
	s29 =	smov.u32 s5  }
0x77: {  	v32 =	vmul.f32 v32, v2  }
0x78: {  	v16 =	vmul.f32 v18, v16;
	v47 =	vmul.f32 v18, v8  }
0x79: {  	v17 =	vmul.f32 v19, v17;
	v20 =	vmul.f32 v23, v20  }
0x7a: {  	v48 =	vmul.f32 v19, v9;
	v49 =	vmul.f32 v23, v12  }
0x7b: {  	v51 =	vmul.f32 v25, v21;
	v53 =	vmul.f32 v25, v11  }
0x7c: {  	v55 =	vmul.f32 v26, v22;
	v56 =	vmul.f32 v26, v10  }
0x7d: {  	v57 =	vmul.f32 v27, v24;
	v58 =	vmul.f32 v27, v13  }
0x7e: {  	v59 =	vmul.f32 v30, v28;
	v61 =	vmul.f32 v31, v29  }
0x7f: {  	v62 =	vmul.f32 v30, v14;
	v63 =	vmul.f32 v31, v15  }
0x80: {  	[tilespmem:s29+$0x80] =	vst v38;
	v46 =	vld [tilespmem:s29+$0xF0];
	v33 =	vmul.f32 v33, v3;
	v34 =	vmul.f32 v34, v4  }
0x81: {  	[tilespmem:s29+$0x90] =	vst v36;
	v16 =	vmul.f32 $5.000000000e-01, v16;
	v17 =	vmul.f32 $5.000000000e-01, v17  }
0x82: {  	v20 =	vmul.f32 $5.000000000e-01, v20;
	[tilespmem:s29+$0xA0] =	vst v32;
	v54 =	vmul.f32 $5.000000000e-01, v51  }
0x83: {  	v60 =	vmul.f32 $5.000000000e-01, v57;
	v35 =	vmul.f32 v35, v5;
	[tilespmem:s29+$0xB0] =	vst v33  }
0x84: {  	v21 =	vmul.f32 $5.000000000e-01, v59;
	v37 =	vmul.f32 v37, v6;
	v16 =	vsub.f32 v47, v16;
	[tilespmem:s29+$0xC0] =	vst v34  }
0x85: {  	v19 =	vmul.f32 $5.000000000e-01, v61;
	v50 =	vsub.f32 v48, v17;
	v38 =	vmul.f32 v46, v7;
	[tilespmem:s29+$0xD0] =	vst v35  }
0x86: {  	v52 =	vsub.f32 v49, v20;
	v17 =	vmul.f32 $5.000000000e-01, v55;
	v8 =	vsel vm2, v16, v8;
	[tilespmem:s29+$0xE0] =	vst v37  }
0x87: {  	v9 =	vsel vm4, v50, v9;
	v16 =	vsub.f32 v53, v54;
	v8 =	vsel vm1, $0x0, v8;
	[tilespmem:s29+$0xF0] =	vst v38  }
0x88: {  	v12 =	vsel vm9, v52, v12;
	v17 =	vsub.f32 v56, v17;
	v9 =	vsel vm3, $0x0, v9;
	[tilespmem:$0x0] =	vst v8  }
0x89: {  	v12 =	vsel vm5, $0x0, v12;
	v11 =	vsel vm8, v16, v11;
	v8 =	vsub.f32 v58, v60;
	[tilespmem:$0x10] =	vst v9  }
0x8a: {  	v10 =	vsel vm6, v17, v10;
	[tilespmem:$0x20] =	vst v12;
	v9 =	vsel vm0, $0x0, v11;
	v11 =	vsub.f32 v62, v21  }
0x8b: {  	v12 =	vsub.f32 v63, v19;
	v10 =	vsel vm7, $0x0, v10;
	v8 =	vsel vm10, v8, v13;
	[tilespmem:$0x30] =	vst v9  }
0x8c: {  	[tilespmem:$0x40] =	vst v10;
	v8 =	vsel vm11, $0x0, v8;
	v9 =	vsel vm12, v11, v14  }
0x8d: {  	v10 =	vsel vm14, v12, v15;
	v9 =	vsel vm13, $0x0, v9;
	[tilespmem:$0x50] =	vst v8  }
0x8e: {  	v8 =	vsel vm15, $0x0, v10;
	[tilespmem:$0x60] =	vst v9  }
0x8f: {  	s4 =	simm.s32 $0x0;
	s29 =	simm.s32 $0x0;
	[tilespmem:$0x70] =	vst v8  }
0x90: {  	[hbm4b:s7+s20] =	stream.strided.scatter [tilespmem:s4], [sflag:$0x7], $0x4000, s21, s20, $0x38;
	[tilespmem:$0x18000] =	vst v63  }
0x91: {  	v11 =	vld [tilespmem:s29+$0x4000]  }
0x92: {  	v13 =	vld [tilespmem:s29+$0x4010]  }
0x93: {  	v12 =	vld [tilespmem:s29+$0x4020]  }
0x94: {  	v10 =	vld [tilespmem:s29+$0x4030]  }
0x95: {  	v8 =	vld [tilespmem:s29+$0x4040]  }
0x96: {  	v9 =	vld [tilespmem:s29+$0x4050];
	v14 =	vmul.f32 v11, v0  }
0x97: {  	s4 =	simm.s32 $0x200;
	v13 =	vmul.f32 v13, v1;
	v11 =	vld [tilespmem:s29+$0x4060]  }
.LBB2_8:
0x98: {  	s5 =	sshra.s32 s4, $0x2;
	p0 =	sne.s32 s4, $0xFE00;
	[tilespmem:s29+$0x4000] =	vst v14;
	v12 =	vmul.f32 v12, v2;
	v14 =	vld [tilespmem:s29+$0x4070]  }
0x99: {  	v15 =	vld [tilespmem:s5+$0x4000];
	[tilespmem:s29+$0x4010] =	vst v13;
	v10 =	vmul.f32 v10, v3  }
0x9a: {  	v13 =	vld [tilespmem:s5+$0x4010];
	[tilespmem:s29+$0x4020] =	vst v12;
	v8 =	vmul.f32 v8, v4  }
.Ltmp3:
0x9b: {  	v12 =	vld [tilespmem:s5+$0x4020];
	[tilespmem:s29+$0x4030] =	vst v10;
	v9 =	vmul.f32 v9, v5;
	(pc) =	sbr.rel @p0 .LBB2_8-.Ltmp3, $4  }
0x9c: {  	v10 =	vld [tilespmem:s5+$0x4030];
	[tilespmem:s29+$0x4040] =	vst v8;
	v11 =	vmul.f32 v11, v6  }
0x9d: {  	v8 =	vld [tilespmem:s5+$0x4040];
	[tilespmem:s29+$0x4050] =	vst v9;
	v16 =	vmul.f32 v14, v7  }
0x9e: {  	v14 =	vmul.f32 v15, v0;
	v9 =	vld [tilespmem:s5+$0x4050];
	[tilespmem:s29+$0x4060] =	vst v11  }
0x9f: {  	s4 =	sadd.s32 $0x200, s4;
	v13 =	vmul.f32 v13, v1;
	v11 =	vld [tilespmem:s5+$0x4060];
	[tilespmem:s29+$0x4070] =	vst v16;
	s29 =	smov.u32 s5  }
0xa0: {  	[tilespmem:s29+$0x4000] =	vst v14;
	v0 =	vmul.f32 v12, v2;
	v1 =	vld [tilespmem:s29+$0x4070]  }
0xa1: {  	[tilespmem:s29+$0x4010] =	vst v13;
	v2 =	vmul.f32 v10, v3  }
0xa2: {  	[tilespmem:s29+$0x4020] =	vst v0;
	v0 =	vmul.f32 v8, v4  }
0xa3: {  	[tilespmem:s29+$0x4030] =	vst v2;
	v2 =	vmul.f32 v9, v5  }
0xa4: {  	[tilespmem:s29+$0x4040] =	vst v0;
	v0 =	vmul.f32 v11, v6  }
0xa5: {  	[tilespmem:s29+$0x4050] =	vst v2;
	v1 =	vmul.f32 v1, v7  }
0xa6: {  	[tilespmem:s29+$0x4060] =	vst v0  }
0xa7: {  	[tilespmem:s29+$0x4070] =	vst v1  }
0xa8: {  	[hbm4b:s8+s20] =	stream.strided.scatter [tilespmem:s22], [sflag:$0xA], $0x4000, s21, s20, $0x38;
	[tilespmem:$0x18000] =	vst v63  }
0xa9: {  	s4 =	simm.s32 $0x10000  }
0xaa: {  	[tilespmem:s4], [sflag:$0x3] =	stream.strided.gather [hbm4b:s9+s20], $0x4000, s21, s20, $0x38;
	[tilespmem:$0x18000] =	vst v63  }
0xab: {  	s5 =	simm.s32 $0x14000  }
0xac: {  	[tilespmem:s5], [sflag:$0x6] =	stream.strided.gather [hbm4b:s10+s20], $0x4000, s21, s20, $0x38;
	[tilespmem:$0x18000] =	vst v63  }
0xad: {  	_ =	swait.ge [sflag:s30], $0x4000  }
0xae: {  	[sflag:s30] =	ssyncset.done $0x0  }
0xaf: {  	s5 =	simm.s32 $0x0;
	[sflag:s30] =	ssyncadd.s32 $0xFFFFC000  }
0xb0: {  	v0 =	vld [tilespmem:s5+$0x80F0]  }
0xb1: {  	v1 =	vld [tilespmem:s5+$0x8080]  }
0xb2: {  	v3 =	vld [tilespmem:s5+$0x8090];
	_ =	sdelay $0x1  }
0xb3: {  	v9 =	vld [tilespmem:s5+$0x80A0]  }
0xb4: {  	v5 =	vimm.f32 $0.0e+00;
	v6 =	vimm.f32 $0.0e+00;
	v8 =	vld [tilespmem:s5+$0x80B0]  }
0xb5: {  	v2 =	vimm.f32 $0.0e+00;
	v7 =	vimm.f32 $0.0e+00;
	v10 =	vld [tilespmem:s5+$0x80C0];
	v0 =	vand.u32 $0x7FFFFFFF, v0  }
0xb6: {  	v11 =	vld [tilespmem:s5+$0x80D0];
	v4 =	vand.u32 $0x7FFFFFFF, v1;
	v13 =	vand.u32 $0x7FFFFFFF, v3;
	v3 =	vimm.f32 $0.0e+00  }
0xb7: {  	s29 =	simm.s32 $0x80;
	s4 =	simm.s32 $0x400;
	v12 =	vld [tilespmem:s5+$0x80E0];
	v1 =	vadd.f32 v0, v2;
	v0 =	vadd.f32 v4, v2;
	v4 =	vimm.f32 $0.0e+00  }
.LBB2_10:
0xb8: {  	p0 =	sne.s32 s4, $0xFC00;
	v14 =	vld [tilespmem:s29+$0x80F0];
	v2 =	vadd.f32 v13, v2;
	v9 =	vand.u32 $0x7FFFFFFF, v9  }
0xb9: {  	v13 =	vld [tilespmem:s29+$0x8080];
	v6 =	vadd.f32 v9, v6;
	v8 =	vand.u32 $0x7FFFFFFF, v8  }
0xba: {  	v15 =	vld [tilespmem:s29+$0x8090];
	v4 =	vadd.f32 v8, v4;
	v8 =	vand.u32 $0x7FFFFFFF, v10  }
.Ltmp4:
0xbb: {  	v9 =	vld [tilespmem:s29+$0x80A0];
	v7 =	vadd.f32 v8, v7;
	v10 =	vand.u32 $0x7FFFFFFF, v11;
	(pc) =	sbr.rel @p0 .LBB2_10-.Ltmp4, $4  }
0xbc: {  	v8 =	vld [tilespmem:s29+$0x80B0];
	v5 =	vadd.f32 v10, v5;
	v11 =	vand.u32 $0x7FFFFFFF, v12  }
0xbd: {  	v10 =	vld [tilespmem:s29+$0x80C0];
	v12 =	vand.u32 $0x7FFFFFFF, v14;
	v3 =	vadd.f32 v11, v3  }
0xbe: {  	v13 =	vand.u32 $0x7FFFFFFF, v13;
	v11 =	vld [tilespmem:s29+$0x80D0];
	v1 =	vadd.f32 v12, v1  }
0xbf: {  	v0 =	vadd.f32 v13, v0;
	v13 =	vand.u32 $0x7FFFFFFF, v15;
	v12 =	vld [tilespmem:s29+$0x80E0];
	s29 =	sshra.s32 s4, $0x2;
	s4 =	sadd.s32 $0x200, s4  }
0xc0: {  	v14 =	vld [tilespmem:s29+$0x80F0]  }
0xc1: {  	v15 =	vld [tilespmem:s29+$0x8080]  }
0xc2: {  	v16 =	vld [tilespmem:s29+$0x8090]  }
0xc3: {  	v17 =	vld [tilespmem:s29+$0x80A0]  }
0xc4: {  	v18 =	vld [tilespmem:s29+$0x80B0]  }
0xc5: {  	v19 =	vld [tilespmem:s29+$0x80C0]  }
0xc6: {  	v20 =	vld [tilespmem:s29+$0x80D0]  }
0xc7: {  	v21 =	vld [tilespmem:s29+$0x80E0];
	v2 =	vadd.f32 v13, v2;
	v9 =	vand.u32 $0x7FFFFFFF, v9;
	_ =	swait.ge [sflag:s31], $0x4000  }
0xc8: {  	v6 =	vadd.f32 v9, v6;
	v8 =	vand.u32 $0x7FFFFFFF, v8;
	[sflag:s31] =	ssyncset.done $0x0;
	v9 =	vand.u32 $0x7FFFFFFF, v10  }
0xc9: {  	s5 =	simm.s32 $0x0;
	v4 =	vadd.f32 v8, v4;
	[sflag:s31] =	ssyncadd.s32 $0xFFFFC000;
	v7 =	vadd.f32 v9, v7;
	v8 =	vand.u32 $0x7FFFFFFF, v11  }
0xca: {  	v11 =	vld [tilespmem:s5+$0xC070];
	v10 =	vadd.f32 v8, v5;
	v5 =	vand.u32 $0x7FFFFFFF, v12;
	v8 =	vand.u32 $0x7FFFFFFF, v14  }
0xcb: {  	v12 =	vadd.f32 v5, v3;
	v3 =	vand.u32 $0x7FFFFFFF, v15;
	v14 =	vld [tilespmem:s5+$0xC000];
	v13 =	vadd.f32 v8, v1  }
0xcc: {  	v63 =	vld [tilespmem:s5+$0xC010];
	v15 =	vadd.f32 v3, v0;
	v0 =	vand.u32 $0x7FFFFFFF, v16;
	v1 =	vand.u32 $0x7FFFFFFF, v17  }
0xcd: {  	v8 =	vld [tilespmem:s5+$0xC020];
	v3 =	vand.u32 $0x7FFFFFFF, v20;
	v5 =	vadd.f32 v0, v2;
	v2 =	vadd.f32 v1, v6  }
0xce: {  	v9 =	vld [tilespmem:s5+$0xC030];
	v0 =	vand.u32 $0x7FFFFFFF, v18;
	v1 =	vand.u32 $0x7FFFFFFF, v19;
	v3 =	vadd.f32 v3, v10  }
0xcf: {  	v10 =	vld [tilespmem:s5+$0xC040];
	v0 =	vadd.f32 v0, v4;
	v6 =	vadd.f32 v1, v7;
	v1 =	vand.u32 $0x7FFFFFFF, v21  }
0xd0: {  	v4 =	vand.u32 $0x7FFFFFFF, v11;
	v11 =	vld [tilespmem:s5+$0xC050];
	v1 =	vadd.f32 v1, v12;
	v7 =	vand.u32 $0x7FFFFFFF, v14  }
0xd1: {  	s29 =	simm.s32 $0x80;
	s4 =	simm.s32 $0x400;
	v4 =	vadd.f32 v4, v13;
	v13 =	vand.u32 $0x7FFFFFFF, v63;
	v12 =	vld [tilespmem:s5+$0xC060];
	v7 =	vadd.f32 v7, v15  }
.LBB2_12:
0xd2: {  	p0 =	sne.s32 s4, $0xFE00;
	v14 =	vld [tilespmem:s29+$0xC070];
	v5 =	vadd.f32 v13, v5;
	v8 =	vand.u32 $0x7FFFFFFF, v8  }
0xd3: {  	v13 =	vld [tilespmem:s29+$0xC000];
	v2 =	vadd.f32 v8, v2;
	v8 =	vand.u32 $0x7FFFFFFF, v9  }
0xd4: {  	v15 =	vld [tilespmem:s29+$0xC010];
	v0 =	vadd.f32 v8, v0;
	v9 =	vand.u32 $0x7FFFFFFF, v10  }
.Ltmp5:
0xd5: {  	v8 =	vld [tilespmem:s29+$0xC020];
	v6 =	vadd.f32 v9, v6;
	v10 =	vand.u32 $0x7FFFFFFF, v11;
	(pc) =	sbr.rel @p0 .LBB2_12-.Ltmp5, $4  }
0xd6: {  	v9 =	vld [tilespmem:s29+$0xC030];
	v3 =	vadd.f32 v10, v3;
	v11 =	vand.u32 $0x7FFFFFFF, v12  }
0xd7: {  	v10 =	vld [tilespmem:s29+$0xC040];
	v12 =	vand.u32 $0x7FFFFFFF, v14;
	v1 =	vadd.f32 v11, v1  }
0xd8: {  	v13 =	vand.u32 $0x7FFFFFFF, v13;
	v11 =	vld [tilespmem:s29+$0xC050];
	v4 =	vadd.f32 v12, v4  }
0xd9: {  	v7 =	vadd.f32 v13, v7;
	v13 =	vand.u32 $0x7FFFFFFF, v15;
	v12 =	vld [tilespmem:s29+$0xC060];
	s29 =	sshra.s32 s4, $0x2;
	s4 =	sadd.s32 $0x200, s4  }
0xda: {  	v14 =	vld [tilespmem:s29+$0xC070]  }
0xdb: {  	v15 =	vld [tilespmem:s29+$0xC000]  }
0xdc: {  	v16 =	vld [tilespmem:s29+$0xC010]  }
0xdd: {  	v17 =	vld [tilespmem:s29+$0xC020];
	v5 =	vadd.f32 v13, v5;
	v8 =	vand.u32 $0x7FFFFFFF, v8  }
0xde: {  	v13 =	vld [tilespmem:s29+$0xC030];
	v2 =	vadd.f32 v8, v2;
	v8 =	vand.u32 $0x7FFFFFFF, v9;
	v9 =	vand.u32 $0x7FFFFFFF, v10  }
0xdf: {  	v10 =	vld [tilespmem:s29+$0xC040];
	v6 =	vadd.f32 v9, v6;
	v9 =	vand.u32 $0x7FFFFFFF, v11  }
0xe0: {  	v0 =	vadd.f32 v8, v0;
	v8 =	vld [tilespmem:$0x8000];
	v3 =	vadd.f32 v9, v3;
	v9 =	vand.u32 $0x7FFFFFFF, v12  }
0xe1: {  	v12 =	vld [tilespmem:s29+$0xC050];
	v11 =	vand.u32 $0x7FFFFFFF, v14;
	v1 =	vadd.f32 v9, v1;
	v9 =	vand.u32 $0x7FFFFFFF, v15  }
0xe2: {  	v14 =	vand.u32 $0x7FFFFFFF, v17;
	v30 =	vadd.f32 v11, v4;
	v4 =	vld [tilespmem:s29+$0xC060];
	v11 =	vand.u32 $0x7FFFFFFF, v16  }
0xe3: {  	v7 =	vadd.f32 v9, v7;
	v9 =	vld [tilespmem:$0x8010];
	v5 =	vadd.f32 v11, v5;
	v11 =	vand.u32 $0x7FFFFFFF, v13  }
0xe4: {  	v2 =	vadd.f32 v14, v2;
	v13 =	vadd.f32 v11, v0  }
0xe5: {  	v14 =	vld [tilespmem:$0x8060];
	v0 =	vand.u32 $0x7FFFFFFF, v10;
	v16 =	vsub.f32 v8, v7;
	v7 =	vadd.f32 v8, v7  }
0xe6: {  	v11 =	vld [tilespmem:$0x8030];
	v6 =	vadd.f32 v0, v6;
	v0 =	vand.u32 $0x7FFFFFFF, v12  }
0xe7: {  	v10 =	vld [tilespmem:$0x8040];
	v15 =	vadd.f32 v0, v3;
	vm0 =	vle.f32 v16, $0.0e+00;
	vm1 =	vge.f32 v7, $0.0e+00  }
0xe8: {  	s29 =	simm.s32 $0x0;
	v12 =	vld [tilespmem:$0x8020];
	v18 =	vsub.f32 $1.000000000e+00, v16;
	v0 =	vand.u32 $0x7FFFFFFF, v4;
	v17 =	vsub.f32 v9, v5  }
0xe9: {  	v36 =	vld [tilespmem:s29+$0x8080];
	vm2 =	vmand vm0, vm1;
	vm1 =	vle.f32 v7, $0.0e+00;
	v29 =	vadd.f32 v0, v1  }
0xea: {  	v1 =	vadd.f32 v9, v5;
	v0 =	vnsel vm2, $0x3F800000, v18;
	v19 =	vsub.f32 $1.000000000e+00, v17  }
0xeb: {  	vm0 =	vle.f32 v17, $0.0e+00;
	v21 =	vsub.f32 v11, v13;
	v3 =	vadd.f32 v11, v13  }
0xec: {  	v0 =	vsel vm1, $0x0, v0;
	v22 =	vsub.f32 v10, v6;
	v4 =	vadd.f32 v10, v6  }
0xed: {  	vm3 =	vge.f32 v1, $0.0e+00;
	v20 =	vsub.f32 v12, v2;
	v2 =	vadd.f32 v12, v2  }
0xee: {  	v28 =	vsub.f32 v14, v29;
	v6 =	vadd.f32 v14, v29;
	v38 =	vmul.f32 v36, v0  }
0xef: {  	vm4 =	vmand vm0, vm3;
	vm3 =	vle.f32 v1, $0.0e+00;
	vm6 =	vge.f32 v3, $0.0e+00  }
0xf0: {  	v13 =	vld [tilespmem:$0x8050];
	v25 =	vsub.f32 $1.000000000e+00, v21;
	vm7 =	vge.f32 v4, $0.0e+00;
	v26 =	vsub.f32 $1.000000000e+00, v22  }
0xf1: {  	v1 =	vnsel vm4, $0x3F800000, v19;
	vm0 =	vle.f32 v20, $0.0e+00;
	vm5 =	vge.f32 v2, $0.0e+00  }
0xf2: {  	v37 =	vld [tilespmem:s29+$0x8090];
	v23 =	vsub.f32 $1.000000000e+00, v20;
	vm12 =	vle.f32 v28, $0.0e+00;
	vm13 =	vge.f32 v6, $0.0e+00  }
0xf3: {  	v1 =	vsel vm3, $0x0, v1;
	vm9 =	vmand vm0, vm5;
	vm5 =	vle.f32 v2, $0.0e+00  }
0xf4: {  	vm0 =	vle.f32 v21, $0.0e+00;
	vm12 =	vmand vm12, vm13;
	vm13 =	vle.f32 v6, $0.0e+00  }
0xf5: {  	v2 =	vnsel vm9, $0x3F800000, v23;
	v24 =	vsub.f32 v13, v15;
	v5 =	vadd.f32 v13, v15;
	v15 =	vld [tilespmem:$0x8070]  }
0xf6: {  	vm8 =	vmand vm0, vm6;
	vm0 =	vle.f32 v3, $0.0e+00;
	vm6 =	vle.f32 v22, $0.0e+00  }
0xf7: {  	v36 =	vmul.f32 v37, v1;
	v2 =	vsel vm5, $0x0, v2;
	v3 =	vnsel vm8, $0x3F800000, v25  }
0xf8: {  	vm6 =	vmand vm6, vm7;
	vm7 =	vle.f32 v4, $0.0e+00;
	v3 =	vsel vm0, $0x0, v3  }
0xf9: {  	v4 =	vnsel vm6, $0x3F800000, v26;
	vm10 =	vle.f32 v24, $0.0e+00;
	v27 =	vsub.f32 $1.000000000e+00, v24  }
0xfa: {  	vm11 =	vge.f32 v5, $0.0e+00;
	v29 =	vsub.f32 v15, v30;
	v7 =	vadd.f32 v15, v30  }
0xfb: {  	v32 =	vld [tilespmem:s29+$0x80A0];
	v4 =	vsel vm7, $0x0, v4;
	vm10 =	vmand vm10, vm11;
	v30 =	vsub.f32 $1.000000000e+00, v28  }
0xfc: {  	v33 =	vld [tilespmem:s29+$0x80B0];
	vm14 =	vle.f32 v29, $0.0e+00;
	vm15 =	vge.f32 v7, $0.0e+00;
	v31 =	vsub.f32 $1.000000000e+00, v29  }
0xfd: {  	v34 =	vld [tilespmem:s29+$0x80C0];
	vm11 =	vle.f32 v5, $0.0e+00;
	v5 =	vnsel vm10, $0x3F800000, v27;
	vm14 =	vmand vm14, vm15  }
0xfe: {  	v35 =	vld [tilespmem:s29+$0x80D0];
	v6 =	vnsel vm12, $0x3F800000, v30;
	vm15 =	vle.f32 v7, $0.0e+00;
	v7 =	vnsel vm14, $0x3F800000, v31  }
0xff: {  	s4 =	simm.s32 $0x200;
	v37 =	vld [tilespmem:s29+$0x80E0];
	v5 =	vsel vm11, $0x0, v5;
	v6 =	vsel vm13, $0x0, v6;
	v7 =	vsel vm15, $0x0, v7  }
.LBB2_14:
0x100: {  	s5 =	sshra.s32 s4, $0x2;
	p0 =	sne.s32 s4, $0xFC00;
	[tilespmem:s29+$0x8080] =	vst v38;
	v32 =	vmul.f32 v32, v2;
	v38 =	vld [tilespmem:s29+$0x80F0]  }
0x101: {  	v39 =	vld [tilespmem:s5+$0x8080];
	[tilespmem:s29+$0x8090] =	vst v36;
	v33 =	vmul.f32 v33, v3  }
0x102: {  	v36 =	vld [tilespmem:s5+$0x8090];
	[tilespmem:s29+$0x80A0] =	vst v32;
	v34 =	vmul.f32 v34, v4  }
.Ltmp6:
0x103: {  	v32 =	vld [tilespmem:s5+$0x80A0];
	[tilespmem:s29+$0x80B0] =	vst v33;
	v35 =	vmul.f32 v35, v5;
	(pc) =	sbr.rel @p0 .LBB2_14-.Ltmp6, $4  }
0x104: {  	v33 =	vld [tilespmem:s5+$0x80B0];
	[tilespmem:s29+$0x80C0] =	vst v34;
	v37 =	vmul.f32 v37, v6  }
0x105: {  	v34 =	vld [tilespmem:s5+$0x80C0];
	[tilespmem:s29+$0x80D0] =	vst v35;
	v40 =	vmul.f32 v38, v7  }
0x106: {  	v38 =	vmul.f32 v39, v0;
	v35 =	vld [tilespmem:s5+$0x80D0];
	[tilespmem:s29+$0x80E0] =	vst v37  }
0x107: {  	s4 =	sadd.s32 $0x200, s4;
	v36 =	vmul.f32 v36, v1;
	v37 =	vld [tilespmem:s5+$0x80E0];
	[tilespmem:s29+$0x80F0] =	vst v40;
	s29 =	smov.u32 s5  }
0x108: {  	v32 =	vmul.f32 v32, v2  }
0x109: {  	v16 =	vmul.f32 v18, v16;
	v47 =	vmul.f32 v18, v8  }
0x10a: {  	v17 =	vmul.f32 v19, v17;
	v20 =	vmul.f32 v23, v20  }
0x10b: {  	v48 =	vmul.f32 v19, v9;
	v49 =	vmul.f32 v23, v12  }
0x10c: {  	v51 =	vmul.f32 v25, v21;
	v53 =	vmul.f32 v25, v11  }
0x10d: {  	v55 =	vmul.f32 v26, v22;
	v56 =	vmul.f32 v26, v10  }
0x10e: {  	v57 =	vmul.f32 v27, v24;
	v58 =	vmul.f32 v27, v13  }
0x10f: {  	v59 =	vmul.f32 v30, v28;
	v61 =	vmul.f32 v31, v29  }
0x110: {  	v62 =	vmul.f32 v30, v14;
	v63 =	vmul.f32 v31, v15  }
0x111: {  	[tilespmem:s29+$0x8080] =	vst v38;
	v46 =	vld [tilespmem:s29+$0x80F0];
	v33 =	vmul.f32 v33, v3;
	v34 =	vmul.f32 v34, v4  }
0x112: {  	[tilespmem:s29+$0x8090] =	vst v36;
	v16 =	vmul.f32 $5.000000000e-01, v16;
	v17 =	vmul.f32 $5.000000000e-01, v17  }
0x113: {  	v20 =	vmul.f32 $5.000000000e-01, v20;
	[tilespmem:s29+$0x80A0] =	vst v32;
	v54 =	vmul.f32 $5.000000000e-01, v51  }
0x114: {  	v60 =	vmul.f32 $5.000000000e-01, v57;
	v35 =	vmul.f32 v35, v5;
	[tilespmem:s29+$0x80B0] =	vst v33  }
0x115: {  	v21 =	vmul.f32 $5.000000000e-01, v59;
	v37 =	vmul.f32 v37, v6;
	v16 =	vsub.f32 v47, v16;
	[tilespmem:s29+$0x80C0] =	vst v34  }
0x116: {  	v19 =	vmul.f32 $5.000000000e-01, v61;
	v50 =	vsub.f32 v48, v17;
	v38 =	vmul.f32 v46, v7;
	[tilespmem:s29+$0x80D0] =	vst v35  }
0x117: {  	v52 =	vsub.f32 v49, v20;
	v17 =	vmul.f32 $5.000000000e-01, v55;
	v8 =	vsel vm2, v16, v8;
	[tilespmem:s29+$0x80E0] =	vst v37  }
0x118: {  	v9 =	vsel vm4, v50, v9;
	v16 =	vsub.f32 v53, v54;
	v8 =	vsel vm1, $0x0, v8;
	[tilespmem:s29+$0x80F0] =	vst v38  }
0x119: {  	v12 =	vsel vm9, v52, v12;
	v17 =	vsub.f32 v56, v17;
	v9 =	vsel vm3, $0x0, v9;
	[tilespmem:$0x8000] =	vst v8  }
0x11a: {  	v12 =	vsel vm5, $0x0, v12;
	v11 =	vsel vm8, v16, v11;
	v8 =	vsub.f32 v58, v60;
	[tilespmem:$0x8010] =	vst v9  }
0x11b: {  	v10 =	vsel vm6, v17, v10;
	[tilespmem:$0x8020] =	vst v12;
	v9 =	vsel vm0, $0x0, v11;
	v11 =	vsub.f32 v62, v21  }
0x11c: {  	v12 =	vsub.f32 v63, v19;
	v10 =	vsel vm7, $0x0, v10;
	v8 =	vsel vm10, v8, v13;
	[tilespmem:$0x8030] =	vst v9  }
0x11d: {  	[tilespmem:$0x8040] =	vst v10;
	v8 =	vsel vm11, $0x0, v8;
	v9 =	vsel vm12, v11, v14  }
0x11e: {  	v10 =	vsel vm14, v12, v15;
	v9 =	vsel vm13, $0x0, v9;
	[tilespmem:$0x8050] =	vst v8  }
0x11f: {  	v8 =	vsel vm15, $0x0, v10;
	[tilespmem:$0x8060] =	vst v9  }
0x120: {  	s4 =	simm.s32 $0x8000;
	s29 =	simm.s32 $0x0;
	[tilespmem:$0x8070] =	vst v8  }
0x121: {  	[hbm4b:s11+s20] =	stream.strided.scatter [tilespmem:s4], [sflag:$0x8], $0x4000, s21, s20, $0x38;
	[tilespmem:$0x18000] =	vst v63  }
0x122: {  	v11 =	vld [tilespmem:s29+$0xC000]  }
0x123: {  	v13 =	vld [tilespmem:s29+$0xC010]  }
0x124: {  	v12 =	vld [tilespmem:s29+$0xC020]  }
0x125: {  	v10 =	vld [tilespmem:s29+$0xC030]  }
0x126: {  	v8 =	vld [tilespmem:s29+$0xC040]  }
0x127: {  	v9 =	vld [tilespmem:s29+$0xC050];
	v14 =	vmul.f32 v11, v0  }
0x128: {  	s4 =	simm.s32 $0x200;
	v13 =	vmul.f32 v13, v1;
	v11 =	vld [tilespmem:s29+$0xC060]  }
.LBB2_16:
0x129: {  	s5 =	sshra.s32 s4, $0x2;
	p0 =	sne.s32 s4, $0xFE00;
	[tilespmem:s29+$0xC000] =	vst v14;
	v12 =	vmul.f32 v12, v2;
	v14 =	vld [tilespmem:s29+$0xC070]  }
0x12a: {  	v15 =	vld [tilespmem:s5+$0xC000];
	[tilespmem:s29+$0xC010] =	vst v13;
	v10 =	vmul.f32 v10, v3  }
0x12b: {  	v13 =	vld [tilespmem:s5+$0xC010];
	[tilespmem:s29+$0xC020] =	vst v12;
	v8 =	vmul.f32 v8, v4  }
.Ltmp7:
0x12c: {  	v12 =	vld [tilespmem:s5+$0xC020];
	[tilespmem:s29+$0xC030] =	vst v10;
	v9 =	vmul.f32 v9, v5;
	(pc) =	sbr.rel @p0 .LBB2_16-.Ltmp7, $4  }
0x12d: {  	v10 =	vld [tilespmem:s5+$0xC030];
	[tilespmem:s29+$0xC040] =	vst v8;
	v11 =	vmul.f32 v11, v6  }
0x12e: {  	v8 =	vld [tilespmem:s5+$0xC040];
	[tilespmem:s29+$0xC050] =	vst v9;
	v16 =	vmul.f32 v14, v7  }
0x12f: {  	v14 =	vmul.f32 v15, v0;
	v9 =	vld [tilespmem:s5+$0xC050];
	[tilespmem:s29+$0xC060] =	vst v11  }
0x130: {  	s4 =	sadd.s32 $0x200, s4;
	v13 =	vmul.f32 v13, v1;
	v11 =	vld [tilespmem:s5+$0xC060];
	[tilespmem:s29+$0xC070] =	vst v16;
	s29 =	smov.u32 s5  }
0x131: {  	[tilespmem:s29+$0xC000] =	vst v14;
	v0 =	vmul.f32 v12, v2;
	v1 =	vld [tilespmem:s29+$0xC070]  }
0x132: {  	[tilespmem:s29+$0xC010] =	vst v13;
	v2 =	vmul.f32 v10, v3  }
0x133: {  	[tilespmem:s29+$0xC020] =	vst v0;
	v0 =	vmul.f32 v8, v4  }
0x134: {  	[tilespmem:s29+$0xC030] =	vst v2;
	v2 =	vmul.f32 v9, v5  }
0x135: {  	[tilespmem:s29+$0xC040] =	vst v0;
	v0 =	vmul.f32 v11, v6  }
0x136: {  	[tilespmem:s29+$0xC050] =	vst v2;
	v1 =	vmul.f32 v1, v7  }
0x137: {  	[tilespmem:s29+$0xC060] =	vst v0  }
0x138: {  	s4 =	simm.s32 $0xC000;
	[tilespmem:s29+$0xC070] =	vst v1  }
0x139: {  	[hbm4b:s12+s20] =	stream.strided.scatter [tilespmem:s4], [sflag:$0xB], $0x4000, s21, s20, $0x38;
	[tilespmem:$0x18000] =	vst v63  }
0x13a: {  	_ =	swait.ge [sflag:s0], $0x4000  }
0x13b: {  	[sflag:s0] =	ssyncset.done $0x0  }
0x13c: {  	[sflag:s0] =	ssyncadd.s32 $0xFFFFC000  }
0x13d: {  	_ =	swait.ge [sflag:s1], $0x4000  }
0x13e: {  	[sflag:s1] =	ssyncset.done $0x0  }
0x13f: {  	s5 =	simm.s32 $0x0;
	[sflag:s1] =	ssyncadd.s32 $0xFFFFC000  }
0x140: {  	[tilespmem:s5], [sflag:$0x1] =	stream.strided.gather [hbm4b:s13+s20], $0x4000, s21, s20, $0x38;
	[tilespmem:$0x18000] =	vst v63  }
0x141: {  	_ = 	snop  }
0x142: {  	[tilespmem:s22], [sflag:$0x4] =	stream.strided.gather [hbm4b:s14+s20], $0x4000, s21, s20, $0x38;
	[tilespmem:$0x18000] =	vst v63  }
0x143: {  	_ =	swait.ge [sflag:s2], $0x4000  }
0x144: {  	[sflag:s2] =	ssyncset.done $0x0  }
0x145: {  	s5 =	simm.s32 $0x0;
	[sflag:s2] =	ssyncadd.s32 $0xFFFFC000  }
0x146: {  	v0 =	vld [tilespmem:s5+$0x100F0]  }
0x147: {  	v1 =	vld [tilespmem:s5+$0x10080]  }
0x148: {  	v3 =	vld [tilespmem:s5+$0x10090];
	_ =	sdelay $0x1  }
0x149: {  	v9 =	vld [tilespmem:s5+$0x100A0]  }
0x14a: {  	v5 =	vimm.f32 $0.0e+00;
	v6 =	vimm.f32 $0.0e+00;
	v8 =	vld [tilespmem:s5+$0x100B0]  }
0x14b: {  	v2 =	vimm.f32 $0.0e+00;
	v7 =	vimm.f32 $0.0e+00;
	v10 =	vld [tilespmem:s5+$0x100C0];
	v0 =	vand.u32 $0x7FFFFFFF, v0  }
0x14c: {  	v11 =	vld [tilespmem:s5+$0x100D0];
	v4 =	vand.u32 $0x7FFFFFFF, v1;
	v13 =	vand.u32 $0x7FFFFFFF, v3;
	v3 =	vimm.f32 $0.0e+00  }
0x14d: {  	s29 =	simm.s32 $0x80;
	s4 =	simm.s32 $0x400;
	v12 =	vld [tilespmem:s5+$0x100E0];
	v1 =	vadd.f32 v0, v2;
	v0 =	vadd.f32 v4, v2;
	v4 =	vimm.f32 $0.0e+00  }
.LBB2_18:
0x14e: {  	p0 =	sne.s32 s4, $0xFC00;
	v14 =	vld [tilespmem:s29+$0x100F0];
	v2 =	vadd.f32 v13, v2;
	v9 =	vand.u32 $0x7FFFFFFF, v9  }
0x14f: {  	v13 =	vld [tilespmem:s29+$0x10080];
	v6 =	vadd.f32 v9, v6;
	v8 =	vand.u32 $0x7FFFFFFF, v8  }
0x150: {  	v15 =	vld [tilespmem:s29+$0x10090];
	v4 =	vadd.f32 v8, v4;
	v8 =	vand.u32 $0x7FFFFFFF, v10  }
.Ltmp8:
0x151: {  	v9 =	vld [tilespmem:s29+$0x100A0];
	v7 =	vadd.f32 v8, v7;
	v10 =	vand.u32 $0x7FFFFFFF, v11;
	(pc) =	sbr.rel @p0 .LBB2_18-.Ltmp8, $4  }
0x152: {  	v8 =	vld [tilespmem:s29+$0x100B0];
	v5 =	vadd.f32 v10, v5;
	v11 =	vand.u32 $0x7FFFFFFF, v12  }
0x153: {  	v10 =	vld [tilespmem:s29+$0x100C0];
	v12 =	vand.u32 $0x7FFFFFFF, v14;
	v3 =	vadd.f32 v11, v3  }
0x154: {  	v13 =	vand.u32 $0x7FFFFFFF, v13;
	v11 =	vld [tilespmem:s29+$0x100D0];
	v1 =	vadd.f32 v12, v1  }
0x155: {  	v0 =	vadd.f32 v13, v0;
	v13 =	vand.u32 $0x7FFFFFFF, v15;
	v12 =	vld [tilespmem:s29+$0x100E0];
	s29 =	sshra.s32 s4, $0x2;
	s4 =	sadd.s32 $0x200, s4  }
0x156: {  	v14 =	vld [tilespmem:s29+$0x100F0]  }
0x157: {  	v15 =	vld [tilespmem:s29+$0x10080]  }
0x158: {  	v16 =	vld [tilespmem:s29+$0x10090]  }
0x159: {  	v17 =	vld [tilespmem:s29+$0x100A0]  }
0x15a: {  	v18 =	vld [tilespmem:s29+$0x100B0]  }
0x15b: {  	v19 =	vld [tilespmem:s29+$0x100C0]  }
0x15c: {  	v20 =	vld [tilespmem:s29+$0x100D0]  }
0x15d: {  	v21 =	vld [tilespmem:s29+$0x100E0];
	v2 =	vadd.f32 v13, v2;
	v9 =	vand.u32 $0x7FFFFFFF, v9;
	_ =	swait.ge [sflag:s23], $0x4000  }
0x15e: {  	v6 =	vadd.f32 v9, v6;
	v8 =	vand.u32 $0x7FFFFFFF, v8;
	[sflag:s23] =	ssyncset.done $0x0;
	v9 =	vand.u32 $0x7FFFFFFF, v10  }
0x15f: {  	s5 =	simm.s32 $0x0;
	v4 =	vadd.f32 v8, v4;
	[sflag:s23] =	ssyncadd.s32 $0xFFFFC000;
	v7 =	vadd.f32 v9, v7;
	v8 =	vand.u32 $0x7FFFFFFF, v11  }
0x160: {  	v11 =	vld [tilespmem:s5+$0x14070];
	v10 =	vadd.f32 v8, v5;
	v5 =	vand.u32 $0x7FFFFFFF, v12;
	v8 =	vand.u32 $0x7FFFFFFF, v14  }
0x161: {  	v12 =	vadd.f32 v5, v3;
	v3 =	vand.u32 $0x7FFFFFFF, v15;
	v14 =	vld [tilespmem:s5+$0x14000];
	v13 =	vadd.f32 v8, v1  }
0x162: {  	v63 =	vld [tilespmem:s5+$0x14010];
	v15 =	vadd.f32 v3, v0;
	v0 =	vand.u32 $0x7FFFFFFF, v16;
	v1 =	vand.u32 $0x7FFFFFFF, v17  }
0x163: {  	v8 =	vld [tilespmem:s5+$0x14020];
	v3 =	vand.u32 $0x7FFFFFFF, v20;
	v5 =	vadd.f32 v0, v2;
	v2 =	vadd.f32 v1, v6  }
0x164: {  	v9 =	vld [tilespmem:s5+$0x14030];
	v0 =	vand.u32 $0x7FFFFFFF, v18;
	v1 =	vand.u32 $0x7FFFFFFF, v19;
	v3 =	vadd.f32 v3, v10  }
0x165: {  	v10 =	vld [tilespmem:s5+$0x14040];
	v0 =	vadd.f32 v0, v4;
	v6 =	vadd.f32 v1, v7;
	v1 =	vand.u32 $0x7FFFFFFF, v21  }
0x166: {  	v4 =	vand.u32 $0x7FFFFFFF, v11;
	v11 =	vld [tilespmem:s5+$0x14050];
	v1 =	vadd.f32 v1, v12;
	v7 =	vand.u32 $0x7FFFFFFF, v14  }
0x167: {  	s29 =	simm.s32 $0x80;
	s4 =	simm.s32 $0x400;
	v4 =	vadd.f32 v4, v13;
	v13 =	vand.u32 $0x7FFFFFFF, v63;
	v12 =	vld [tilespmem:s5+$0x14060];
	v7 =	vadd.f32 v7, v15  }
.LBB2_20:
0x168: {  	p0 =	sne.s32 s4, $0xFE00;
	v14 =	vld [tilespmem:s29+$0x14070];
	v5 =	vadd.f32 v13, v5;
	v8 =	vand.u32 $0x7FFFFFFF, v8  }
0x169: {  	v13 =	vld [tilespmem:s29+$0x14000];
	v2 =	vadd.f32 v8, v2;
	v8 =	vand.u32 $0x7FFFFFFF, v9  }
0x16a: {  	v15 =	vld [tilespmem:s29+$0x14010];
	v0 =	vadd.f32 v8, v0;
	v9 =	vand.u32 $0x7FFFFFFF, v10  }
.Ltmp9:
0x16b: {  	v8 =	vld [tilespmem:s29+$0x14020];
	v6 =	vadd.f32 v9, v6;
	v10 =	vand.u32 $0x7FFFFFFF, v11;
	(pc) =	sbr.rel @p0 .LBB2_20-.Ltmp9, $4  }
0x16c: {  	v9 =	vld [tilespmem:s29+$0x14030];
	v3 =	vadd.f32 v10, v3;
	v11 =	vand.u32 $0x7FFFFFFF, v12  }
0x16d: {  	v10 =	vld [tilespmem:s29+$0x14040];
	v12 =	vand.u32 $0x7FFFFFFF, v14;
	v1 =	vadd.f32 v11, v1  }
0x16e: {  	v13 =	vand.u32 $0x7FFFFFFF, v13;
	v11 =	vld [tilespmem:s29+$0x14050];
	v4 =	vadd.f32 v12, v4  }
0x16f: {  	v7 =	vadd.f32 v13, v7;
	v13 =	vand.u32 $0x7FFFFFFF, v15;
	v12 =	vld [tilespmem:s29+$0x14060];
	s29 =	sshra.s32 s4, $0x2;
	s4 =	sadd.s32 $0x200, s4  }
0x170: {  	v14 =	vld [tilespmem:s29+$0x14070]  }
0x171: {  	v15 =	vld [tilespmem:s29+$0x14000]  }
0x172: {  	v16 =	vld [tilespmem:s29+$0x14010]  }
0x173: {  	v17 =	vld [tilespmem:s29+$0x14020];
	v5 =	vadd.f32 v13, v5;
	v8 =	vand.u32 $0x7FFFFFFF, v8  }
0x174: {  	v13 =	vld [tilespmem:s29+$0x14030];
	v2 =	vadd.f32 v8, v2;
	v8 =	vand.u32 $0x7FFFFFFF, v9;
	v9 =	vand.u32 $0x7FFFFFFF, v10  }
0x175: {  	v10 =	vld [tilespmem:s29+$0x14040];
	v6 =	vadd.f32 v9, v6;
	v9 =	vand.u32 $0x7FFFFFFF, v11  }
0x176: {  	v0 =	vadd.f32 v8, v0;
	v8 =	vld [tilespmem:$0x10000];
	v3 =	vadd.f32 v9, v3;
	v9 =	vand.u32 $0x7FFFFFFF, v12  }
0x177: {  	v12 =	vld [tilespmem:s29+$0x14050];
	v11 =	vand.u32 $0x7FFFFFFF, v14;
	v1 =	vadd.f32 v9, v1;
	v9 =	vand.u32 $0x7FFFFFFF, v15  }
0x178: {  	v14 =	vand.u32 $0x7FFFFFFF, v17;
	v30 =	vadd.f32 v11, v4;
	v4 =	vld [tilespmem:s29+$0x14060];
	v11 =	vand.u32 $0x7FFFFFFF, v16  }
0x179: {  	v7 =	vadd.f32 v9, v7;
	v9 =	vld [tilespmem:$0x10010];
	v5 =	vadd.f32 v11, v5;
	v11 =	vand.u32 $0x7FFFFFFF, v13  }
0x17a: {  	v2 =	vadd.f32 v14, v2;
	v13 =	vadd.f32 v11, v0  }
0x17b: {  	v14 =	vld [tilespmem:$0x10060];
	v0 =	vand.u32 $0x7FFFFFFF, v10;
	v16 =	vsub.f32 v8, v7;
	v7 =	vadd.f32 v8, v7  }
0x17c: {  	v11 =	vld [tilespmem:$0x10030];
	v6 =	vadd.f32 v0, v6;
	v0 =	vand.u32 $0x7FFFFFFF, v12  }
0x17d: {  	v10 =	vld [tilespmem:$0x10040];
	v15 =	vadd.f32 v0, v3;
	vm0 =	vle.f32 v16, $0.0e+00;
	vm1 =	vge.f32 v7, $0.0e+00  }
0x17e: {  	s29 =	simm.s32 $0x0;
	v12 =	vld [tilespmem:$0x10020];
	v18 =	vsub.f32 $1.000000000e+00, v16;
	v0 =	vand.u32 $0x7FFFFFFF, v4;
	v17 =	vsub.f32 v9, v5  }
0x17f: {  	v36 =	vld [tilespmem:s29+$0x10080];
	vm2 =	vmand vm0, vm1;
	vm1 =	vle.f32 v7, $0.0e+00;
	v29 =	vadd.f32 v0, v1  }
0x180: {  	v1 =	vadd.f32 v9, v5;
	v0 =	vnsel vm2, $0x3F800000, v18;
	v19 =	vsub.f32 $1.000000000e+00, v17  }
0x181: {  	vm0 =	vle.f32 v17, $0.0e+00;
	v21 =	vsub.f32 v11, v13;
	v3 =	vadd.f32 v11, v13  }
0x182: {  	v0 =	vsel vm1, $0x0, v0;
	v22 =	vsub.f32 v10, v6;
	v4 =	vadd.f32 v10, v6  }
0x183: {  	vm3 =	vge.f32 v1, $0.0e+00;
	v20 =	vsub.f32 v12, v2;
	v2 =	vadd.f32 v12, v2  }
0x184: {  	v28 =	vsub.f32 v14, v29;
	v6 =	vadd.f32 v14, v29;
	v38 =	vmul.f32 v36, v0  }
0x185: {  	vm4 =	vmand vm0, vm3;
	vm3 =	vle.f32 v1, $0.0e+00;
	vm6 =	vge.f32 v3, $0.0e+00  }
0x186: {  	v13 =	vld [tilespmem:$0x10050];
	v25 =	vsub.f32 $1.000000000e+00, v21;
	vm7 =	vge.f32 v4, $0.0e+00;
	v26 =	vsub.f32 $1.000000000e+00, v22  }
0x187: {  	v1 =	vnsel vm4, $0x3F800000, v19;
	vm0 =	vle.f32 v20, $0.0e+00;
	vm5 =	vge.f32 v2, $0.0e+00  }
0x188: {  	v37 =	vld [tilespmem:s29+$0x10090];
	v23 =	vsub.f32 $1.000000000e+00, v20;
	vm12 =	vle.f32 v28, $0.0e+00;
	vm13 =	vge.f32 v6, $0.0e+00  }
0x189: {  	v1 =	vsel vm3, $0x0, v1;
	vm9 =	vmand vm0, vm5;
	vm5 =	vle.f32 v2, $0.0e+00  }
0x18a: {  	vm0 =	vle.f32 v21, $0.0e+00;
	vm12 =	vmand vm12, vm13;
	vm13 =	vle.f32 v6, $0.0e+00  }
0x18b: {  	v2 =	vnsel vm9, $0x3F800000, v23;
	v24 =	vsub.f32 v13, v15;
	v5 =	vadd.f32 v13, v15;
	v15 =	vld [tilespmem:$0x10070]  }
0x18c: {  	vm8 =	vmand vm0, vm6;
	vm0 =	vle.f32 v3, $0.0e+00;
	vm6 =	vle.f32 v22, $0.0e+00  }
0x18d: {  	v36 =	vmul.f32 v37, v1;
	v2 =	vsel vm5, $0x0, v2;
	v3 =	vnsel vm8, $0x3F800000, v25  }
0x18e: {  	vm6 =	vmand vm6, vm7;
	vm7 =	vle.f32 v4, $0.0e+00;
	v3 =	vsel vm0, $0x0, v3  }
0x18f: {  	v4 =	vnsel vm6, $0x3F800000, v26;
	vm10 =	vle.f32 v24, $0.0e+00;
	v27 =	vsub.f32 $1.000000000e+00, v24  }
0x190: {  	vm11 =	vge.f32 v5, $0.0e+00;
	v29 =	vsub.f32 v15, v30;
	v7 =	vadd.f32 v15, v30  }
0x191: {  	v32 =	vld [tilespmem:s29+$0x100A0];
	v4 =	vsel vm7, $0x0, v4;
	vm10 =	vmand vm10, vm11;
	v30 =	vsub.f32 $1.000000000e+00, v28  }
0x192: {  	v33 =	vld [tilespmem:s29+$0x100B0];
	vm14 =	vle.f32 v29, $0.0e+00;
	vm15 =	vge.f32 v7, $0.0e+00;
	v31 =	vsub.f32 $1.000000000e+00, v29  }
0x193: {  	v34 =	vld [tilespmem:s29+$0x100C0];
	vm11 =	vle.f32 v5, $0.0e+00;
	v5 =	vnsel vm10, $0x3F800000, v27;
	vm14 =	vmand vm14, vm15  }
0x194: {  	v35 =	vld [tilespmem:s29+$0x100D0];
	v6 =	vnsel vm12, $0x3F800000, v30;
	vm15 =	vle.f32 v7, $0.0e+00;
	v7 =	vnsel vm14, $0x3F800000, v31  }
0x195: {  	s4 =	simm.s32 $0x200;
	v37 =	vld [tilespmem:s29+$0x100E0];
	v5 =	vsel vm11, $0x0, v5;
	v6 =	vsel vm13, $0x0, v6;
	v7 =	vsel vm15, $0x0, v7  }
.LBB2_22:
0x196: {  	s5 =	sshra.s32 s4, $0x2;
	p0 =	sne.s32 s4, $0xFC00;
	[tilespmem:s29+$0x10080] =	vst v38;
	v32 =	vmul.f32 v32, v2;
	v38 =	vld [tilespmem:s29+$0x100F0]  }
0x197: {  	v39 =	vld [tilespmem:s5+$0x10080];
	[tilespmem:s29+$0x10090] =	vst v36;
	v33 =	vmul.f32 v33, v3  }
0x198: {  	v36 =	vld [tilespmem:s5+$0x10090];
	[tilespmem:s29+$0x100A0] =	vst v32;
	v34 =	vmul.f32 v34, v4  }
.Ltmp10:
0x199: {  	v32 =	vld [tilespmem:s5+$0x100A0];
	[tilespmem:s29+$0x100B0] =	vst v33;
	v35 =	vmul.f32 v35, v5;
	(pc) =	sbr.rel @p0 .LBB2_22-.Ltmp10, $4  }
0x19a: {  	v33 =	vld [tilespmem:s5+$0x100B0];
	[tilespmem:s29+$0x100C0] =	vst v34;
	v37 =	vmul.f32 v37, v6  }
0x19b: {  	v34 =	vld [tilespmem:s5+$0x100C0];
	[tilespmem:s29+$0x100D0] =	vst v35;
	v40 =	vmul.f32 v38, v7  }
0x19c: {  	v38 =	vmul.f32 v39, v0;
	v35 =	vld [tilespmem:s5+$0x100D0];
	[tilespmem:s29+$0x100E0] =	vst v37  }
0x19d: {  	s4 =	sadd.s32 $0x200, s4;
	v36 =	vmul.f32 v36, v1;
	v37 =	vld [tilespmem:s5+$0x100E0];
	[tilespmem:s29+$0x100F0] =	vst v40;
	s29 =	smov.u32 s5  }
0x19e: {  	v32 =	vmul.f32 v32, v2  }
0x19f: {  	v16 =	vmul.f32 v18, v16;
	v47 =	vmul.f32 v18, v8  }
0x1a0: {  	v17 =	vmul.f32 v19, v17;
	v20 =	vmul.f32 v23, v20  }
0x1a1: {  	v48 =	vmul.f32 v19, v9;
	v49 =	vmul.f32 v23, v12  }
0x1a2: {  	v51 =	vmul.f32 v25, v21;
	v53 =	vmul.f32 v25, v11  }
0x1a3: {  	v55 =	vmul.f32 v26, v22;
	v56 =	vmul.f32 v26, v10  }
0x1a4: {  	v57 =	vmul.f32 v27, v24;
	v58 =	vmul.f32 v27, v13  }
0x1a5: {  	v59 =	vmul.f32 v30, v28;
	v61 =	vmul.f32 v31, v29  }
0x1a6: {  	v62 =	vmul.f32 v30, v14;
	v63 =	vmul.f32 v31, v15  }
0x1a7: {  	[tilespmem:s29+$0x10080] =	vst v38;
	v46 =	vld [tilespmem:s29+$0x100F0];
	v33 =	vmul.f32 v33, v3;
	v34 =	vmul.f32 v34, v4  }
0x1a8: {  	[tilespmem:s29+$0x10090] =	vst v36;
	v16 =	vmul.f32 $5.000000000e-01, v16;
	v17 =	vmul.f32 $5.000000000e-01, v17  }
0x1a9: {  	v20 =	vmul.f32 $5.000000000e-01, v20;
	[tilespmem:s29+$0x100A0] =	vst v32;
	v54 =	vmul.f32 $5.000000000e-01, v51  }
0x1aa: {  	v60 =	vmul.f32 $5.000000000e-01, v57;
	v35 =	vmul.f32 v35, v5;
	[tilespmem:s29+$0x100B0] =	vst v33  }
0x1ab: {  	v21 =	vmul.f32 $5.000000000e-01, v59;
	v37 =	vmul.f32 v37, v6;
	v16 =	vsub.f32 v47, v16;
	[tilespmem:s29+$0x100C0] =	vst v34  }
0x1ac: {  	v19 =	vmul.f32 $5.000000000e-01, v61;
	v50 =	vsub.f32 v48, v17;
	v38 =	vmul.f32 v46, v7;
	[tilespmem:s29+$0x100D0] =	vst v35  }
0x1ad: {  	v52 =	vsub.f32 v49, v20;
	v17 =	vmul.f32 $5.000000000e-01, v55;
	v8 =	vsel vm2, v16, v8;
	[tilespmem:s29+$0x100E0] =	vst v37  }
0x1ae: {  	v9 =	vsel vm4, v50, v9;
	v16 =	vsub.f32 v53, v54;
	v8 =	vsel vm1, $0x0, v8;
	[tilespmem:s29+$0x100F0] =	vst v38  }
0x1af: {  	v12 =	vsel vm9, v52, v12;
	v17 =	vsub.f32 v56, v17;
	v9 =	vsel vm3, $0x0, v9;
	[tilespmem:$0x10000] =	vst v8  }
0x1b0: {  	v12 =	vsel vm5, $0x0, v12;
	v11 =	vsel vm8, v16, v11;
	v8 =	vsub.f32 v58, v60;
	[tilespmem:$0x10010] =	vst v9  }
0x1b1: {  	v10 =	vsel vm6, v17, v10;
	[tilespmem:$0x10020] =	vst v12;
	v9 =	vsel vm0, $0x0, v11;
	v11 =	vsub.f32 v62, v21  }
0x1b2: {  	v12 =	vsub.f32 v63, v19;
	v10 =	vsel vm7, $0x0, v10;
	v8 =	vsel vm10, v8, v13;
	[tilespmem:$0x10030] =	vst v9  }
0x1b3: {  	[tilespmem:$0x10040] =	vst v10;
	v8 =	vsel vm11, $0x0, v8;
	v9 =	vsel vm12, v11, v14  }
0x1b4: {  	v10 =	vsel vm14, v12, v15;
	v9 =	vsel vm13, $0x0, v9;
	[tilespmem:$0x10050] =	vst v8  }
0x1b5: {  	v8 =	vsel vm15, $0x0, v10;
	[tilespmem:$0x10060] =	vst v9  }
0x1b6: {  	s4 =	simm.s32 $0x10000;
	s29 =	simm.s32 $0x0;
	[tilespmem:$0x10070] =	vst v8  }
0x1b7: {  	[hbm4b:s15+s20] =	stream.strided.scatter [tilespmem:s4], [sflag:$0x9], $0x4000, s21, s20, $0x38;
	[tilespmem:$0x18000] =	vst v63  }
0x1b8: {  	v11 =	vld [tilespmem:s29+$0x14000]  }
0x1b9: {  	v13 =	vld [tilespmem:s29+$0x14010]  }
0x1ba: {  	v12 =	vld [tilespmem:s29+$0x14020]  }
0x1bb: {  	v10 =	vld [tilespmem:s29+$0x14030]  }
0x1bc: {  	v8 =	vld [tilespmem:s29+$0x14040]  }
0x1bd: {  	v9 =	vld [tilespmem:s29+$0x14050];
	v14 =	vmul.f32 v11, v0  }
0x1be: {  	s4 =	simm.s32 $0x200;
	v13 =	vmul.f32 v13, v1;
	v11 =	vld [tilespmem:s29+$0x14060]  }
.LBB2_24:
0x1bf: {  	s5 =	sshra.s32 s4, $0x2;
	p0 =	sne.s32 s4, $0xFE00;
	[tilespmem:s29+$0x14000] =	vst v14;
	v12 =	vmul.f32 v12, v2;
	v14 =	vld [tilespmem:s29+$0x14070]  }
0x1c0: {  	v15 =	vld [tilespmem:s5+$0x14000];
	[tilespmem:s29+$0x14010] =	vst v13;
	v10 =	vmul.f32 v10, v3  }
0x1c1: {  	v13 =	vld [tilespmem:s5+$0x14010];
	[tilespmem:s29+$0x14020] =	vst v12;
	v8 =	vmul.f32 v8, v4  }
.Ltmp11:
0x1c2: {  	v12 =	vld [tilespmem:s5+$0x14020];
	[tilespmem:s29+$0x14030] =	vst v10;
	v9 =	vmul.f32 v9, v5;
	(pc) =	sbr.rel @p0 .LBB2_24-.Ltmp11, $4  }
0x1c3: {  	v10 =	vld [tilespmem:s5+$0x14030];
	[tilespmem:s29+$0x14040] =	vst v8;
	v11 =	vmul.f32 v11, v6  }
0x1c4: {  	v8 =	vld [tilespmem:s5+$0x14040];
	[tilespmem:s29+$0x14050] =	vst v9;
	v16 =	vmul.f32 v14, v7  }
0x1c5: {  	v14 =	vmul.f32 v15, v0;
	v9 =	vld [tilespmem:s5+$0x14050];
	[tilespmem:s29+$0x14060] =	vst v11  }
0x1c6: {  	s4 =	sadd.s32 $0x200, s4;
	v13 =	vmul.f32 v13, v1;
	v11 =	vld [tilespmem:s5+$0x14060];
	[tilespmem:s29+$0x14070] =	vst v16;
	s29 =	smov.u32 s5  }
0x1c7: {  	[tilespmem:s29+$0x14000] =	vst v14;
	v0 =	vmul.f32 v12, v2;
	v1 =	vld [tilespmem:s29+$0x14070]  }
0x1c8: {  	[tilespmem:s29+$0x14010] =	vst v13;
	v2 =	vmul.f32 v10, v3  }
0x1c9: {  	[tilespmem:s29+$0x14020] =	vst v0;
	v0 =	vmul.f32 v8, v4  }
0x1ca: {  	[tilespmem:s29+$0x14030] =	vst v2;
	v2 =	vmul.f32 v9, v5  }
0x1cb: {  	[tilespmem:s29+$0x14040] =	vst v0;
	v0 =	vmul.f32 v11, v6  }
0x1cc: {  	[tilespmem:s29+$0x14050] =	vst v2;
	v1 =	vmul.f32 v1, v7  }
0x1cd: {  	[tilespmem:s29+$0x14060] =	vst v0  }
0x1ce: {  	s4 =	simm.s32 $0x14000;
	[tilespmem:s29+$0x14070] =	vst v1  }
0x1cf: {  	[hbm4b:s16+s20] =	stream.strided.scatter [tilespmem:s4], [sflag:$0xC], $0x4000, s21, s20, $0x38;
	[tilespmem:$0x18000] =	vst v63  }
0x1d0: {  	_ =	swait.ge [sflag:s25], $0x4000  }
0x1d1: {  	[sflag:s25] =	ssyncset.done $0x0  }
0x1d2: {  	s5 =	simm.s32 $0x0;
	[sflag:s25] =	ssyncadd.s32 $0xFFFFC000  }
0x1d3: {  	v0 =	vld [tilespmem:s5+$0xF0]  }
0x1d4: {  	v1 =	vld [tilespmem:s5+$0x80]  }
0x1d5: {  	v3 =	vld [tilespmem:s5+$0x90];
	_ =	sdelay $0x1  }
0x1d6: {  	v9 =	vld [tilespmem:s5+$0xA0]  }
0x1d7: {  	v5 =	vimm.f32 $0.0e+00;
	v6 =	vimm.f32 $0.0e+00;
	v8 =	vld [tilespmem:s5+$0xB0]  }
0x1d8: {  	v2 =	vimm.f32 $0.0e+00;
	v7 =	vimm.f32 $0.0e+00;
	v10 =	vld [tilespmem:s5+$0xC0];
	v0 =	vand.u32 $0x7FFFFFFF, v0  }
0x1d9: {  	v11 =	vld [tilespmem:s5+$0xD0];
	v4 =	vand.u32 $0x7FFFFFFF, v1;
	v13 =	vand.u32 $0x7FFFFFFF, v3;
	v3 =	vimm.f32 $0.0e+00  }
0x1da: {  	s29 =	simm.s32 $0x80;
	s4 =	simm.s32 $0x400;
	v12 =	vld [tilespmem:s5+$0xE0];
	v1 =	vadd.f32 v0, v2;
	v0 =	vadd.f32 v4, v2;
	v4 =	vimm.f32 $0.0e+00  }
.LBB2_26:
0x1db: {  	p0 =	sne.s32 s4, $0xFC00;
	v14 =	vld [tilespmem:s29+$0xF0];
	v2 =	vadd.f32 v13, v2;
	v9 =	vand.u32 $0x7FFFFFFF, v9  }
0x1dc: {  	v13 =	vld [tilespmem:s29+$0x80];
	v6 =	vadd.f32 v9, v6;
	v8 =	vand.u32 $0x7FFFFFFF, v8  }
0x1dd: {  	v15 =	vld [tilespmem:s29+$0x90];
	v4 =	vadd.f32 v8, v4;
	v8 =	vand.u32 $0x7FFFFFFF, v10  }
.Ltmp12:
0x1de: {  	v9 =	vld [tilespmem:s29+$0xA0];
	v7 =	vadd.f32 v8, v7;
	v10 =	vand.u32 $0x7FFFFFFF, v11;
	(pc) =	sbr.rel @p0 .LBB2_26-.Ltmp12, $4  }
0x1df: {  	v8 =	vld [tilespmem:s29+$0xB0];
	v5 =	vadd.f32 v10, v5;
	v11 =	vand.u32 $0x7FFFFFFF, v12  }
0x1e0: {  	v10 =	vld [tilespmem:s29+$0xC0];
	v12 =	vand.u32 $0x7FFFFFFF, v14;
	v3 =	vadd.f32 v11, v3  }
0x1e1: {  	v13 =	vand.u32 $0x7FFFFFFF, v13;
	v11 =	vld [tilespmem:s29+$0xD0];
	v1 =	vadd.f32 v12, v1  }
0x1e2: {  	v0 =	vadd.f32 v13, v0;
	v13 =	vand.u32 $0x7FFFFFFF, v15;
	v12 =	vld [tilespmem:s29+$0xE0];
	s29 =	sshra.s32 s4, $0x2;
	s4 =	sadd.s32 $0x200, s4  }
0x1e3: {  	v14 =	vld [tilespmem:s29+$0xF0]  }
0x1e4: {  	v15 =	vld [tilespmem:s29+$0x80]  }
0x1e5: {  	v16 =	vld [tilespmem:s29+$0x90]  }
0x1e6: {  	v17 =	vld [tilespmem:s29+$0xA0]  }
0x1e7: {  	v18 =	vld [tilespmem:s29+$0xB0]  }
0x1e8: {  	v19 =	vld [tilespmem:s29+$0xC0]  }
0x1e9: {  	v20 =	vld [tilespmem:s29+$0xD0]  }
0x1ea: {  	v21 =	vld [tilespmem:s29+$0xE0];
	v2 =	vadd.f32 v13, v2;
	v9 =	vand.u32 $0x7FFFFFFF, v9;
	_ =	swait.ge [sflag:s26], $0x4000  }
0x1eb: {  	v6 =	vadd.f32 v9, v6;
	v8 =	vand.u32 $0x7FFFFFFF, v8;
	[sflag:s26] =	ssyncset.done $0x0;
	v9 =	vand.u32 $0x7FFFFFFF, v10  }
0x1ec: {  	s5 =	simm.s32 $0x0;
	v4 =	vadd.f32 v8, v4;
	[sflag:s26] =	ssyncadd.s32 $0xFFFFC000;
	v7 =	vadd.f32 v9, v7;
	v8 =	vand.u32 $0x7FFFFFFF, v11  }
0x1ed: {  	v11 =	vld [tilespmem:s5+$0x4070];
	v10 =	vadd.f32 v8, v5;
	v5 =	vand.u32 $0x7FFFFFFF, v12;
	v8 =	vand.u32 $0x7FFFFFFF, v14  }
0x1ee: {  	v12 =	vadd.f32 v5, v3;
	v3 =	vand.u32 $0x7FFFFFFF, v15;
	v14 =	vld [tilespmem:s5+$0x4000];
	v13 =	vadd.f32 v8, v1  }
0x1ef: {  	v63 =	vld [tilespmem:s5+$0x4010];
	v15 =	vadd.f32 v3, v0;
	v0 =	vand.u32 $0x7FFFFFFF, v16;
	v1 =	vand.u32 $0x7FFFFFFF, v17  }
0x1f0: {  	v8 =	vld [tilespmem:s5+$0x4020];
	v3 =	vand.u32 $0x7FFFFFFF, v20;
	v5 =	vadd.f32 v0, v2;
	v2 =	vadd.f32 v1, v6  }
0x1f1: {  	v9 =	vld [tilespmem:s5+$0x4030];
	v0 =	vand.u32 $0x7FFFFFFF, v18;
	v1 =	vand.u32 $0x7FFFFFFF, v19;
	v3 =	vadd.f32 v3, v10  }
0x1f2: {  	v10 =	vld [tilespmem:s5+$0x4040];
	v0 =	vadd.f32 v0, v4;
	v6 =	vadd.f32 v1, v7;
	v1 =	vand.u32 $0x7FFFFFFF, v21  }
0x1f3: {  	v4 =	vand.u32 $0x7FFFFFFF, v11;
	v11 =	vld [tilespmem:s5+$0x4050];
	v1 =	vadd.f32 v1, v12;
	v7 =	vand.u32 $0x7FFFFFFF, v14  }
0x1f4: {  	s29 =	simm.s32 $0x80;
	s4 =	simm.s32 $0x400;
	v4 =	vadd.f32 v4, v13;
	v13 =	vand.u32 $0x7FFFFFFF, v63;
	v12 =	vld [tilespmem:s5+$0x4060];
	v7 =	vadd.f32 v7, v15  }
.LBB2_28:
0x1f5: {  	p0 =	sne.s32 s4, $0xFE00;
	v14 =	vld [tilespmem:s29+$0x4070];
	v5 =	vadd.f32 v13, v5;
	v8 =	vand.u32 $0x7FFFFFFF, v8  }
0x1f6: {  	v13 =	vld [tilespmem:s29+$0x4000];
	v2 =	vadd.f32 v8, v2;
	v8 =	vand.u32 $0x7FFFFFFF, v9  }
0x1f7: {  	v15 =	vld [tilespmem:s29+$0x4010];
	v0 =	vadd.f32 v8, v0;
	v9 =	vand.u32 $0x7FFFFFFF, v10  }
.Ltmp13:
0x1f8: {  	v8 =	vld [tilespmem:s29+$0x4020];
	v6 =	vadd.f32 v9, v6;
	v10 =	vand.u32 $0x7FFFFFFF, v11;
	(pc) =	sbr.rel @p0 .LBB2_28-.Ltmp13, $4  }
0x1f9: {  	v9 =	vld [tilespmem:s29+$0x4030];
	v3 =	vadd.f32 v10, v3;
	v11 =	vand.u32 $0x7FFFFFFF, v12  }
0x1fa: {  	v10 =	vld [tilespmem:s29+$0x4040];
	v12 =	vand.u32 $0x7FFFFFFF, v14;
	v1 =	vadd.f32 v11, v1  }
0x1fb: {  	v13 =	vand.u32 $0x7FFFFFFF, v13;
	v11 =	vld [tilespmem:s29+$0x4050];
	v4 =	vadd.f32 v12, v4  }
0x1fc: {  	v7 =	vadd.f32 v13, v7;
	v13 =	vand.u32 $0x7FFFFFFF, v15;
	v12 =	vld [tilespmem:s29+$0x4060];
	s29 =	sshra.s32 s4, $0x2;
	s4 =	sadd.s32 $0x200, s4  }
0x1fd: {  	v14 =	vld [tilespmem:s29+$0x4070]  }
0x1fe: {  	v15 =	vld [tilespmem:s29+$0x4000]  }
0x1ff: {  	v16 =	vld [tilespmem:s29+$0x4010]  }
0x200: {  	v17 =	vld [tilespmem:s29+$0x4020];
	v5 =	vadd.f32 v13, v5;
	v8 =	vand.u32 $0x7FFFFFFF, v8  }
0x201: {  	v13 =	vld [tilespmem:s29+$0x4030];
	v2 =	vadd.f32 v8, v2;
	v8 =	vand.u32 $0x7FFFFFFF, v9;
	v9 =	vand.u32 $0x7FFFFFFF, v10  }
0x202: {  	v10 =	vld [tilespmem:s29+$0x4040];
	v6 =	vadd.f32 v9, v6;
	v9 =	vand.u32 $0x7FFFFFFF, v11  }
0x203: {  	v0 =	vadd.f32 v8, v0;
	v8 =	vld [tilespmem:$0x0];
	v3 =	vadd.f32 v9, v3;
	v9 =	vand.u32 $0x7FFFFFFF, v12  }
0x204: {  	v12 =	vld [tilespmem:s29+$0x4050];
	v11 =	vand.u32 $0x7FFFFFFF, v14;
	v1 =	vadd.f32 v9, v1;
	v9 =	vand.u32 $0x7FFFFFFF, v15  }
0x205: {  	v14 =	vand.u32 $0x7FFFFFFF, v17;
	v30 =	vadd.f32 v11, v4;
	v4 =	vld [tilespmem:s29+$0x4060];
	v11 =	vand.u32 $0x7FFFFFFF, v16  }
0x206: {  	v7 =	vadd.f32 v9, v7;
	v9 =	vld [tilespmem:$0x10];
	v5 =	vadd.f32 v11, v5;
	v11 =	vand.u32 $0x7FFFFFFF, v13  }
0x207: {  	v2 =	vadd.f32 v14, v2;
	v13 =	vadd.f32 v11, v0  }
0x208: {  	v14 =	vld [tilespmem:$0x60];
	v0 =	vand.u32 $0x7FFFFFFF, v10;
	v16 =	vsub.f32 v8, v7;
	v7 =	vadd.f32 v8, v7  }
0x209: {  	v11 =	vld [tilespmem:$0x30];
	v6 =	vadd.f32 v0, v6;
	v0 =	vand.u32 $0x7FFFFFFF, v12  }
0x20a: {  	v10 =	vld [tilespmem:$0x40];
	v15 =	vadd.f32 v0, v3;
	vm0 =	vle.f32 v16, $0.0e+00;
	vm1 =	vge.f32 v7, $0.0e+00  }
0x20b: {  	s29 =	simm.s32 $0x0;
	v12 =	vld [tilespmem:$0x20];
	v18 =	vsub.f32 $1.000000000e+00, v16;
	v0 =	vand.u32 $0x7FFFFFFF, v4;
	v17 =	vsub.f32 v9, v5  }
0x20c: {  	v36 =	vld [tilespmem:s29+$0x80];
	vm2 =	vmand vm0, vm1;
	vm1 =	vle.f32 v7, $0.0e+00;
	v29 =	vadd.f32 v0, v1  }
0x20d: {  	v1 =	vadd.f32 v9, v5;
	v0 =	vnsel vm2, $0x3F800000, v18;
	v19 =	vsub.f32 $1.000000000e+00, v17  }
0x20e: {  	vm0 =	vle.f32 v17, $0.0e+00;
	v21 =	vsub.f32 v11, v13;
	v3 =	vadd.f32 v11, v13  }
0x20f: {  	v0 =	vsel vm1, $0x0, v0;
	v22 =	vsub.f32 v10, v6;
	v4 =	vadd.f32 v10, v6  }
0x210: {  	vm3 =	vge.f32 v1, $0.0e+00;
	v20 =	vsub.f32 v12, v2;
	v2 =	vadd.f32 v12, v2  }
0x211: {  	v28 =	vsub.f32 v14, v29;
	v6 =	vadd.f32 v14, v29;
	v38 =	vmul.f32 v36, v0  }
0x212: {  	vm4 =	vmand vm0, vm3;
	vm3 =	vle.f32 v1, $0.0e+00;
	vm6 =	vge.f32 v3, $0.0e+00  }
0x213: {  	v13 =	vld [tilespmem:$0x50];
	v25 =	vsub.f32 $1.000000000e+00, v21;
	vm7 =	vge.f32 v4, $0.0e+00;
	v26 =	vsub.f32 $1.000000000e+00, v22  }
0x214: {  	v1 =	vnsel vm4, $0x3F800000, v19;
	vm0 =	vle.f32 v20, $0.0e+00;
	vm5 =	vge.f32 v2, $0.0e+00  }
0x215: {  	v37 =	vld [tilespmem:s29+$0x90];
	v23 =	vsub.f32 $1.000000000e+00, v20;
	vm12 =	vle.f32 v28, $0.0e+00;
	vm13 =	vge.f32 v6, $0.0e+00  }
0x216: {  	v1 =	vsel vm3, $0x0, v1;
	vm9 =	vmand vm0, vm5;
	vm5 =	vle.f32 v2, $0.0e+00  }
0x217: {  	vm0 =	vle.f32 v21, $0.0e+00;
	vm12 =	vmand vm12, vm13;
	vm13 =	vle.f32 v6, $0.0e+00  }
0x218: {  	v2 =	vnsel vm9, $0x3F800000, v23;
	v24 =	vsub.f32 v13, v15;
	v5 =	vadd.f32 v13, v15;
	v15 =	vld [tilespmem:$0x70]  }
0x219: {  	vm8 =	vmand vm0, vm6;
	vm0 =	vle.f32 v3, $0.0e+00;
	vm6 =	vle.f32 v22, $0.0e+00  }
0x21a: {  	v36 =	vmul.f32 v37, v1;
	v2 =	vsel vm5, $0x0, v2;
	v3 =	vnsel vm8, $0x3F800000, v25  }
0x21b: {  	vm6 =	vmand vm6, vm7;
	vm7 =	vle.f32 v4, $0.0e+00;
	v3 =	vsel vm0, $0x0, v3  }
0x21c: {  	v4 =	vnsel vm6, $0x3F800000, v26;
	vm10 =	vle.f32 v24, $0.0e+00;
	v27 =	vsub.f32 $1.000000000e+00, v24  }
0x21d: {  	vm11 =	vge.f32 v5, $0.0e+00;
	v29 =	vsub.f32 v15, v30;
	v7 =	vadd.f32 v15, v30  }
0x21e: {  	v32 =	vld [tilespmem:s29+$0xA0];
	v4 =	vsel vm7, $0x0, v4;
	vm10 =	vmand vm10, vm11;
	v30 =	vsub.f32 $1.000000000e+00, v28  }
0x21f: {  	v33 =	vld [tilespmem:s29+$0xB0];
	vm14 =	vle.f32 v29, $0.0e+00;
	vm15 =	vge.f32 v7, $0.0e+00;
	v31 =	vsub.f32 $1.000000000e+00, v29  }
0x220: {  	v34 =	vld [tilespmem:s29+$0xC0];
	vm11 =	vle.f32 v5, $0.0e+00;
	v5 =	vnsel vm10, $0x3F800000, v27;
	vm14 =	vmand vm14, vm15  }
0x221: {  	v35 =	vld [tilespmem:s29+$0xD0];
	v6 =	vnsel vm12, $0x3F800000, v30;
	vm15 =	vle.f32 v7, $0.0e+00;
	v7 =	vnsel vm14, $0x3F800000, v31  }
0x222: {  	s4 =	simm.s32 $0x200;
	v37 =	vld [tilespmem:s29+$0xE0];
	v5 =	vsel vm11, $0x0, v5;
	v6 =	vsel vm13, $0x0, v6;
	v7 =	vsel vm15, $0x0, v7  }
.LBB2_30:
0x223: {  	s5 =	sshra.s32 s4, $0x2;
	p0 =	sne.s32 s4, $0xFC00;
	[tilespmem:s29+$0x80] =	vst v38;
	v32 =	vmul.f32 v32, v2;
	v38 =	vld [tilespmem:s29+$0xF0]  }
0x224: {  	v39 =	vld [tilespmem:s5+$0x80];
	[tilespmem:s29+$0x90] =	vst v36;
	v33 =	vmul.f32 v33, v3  }
0x225: {  	v36 =	vld [tilespmem:s5+$0x90];
	[tilespmem:s29+$0xA0] =	vst v32;
	v34 =	vmul.f32 v34, v4  }
.Ltmp14:
0x226: {  	v32 =	vld [tilespmem:s5+$0xA0];
	[tilespmem:s29+$0xB0] =	vst v33;
	v35 =	vmul.f32 v35, v5;
	(pc) =	sbr.rel @p0 .LBB2_30-.Ltmp14, $4  }
0x227: {  	v33 =	vld [tilespmem:s5+$0xB0];
	[tilespmem:s29+$0xC0] =	vst v34;
	v37 =	vmul.f32 v37, v6  }
0x228: {  	v34 =	vld [tilespmem:s5+$0xC0];
	[tilespmem:s29+$0xD0] =	vst v35;
	v40 =	vmul.f32 v38, v7  }
0x229: {  	v38 =	vmul.f32 v39, v0;
	v35 =	vld [tilespmem:s5+$0xD0];
	[tilespmem:s29+$0xE0] =	vst v37  }
0x22a: {  	s4 =	sadd.s32 $0x200, s4;
	v36 =	vmul.f32 v36, v1;
	v37 =	vld [tilespmem:s5+$0xE0];
	[tilespmem:s29+$0xF0] =	vst v40;
	s29 =	smov.u32 s5  }
0x22b: {  	v32 =	vmul.f32 v32, v2  }
0x22c: {  	v16 =	vmul.f32 v18, v16;
	v47 =	vmul.f32 v18, v8  }
0x22d: {  	v17 =	vmul.f32 v19, v17;
	v20 =	vmul.f32 v23, v20  }
0x22e: {  	v48 =	vmul.f32 v19, v9;
	v49 =	vmul.f32 v23, v12  }
0x22f: {  	v51 =	vmul.f32 v25, v21;
	v53 =	vmul.f32 v25, v11  }
0x230: {  	v55 =	vmul.f32 v26, v22;
	v56 =	vmul.f32 v26, v10  }
0x231: {  	v57 =	vmul.f32 v27, v24;
	v58 =	vmul.f32 v27, v13  }
0x232: {  	v59 =	vmul.f32 v30, v28;
	v61 =	vmul.f32 v31, v29  }
0x233: {  	v62 =	vmul.f32 v30, v14;
	v63 =	vmul.f32 v31, v15  }
0x234: {  	[tilespmem:s29+$0x80] =	vst v38;
	v46 =	vld [tilespmem:s29+$0xF0];
	v33 =	vmul.f32 v33, v3;
	v34 =	vmul.f32 v34, v4  }
0x235: {  	[tilespmem:s29+$0x90] =	vst v36;
	v16 =	vmul.f32 $5.000000000e-01, v16;
	v17 =	vmul.f32 $5.000000000e-01, v17  }
0x236: {  	v20 =	vmul.f32 $5.000000000e-01, v20;
	[tilespmem:s29+$0xA0] =	vst v32;
	v54 =	vmul.f32 $5.000000000e-01, v51  }
0x237: {  	v60 =	vmul.f32 $5.000000000e-01, v57;
	v35 =	vmul.f32 v35, v5;
	[tilespmem:s29+$0xB0] =	vst v33  }
0x238: {  	v21 =	vmul.f32 $5.000000000e-01, v59;
	v37 =	vmul.f32 v37, v6;
	v16 =	vsub.f32 v47, v16;
	[tilespmem:s29+$0xC0] =	vst v34  }
0x239: {  	v19 =	vmul.f32 $5.000000000e-01, v61;
	v50 =	vsub.f32 v48, v17;
	v38 =	vmul.f32 v46, v7;
	[tilespmem:s29+$0xD0] =	vst v35  }
0x23a: {  	v52 =	vsub.f32 v49, v20;
	v17 =	vmul.f32 $5.000000000e-01, v55;
	v8 =	vsel vm2, v16, v8;
	[tilespmem:s29+$0xE0] =	vst v37  }
0x23b: {  	v9 =	vsel vm4, v50, v9;
	v16 =	vsub.f32 v53, v54;
	v8 =	vsel vm1, $0x0, v8;
	[tilespmem:s29+$0xF0] =	vst v38  }
0x23c: {  	v12 =	vsel vm9, v52, v12;
	v17 =	vsub.f32 v56, v17;
	v9 =	vsel vm3, $0x0, v9;
	[tilespmem:$0x0] =	vst v8  }
0x23d: {  	v12 =	vsel vm5, $0x0, v12;
	v11 =	vsel vm8, v16, v11;
	v8 =	vsub.f32 v58, v60;
	[tilespmem:$0x10] =	vst v9  }
0x23e: {  	v10 =	vsel vm6, v17, v10;
	[tilespmem:$0x20] =	vst v12;
	v9 =	vsel vm0, $0x0, v11;
	v11 =	vsub.f32 v62, v21  }
0x23f: {  	v12 =	vsub.f32 v63, v19;
	v10 =	vsel vm7, $0x0, v10;
	v8 =	vsel vm10, v8, v13;
	[tilespmem:$0x30] =	vst v9  }
0x240: {  	[tilespmem:$0x40] =	vst v10;
	v8 =	vsel vm11, $0x0, v8;
	v9 =	vsel vm12, v11, v14  }
0x241: {  	v10 =	vsel vm14, v12, v15;
	v9 =	vsel vm13, $0x0, v9;
	[tilespmem:$0x50] =	vst v8  }
0x242: {  	v8 =	vsel vm15, $0x0, v10;
	[tilespmem:$0x60] =	vst v9  }
0x243: {  	s4 =	simm.s32 $0x0;
	s29 =	simm.s32 $0x0;
	[tilespmem:$0x70] =	vst v8  }
0x244: {  	[hbm4b:s17+s20] =	stream.strided.scatter [tilespmem:s4], [sflag:$0x7], $0x4000, s21, s20, $0x38;
	[tilespmem:$0x18000] =	vst v63  }
0x245: {  	v11 =	vld [tilespmem:s29+$0x4000]  }
0x246: {  	v13 =	vld [tilespmem:s29+$0x4010]  }
0x247: {  	v12 =	vld [tilespmem:s29+$0x4020]  }
0x248: {  	v10 =	vld [tilespmem:s29+$0x4030]  }
0x249: {  	v8 =	vld [tilespmem:s29+$0x4040]  }
0x24a: {  	v9 =	vld [tilespmem:s29+$0x4050];
	v14 =	vmul.f32 v11, v0  }
0x24b: {  	s4 =	simm.s32 $0x200;
	v13 =	vmul.f32 v13, v1;
	v11 =	vld [tilespmem:s29+$0x4060]  }
.LBB2_32:
0x24c: {  	s5 =	sshra.s32 s4, $0x2;
	p0 =	sne.s32 s4, $0xFE00;
	[tilespmem:s29+$0x4000] =	vst v14;
	v12 =	vmul.f32 v12, v2;
	v14 =	vld [tilespmem:s29+$0x4070]  }
0x24d: {  	v15 =	vld [tilespmem:s5+$0x4000];
	[tilespmem:s29+$0x4010] =	vst v13;
	v10 =	vmul.f32 v10, v3  }
0x24e: {  	v13 =	vld [tilespmem:s5+$0x4010];
	[tilespmem:s29+$0x4020] =	vst v12;
	v8 =	vmul.f32 v8, v4  }
.Ltmp15:
0x24f: {  	v12 =	vld [tilespmem:s5+$0x4020];
	[tilespmem:s29+$0x4030] =	vst v10;
	v9 =	vmul.f32 v9, v5;
	(pc) =	sbr.rel @p0 .LBB2_32-.Ltmp15, $4  }
0x250: {  	v10 =	vld [tilespmem:s5+$0x4030];
	[tilespmem:s29+$0x4040] =	vst v8;
	v11 =	vmul.f32 v11, v6  }
0x251: {  	v8 =	vld [tilespmem:s5+$0x4040];
	[tilespmem:s29+$0x4050] =	vst v9;
	v16 =	vmul.f32 v14, v7  }
0x252: {  	v14 =	vmul.f32 v15, v0;
	v9 =	vld [tilespmem:s5+$0x4050];
	[tilespmem:s29+$0x4060] =	vst v11  }
0x253: {  	s4 =	sadd.s32 $0x200, s4;
	v13 =	vmul.f32 v13, v1;
	v11 =	vld [tilespmem:s5+$0x4060];
	[tilespmem:s29+$0x4070] =	vst v16;
	s29 =	smov.u32 s5  }
0x254: {  	[tilespmem:s29+$0x4000] =	vst v14;
	v0 =	vmul.f32 v12, v2;
	v1 =	vld [tilespmem:s29+$0x4070]  }
0x255: {  	[tilespmem:s29+$0x4010] =	vst v13;
	v60 =	vmul.f32 v10, v3  }
0x256: {  	[tilespmem:s29+$0x4020] =	vst v0;
	v61 =	vmul.f32 v8, v4  }
0x257: {  	[tilespmem:s29+$0x4030] =	vst v60;
	v62 =	vmul.f32 v9, v5  }
0x258: {  	[tilespmem:s29+$0x4040] =	vst v61;
	v63 =	vmul.f32 v11, v6  }
0x259: {  	[tilespmem:s29+$0x4050] =	vst v62;
	v1 =	vmul.f32 v1, v7  }
0x25a: {  	[tilespmem:s29+$0x4060] =	vst v63  }
0x25b: {  	[tilespmem:s29+$0x4070] =	vst v1  }
0x25c: {  	[hbm4b:s18+s20] =	stream.strided.scatter [tilespmem:s22], [sflag:$0xA], $0x4000, s21, s20, $0x38;
	[tilespmem:$0x18000] =	vst v63  }
0x25d: {  	_ =	swait.ge [sflag:s24], $0x4000  }
0x25e: {  	[sflag:s24] =	ssyncset.done $0x0  }
0x25f: {  	[sflag:s24] =	ssyncadd.s32 $0xFFFFC000  }
0x260: {  	_ =	swait.ge [sflag:s3], $0x4000  }
0x261: {  	[sflag:s3] =	ssyncset.done $0x0  }
0x262: {  	s28 =	sadd.s32 $0x1, s28;
	[sflag:s3] =	ssyncadd.s32 $0xFFFFC000  }
0x263: {  	p0 =	sne.s32 s28, s19;
	_ =	swait.ge [sflag:s0], $0x4000  }
.Ltmp16:
0x264: {  	[sflag:s0] =	ssyncset.done $0x0;
	(pc) =	sbr.rel @p0 .LBB2_1-.Ltmp16, $4  }
0x265: {  	[sflag:s0] =	ssyncadd.s32 $0xFFFFC000  }
0x266: {  	_ =	swait.ge [sflag:s1], $0x4000  }
0x267: {  	[sflag:s1] =	ssyncset.done $0x0  }
0x268: {  	[sflag:s1] =	ssyncadd.s32 $0xFFFFC000  }
0x269: {  	_ =	sfence.sel $0x180000  }
0x26a: {  	[bflag:$0x0] =	sbarrier.arrive $0xFFFF  }
0x26b: {  	_ =	strace $0x90000047  }
0x26c: {  	s0 =	stileid.u32;
	[bflag:$0x2] =	sbarrier.arrive $0xFFFF  }
0x26d: {  	p0 =	sne.s32 s0, $0x0;
	s0 =	rddreg [dreg:$0x2]  }
0x26e: {  	s0 =	sadd.s32 @!p0 $0x100000, s0  }
0x26f: {  	[sflag:s0] =	ssyncadd.tile.s32 @!p0 $0x1;
	_ =	shalt  }
.Lfunc_end2:
_tile_overlayer_lowered:
.L_overlay_start_2:
0x270: {  	(tag) =	ssettag $0x2  }
0x271: {  	s0 =	rddreg [dreg:$0x0];
	s2 =	stileid.u32  }
0x272: {  	s1 =	rddreg [dreg:$0x1];
	p0 =	sne.s32 s2, $0x0  }
0x273: {  	s3 =	rddreg [dreg:$0x2];
	[bflag:$0x3] =	sbarrier.arrive $0xFFFF;
	s2 =	simm.s32 @!p0 $0x1C0D  }
0x274: {  	[timem:s3], [sflag:s2] =	dma.local @!p0 [hbm:s0], s1  }
0x275: {  	s0 =	simm.s32 @!p0 $0xD  }
0x276: {  	_ =	swait.ge @!p0 [sflag:s0], s1  }
0x277: {  	s1 =	ssub.s32 @!p0 $0x0, s1;
	[sflag:s0] =	ssyncset.done @!p0 $0x0  }
0x278: {  	[sflag:s0] =	ssyncadd.s32 @!p0 s1  }
0x279: {  	[bflag:$0x3] =	sbarrier.arrive $0xFFFF  }
0x27a: {  	_ =	shalt  }

</sc_bundles>
